<compile_context>
chip_gen: v7x
topology: tpu7x:2x2x1
jax: 0.10.2.dev20260603
libtpu: 0.0.44.dev20260713+nightly
codegen_flags: <defaults>
</compile_context>

<pallas_src>
import functools
import math

import jax
import jax.numpy as jnp
from jax import lax
from jax.experimental import pallas as pl
from jax.experimental.pallas import tpu as pltpu
from jax.experimental.pallas import tpu_sc as plsc

_NC = 2
_NS = 16
_NW = _NC * _NS


def _chunk(n, cap, align=8):
    for c in range(min(cap, n), 0, -1):
        if c % align == 0 and n % c == 0:
            return c
    raise ValueError(f"no chunk for n={n} cap={cap}")


def _out_split(rows):
    for t in range(_NS, 0, -1):
        if rows % t == 0 and (rows // t) % 8 == 0:
            return t, rows // t
    raise ValueError(f"no 8-aligned split for {rows}")


def _mesh():
    return plsc.VectorSubcoreMesh(core_axis_name="c", subcore_axis_name="s")


_SC_PARAMS = pltpu.CompilerParams(use_tc_tiling_on_sc=False)


def _sc_gather(table, idx, chunk_cap=80):
    R, D = table.shape
    (M,) = idx.shape
    per_w = M // _NW
    assert per_w * _NW == M and per_w % 8 == 0, (M, per_w)
    CH = _chunk(per_w, chunk_cap)
    n_iter = per_w // CH

    @functools.partial(
        pl.kernel,
        out_type=jax.ShapeDtypeStruct((M, D), table.dtype),
        mesh=_mesh(),
        compiler_params=_SC_PARAMS,
        scratch_types=[
            pltpu.VMEM((CH,), jnp.int32),
            pltpu.VMEM((CH, D), table.dtype),
            pltpu.SemaphoreType.DMA,
        ],
    )
    def gk(table_hbm, idx_hbm, out_hbm, idx_v, rows_v, sem):
        wid = lax.axis_index("s") * _NC + lax.axis_index("c")
        base = wid * per_w

        def body(i, carry):
            off = base + i * CH
            pltpu.sync_copy(idx_hbm.at[pl.ds(off, CH)], idx_v)
            pltpu.async_copy(table_hbm.at[idx_v], rows_v, sem).wait()
            pltpu.sync_copy(rows_v, out_hbm.at[pl.ds(off, CH)])
            return carry

        lax.fori_loop(0, n_iter, body, 0)

    return gk(table, idx)


def _sc_zero_rows(buf, n_rows, width):
    zero = jnp.zeros((16,), jnp.float32)

    def z(i, carry):
        for c in range(width // 16):
            buf[i, pl.ds(c * 16, 16)] = zero
        return carry

    lax.fori_loop(0, n_rows, z, 0)


def _sc_scatter16(rows, idx, row_off, Mt, R, chunk_cap=80):
    per_t = Mt // _NS
    assert per_t * _NS == Mt and per_t % 8 == 0
    CH = _chunk(per_t, chunk_cap)
    assert CH % 16 == 0
    n_iter = per_t // CH
    half = R // 2
    assert half * 2 == R and half % 8 == 0
    n_out, rows_o = _out_split(half)
    ZCH = _chunk(rows_o, 256)

    @functools.partial(
        pl.kernel,
        out_type=jax.ShapeDtypeStruct((R, 16), jnp.float32),
        mesh=_mesh(),
        compiler_params=_SC_PARAMS,
        scratch_types=[
            pltpu.VMEM((CH,), jnp.int32),
            pltpu.VMEM((CH, 16), jnp.float32),
            pltpu.VMEM((ZCH, 16), jnp.float32),
            pltpu.VMEM_SHARED((half + 8, 16), jnp.float32),
            pltpu.SemaphoreType.DMA,
        ],
    )
    def sk(rows_hbm, idx_hbm, out_hbm, idx_v, rows_v, zb, acc_sp, sem):
        cid = lax.axis_index("c")
        sid = lax.axis_index("s")

        @pl.when(sid < n_out)
        def _():
            _sc_zero_rows(zb, ZCH, 16)
            for j in range(rows_o // ZCH):
                pltpu.sync_copy(
                    zb, acc_sp.at[pl.ds(sid * rows_o + j * ZCH, ZCH)])

        @pl.when(sid == (n_out % _NS))
        def _():
            _sc_zero_rows(zb, 8, 16)
            pltpu.sync_copy(zb.at[pl.ds(0, 8)], acc_sp.at[pl.ds(half, 8)])

        plsc.subcore_barrier()

        lo = cid * half
        base = row_off + sid * per_t

        def body(i, carry):
            off = base + i * CH
            pltpu.sync_copy(idx_hbm.at[pl.ds(off, CH)], idx_v)
            pltpu.sync_copy(rows_hbm.at[pl.ds(off, CH)], rows_v)

            def clamp(j, c2):
                v = idx_v[pl.ds(j * 16, 16)]
                local = v - lo
                valid = (local >= 0) & (local < half)
                idx_v[pl.ds(j * 16, 16)] = jnp.where(valid, local, half)
                return c2

            lax.fori_loop(0, CH // 16, clamp, 0)
            pltpu.sync_copy(rows_v, acc_sp.at[idx_v], add=True)
            return carry

        lax.fori_loop(0, n_iter, body, 0)
        plsc.subcore_barrier()

        @pl.when(sid < n_out)
        def _():
            pltpu.sync_copy(
                acc_sp.at[pl.ds(sid * rows_o, rows_o)],
                out_hbm.at[pl.ds(cid * half + sid * rows_o, rows_o)],
            )

    return sk(rows, idx)


def _sc_scatter_msgs(msg_c, msg_s, dst, row_off, Et, N, chunk_cap=80):
    per_t = Et // _NS
    assert per_t * _NS == Et and per_t % 8 == 0
    CH = _chunk(per_t, chunk_cap)
    n_iter = per_t // CH
    n_out, rows_o = _out_split(N)
    ZCH = _chunk(rows_o, 256)

    @functools.partial(
        pl.kernel,
        out_type=(
            jax.ShapeDtypeStruct((N, 128), jnp.float32),
            jax.ShapeDtypeStruct((N, 128), jnp.float32),
        ),
        mesh=_mesh(),
        compiler_params=_SC_PARAMS,
        scratch_types=[
            pltpu.VMEM((CH,), jnp.int32),
            pltpu.VMEM((CH, 128), jnp.float32),
            pltpu.VMEM((ZCH, 128), jnp.float32),
            pltpu.VMEM_SHARED((N, 128), jnp.float32),
            pltpu.SemaphoreType.DMA,
        ],
    )
    def sk(mc_hbm, ms_hbm, dst_hbm, u_hbm, s_hbm,
           idx_v, rows_v, zb, acc_sp, sem):
        cid = lax.axis_index("c")
        sid = lax.axis_index("s")

        @pl.when(sid < n_out)
        def _():
            _sc_zero_rows(zb, ZCH, 128)
            for j in range(rows_o // ZCH):
                pltpu.sync_copy(
                    zb, acc_sp.at[pl.ds(sid * rows_o + j * ZCH, ZCH)])

        plsc.subcore_barrier()

        base = row_off + sid * per_t

        def body(i, carry):
            off = base + i * CH
            pltpu.sync_copy(dst_hbm.at[pl.ds(off, CH)], idx_v)

            @pl.when(cid == 0)
            def _():
                pltpu.sync_copy(mc_hbm.at[pl.ds(off, CH)], rows_v)

            @pl.when(cid == 1)
            def _():
                pltpu.sync_copy(ms_hbm.at[pl.ds(off, CH)], rows_v)

            pltpu.sync_copy(rows_v, acc_sp.at[idx_v], add=True)
            return carry

        lax.fori_loop(0, n_iter, body, 0)
        plsc.subcore_barrier()
        sl = pl.ds(sid * rows_o, rows_o)

        @pl.when((cid == 0) & (sid < n_out))
        def _():
            pltpu.sync_copy(acc_sp.at[sl], u_hbm.at[sl])

        @pl.when((cid == 1) & (sid < n_out))
        def _():
            pltpu.sync_copy(acc_sp.at[sl], s_hbm.at[sl])

    return sk(msg_c, msg_s, dst)


def _tc_qkv(x_all, w_cat, b_cat):
    TN, D = x_all.shape
    BL = _chunk(TN, 3000)
    grid = (TN // BL,)

    def body(x_ref, w_ref, b_ref, q_ref, k_ref, v_ref):
        y = jnp.dot(x_ref[...], w_ref[...],
                    preferred_element_type=jnp.float32) + b_ref[...]
        q_ref[...] = y[:, 0:128]
        k_ref[...] = y[:, 128:256]
        v_ref[...] = y[:, 256:384]

    out = jax.ShapeDtypeStruct((TN, 128), jnp.float32)
    return pl.pallas_call(
        body,
        grid=grid,
        in_specs=[
            pl.BlockSpec((BL, D), lambda i: (i, 0)),
            pl.BlockSpec((D, 384), lambda i: (0, 0)),
            pl.BlockSpec((1, 384), lambda i: (0, 0)),
        ],
        out_specs=[pl.BlockSpec((BL, 128), lambda i: (i, 0))] * 3,
        out_shape=[out, out, out],
    )(x_all, w_cat, b_cat)


def _src_of_pair(p, T):
    tt = 0
    for k in range(1, T):
        tt = tt + (p >= k * (k + 1) // 2).astype(jnp.int32)
    return p - tt * (tt + 1) // 2


def _tc_z(qg, kg, r_sum, T, E, BL):
    M = qg.shape[0]
    n_pair = M // E
    nb = E // BL

    def body(q_ref, k_ref, r_ref, z_ref):
        prod = q_ref[...] * k_ref[...]
        att = jnp.dot(prod, r_ref[...], preferred_element_type=jnp.float32)
        lane = lax.broadcasted_iota(jnp.int32, att.shape, 1)
        z_ref[...] = jnp.where(lane < 8, jnp.exp(att), 0.0)

    return pl.pallas_call(
        body,
        grid=(n_pair, nb),
        in_specs=[
            pl.BlockSpec((BL, 128), lambda p, c: (p * nb + c, 0)),
            pl.BlockSpec((BL, 128),
                         lambda p, c: (_src_of_pair(p, T) * nb + c, 0)),
            pl.BlockSpec((128, 16), lambda p, c: (0, 0)),
        ],
        out_specs=pl.BlockSpec((BL, 16), lambda p, c: (p * nb + c, 0)),
        out_shape=jax.ShapeDtypeStruct((M, 16), jnp.float32),
    )(qg, kg, r_sum)


def _tc_phase_b(z, deng, vg, r16, T, E, BL):
    M = z.shape[0]
    n_pair = M // E
    nb = E // BL

    def body(z_ref, d_ref, v_ref, r_ref, e2_ref, mc_ref, ms_ref):
        zb = z_ref[...]
        res = zb / (d_ref[...] + 1e-16)
        lane = lax.broadcasted_iota(jnp.int32, res.shape, 1)
        e2 = jnp.where(lane < 8, jnp.exp(-res), 0.0)
        e2_ref[...] = e2
        vgb = v_ref[...]
        r = r_ref[...]
        mc_ref[...] = jnp.dot(zb, r, preferred_element_type=jnp.float32) * vgb
        ms_ref[...] = jnp.dot(e2, r, preferred_element_type=jnp.float32) * vgb

    o16 = jax.ShapeDtypeStruct((M, 16), jnp.float32)
    o128 = jax.ShapeDtypeStruct((M, 128), jnp.float32)
    return pl.pallas_call(
        body,
        grid=(n_pair, nb),
        in_specs=[
            pl.BlockSpec((BL, 16), lambda p, c: (p * nb + c, 0)),
            pl.BlockSpec((BL, 16), lambda p, c: (p * nb + c, 0)),
            pl.BlockSpec((BL, 128),
                         lambda p, c: (_src_of_pair(p, T) * nb + c, 0)),
            pl.BlockSpec((16, 128), lambda p, c: (0, 0)),
        ],
        out_specs=[
            pl.BlockSpec((BL, 16), lambda p, c: (p * nb + c, 0)),
            pl.BlockSpec((BL, 128), lambda p, c: (p * nb + c, 0)),
            pl.BlockSpec((BL, 128), lambda p, c: (p * nb + c, 0)),
        ],
        out_shape=[o16, o128, o128],
    )(z, deng, vg, r16)


def _erf(x):
    t = 1.0 / (1.0 + 0.3275911 * jnp.abs(x))
    poly = ((((1.061405429 * t - 1.453152027) * t + 1.421413741) * t
             - 0.284496736) * t + 0.254829592) * t
    return jnp.sign(x) * (1.0 - poly * jnp.exp(-x * x))


def _tc_final(u, s, den, den2, x_tar, r16, w1, b1, w2, b2, g, beta):
    N = u.shape[0]
    BL = _chunk(N, 2000)
    inv_s2 = 1.0 / math.sqrt(2.0)

    def body(u_ref, s_ref, dn_ref, d2_ref, x_ref, r_ref, w1_ref, b1_ref,
             w2_ref, b2_ref, g_ref, be_ref, xs_ref, cs_ref, ss_ref):
        r = r_ref[...]
        den_rep = jnp.dot(dn_ref[...], r, preferred_element_type=jnp.float32)
        d2_rep = jnp.dot(d2_ref[...], r, preferred_element_type=jnp.float32)
        ch = u_ref[...] / (den_rep + 1e-16) + x_ref[...]
        sh = s_ref[...] / (d2_rep + 1e-16)

        def ffn(x):
            mu = jnp.mean(x, axis=-1, keepdims=True)
            var = jnp.mean((x - mu) ** 2, axis=-1, keepdims=True)
            h = (x - mu) / jnp.sqrt(var + 1e-5) * g_ref[...] + be_ref[...]
            h = jnp.dot(h, w1_ref[...], preferred_element_type=jnp.float32) \
                + b1_ref[...]
            h = 0.5 * h * (1.0 + _erf(h * inv_s2))
            h = jnp.dot(h, w2_ref[...], preferred_element_type=jnp.float32) \
                + b2_ref[...]
            return x + h

        c = ffn(ch)
        sp = ffn(sh)
        xs_ref[...] = c + sp
        cs_ref[...] = c
        ss_ref[...] = sp

    o = jax.ShapeDtypeStruct((N, 128), jnp.float32)
    blk = lambda shp: pl.BlockSpec(shp, lambda i: (0, 0))
    return pl.pallas_call(
        body,
        grid=(N // BL,),
        in_specs=[
            pl.BlockSpec((BL, 128), lambda i: (i, 0)),
            pl.BlockSpec((BL, 128), lambda i: (i, 0)),
            pl.BlockSpec((BL, 16), lambda i: (i, 0)),
            pl.BlockSpec((BL, 16), lambda i: (i, 0)),
            pl.BlockSpec((BL, 128), lambda i: (i, 0)),
            blk((16, 128)), blk((128, 256)), blk((1, 256)),
            blk((256, 128)), blk((1, 128)), blk((1, 128)), blk((1, 128)),
        ],
        out_specs=[pl.BlockSpec((BL, 128), lambda i: (i, 0))] * 3,
        out_shape=[o, o, o],
    )(u, s, den, den2, x_tar, r16, w1, b1, w2, b2, g, beta)


def kernel(x_list, edge_index_list, Wq, bq, Wk, bk, Wv, bv, ln_g, ln_b,
           W1, b1, W2, b2):
    T, N, D = x_list.shape
    E = edge_index_list.shape[2]
    H, DK = 8, 16
    pairs = [(tt, s) for tt in range(T) for s in range(tt + 1)]
    BL = _chunk(E, 2560)

    r_np = jnp.zeros((128, 16), jnp.float32)
    hh = jnp.arange(128) // DK
    r_sum = r_np.at[jnp.arange(128), hh].set(1.0 / math.sqrt(DK))
    r16 = jnp.zeros((16, 128), jnp.float32).at[hh, jnp.arange(128)].set(1.0)

    x_all = x_list.reshape(T * N, D)
    w_cat = jnp.concatenate([Wq, Wk, Wv], axis=1)
    b_cat = jnp.concatenate([bq, bk, bv]).reshape(1, 384)
    QT, KT, VT = _tc_qkv(x_all, w_cat, b_cat)

    src = edge_index_list[:, 0, :]
    dst = edge_index_list[:, 1, :]
    qidx = jnp.concatenate([tt * N + dst[s] for (tt, s) in pairs])
    kidx = (jnp.arange(T, dtype=jnp.int32)[:, None] * N + src).reshape(T * E)
    dst_all = jnp.concatenate([dst[s] for (_, s) in pairs])

    qg = _sc_gather(QT, qidx)
    kg = _sc_gather(KT, kidx)
    vg = _sc_gather(VT, kidx)
    z = _tc_z(qg, kg, r_sum, T, E, BL)
    den = _sc_scatter16(z, qidx, 0, z.shape[0], T * N)

    deng = _sc_gather(den, qidx)
    e2, msg_c, msg_s = _tc_phase_b(z, deng, vg, r16, T, E, BL)

    xs, cs, ss = [], [], []
    row_off = 0
    for tt in range(T):
        Et = (tt + 1) * E
        u, s_hat = _sc_scatter_msgs(msg_c, msg_s, dst_all, row_off, Et, N)
        den2 = _sc_scatter16(e2, dst_all, row_off, Et, N)
        xo, co, so = _tc_final(
            u, s_hat, lax.dynamic_slice_in_dim(den, tt * N, N), den2,
            x_list[tt], r16, W1, b1.reshape(1, 256), W2, b2.reshape(1, 128),
            ln_g.reshape(1, 128), ln_b.reshape(1, 128))
        xs.append(xo)
        cs.append(co)
        ss.append(so)
        row_off += Et

    return jnp.stack(xs), jnp.stack(cs), jnp.stack(ss)

# --- scband reference (transcript-rebuilt; emitter-appended) ---
"""Pipeline reference for scband-dgnnlayer-24051816858240 (READ-ONLY COPY).

The authoritative reference and input builder live on the scoring server;
editing this copy changes nothing except your own understanding.
"""

import jax, jax.numpy as jnp
import numpy as np
import math

T, N, E = 3, 10000, 320000
D_IN, HID, H = 128, 128, 8
DK = HID // H
SQRT_DK = math.sqrt(DK)

def setup_inputs(seed: int = 0):
    key = jax.random.key(seed)
    ks = jax.random.split(key, 8)
    s = 0.05
    inp = {}
    inp["x_list"] = jax.random.normal(ks[0], (T, N, D_IN), dtype=jnp.float32)
    inp["edge_index_list"] = jax.random.randint(ks[1], (T, 2, E), 0, N, dtype=jnp.int32)
    inp["Wq"] = jax.random.normal(ks[2], (D_IN, HID), dtype=jnp.float32) * s
    inp["bq"] = jnp.zeros((HID,), dtype=jnp.float32)
    inp["Wk"] = jax.random.normal(ks[3], (D_IN, HID), dtype=jnp.float32) * s
    inp["bk"] = jnp.zeros((HID,), dtype=jnp.float32)
    inp["Wv"] = jax.random.normal(ks[4], (D_IN, HID), dtype=jnp.float32) * s
    inp["bv"] = jnp.zeros((HID,), dtype=jnp.float32)
    inp["ln_g"] = jnp.ones((HID,), dtype=jnp.float32)
    inp["ln_b"] = jnp.zeros((HID,), dtype=jnp.float32)
    inp["W1"] = jax.random.normal(ks[5], (HID, 2 * HID), dtype=jnp.float32) * s
    inp["b1"] = jnp.zeros((2 * HID,), dtype=jnp.float32)
    inp["W2"] = jax.random.normal(ks[6], (2 * HID, HID), dtype=jnp.float32) * s
    inp["b2"] = jnp.zeros((HID,), dtype=jnp.float32)
    return inp

def _seg_softmax(att, seg, num_segments):
    m = jax.ops.segment_max(att, seg, num_segments=num_segments)
    m = jnp.where(jnp.isfinite(m), m, 0.0)
    e = jnp.exp(att - m[seg])
    den = jax.ops.segment_sum(e, seg, num_segments=num_segments)
    return e / (den[seg] + 1e-16)

def _layernorm(x, g, b):
    mu = jnp.mean(x, axis=-1, keepdims=True)
    var = jnp.mean((x - mu) ** 2, axis=-1, keepdims=True)
    return (x - mu) / jnp.sqrt(var + 1e-5) * g + b

def reference(x_list, edge_index_list, Wq, bq, Wk, bk, Wv, bv, ln_g, ln_b, W1, b1, W2, b2):
    def ffn(x):
        h = _layernorm(x, ln_g, ln_b)
        h = jax.nn.gelu(h @ W1 + b1, approximate=False) @ W2 + b2
        return x + h
    xs, cs, ss = [], [], []
    for t_tar in range(T):
        x_tar = x_list[t_tar]
        atts, msgs, segs = [], [], []
        for t_src in range(t_tar + 1):
            ei = edge_index_list[t_src]
            x_tar_e = x_tar[ei[1]]
            x_src_e = x_list[t_src][ei[0]]
            q = (x_tar_e @ Wq + bq).reshape(-1, H, DK)
            k = (x_src_e @ Wk + bk).reshape(-1, H, DK)
            v = (x_src_e @ Wv + bv).reshape(-1, H, DK)
            atts.append(jnp.sum(q * k, axis=-1) / SQRT_DK)
            msgs.append(v)
            segs.append(ei[1])
        att = jnp.concatenate(atts, axis=0)
        msg = jnp.concatenate(msgs, axis=0)
        seg = jnp.concatenate(segs, axis=0)
        res_att = _seg_softmax(att, seg, N)
        res = (msg * res_att[:, :, None]).reshape(-1, HID)
        spu_att = _seg_softmax(-res_att, seg, N)
        spu = (msg * spu_att[:, :, None]).reshape(-1, HID)
        causal_hat = jax.ops.segment_sum(res, seg, num_segments=N)
        spurious_hat = jax.ops.segment_sum(spu, seg, num_segments=N)
        causal = ffn(causal_hat + x_tar)
        spurious = ffn(spurious_hat)
        xs.append(causal + spurious)
        cs.append(causal)
        ss.append(spurious)
    return (jnp.stack(xs), jnp.stack(cs), jnp.stack(ss))

if __name__ == "__main__":
    import jax
    _d = setup_inputs()
    print(jax.jit(kernel)(*tuple(_d.values())))

</pallas_src>

<mosaic_0001>
#map = affine_map<(d0, d1) -> (0, 0)>
#map1 = affine_map<(d0, d1) -> (0)>
module attributes {stable_mosaic.version = 14 : i64} {
  func.func @gk(%arg0: i32, %arg1: i32, %arg2: memref<30000x128xf32, #tpu.memory_space<hbm>>, %arg3: memref<960000xi32, #tpu.memory_space<hbm>>, %arg4: memref<960000x128xf32, #tpu.memory_space<hbm>>, %arg5: memref<80xi32, #tpu.memory_space<vmem>>, %arg6: memref<80x128xf32, #tpu.memory_space<vmem>>, %arg7: memref<!tpu.dma_semaphore, #tpu.memory_space<semaphore_mem>>) attributes {dimension_semantics = [#tpu.dimension_semantics<core_parallel>, #tpu.dimension_semantics<subcore_parallel>], iteration_bounds = array<i64: 2, 16>, scalar_prefetch = 0 : i64, scratch_operands = 3 : i64, tpu.core_type = #tpu.core_type<sc_vector_subcore>, window_params = [{transform_indices = #map}, {transform_indices = #map1}, {transform_indices = #map}]} {
    %mul3A = arith.constant 2 : i32
    %mul3A_0 = arith.muli %arg1, %mul3A : i32
    %add3A = arith.addi %mul3A_0, %arg0 : i32
    %mul3A_1 = arith.constant 30000 : i32
    %mul3A_2 = arith.muli %add3A, %mul3A_1 : i32
    %scan3A = arith.constant 0 : i32
    %scan3A_3 = arith.constant 0 : i32
    %scan3A_4 = arith.constant 375 : i32
    %scan3A_5 = arith.addi %scan3A_3, %scan3A_4 : i32
    %scan3A_6 = arith.constant 1 : i32
    scf.for %scan3A_8 = %scan3A_3 to %scan3A_5 step %scan3A_6  : i32 {
      %mul3A_9 = arith.constant 80 : i32
      %mul3A_10 = arith.muli %scan3A_8, %mul3A_9 : i32
      %add3A_11 = arith.addi %mul3A_2, %mul3A_10 : i32
      "tpu.region"() ({
        %run_scoped3A = tpu.sem_alloc : memref<!tpu.dma_semaphore, #tpu.memory_space<semaphore_mem>>
        %dma_start3A_16 = tpu.memref_slice %arg3[%add3A_11] : memref<960000xi32, #tpu.memory_space<hbm>> -> memref<80xi32, #tpu.memory_space<hbm>>
        %dma_start3A_17 = tpu.memref_slice %arg3[%add3A_11] : memref<960000xi32, #tpu.memory_space<hbm>> -> memref<80xi32, #tpu.memory_space<hbm>>
        tpu.enqueue_dma source(%dma_start3A_17 : memref<80xi32, #tpu.memory_space<hbm>>) target(%arg5 : memref<80xi32, #tpu.memory_space<vmem>>) target_semaphore(%run_scoped3A : memref<!tpu.dma_semaphore, #tpu.memory_space<semaphore_mem>>)
        %dma_wait3A_18 = tpu.memref_slice %arg3[%add3A_11] : memref<960000xi32, #tpu.memory_space<hbm>> -> memref<80xi32, #tpu.memory_space<hbm>>
        %dma_wait3A_19 = tpu.memref_slice %arg3[%add3A_11] : memref<960000xi32, #tpu.memory_space<hbm>> -> memref<80xi32, #tpu.memory_space<hbm>>
        tpu.wait_dma2 semaphore(%run_scoped3A : memref<!tpu.dma_semaphore, #tpu.memory_space<semaphore_mem>>) src(%dma_wait3A_19 : memref<80xi32, #tpu.memory_space<hbm>>) dst(%arg5 : memref<80xi32, #tpu.memory_space<vmem>>)
        tpu.yield
      }) : () -> ()
      %dma_start3A = arith.constant 0 : i32
      %dma_start3A_12 = arith.constant 0 : i32
      %dma_start3A_13 = tpu.memref_slice %arg2[%dma_start3A, %dma_start3A_12] : memref<30000x128xf32, #tpu.memory_space<hbm>> -> memref<30000x128xf32, #tpu.memory_space<hbm>>
      tpu.enqueue_indirect_dma source(%dma_start3A_13 : memref<30000x128xf32, #tpu.memory_space<hbm>>) target(%arg6 : memref<80x128xf32, #tpu.memory_space<vmem>>) offsets(%arg5 : memref<80xi32, #tpu.memory_space<vmem>>) semaphore(%arg7 : memref<!tpu.dma_semaphore, #tpu.memory_space<semaphore_mem>>)
      %dma_wait3A = arith.constant 0 : i32
      %dma_wait3A_14 = arith.constant 0 : i32
      %dma_wait3A_15 = tpu.memref_slice %arg2[%dma_wait3A, %dma_wait3A_14] : memref<30000x128xf32, #tpu.memory_space<hbm>> -> memref<30000x128xf32, #tpu.memory_space<hbm>>
      tpu.wait_indirect_dma semaphore(%arg7 : memref<!tpu.dma_semaphore, #tpu.memory_space<semaphore_mem>>) src(%dma_wait3A_15 : memref<30000x128xf32, #tpu.memory_space<hbm>>) dst(%arg6 : memref<80x128xf32, #tpu.memory_space<vmem>>)
      "tpu.region"() ({
        %run_scoped3A = tpu.sem_alloc : memref<!tpu.dma_semaphore, #tpu.memory_space<semaphore_mem>>
        %dma_start3A_16 = arith.constant 0 : i32
        %dma_start3A_17 = tpu.memref_slice %arg4[%add3A_11, %dma_start3A_16] : memref<960000x128xf32, #tpu.memory_space<hbm>> -> memref<80x128xf32, #tpu.memory_space<hbm>>
        %dma_start3A_18 = arith.constant 0 : i32
        %dma_start3A_19 = tpu.memref_slice %arg4[%add3A_11, %dma_start3A_18] : memref<960000x128xf32, #tpu.memory_space<hbm>> -> memref<80x128xf32, #tpu.memory_space<hbm>>
        tpu.enqueue_dma source(%arg6 : memref<80x128xf32, #tpu.memory_space<vmem>>) target(%dma_start3A_19 : memref<80x128xf32, #tpu.memory_space<hbm>>) target_semaphore(%run_scoped3A : memref<!tpu.dma_semaphore, #tpu.memory_space<semaphore_mem>>)
        %dma_wait3A_20 = arith.constant 0 : i32
        %dma_wait3A_21 = tpu.memref_slice %arg4[%add3A_11, %dma_wait3A_20] : memref<960000x128xf32, #tpu.memory_space<hbm>> -> memref<80x128xf32, #tpu.memory_space<hbm>>
        %dma_wait3A_22 = arith.constant 0 : i32
        %dma_wait3A_23 = tpu.memref_slice %arg4[%add3A_11, %dma_wait3A_22] : memref<960000x128xf32, #tpu.memory_space<hbm>> -> memref<80x128xf32, #tpu.memory_space<hbm>>
        tpu.wait_dma2 semaphore(%run_scoped3A : memref<!tpu.dma_semaphore, #tpu.memory_space<semaphore_mem>>) src(%arg6 : memref<80x128xf32, #tpu.memory_space<vmem>>) dst(%dma_wait3A_23 : memref<80x128xf32, #tpu.memory_space<hbm>>)
        tpu.yield
      }) : () -> ()
    }
    %scan3A_7 = arith.constant 375 : i32
    return
  }
}

#map = affine_map<(d0, d1) -> (0, 0)>
#map1 = affine_map<(d0, d1) -> (0)>
module attributes {stable_mosaic.version = 14 : i64} {
  func.func @gk(%arg0: i32, %arg1: i32, %arg2: memref<30000x128xf32, #tpu.memory_space<hbm>>, %arg3: memref<1920000xi32, #tpu.memory_space<hbm>>, %arg4: memref<1920000x128xf32, #tpu.memory_space<hbm>>, %arg5: memref<80xi32, #tpu.memory_space<vmem>>, %arg6: memref<80x128xf32, #tpu.memory_space<vmem>>, %arg7: memref<!tpu.dma_semaphore, #tpu.memory_space<semaphore_mem>>) attributes {dimension_semantics = [#tpu.dimension_semantics<core_parallel>, #tpu.dimension_semantics<subcore_parallel>], iteration_bounds = array<i64: 2, 16>, scalar_prefetch = 0 : i64, scratch_operands = 3 : i64, tpu.core_type = #tpu.core_type<sc_vector_subcore>, window_params = [{transform_indices = #map}, {transform_indices = #map1}, {transform_indices = #map}]} {
    %mul3A = arith.constant 2 : i32
    %mul3A_0 = arith.muli %arg1, %mul3A : i32
    %add3A = arith.addi %mul3A_0, %arg0 : i32
    %mul3A_1 = arith.constant 60000 : i32
    %mul3A_2 = arith.muli %add3A, %mul3A_1 : i32
    %scan3A = arith.constant 0 : i32
    %scan3A_3 = arith.constant 0 : i32
    %scan3A_4 = arith.constant 750 : i32
    %scan3A_5 = arith.addi %scan3A_3, %scan3A_4 : i32
    %scan3A_6 = arith.constant 1 : i32
    scf.for %scan3A_8 = %scan3A_3 to %scan3A_5 step %scan3A_6  : i32 {
      %mul3A_9 = arith.constant 80 : i32
      %mul3A_10 = arith.muli %scan3A_8, %mul3A_9 : i32
      %add3A_11 = arith.addi %mul3A_2, %mul3A_10 : i32
      "tpu.region"() ({
        %run_scoped3A = tpu.sem_alloc : memref<!tpu.dma_semaphore, #tpu.memory_space<semaphore_mem>>
        %dma_start3A_16 = tpu.memref_slice %arg3[%add3A_11] : memref<1920000xi32, #tpu.memory_space<hbm>> -> memref<80xi32, #tpu.memory_space<hbm>>
        %dma_start3A_17 = tpu.memref_slice %arg3[%add3A_11] : memref<1920000xi32, #tpu.memory_space<hbm>> -> memref<80xi32, #tpu.memory_space<hbm>>
        tpu.enqueue_dma source(%dma_start3A_17 : memref<80xi32, #tpu.memory_space<hbm>>) target(%arg5 : memref<80xi32, #tpu.memory_space<vmem>>) target_semaphore(%run_scoped3A : memref<!tpu.dma_semaphore, #tpu.memory_space<semaphore_mem>>)
        %dma_wait3A_18 = tpu.memref_slice %arg3[%add3A_11] : memref<1920000xi32, #tpu.memory_space<hbm>> -> memref<80xi32, #tpu.memory_space<hbm>>
        %dma_wait3A_19 = tpu.memref_slice %arg3[%add3A_11] : memref<1920000xi32, #tpu.memory_space<hbm>> -> memref<80xi32, #tpu.memory_space<hbm>>
        tpu.wait_dma2 semaphore(%run_scoped3A : memref<!tpu.dma_semaphore, #tpu.memory_space<semaphore_mem>>) src(%dma_wait3A_19 : memref<80xi32, #tpu.memory_space<hbm>>) dst(%arg5 : memref<80xi32, #tpu.memory_space<vmem>>)
        tpu.yield
      }) : () -> ()
      %dma_start3A = arith.constant 0 : i32
      %dma_start3A_12 = arith.constant 0 : i32
      %dma_start3A_13 = tpu.memref_slice %arg2[%dma_start3A, %dma_start3A_12] : memref<30000x128xf32, #tpu.memory_space<hbm>> -> memref<30000x128xf32, #tpu.memory_space<hbm>>
      tpu.enqueue_indirect_dma source(%dma_start3A_13 : memref<30000x128xf32, #tpu.memory_space<hbm>>) target(%arg6 : memref<80x128xf32, #tpu.memory_space<vmem>>) offsets(%arg5 : memref<80xi32, #tpu.memory_space<vmem>>) semaphore(%arg7 : memref<!tpu.dma_semaphore, #tpu.memory_space<semaphore_mem>>)
      %dma_wait3A = arith.constant 0 : i32
      %dma_wait3A_14 = arith.constant 0 : i32
      %dma_wait3A_15 = tpu.memref_slice %arg2[%dma_wait3A, %dma_wait3A_14] : memref<30000x128xf32, #tpu.memory_space<hbm>> -> memref<30000x128xf32, #tpu.memory_space<hbm>>
      tpu.wait_indirect_dma semaphore(%arg7 : memref<!tpu.dma_semaphore, #tpu.memory_space<semaphore_mem>>) src(%dma_wait3A_15 : memref<30000x128xf32, #tpu.memory_space<hbm>>) dst(%arg6 : memref<80x128xf32, #tpu.memory_space<vmem>>)
      "tpu.region"() ({
        %run_scoped3A = tpu.sem_alloc : memref<!tpu.dma_semaphore, #tpu.memory_space<semaphore_mem>>
        %dma_start3A_16 = arith.constant 0 : i32
        %dma_start3A_17 = tpu.memref_slice %arg4[%add3A_11, %dma_start3A_16] : memref<1920000x128xf32, #tpu.memory_space<hbm>> -> memref<80x128xf32, #tpu.memory_space<hbm>>
        %dma_start3A_18 = arith.constant 0 : i32
        %dma_start3A_19 = tpu.memref_slice %arg4[%add3A_11, %dma_start3A_18] : memref<1920000x128xf32, #tpu.memory_space<hbm>> -> memref<80x128xf32, #tpu.memory_space<hbm>>
        tpu.enqueue_dma source(%arg6 : memref<80x128xf32, #tpu.memory_space<vmem>>) target(%dma_start3A_19 : memref<80x128xf32, #tpu.memory_space<hbm>>) target_semaphore(%run_scoped3A : memref<!tpu.dma_semaphore, #tpu.memory_space<semaphore_mem>>)
        %dma_wait3A_20 = arith.constant 0 : i32
        %dma_wait3A_21 = tpu.memref_slice %arg4[%add3A_11, %dma_wait3A_20] : memref<1920000x128xf32, #tpu.memory_space<hbm>> -> memref<80x128xf32, #tpu.memory_space<hbm>>
        %dma_wait3A_22 = arith.constant 0 : i32
        %dma_wait3A_23 = tpu.memref_slice %arg4[%add3A_11, %dma_wait3A_22] : memref<1920000x128xf32, #tpu.memory_space<hbm>> -> memref<80x128xf32, #tpu.memory_space<hbm>>
        tpu.wait_dma2 semaphore(%run_scoped3A : memref<!tpu.dma_semaphore, #tpu.memory_space<semaphore_mem>>) src(%arg6 : memref<80x128xf32, #tpu.memory_space<vmem>>) dst(%dma_wait3A_23 : memref<80x128xf32, #tpu.memory_space<hbm>>)
        tpu.yield
      }) : () -> ()
    }
    %scan3A_7 = arith.constant 750 : i32
    return
  }
}

#map = affine_map<(d0, d1) -> (0, 0)>
#map1 = affine_map<(d0, d1) -> (0)>
module attributes {stable_mosaic.version = 14 : i64} {
  func.func @sk(%arg0: i32, %arg1: i32, %arg2: memref<1920000x16xf32, #tpu.memory_space<hbm>>, %arg3: memref<1920000xi32, #tpu.memory_space<hbm>>, %arg4: memref<30000x16xf32, #tpu.memory_space<hbm>>, %arg5: memref<80xi32, #tpu.memory_space<vmem>>, %arg6: memref<80x16xf32, #tpu.memory_space<vmem>>, %arg7: memref<200x16xf32, #tpu.memory_space<vmem>>, %arg8: memref<15008x16xf32, #tpu.memory_space<vmem_shared>>, %arg9: memref<!tpu.dma_semaphore, #tpu.memory_space<semaphore_mem>>) attributes {dimension_semantics = [#tpu.dimension_semantics<core_parallel>, #tpu.dimension_semantics<subcore_parallel>], iteration_bounds = array<i64: 2, 16>, scalar_prefetch = 0 : i64, scratch_operands = 5 : i64, tpu.core_type = #tpu.core_type<sc_vector_subcore>, window_params = [{transform_indices = #map}, {transform_indices = #map1}, {transform_indices = #map}]} {
    %lt3A = arith.constant 15 : i32
    %lt3A_0 = arith.cmpi slt, %arg1, %lt3A : i32
    %convert_element_type3A = arith.extui %lt3A_0 : i1 to i32
    %cond3A = arith.constant 0 : i32
    %cond3A_1 = arith.cmpi ne, %convert_element_type3A, %cond3A : i32
    scf.if %cond3A_1 {
      %broadcast_in_dim3A = arith.constant 0.000000e+00 : f32
      %broadcast_in_dim3A_21 = vector.broadcast %broadcast_in_dim3A : f32 to vector<16xf32>
      %scan3A_22 = arith.constant 0 : i32
      %scan3A_23 = arith.constant 0 : i32
      %scan3A_24 = arith.constant 200 : i32
      %scan3A_25 = arith.addi %scan3A_23, %scan3A_24 : i32
      %scan3A_26 = arith.constant 1 : i32
      scf.for %scan3A_48 = %scan3A_23 to %scan3A_25 step %scan3A_26  : i32 {
        %swap3A = arith.index_cast %scan3A_48 : i32 to index
        %swap3A_49 = arith.constant 0 : index
        %swap3A_50 = tpu.vector_load %arg7[%swap3A, %swap3A_49] {strides = array<i32>} : memref<200x16xf32, #tpu.memory_space<vmem>>, vector<1x16xf32>,
        %swap3A_51 = vector.shape_cast %swap3A_50 : vector<1x16xf32> to vector<16xf32>
        %swap3A_52 = vector.shape_cast %broadcast_in_dim3A_21 : vector<16xf32> to vector<1x16xf32>
        tpu.vector_store %arg7[%swap3A, %swap3A_49], %swap3A_52 {strides = array<i32>} : memref<200x16xf32, #tpu.memory_space<vmem>>, vector<1x16xf32>,
      }
      %scan3A_27 = arith.constant 200 : i32
      %mul3A_28 = arith.constant 1000 : i32
      %mul3A_29 = arith.muli %arg1, %mul3A_28 : i32
      %add3A_30 = arith.constant 0 : i32
      %add3A_31 = arith.addi %mul3A_29, %add3A_30 : i32
      "tpu.region"() ({
        %run_scoped3A = tpu.sem_alloc : memref<!tpu.dma_semaphore, #tpu.memory_space<semaphore_mem>>
        %dma_start3A = arith.constant 0 : i32
        %dma_start3A_48 = tpu.memref_slice %arg8[%add3A_31, %dma_start3A] : memref<15008x16xf32, #tpu.memory_space<vmem_shared>> -> memref<200x16xf32, #tpu.memory_space<vmem_shared>>
        %dma_start3A_49 = arith.constant 0 : i32
        %dma_start3A_50 = tpu.memref_slice %arg8[%add3A_31, %dma_start3A_49] : memref<15008x16xf32, #tpu.memory_space<vmem_shared>> -> memref<200x16xf32, #tpu.memory_space<vmem_shared>>
        tpu.enqueue_dma source(%arg7 : memref<200x16xf32, #tpu.memory_space<vmem>>) target(%dma_start3A_50 : memref<200x16xf32, #tpu.memory_space<vmem_shared>>) target_semaphore(%run_scoped3A : memref<!tpu.dma_semaphore, #tpu.memory_space<semaphore_mem>>)
        %dma_wait3A = arith.constant 0 : i32
        %dma_wait3A_51 = tpu.memref_slice %arg8[%add3A_31, %dma_wait3A] : memref<15008x16xf32, #tpu.memory_space<vmem_shared>> -> memref<200x16xf32, #tpu.memory_space<vmem_shared>>
        %dma_wait3A_52 = arith.constant 0 : i32
        %dma_wait3A_53 = tpu.memref_slice %arg8[%add3A_31, %dma_wait3A_52] : memref<15008x16xf32, #tpu.memory_space<vmem_shared>> -> memref<200x16xf32, #tpu.memory_space<vmem_shared>>
        tpu.wait_dma2 semaphore(%run_scoped3A : memref<!tpu.dma_semaphore, #tpu.memory_space<semaphore_mem>>) src(%arg7 : memref<200x16xf32, #tpu.memory_space<vmem>>) dst(%dma_wait3A_53 : memref<200x16xf32, #tpu.memory_space<vmem_shared>>)
        tpu.yield
      }) : () -> ()
      %mul3A_32 = arith.constant 1000 : i32
      %mul3A_33 = arith.muli %arg1, %mul3A_32 : i32
      %add3A_34 = arith.constant 200 : i32
      %add3A_35 = arith.addi %mul3A_33, %add3A_34 : i32
      "tpu.region"() ({
        %run_scoped3A = tpu.sem_alloc : memref<!tpu.dma_semaphore, #tpu.memory_space<semaphore_mem>>
        %dma_start3A = arith.constant 0 : i32
        %dma_start3A_48 = tpu.memref_slice %arg8[%add3A_35, %dma_start3A] : memref<15008x16xf32, #tpu.memory_space<vmem_shared>> -> memref<200x16xf32, #tpu.memory_space<vmem_shared>>
        %dma_start3A_49 = arith.constant 0 : i32
        %dma_start3A_50 = tpu.memref_slice %arg8[%add3A_35, %dma_start3A_49] : memref<15008x16xf32, #tpu.memory_space<vmem_shared>> -> memref<200x16xf32, #tpu.memory_space<vmem_shared>>
        tpu.enqueue_dma source(%arg7 : memref<200x16xf32, #tpu.memory_space<vmem>>) target(%dma_start3A_50 : memref<200x16xf32, #tpu.memory_space<vmem_shared>>) target_semaphore(%run_scoped3A : memref<!tpu.dma_semaphore, #tpu.memory_space<semaphore_mem>>)
        %dma_wait3A = arith.constant 0 : i32
        %dma_wait3A_51 = tpu.memref_slice %arg8[%add3A_35, %dma_wait3A] : memref<15008x16xf32, #tpu.memory_space<vmem_shared>> -> memref<200x16xf32, #tpu.memory_space<vmem_shared>>
        %dma_wait3A_52 = arith.constant 0 : i32
        %dma_wait3A_53 = tpu.memref_slice %arg8[%add3A_35, %dma_wait3A_52] : memref<15008x16xf32, #tpu.memory_space<vmem_shared>> -> memref<200x16xf32, #tpu.memory_space<vmem_shared>>
        tpu.wait_dma2 semaphore(%run_scoped3A : memref<!tpu.dma_semaphore, #tpu.memory_space<semaphore_mem>>) src(%arg7 : memref<200x16xf32, #tpu.memory_space<vmem>>) dst(%dma_wait3A_53 : memref<200x16xf32, #tpu.memory_space<vmem_shared>>)
        tpu.yield
      }) : () -> ()
      %mul3A_36 = arith.constant 1000 : i32
      %mul3A_37 = arith.muli %arg1, %mul3A_36 : i32
      %add3A_38 = arith.constant 400 : i32
      %add3A_39 = arith.addi %mul3A_37, %add3A_38 : i32
      "tpu.region"() ({
        %run_scoped3A = tpu.sem_alloc : memref<!tpu.dma_semaphore, #tpu.memory_space<semaphore_mem>>
        %dma_start3A = arith.constant 0 : i32
        %dma_start3A_48 = tpu.memref_slice %arg8[%add3A_39, %dma_start3A] : memref<15008x16xf32, #tpu.memory_space<vmem_shared>> -> memref<200x16xf32, #tpu.memory_space<vmem_shared>>
        %dma_start3A_49 = arith.constant 0 : i32
        %dma_start3A_50 = tpu.memref_slice %arg8[%add3A_39, %dma_start3A_49] : memref<15008x16xf32, #tpu.memory_space<vmem_shared>> -> memref<200x16xf32, #tpu.memory_space<vmem_shared>>
        tpu.enqueue_dma source(%arg7 : memref<200x16xf32, #tpu.memory_space<vmem>>) target(%dma_start3A_50 : memref<200x16xf32, #tpu.memory_space<vmem_shared>>) target_semaphore(%run_scoped3A : memref<!tpu.dma_semaphore, #tpu.memory_space<semaphore_mem>>)
        %dma_wait3A = arith.constant 0 : i32
        %dma_wait3A_51 = tpu.memref_slice %arg8[%add3A_39, %dma_wait3A] : memref<15008x16xf32, #tpu.memory_space<vmem_shared>> -> memref<200x16xf32, #tpu.memory_space<vmem_shared>>
        %dma_wait3A_52 = arith.constant 0 : i32
        %dma_wait3A_53 = tpu.memref_slice %arg8[%add3A_39, %dma_wait3A_52] : memref<15008x16xf32, #tpu.memory_space<vmem_shared>> -> memref<200x16xf32, #tpu.memory_space<vmem_shared>>
        tpu.wait_dma2 semaphore(%run_scoped3A : memref<!tpu.dma_semaphore, #tpu.memory_space<semaphore_mem>>) src(%arg7 : memref<200x16xf32, #tpu.memory_space<vmem>>) dst(%dma_wait3A_53 : memref<200x16xf32, #tpu.memory_space<vmem_shared>>)
        tpu.yield
      }) : () -> ()
      %mul3A_40 = arith.constant 1000 : i32
      %mul3A_41 = arith.muli %arg1, %mul3A_40 : i32
      %add3A_42 = arith.constant 600 : i32
      %add3A_43 = arith.addi %mul3A_41, %add3A_42 : i32
      "tpu.region"() ({
        %run_scoped3A = tpu.sem_alloc : memref<!tpu.dma_semaphore, #tpu.memory_space<semaphore_mem>>
        %dma_start3A = arith.constant 0 : i32
        %dma_start3A_48 = tpu.memref_slice %arg8[%add3A_43, %dma_start3A] : memref<15008x16xf32, #tpu.memory_space<vmem_shared>> -> memref<200x16xf32, #tpu.memory_space<vmem_shared>>
        %dma_start3A_49 = arith.constant 0 : i32
        %dma_start3A_50 = tpu.memref_slice %arg8[%add3A_43, %dma_start3A_49] : memref<15008x16xf32, #tpu.memory_space<vmem_shared>> -> memref<200x16xf32, #tpu.memory_space<vmem_shared>>
        tpu.enqueue_dma source(%arg7 : memref<200x16xf32, #tpu.memory_space<vmem>>) target(%dma_start3A_50 : memref<200x16xf32, #tpu.memory_space<vmem_shared>>) target_semaphore(%run_scoped3A : memref<!tpu.dma_semaphore, #tpu.memory_space<semaphore_mem>>)
        %dma_wait3A = arith.constant 0 : i32
        %dma_wait3A_51 = tpu.memref_slice %arg8[%add3A_43, %dma_wait3A] : memref<15008x16xf32, #tpu.memory_space<vmem_shared>> -> memref<200x16xf32, #tpu.memory_space<vmem_shared>>
        %dma_wait3A_52 = arith.constant 0 : i32
        %dma_wait3A_53 = tpu.memref_slice %arg8[%add3A_43, %dma_wait3A_52] : memref<15008x16xf32, #tpu.memory_space<vmem_shared>> -> memref<200x16xf32, #tpu.memory_space<vmem_shared>>
        tpu.wait_dma2 semaphore(%run_scoped3A : memref<!tpu.dma_semaphore, #tpu.memory_space<semaphore_mem>>) src(%arg7 : memref<200x16xf32, #tpu.memory_space<vmem>>) dst(%dma_wait3A_53 : memref<200x16xf32, #tpu.memory_space<vmem_shared>>)
        tpu.yield
      }) : () -> ()
      %mul3A_44 = arith.constant 1000 : i32
      %mul3A_45 = arith.muli %arg1, %mul3A_44 : i32
      %add3A_46 = arith.constant 800 : i32
      %add3A_47 = arith.addi %mul3A_45, %add3A_46 : i32
      "tpu.region"() ({
        %run_scoped3A = tpu.sem_alloc : memref<!tpu.dma_semaphore, #tpu.memory_space<semaphore_mem>>
        %dma_start3A = arith.constant 0 : i32
        %dma_start3A_48 = tpu.memref_slice %arg8[%add3A_47, %dma_start3A] : memref<15008x16xf32, #tpu.memory_space<vmem_shared>> -> memref<200x16xf32, #tpu.memory_space<vmem_shared>>
        %dma_start3A_49 = arith.constant 0 : i32
        %dma_start3A_50 = tpu.memref_slice %arg8[%add3A_47, %dma_start3A_49] : memref<15008x16xf32, #tpu.memory_space<vmem_shared>> -> memref<200x16xf32, #tpu.memory_space<vmem_shared>>
        tpu.enqueue_dma source(%arg7 : memref<200x16xf32, #tpu.memory_space<vmem>>) target(%dma_start3A_50 : memref<200x16xf32, #tpu.memory_space<vmem_shared>>) target_semaphore(%run_scoped3A : memref<!tpu.dma_semaphore, #tpu.memory_space<semaphore_mem>>)
        %dma_wait3A = arith.constant 0 : i32
        %dma_wait3A_51 = tpu.memref_slice %arg8[%add3A_47, %dma_wait3A] : memref<15008x16xf32, #tpu.memory_space<vmem_shared>> -> memref<200x16xf32, #tpu.memory_space<vmem_shared>>
        %dma_wait3A_52 = arith.constant 0 : i32
        %dma_wait3A_53 = tpu.memref_slice %arg8[%add3A_47, %dma_wait3A_52] : memref<15008x16xf32, #tpu.memory_space<vmem_shared>> -> memref<200x16xf32, #tpu.memory_space<vmem_shared>>
        tpu.wait_dma2 semaphore(%run_scoped3A : memref<!tpu.dma_semaphore, #tpu.memory_space<semaphore_mem>>) src(%arg7 : memref<200x16xf32, #tpu.memory_space<vmem>>) dst(%dma_wait3A_53 : memref<200x16xf32, #tpu.memory_space<vmem_shared>>)
        tpu.yield
      }) : () -> ()
    } else {
    }
    %eq3A = arith.constant 15 : i32
    %eq3A_2 = arith.cmpi eq, %arg1, %eq3A : i32
    %convert_element_type3A_3 = arith.extui %eq3A_2 : i1 to i32
    %cond3A_4 = arith.constant 0 : i32
    %cond3A_5 = arith.cmpi ne, %convert_element_type3A_3, %cond3A_4 : i32
    scf.if %cond3A_5 {
      %broadcast_in_dim3A = arith.constant 0.000000e+00 : f32
      %broadcast_in_dim3A_21 = vector.broadcast %broadcast_in_dim3A : f32 to vector<16xf32>
      %scan3A_22 = arith.constant 0 : i32
      %scan3A_23 = arith.constant 0 : i32
      %scan3A_24 = arith.constant 8 : i32
      %scan3A_25 = arith.addi %scan3A_23, %scan3A_24 : i32
      %scan3A_26 = arith.constant 1 : i32
      scf.for %scan3A_28 = %scan3A_23 to %scan3A_25 step %scan3A_26  : i32 {
        %swap3A = arith.index_cast %scan3A_28 : i32 to index
        %swap3A_29 = arith.constant 0 : index
        %swap3A_30 = tpu.vector_load %arg7[%swap3A, %swap3A_29] {strides = array<i32>} : memref<200x16xf32, #tpu.memory_space<vmem>>, vector<1x16xf32>,
        %swap3A_31 = vector.shape_cast %swap3A_30 : vector<1x16xf32> to vector<16xf32>
        %swap3A_32 = vector.shape_cast %broadcast_in_dim3A_21 : vector<16xf32> to vector<1x16xf32>
        tpu.vector_store %arg7[%swap3A, %swap3A_29], %swap3A_32 {strides = array<i32>} : memref<200x16xf32, #tpu.memory_space<vmem>>, vector<1x16xf32>,
      }
      %scan3A_27 = arith.constant 8 : i32
      "tpu.region"() ({
        %run_scoped3A = tpu.sem_alloc : memref<!tpu.dma_semaphore, #tpu.memory_space<semaphore_mem>>
        %dma_start3A = arith.constant 0 : i32
        %dma_start3A_28 = arith.constant 0 : i32
        %dma_start3A_29 = tpu.memref_slice %arg7[%dma_start3A, %dma_start3A_28] : memref<200x16xf32, #tpu.memory_space<vmem>> -> memref<8x16xf32, #tpu.memory_space<vmem>>
        %dma_start3A_30 = arith.constant 15000 : i32
        %dma_start3A_31 = arith.constant 0 : i32
        %dma_start3A_32 = tpu.memref_slice %arg8[%dma_start3A_30, %dma_start3A_31] : memref<15008x16xf32, #tpu.memory_space<vmem_shared>> -> memref<8x16xf32, #tpu.memory_space<vmem_shared>>
        %dma_start3A_33 = arith.constant 15000 : i32
        %dma_start3A_34 = arith.constant 0 : i32
        %dma_start3A_35 = tpu.memref_slice %arg8[%dma_start3A_33, %dma_start3A_34] : memref<15008x16xf32, #tpu.memory_space<vmem_shared>> -> memref<8x16xf32, #tpu.memory_space<vmem_shared>>
        %dma_start3A_36 = arith.constant 0 : i32
        %dma_start3A_37 = arith.constant 0 : i32
        %dma_start3A_38 = tpu.memref_slice %arg7[%dma_start3A_36, %dma_start3A_37] : memref<200x16xf32, #tpu.memory_space<vmem>> -> memref<8x16xf32, #tpu.memory_space<vmem>>
        tpu.enqueue_dma source(%dma_start3A_38 : memref<8x16xf32, #tpu.memory_space<vmem>>) target(%dma_start3A_35 : memref<8x16xf32, #tpu.memory_space<vmem_shared>>) target_semaphore(%run_scoped3A : memref<!tpu.dma_semaphore, #tpu.memory_space<semaphore_mem>>)
        %dma_wait3A = arith.constant 0 : i32
        %dma_wait3A_39 = arith.constant 0 : i32
        %dma_wait3A_40 = tpu.memref_slice %arg7[%dma_wait3A, %dma_wait3A_39] : memref<200x16xf32, #tpu.memory_space<vmem>> -> memref<8x16xf32, #tpu.memory_space<vmem>>
        %dma_wait3A_41 = arith.constant 15000 : i32
        %dma_wait3A_42 = arith.constant 0 : i32
        %dma_wait3A_43 = tpu.memref_slice %arg8[%dma_wait3A_41, %dma_wait3A_42] : memref<15008x16xf32, #tpu.memory_space<vmem_shared>> -> memref<8x16xf32, #tpu.memory_space<vmem_shared>>
        %dma_wait3A_44 = arith.constant 15000 : i32
        %dma_wait3A_45 = arith.constant 0 : i32
        %dma_wait3A_46 = tpu.memref_slice %arg8[%dma_wait3A_44, %dma_wait3A_45] : memref<15008x16xf32, #tpu.memory_space<vmem_shared>> -> memref<8x16xf32, #tpu.memory_space<vmem_shared>>
        %dma_wait3A_47 = arith.constant 0 : i32
        %dma_wait3A_48 = arith.constant 0 : i32
        %dma_wait3A_49 = tpu.memref_slice %arg7[%dma_wait3A_47, %dma_wait3A_48] : memref<200x16xf32, #tpu.memory_space<vmem>> -> memref<8x16xf32, #tpu.memory_space<vmem>>
        tpu.wait_dma2 semaphore(%run_scoped3A : memref<!tpu.dma_semaphore, #tpu.memory_space<semaphore_mem>>) src(%dma_wait3A_49 : memref<8x16xf32, #tpu.memory_space<vmem>>) dst(%dma_wait3A_46 : memref<8x16xf32, #tpu.memory_space<vmem_shared>>)
        tpu.yield
      }) : () -> ()
    } else {
    }
    %barrier3A = arith.constant 0 : index
    tpu.barrier barrier_id(%barrier3A)
    %mul3A = arith.constant 15000 : i32
    %mul3A_6 = arith.muli %arg0, %mul3A : i32
    %mul3A_7 = arith.constant 120000 : i32
    %mul3A_8 = arith.muli %arg1, %mul3A_7 : i32
    %add3A = arith.constant 0 : i32
    %add3A_9 = arith.addi %add3A, %mul3A_8 : i32
    %scan3A = arith.constant 0 : i32
    %scan3A_10 = arith.constant 0 : i32
    %scan3A_11 = arith.constant 1500 : i32
    %scan3A_12 = arith.addi %scan3A_10, %scan3A_11 : i32
    %scan3A_13 = arith.constant 1 : i32
    scf.for %scan3A_21 = %scan3A_10 to %scan3A_12 step %scan3A_13  : i32 {
      %mul3A_22 = arith.constant 80 : i32
      %mul3A_23 = arith.muli %scan3A_21, %mul3A_22 : i32
      %add3A_24 = arith.addi %add3A_9, %mul3A_23 : i32
      "tpu.region"() ({
        %run_scoped3A = tpu.sem_alloc : memref<!tpu.dma_semaphore, #tpu.memory_space<semaphore_mem>>
        %dma_start3A = tpu.memref_slice %arg3[%add3A_24] : memref<1920000xi32, #tpu.memory_space<hbm>> -> memref<80xi32, #tpu.memory_space<hbm>>
        %dma_start3A_31 = tpu.memref_slice %arg3[%add3A_24] : memref<1920000xi32, #tpu.memory_space<hbm>> -> memref<80xi32, #tpu.memory_space<hbm>>
        tpu.enqueue_dma source(%dma_start3A_31 : memref<80xi32, #tpu.memory_space<hbm>>) target(%arg5 : memref<80xi32, #tpu.memory_space<vmem>>) target_semaphore(%run_scoped3A : memref<!tpu.dma_semaphore, #tpu.memory_space<semaphore_mem>>)
        %dma_wait3A = tpu.memref_slice %arg3[%add3A_24] : memref<1920000xi32, #tpu.memory_space<hbm>> -> memref<80xi32, #tpu.memory_space<hbm>>
        %dma_wait3A_32 = tpu.memref_slice %arg3[%add3A_24] : memref<1920000xi32, #tpu.memory_space<hbm>> -> memref<80xi32, #tpu.memory_space<hbm>>
        tpu.wait_dma2 semaphore(%run_scoped3A : memref<!tpu.dma_semaphore, #tpu.memory_space<semaphore_mem>>) src(%dma_wait3A_32 : memref<80xi32, #tpu.memory_space<hbm>>) dst(%arg5 : memref<80xi32, #tpu.memory_space<vmem>>)
        tpu.yield
      }) : () -> ()
      "tpu.region"() ({
        %run_scoped3A = tpu.sem_alloc : memref<!tpu.dma_semaphore, #tpu.memory_space<semaphore_mem>>
        %dma_start3A = arith.constant 0 : i32
        %dma_start3A_31 = tpu.memref_slice %arg2[%add3A_24, %dma_start3A] : memref<1920000x16xf32, #tpu.memory_space<hbm>> -> memref<80x16xf32, #tpu.memory_space<hbm>>
        %dma_start3A_32 = arith.constant 0 : i32
        %dma_start3A_33 = tpu.memref_slice %arg2[%add3A_24, %dma_start3A_32] : memref<1920000x16xf32, #tpu.memory_space<hbm>> -> memref<80x16xf32, #tpu.memory_space<hbm>>
        tpu.enqueue_dma source(%dma_start3A_33 : memref<80x16xf32, #tpu.memory_space<hbm>>) target(%arg6 : memref<80x16xf32, #tpu.memory_space<vmem>>) target_semaphore(%run_scoped3A : memref<!tpu.dma_semaphore, #tpu.memory_space<semaphore_mem>>)
        %dma_wait3A = arith.constant 0 : i32
        %dma_wait3A_34 = tpu.memref_slice %arg2[%add3A_24, %dma_wait3A] : memref<1920000x16xf32, #tpu.memory_space<hbm>> -> memref<80x16xf32, #tpu.memory_space<hbm>>
        %dma_wait3A_35 = arith.constant 0 : i32
        %dma_wait3A_36 = tpu.memref_slice %arg2[%add3A_24, %dma_wait3A_35] : memref<1920000x16xf32, #tpu.memory_space<hbm>> -> memref<80x16xf32, #tpu.memory_space<hbm>>
        tpu.wait_dma2 semaphore(%run_scoped3A : memref<!tpu.dma_semaphore, #tpu.memory_space<semaphore_mem>>) src(%dma_wait3A_36 : memref<80x16xf32, #tpu.memory_space<hbm>>) dst(%arg6 : memref<80x16xf32, #tpu.memory_space<vmem>>)
        tpu.yield
      }) : () -> ()
      %scan3A_25 = arith.constant 0 : i32
      %scan3A_26 = arith.constant 0 : i32
      %scan3A_27 = arith.constant 5 : i32
      %scan3A_28 = arith.addi %scan3A_26, %scan3A_27 : i32
      %scan3A_29 = arith.constant 1 : i32
      scf.for %scan3A_31 = %scan3A_26 to %scan3A_28 step %scan3A_29  : i32 {
        %mul3A_32 = arith.constant 16 : i32
        %mul3A_33 = arith.muli %scan3A_31, %mul3A_32 : i32
        %get3A = arith.index_cast %mul3A_33 : i32 to index
        %get3A_34 = tpu.vector_load %arg5[%get3A] {strides = array<i32>} : memref<80xi32, #tpu.memory_space<vmem>>, vector<16xi32>,
        %get3A_35 = vector.shape_cast %get3A_34 : vector<16xi32> to vector<16xi32>
        %sub3A = vector.broadcast %mul3A_6 : i32 to vector<16xi32>
        %sub3A_36 = arith.subi %get3A_35, %sub3A : vector<16xi32>
        %ge3A = arith.constant 0 : i32
        %ge3A_37 = vector.broadcast %ge3A : i32 to vector<16xi32>
        %ge3A_38 = arith.cmpi sge, %sub3A_36, %ge3A_37 : vector<16xi32>
        %lt3A_39 = arith.constant 15000 : i32
        %lt3A_40 = vector.broadcast %lt3A_39 : i32 to vector<16xi32>
        %lt3A_41 = arith.cmpi slt, %sub3A_36, %lt3A_40 : vector<16xi32>
        %and3A = arith.andi %ge3A_38, %lt3A_41 : vector<16xi1>
        %jit3A = arith.constant 15000 : i32
        %broadcast_in_dim3A = vector.broadcast %jit3A : i32 to vector<16xi32>
        %select_n3A = arith.select %and3A, %sub3A_36, %broadcast_in_dim3A : vector<16xi1>, vector<16xi32>
        %mul3A_42 = arith.constant 16 : i32
        %mul3A_43 = arith.muli %scan3A_31, %mul3A_42 : i32
        %swap3A = arith.index_cast %mul3A_43 : i32 to index
        %swap3A_44 = tpu.vector_load %arg5[%swap3A] {strides = array<i32>} : memref<80xi32, #tpu.memory_space<vmem>>, vector<16xi32>,
        %swap3A_45 = vector.shape_cast %swap3A_44 : vector<16xi32> to vector<16xi32>
        %swap3A_46 = vector.shape_cast %select_n3A : vector<16xi32> to vector<16xi32>
        tpu.vector_store %arg5[%swap3A], %swap3A_46 {strides = array<i32>} : memref<80xi32, #tpu.memory_space<vmem>>, vector<16xi32>,
      }
      %scan3A_30 = arith.constant 5 : i32
      "tpu.region"() ({
        %run_scoped3A = tpu.sem_alloc : memref<!tpu.dma_semaphore, #tpu.memory_space<semaphore_mem>>
        %dma_start3A = arith.constant 0 : i32
        %dma_start3A_31 = arith.constant 0 : i32
        %dma_start3A_32 = tpu.memref_slice %arg8[%dma_start3A, %dma_start3A_31] : memref<15008x16xf32, #tpu.memory_space<vmem_shared>> -> memref<15008x16xf32, #tpu.memory_space<vmem_shared>>
        tpu.enqueue_indirect_dma source(%arg6 : memref<80x16xf32, #tpu.memory_space<vmem>>) target(%dma_start3A_32 : memref<15008x16xf32, #tpu.memory_space<vmem_shared>>) offsets(%arg5 : memref<80xi32, #tpu.memory_space<vmem>>) semaphore(%run_scoped3A : memref<!tpu.dma_semaphore, #tpu.memory_space<semaphore_mem>>) {add = true}
        %dma_wait3A = arith.constant 0 : i32
        %dma_wait3A_33 = arith.constant 0 : i32
        %dma_wait3A_34 = tpu.memref_slice %arg8[%dma_wait3A, %dma_wait3A_33] : memref<15008x16xf32, #tpu.memory_space<vmem_shared>> -> memref<15008x16xf32, #tpu.memory_space<vmem_shared>>
        tpu.wait_indirect_dma semaphore(%run_scoped3A : memref<!tpu.dma_semaphore, #tpu.memory_space<semaphore_mem>>) src(%arg6 : memref<80x16xf32, #tpu.memory_space<vmem>>) dst(%dma_wait3A_34 : memref<15008x16xf32, #tpu.memory_space<vmem_shared>>)
        tpu.yield
      }) : () -> ()
    }
    %scan3A_14 = arith.constant 1500 : i32
    %barrier3A_15 = arith.constant 0 : index
    tpu.barrier barrier_id(%barrier3A_15)
    %lt3A_16 = arith.constant 15 : i32
    %lt3A_17 = arith.cmpi slt, %arg1, %lt3A_16 : i32
    %convert_element_type3A_18 = arith.extui %lt3A_17 : i1 to i32
    %cond3A_19 = arith.constant 0 : i32
    %cond3A_20 = arith.cmpi ne, %convert_element_type3A_18, %cond3A_19 : i32
    scf.if %cond3A_20 {
      %mul3A_21 = arith.constant 1000 : i32
      %mul3A_22 = arith.muli %arg1, %mul3A_21 : i32
      %mul3A_23 = arith.constant 15000 : i32
      %mul3A_24 = arith.muli %arg0, %mul3A_23 : i32
      %mul3A_25 = arith.constant 1000 : i32
      %mul3A_26 = arith.muli %arg1, %mul3A_25 : i32
      %add3A_27 = arith.addi %mul3A_24, %mul3A_26 : i32
      "tpu.region"() ({
        %run_scoped3A = tpu.sem_alloc : memref<!tpu.dma_semaphore, #tpu.memory_space<semaphore_mem>>
        %dma_start3A = arith.constant 0 : i32
        %dma_start3A_28 = tpu.memref_slice %arg4[%add3A_27, %dma_start3A] : memref<30000x16xf32, #tpu.memory_space<hbm>> -> memref<1000x16xf32, #tpu.memory_space<hbm>>
        %dma_start3A_29 = arith.constant 0 : i32
        %dma_start3A_30 = tpu.memref_slice %arg8[%mul3A_22, %dma_start3A_29] : memref<15008x16xf32, #tpu.memory_space<vmem_shared>> -> memref<1000x16xf32, #tpu.memory_space<vmem_shared>>
        tpu.enqueue_dma source(%dma_start3A_30 : memref<1000x16xf32, #tpu.memory_space<vmem_shared>>) target(%dma_start3A_28 : memref<1000x16xf32, #tpu.memory_space<hbm>>) target_semaphore(%run_scoped3A : memref<!tpu.dma_semaphore, #tpu.memory_space<semaphore_mem>>)
        %dma_wait3A = arith.constant 0 : i32
        %dma_wait3A_31 = tpu.memref_slice %arg4[%add3A_27, %dma_wait3A] : memref<30000x16xf32, #tpu.memory_space<hbm>> -> memref<1000x16xf32, #tpu.memory_space<hbm>>
        %dma_wait3A_32 = arith.constant 0 : i32
        %dma_wait3A_33 = tpu.memref_slice %arg8[%mul3A_22, %dma_wait3A_32] : memref<15008x16xf32, #tpu.memory_space<vmem_shared>> -> memref<1000x16xf32, #tpu.memory_space<vmem_shared>>
        tpu.wait_dma2 semaphore(%run_scoped3A : memref<!tpu.dma_semaphore, #tpu.memory_space<semaphore_mem>>) src(%dma_wait3A_33 : memref<1000x16xf32, #tpu.memory_space<vmem_shared>>) dst(%dma_wait3A_31 : memref<1000x16xf32, #tpu.memory_space<hbm>>)
        tpu.yield
      }) : () -> ()
    } else {
    }
    return
  }
}

#map = affine_map<(d0, d1) -> (0, 0)>
#map1 = affine_map<(d0, d1) -> (0)>
module attributes {stable_mosaic.version = 14 : i64} {
  func.func @gk(%arg0: i32, %arg1: i32, %arg2: memref<30000x16xf32, #tpu.memory_space<hbm>>, %arg3: memref<1920000xi32, #tpu.memory_space<hbm>>, %arg4: memref<1920000x16xf32, #tpu.memory_space<hbm>>, %arg5: memref<80xi32, #tpu.memory_space<vmem>>, %arg6: memref<80x16xf32, #tpu.memory_space<vmem>>, %arg7: memref<!tpu.dma_semaphore, #tpu.memory_space<semaphore_mem>>) attributes {dimension_semantics = [#tpu.dimension_semantics<core_parallel>, #tpu.dimension_semantics<subcore_parallel>], iteration_bounds = array<i64: 2, 16>, scalar_prefetch = 0 : i64, scratch_operands = 3 : i64, tpu.core_type = #tpu.core_type<sc_vector_subcore>, window_params = [{transform_indices = #map}, {transform_indices = #map1}, {transform_indices = #map}]} {
    %mul3A = arith.constant 2 : i32
    %mul3A_0 = arith.muli %arg1, %mul3A : i32
    %add3A = arith.addi %mul3A_0, %arg0 : i32
    %mul3A_1 = arith.constant 60000 : i32
    %mul3A_2 = arith.muli %add3A, %mul3A_1 : i32
    %scan3A = arith.constant 0 : i32
    %scan3A_3 = arith.constant 0 : i32
    %scan3A_4 = arith.constant 750 : i32
    %scan3A_5 = arith.addi %scan3A_3, %scan3A_4 : i32
    %scan3A_6 = arith.constant 1 : i32
    scf.for %scan3A_8 = %scan3A_3 to %scan3A_5 step %scan3A_6  : i32 {
      %mul3A_9 = arith.constant 80 : i32
      %mul3A_10 = arith.muli %scan3A_8, %mul3A_9 : i32
      %add3A_11 = arith.addi %mul3A_2, %mul3A_10 : i32
      "tpu.region"() ({
        %run_scoped3A = tpu.sem_alloc : memref<!tpu.dma_semaphore, #tpu.memory_space<semaphore_mem>>
        %dma_start3A_16 = tpu.memref_slice %arg3[%add3A_11] : memref<1920000xi32, #tpu.memory_space<hbm>> -> memref<80xi32, #tpu.memory_space<hbm>>
        %dma_start3A_17 = tpu.memref_slice %arg3[%add3A_11] : memref<1920000xi32, #tpu.memory_space<hbm>> -> memref<80xi32, #tpu.memory_space<hbm>>
        tpu.enqueue_dma source(%dma_start3A_17 : memref<80xi32, #tpu.memory_space<hbm>>) target(%arg5 : memref<80xi32, #tpu.memory_space<vmem>>) target_semaphore(%run_scoped3A : memref<!tpu.dma_semaphore, #tpu.memory_space<semaphore_mem>>)
        %dma_wait3A_18 = tpu.memref_slice %arg3[%add3A_11] : memref<1920000xi32, #tpu.memory_space<hbm>> -> memref<80xi32, #tpu.memory_space<hbm>>
        %dma_wait3A_19 = tpu.memref_slice %arg3[%add3A_11] : memref<1920000xi32, #tpu.memory_space<hbm>> -> memref<80xi32, #tpu.memory_space<hbm>>
        tpu.wait_dma2 semaphore(%run_scoped3A : memref<!tpu.dma_semaphore, #tpu.memory_space<semaphore_mem>>) src(%dma_wait3A_19 : memref<80xi32, #tpu.memory_space<hbm>>) dst(%arg5 : memref<80xi32, #tpu.memory_space<vmem>>)
        tpu.yield
      }) : () -> ()
      %dma_start3A = arith.constant 0 : i32
      %dma_start3A_12 = arith.constant 0 : i32
      %dma_start3A_13 = tpu.memref_slice %arg2[%dma_start3A, %dma_start3A_12] : memref<30000x16xf32, #tpu.memory_space<hbm>> -> memref<30000x16xf32, #tpu.memory_space<hbm>>
      tpu.enqueue_indirect_dma source(%dma_start3A_13 : memref<30000x16xf32, #tpu.memory_space<hbm>>) target(%arg6 : memref<80x16xf32, #tpu.memory_space<vmem>>) offsets(%arg5 : memref<80xi32, #tpu.memory_space<vmem>>) semaphore(%arg7 : memref<!tpu.dma_semaphore, #tpu.memory_space<semaphore_mem>>)
      %dma_wait3A = arith.constant 0 : i32
      %dma_wait3A_14 = arith.constant 0 : i32
      %dma_wait3A_15 = tpu.memref_slice %arg2[%dma_wait3A, %dma_wait3A_14] : memref<30000x16xf32, #tpu.memory_space<hbm>> -> memref<30000x16xf32, #tpu.memory_space<hbm>>
      tpu.wait_indirect_dma semaphore(%arg7 : memref<!tpu.dma_semaphore, #tpu.memory_space<semaphore_mem>>) src(%dma_wait3A_15 : memref<30000x16xf32, #tpu.memory_space<hbm>>) dst(%arg6 : memref<80x16xf32, #tpu.memory_space<vmem>>)
      "tpu.region"() ({
        %run_scoped3A = tpu.sem_alloc : memref<!tpu.dma_semaphore, #tpu.memory_space<semaphore_mem>>
        %dma_start3A_16 = arith.constant 0 : i32
        %dma_start3A_17 = tpu.memref_slice %arg4[%add3A_11, %dma_start3A_16] : memref<1920000x16xf32, #tpu.memory_space<hbm>> -> memref<80x16xf32, #tpu.memory_space<hbm>>
        %dma_start3A_18 = arith.constant 0 : i32
        %dma_start3A_19 = tpu.memref_slice %arg4[%add3A_11, %dma_start3A_18] : memref<1920000x16xf32, #tpu.memory_space<hbm>> -> memref<80x16xf32, #tpu.memory_space<hbm>>
        tpu.enqueue_dma source(%arg6 : memref<80x16xf32, #tpu.memory_space<vmem>>) target(%dma_start3A_19 : memref<80x16xf32, #tpu.memory_space<hbm>>) target_semaphore(%run_scoped3A : memref<!tpu.dma_semaphore, #tpu.memory_space<semaphore_mem>>)
        %dma_wait3A_20 = arith.constant 0 : i32
        %dma_wait3A_21 = tpu.memref_slice %arg4[%add3A_11, %dma_wait3A_20] : memref<1920000x16xf32, #tpu.memory_space<hbm>> -> memref<80x16xf32, #tpu.memory_space<hbm>>
        %dma_wait3A_22 = arith.constant 0 : i32
        %dma_wait3A_23 = tpu.memref_slice %arg4[%add3A_11, %dma_wait3A_22] : memref<1920000x16xf32, #tpu.memory_space<hbm>> -> memref<80x16xf32, #tpu.memory_space<hbm>>
        tpu.wait_dma2 semaphore(%run_scoped3A : memref<!tpu.dma_semaphore, #tpu.memory_space<semaphore_mem>>) src(%arg6 : memref<80x16xf32, #tpu.memory_space<vmem>>) dst(%dma_wait3A_23 : memref<80x16xf32, #tpu.memory_space<hbm>>)
        tpu.yield
      }) : () -> ()
    }
    %scan3A_7 = arith.constant 750 : i32
    return
  }
}

#map = affine_map<(d0, d1) -> (0, 0)>
#map1 = affine_map<(d0, d1) -> (0)>
module attributes {stable_mosaic.version = 14 : i64} {
  func.func @sk(%arg0: i32, %arg1: i32, %arg2: memref<1920000x16xf32, #tpu.memory_space<hbm>>, %arg3: memref<1920000xi32, #tpu.memory_space<hbm>>, %arg4: memref<10000x16xf32, #tpu.memory_space<hbm>>, %arg5: memref<80xi32, #tpu.memory_space<vmem>>, %arg6: memref<80x16xf32, #tpu.memory_space<vmem>>, %arg7: memref<200x16xf32, #tpu.memory_space<vmem>>, %arg8: memref<5008x16xf32, #tpu.memory_space<vmem_shared>>, %arg9: memref<!tpu.dma_semaphore, #tpu.memory_space<semaphore_mem>>) attributes {dimension_semantics = [#tpu.dimension_semantics<core_parallel>, #tpu.dimension_semantics<subcore_parallel>], iteration_bounds = array<i64: 2, 16>, scalar_prefetch = 0 : i64, scratch_operands = 5 : i64, tpu.core_type = #tpu.core_type<sc_vector_subcore>, window_params = [{transform_indices = #map}, {transform_indices = #map1}, {transform_indices = #map}]} {
    %lt3A = arith.constant 5 : i32
    %lt3A_0 = arith.cmpi slt, %arg1, %lt3A : i32
    %convert_element_type3A = arith.extui %lt3A_0 : i1 to i32
    %cond3A = arith.constant 0 : i32
    %cond3A_1 = arith.cmpi ne, %convert_element_type3A, %cond3A : i32
    scf.if %cond3A_1 {
      %broadcast_in_dim3A = arith.constant 0.000000e+00 : f32
      %broadcast_in_dim3A_21 = vector.broadcast %broadcast_in_dim3A : f32 to vector<16xf32>
      %scan3A_22 = arith.constant 0 : i32
      %scan3A_23 = arith.constant 0 : i32
      %scan3A_24 = arith.constant 200 : i32
      %scan3A_25 = arith.addi %scan3A_23, %scan3A_24 : i32
      %scan3A_26 = arith.constant 1 : i32
      scf.for %scan3A_48 = %scan3A_23 to %scan3A_25 step %scan3A_26  : i32 {
        %swap3A = arith.index_cast %scan3A_48 : i32 to index
        %swap3A_49 = arith.constant 0 : index
        %swap3A_50 = tpu.vector_load %arg7[%swap3A, %swap3A_49] {strides = array<i32>} : memref<200x16xf32, #tpu.memory_space<vmem>>, vector<1x16xf32>,
        %swap3A_51 = vector.shape_cast %swap3A_50 : vector<1x16xf32> to vector<16xf32>
        %swap3A_52 = vector.shape_cast %broadcast_in_dim3A_21 : vector<16xf32> to vector<1x16xf32>
        tpu.vector_store %arg7[%swap3A, %swap3A_49], %swap3A_52 {strides = array<i32>} : memref<200x16xf32, #tpu.memory_space<vmem>>, vector<1x16xf32>,
      }
      %scan3A_27 = arith.constant 200 : i32
      %mul3A_28 = arith.constant 1000 : i32
      %mul3A_29 = arith.muli %arg1, %mul3A_28 : i32
      %add3A_30 = arith.constant 0 : i32
      %add3A_31 = arith.addi %mul3A_29, %add3A_30 : i32
      "tpu.region"() ({
        %run_scoped3A = tpu.sem_alloc : memref<!tpu.dma_semaphore, #tpu.memory_space<semaphore_mem>>
        %dma_start3A = arith.constant 0 : i32
        %dma_start3A_48 = tpu.memref_slice %arg8[%add3A_31, %dma_start3A] : memref<5008x16xf32, #tpu.memory_space<vmem_shared>> -> memref<200x16xf32, #tpu.memory_space<vmem_shared>>
        %dma_start3A_49 = arith.constant 0 : i32
        %dma_start3A_50 = tpu.memref_slice %arg8[%add3A_31, %dma_start3A_49] : memref<5008x16xf32, #tpu.memory_space<vmem_shared>> -> memref<200x16xf32, #tpu.memory_space<vmem_shared>>
        tpu.enqueue_dma source(%arg7 : memref<200x16xf32, #tpu.memory_space<vmem>>) target(%dma_start3A_50 : memref<200x16xf32, #tpu.memory_space<vmem_shared>>) target_semaphore(%run_scoped3A : memref<!tpu.dma_semaphore, #tpu.memory_space<semaphore_mem>>)
        %dma_wait3A = arith.constant 0 : i32
        %dma_wait3A_51 = tpu.memref_slice %arg8[%add3A_31, %dma_wait3A] : memref<5008x16xf32, #tpu.memory_space<vmem_shared>> -> memref<200x16xf32, #tpu.memory_space<vmem_shared>>
        %dma_wait3A_52 = arith.constant 0 : i32
        %dma_wait3A_53 = tpu.memref_slice %arg8[%add3A_31, %dma_wait3A_52] : memref<5008x16xf32, #tpu.memory_space<vmem_shared>> -> memref<200x16xf32, #tpu.memory_space<vmem_shared>>
        tpu.wait_dma2 semaphore(%run_scoped3A : memref<!tpu.dma_semaphore, #tpu.memory_space<semaphore_mem>>) src(%arg7 : memref<200x16xf32, #tpu.memory_space<vmem>>) dst(%dma_wait3A_53 : memref<200x16xf32, #tpu.memory_space<vmem_shared>>)
        tpu.yield
      }) : () -> ()
      %mul3A_32 = arith.constant 1000 : i32
      %mul3A_33 = arith.muli %arg1, %mul3A_32 : i32
      %add3A_34 = arith.constant 200 : i32
      %add3A_35 = arith.addi %mul3A_33, %add3A_34 : i32
      "tpu.region"() ({
        %run_scoped3A = tpu.sem_alloc : memref<!tpu.dma_semaphore, #tpu.memory_space<semaphore_mem>>
        %dma_start3A = arith.constant 0 : i32
        %dma_start3A_48 = tpu.memref_slice %arg8[%add3A_35, %dma_start3A] : memref<5008x16xf32, #tpu.memory_space<vmem_shared>> -> memref<200x16xf32, #tpu.memory_space<vmem_shared>>
        %dma_start3A_49 = arith.constant 0 : i32
        %dma_start3A_50 = tpu.memref_slice %arg8[%add3A_35, %dma_start3A_49] : memref<5008x16xf32, #tpu.memory_space<vmem_shared>> -> memref<200x16xf32, #tpu.memory_space<vmem_shared>>
        tpu.enqueue_dma source(%arg7 : memref<200x16xf32, #tpu.memory_space<vmem>>) target(%dma_start3A_50 : memref<200x16xf32, #tpu.memory_space<vmem_shared>>) target_semaphore(%run_scoped3A : memref<!tpu.dma_semaphore, #tpu.memory_space<semaphore_mem>>)
        %dma_wait3A = arith.constant 0 : i32
        %dma_wait3A_51 = tpu.memref_slice %arg8[%add3A_35, %dma_wait3A] : memref<5008x16xf32, #tpu.memory_space<vmem_shared>> -> memref<200x16xf32, #tpu.memory_space<vmem_shared>>
        %dma_wait3A_52 = arith.constant 0 : i32
        %dma_wait3A_53 = tpu.memref_slice %arg8[%add3A_35, %dma_wait3A_52] : memref<5008x16xf32, #tpu.memory_space<vmem_shared>> -> memref<200x16xf32, #tpu.memory_space<vmem_shared>>
        tpu.wait_dma2 semaphore(%run_scoped3A : memref<!tpu.dma_semaphore, #tpu.memory_space<semaphore_mem>>) src(%arg7 : memref<200x16xf32, #tpu.memory_space<vmem>>) dst(%dma_wait3A_53 : memref<200x16xf32, #tpu.memory_space<vmem_shared>>)
        tpu.yield
      }) : () -> ()
      %mul3A_36 = arith.constant 1000 : i32
      %mul3A_37 = arith.muli %arg1, %mul3A_36 : i32
      %add3A_38 = arith.constant 400 : i32
      %add3A_39 = arith.addi %mul3A_37, %add3A_38 : i32
      "tpu.region"() ({
        %run_scoped3A = tpu.sem_alloc : memref<!tpu.dma_semaphore, #tpu.memory_space<semaphore_mem>>
        %dma_start3A = arith.constant 0 : i32
        %dma_start3A_48 = tpu.memref_slice %arg8[%add3A_39, %dma_start3A] : memref<5008x16xf32, #tpu.memory_space<vmem_shared>> -> memref<200x16xf32, #tpu.memory_space<vmem_shared>>
        %dma_start3A_49 = arith.constant 0 : i32
        %dma_start3A_50 = tpu.memref_slice %arg8[%add3A_39, %dma_start3A_49] : memref<5008x16xf32, #tpu.memory_space<vmem_shared>> -> memref<200x16xf32, #tpu.memory_space<vmem_shared>>
        tpu.enqueue_dma source(%arg7 : memref<200x16xf32, #tpu.memory_space<vmem>>) target(%dma_start3A_50 : memref<200x16xf32, #tpu.memory_space<vmem_shared>>) target_semaphore(%run_scoped3A : memref<!tpu.dma_semaphore, #tpu.memory_space<semaphore_mem>>)
        %dma_wait3A = arith.constant 0 : i32
        %dma_wait3A_51 = tpu.memref_slice %arg8[%add3A_39, %dma_wait3A] : memref<5008x16xf32, #tpu.memory_space<vmem_shared>> -> memref<200x16xf32, #tpu.memory_space<vmem_shared>>
        %dma_wait3A_52 = arith.constant 0 : i32
        %dma_wait3A_53 = tpu.memref_slice %arg8[%add3A_39, %dma_wait3A_52] : memref<5008x16xf32, #tpu.memory_space<vmem_shared>> -> memref<200x16xf32, #tpu.memory_space<vmem_shared>>
        tpu.wait_dma2 semaphore(%run_scoped3A : memref<!tpu.dma_semaphore, #tpu.memory_space<semaphore_mem>>) src(%arg7 : memref<200x16xf32, #tpu.memory_space<vmem>>) dst(%dma_wait3A_53 : memref<200x16xf32, #tpu.memory_space<vmem_shared>>)
        tpu.yield
      }) : () -> ()
      %mul3A_40 = arith.constant 1000 : i32
      %mul3A_41 = arith.muli %arg1, %mul3A_40 : i32
      %add3A_42 = arith.constant 600 : i32
      %add3A_43 = arith.addi %mul3A_41, %add3A_42 : i32
      "tpu.region"() ({
        %run_scoped3A = tpu.sem_alloc : memref<!tpu.dma_semaphore, #tpu.memory_space<semaphore_mem>>
        %dma_start3A = arith.constant 0 : i32
        %dma_start3A_48 = tpu.memref_slice %arg8[%add3A_43, %dma_start3A] : memref<5008x16xf32, #tpu.memory_space<vmem_shared>> -> memref<200x16xf32, #tpu.memory_space<vmem_shared>>
        %dma_start3A_49 = arith.constant 0 : i32
        %dma_start3A_50 = tpu.memref_slice %arg8[%add3A_43, %dma_start3A_49] : memref<5008x16xf32, #tpu.memory_space<vmem_shared>> -> memref<200x16xf32, #tpu.memory_space<vmem_shared>>
        tpu.enqueue_dma source(%arg7 : memref<200x16xf32, #tpu.memory_space<vmem>>) target(%dma_start3A_50 : memref<200x16xf32, #tpu.memory_space<vmem_shared>>) target_semaphore(%run_scoped3A : memref<!tpu.dma_semaphore, #tpu.memory_space<semaphore_mem>>)
        %dma_wait3A = arith.constant 0 : i32
        %dma_wait3A_51 = tpu.memref_slice %arg8[%add3A_43, %dma_wait3A] : memref<5008x16xf32, #tpu.memory_space<vmem_shared>> -> memref<200x16xf32, #tpu.memory_space<vmem_shared>>
        %dma_wait3A_52 = arith.constant 0 : i32
        %dma_wait3A_53 = tpu.memref_slice %arg8[%add3A_43, %dma_wait3A_52] : memref<5008x16xf32, #tpu.memory_space<vmem_shared>> -> memref<200x16xf32, #tpu.memory_space<vmem_shared>>
        tpu.wait_dma2 semaphore(%run_scoped3A : memref<!tpu.dma_semaphore, #tpu.memory_space<semaphore_mem>>) src(%arg7 : memref<200x16xf32, #tpu.memory_space<vmem>>) dst(%dma_wait3A_53 : memref<200x16xf32, #tpu.memory_space<vmem_shared>>)
        tpu.yield
      }) : () -> ()
      %mul3A_44 = arith.constant 1000 : i32
      %mul3A_45 = arith.muli %arg1, %mul3A_44 : i32
      %add3A_46 = arith.constant 800 : i32
      %add3A_47 = arith.addi %mul3A_45, %add3A_46 : i32
      "tpu.region"() ({
        %run_scoped3A = tpu.sem_alloc : memref<!tpu.dma_semaphore, #tpu.memory_space<semaphore_mem>>
        %dma_start3A = arith.constant 0 : i32
        %dma_start3A_48 = tpu.memref_slice %arg8[%add3A_47, %dma_start3A] : memref<5008x16xf32, #tpu.memory_space<vmem_shared>> -> memref<200x16xf32, #tpu.memory_space<vmem_shared>>
        %dma_start3A_49 = arith.constant 0 : i32
        %dma_start3A_50 = tpu.memref_slice %arg8[%add3A_47, %dma_start3A_49] : memref<5008x16xf32, #tpu.memory_space<vmem_shared>> -> memref<200x16xf32, #tpu.memory_space<vmem_shared>>
        tpu.enqueue_dma source(%arg7 : memref<200x16xf32, #tpu.memory_space<vmem>>) target(%dma_start3A_50 : memref<200x16xf32, #tpu.memory_space<vmem_shared>>) target_semaphore(%run_scoped3A : memref<!tpu.dma_semaphore, #tpu.memory_space<semaphore_mem>>)
        %dma_wait3A = arith.constant 0 : i32
        %dma_wait3A_51 = tpu.memref_slice %arg8[%add3A_47, %dma_wait3A] : memref<5008x16xf32, #tpu.memory_space<vmem_shared>> -> memref<200x16xf32, #tpu.memory_space<vmem_shared>>
        %dma_wait3A_52 = arith.constant 0 : i32
        %dma_wait3A_53 = tpu.memref_slice %arg8[%add3A_47, %dma_wait3A_52] : memref<5008x16xf32, #tpu.memory_space<vmem_shared>> -> memref<200x16xf32, #tpu.memory_space<vmem_shared>>
        tpu.wait_dma2 semaphore(%run_scoped3A : memref<!tpu.dma_semaphore, #tpu.memory_space<semaphore_mem>>) src(%arg7 : memref<200x16xf32, #tpu.memory_space<vmem>>) dst(%dma_wait3A_53 : memref<200x16xf32, #tpu.memory_space<vmem_shared>>)
        tpu.yield
      }) : () -> ()
    } else {
    }
    %eq3A = arith.constant 5 : i32
    %eq3A_2 = arith.cmpi eq, %arg1, %eq3A : i32
    %convert_element_type3A_3 = arith.extui %eq3A_2 : i1 to i32
    %cond3A_4 = arith.constant 0 : i32
    %cond3A_5 = arith.cmpi ne, %convert_element_type3A_3, %cond3A_4 : i32
    scf.if %cond3A_5 {
      %broadcast_in_dim3A = arith.constant 0.000000e+00 : f32
      %broadcast_in_dim3A_21 = vector.broadcast %broadcast_in_dim3A : f32 to vector<16xf32>
      %scan3A_22 = arith.constant 0 : i32
      %scan3A_23 = arith.constant 0 : i32
      %scan3A_24 = arith.constant 8 : i32
      %scan3A_25 = arith.addi %scan3A_23, %scan3A_24 : i32
      %scan3A_26 = arith.constant 1 : i32
      scf.for %scan3A_28 = %scan3A_23 to %scan3A_25 step %scan3A_26  : i32 {
        %swap3A = arith.index_cast %scan3A_28 : i32 to index
        %swap3A_29 = arith.constant 0 : index
        %swap3A_30 = tpu.vector_load %arg7[%swap3A, %swap3A_29] {strides = array<i32>} : memref<200x16xf32, #tpu.memory_space<vmem>>, vector<1x16xf32>,
        %swap3A_31 = vector.shape_cast %swap3A_30 : vector<1x16xf32> to vector<16xf32>
        %swap3A_32 = vector.shape_cast %broadcast_in_dim3A_21 : vector<16xf32> to vector<1x16xf32>
        tpu.vector_store %arg7[%swap3A, %swap3A_29], %swap3A_32 {strides = array<i32>} : memref<200x16xf32, #tpu.memory_space<vmem>>, vector<1x16xf32>,
      }
      %scan3A_27 = arith.constant 8 : i32
      "tpu.region"() ({
        %run_scoped3A = tpu.sem_alloc : memref<!tpu.dma_semaphore, #tpu.memory_space<semaphore_mem>>
        %dma_start3A = arith.constant 0 : i32
        %dma_start3A_28 = arith.constant 0 : i32
        %dma_start3A_29 = tpu.memref_slice %arg7[%dma_start3A, %dma_start3A_28] : memref<200x16xf32, #tpu.memory_space<vmem>> -> memref<8x16xf32, #tpu.memory_space<vmem>>
        %dma_start3A_30 = arith.constant 5000 : i32
        %dma_start3A_31 = arith.constant 0 : i32
        %dma_start3A_32 = tpu.memref_slice %arg8[%dma_start3A_30, %dma_start3A_31] : memref<5008x16xf32, #tpu.memory_space<vmem_shared>> -> memref<8x16xf32, #tpu.memory_space<vmem_shared>>
        %dma_start3A_33 = arith.constant 5000 : i32
        %dma_start3A_34 = arith.constant 0 : i32
        %dma_start3A_35 = tpu.memref_slice %arg8[%dma_start3A_33, %dma_start3A_34] : memref<5008x16xf32, #tpu.memory_space<vmem_shared>> -> memref<8x16xf32, #tpu.memory_space<vmem_shared>>
        %dma_start3A_36 = arith.constant 0 : i32
        %dma_start3A_37 = arith.constant 0 : i32
        %dma_start3A_38 = tpu.memref_slice %arg7[%dma_start3A_36, %dma_start3A_37] : memref<200x16xf32, #tpu.memory_space<vmem>> -> memref<8x16xf32, #tpu.memory_space<vmem>>
        tpu.enqueue_dma source(%dma_start3A_38 : memref<8x16xf32, #tpu.memory_space<vmem>>) target(%dma_start3A_35 : memref<8x16xf32, #tpu.memory_space<vmem_shared>>) target_semaphore(%run_scoped3A : memref<!tpu.dma_semaphore, #tpu.memory_space<semaphore_mem>>)
        %dma_wait3A = arith.constant 0 : i32
        %dma_wait3A_39 = arith.constant 0 : i32
        %dma_wait3A_40 = tpu.memref_slice %arg7[%dma_wait3A, %dma_wait3A_39] : memref<200x16xf32, #tpu.memory_space<vmem>> -> memref<8x16xf32, #tpu.memory_space<vmem>>
        %dma_wait3A_41 = arith.constant 5000 : i32
        %dma_wait3A_42 = arith.constant 0 : i32
        %dma_wait3A_43 = tpu.memref_slice %arg8[%dma_wait3A_41, %dma_wait3A_42] : memref<5008x16xf32, #tpu.memory_space<vmem_shared>> -> memref<8x16xf32, #tpu.memory_space<vmem_shared>>
        %dma_wait3A_44 = arith.constant 5000 : i32
        %dma_wait3A_45 = arith.constant 0 : i32
        %dma_wait3A_46 = tpu.memref_slice %arg8[%dma_wait3A_44, %dma_wait3A_45] : memref<5008x16xf32, #tpu.memory_space<vmem_shared>> -> memref<8x16xf32, #tpu.memory_space<vmem_shared>>
        %dma_wait3A_47 = arith.constant 0 : i32
        %dma_wait3A_48 = arith.constant 0 : i32
        %dma_wait3A_49 = tpu.memref_slice %arg7[%dma_wait3A_47, %dma_wait3A_48] : memref<200x16xf32, #tpu.memory_space<vmem>> -> memref<8x16xf32, #tpu.memory_space<vmem>>
        tpu.wait_dma2 semaphore(%run_scoped3A : memref<!tpu.dma_semaphore, #tpu.memory_space<semaphore_mem>>) src(%dma_wait3A_49 : memref<8x16xf32, #tpu.memory_space<vmem>>) dst(%dma_wait3A_46 : memref<8x16xf32, #tpu.memory_space<vmem_shared>>)
        tpu.yield
      }) : () -> ()
    } else {
    }
    %barrier3A = arith.constant 0 : index
    tpu.barrier barrier_id(%barrier3A)
    %mul3A = arith.constant 5000 : i32
    %mul3A_6 = arith.muli %arg0, %mul3A : i32
    %mul3A_7 = arith.constant 20000 : i32
    %mul3A_8 = arith.muli %arg1, %mul3A_7 : i32
    %add3A = arith.constant 0 : i32
    %add3A_9 = arith.addi %add3A, %mul3A_8 : i32
    %scan3A = arith.constant 0 : i32
    %scan3A_10 = arith.constant 0 : i32
    %scan3A_11 = arith.constant 250 : i32
    %scan3A_12 = arith.addi %scan3A_10, %scan3A_11 : i32
    %scan3A_13 = arith.constant 1 : i32
    scf.for %scan3A_21 = %scan3A_10 to %scan3A_12 step %scan3A_13  : i32 {
      %mul3A_22 = arith.constant 80 : i32
      %mul3A_23 = arith.muli %scan3A_21, %mul3A_22 : i32
      %add3A_24 = arith.addi %add3A_9, %mul3A_23 : i32
      "tpu.region"() ({
        %run_scoped3A = tpu.sem_alloc : memref<!tpu.dma_semaphore, #tpu.memory_space<semaphore_mem>>
        %dma_start3A = tpu.memref_slice %arg3[%add3A_24] : memref<1920000xi32, #tpu.memory_space<hbm>> -> memref<80xi32, #tpu.memory_space<hbm>>
        %dma_start3A_31 = tpu.memref_slice %arg3[%add3A_24] : memref<1920000xi32, #tpu.memory_space<hbm>> -> memref<80xi32, #tpu.memory_space<hbm>>
        tpu.enqueue_dma source(%dma_start3A_31 : memref<80xi32, #tpu.memory_space<hbm>>) target(%arg5 : memref<80xi32, #tpu.memory_space<vmem>>) target_semaphore(%run_scoped3A : memref<!tpu.dma_semaphore, #tpu.memory_space<semaphore_mem>>)
        %dma_wait3A = tpu.memref_slice %arg3[%add3A_24] : memref<1920000xi32, #tpu.memory_space<hbm>> -> memref<80xi32, #tpu.memory_space<hbm>>
        %dma_wait3A_32 = tpu.memref_slice %arg3[%add3A_24] : memref<1920000xi32, #tpu.memory_space<hbm>> -> memref<80xi32, #tpu.memory_space<hbm>>
        tpu.wait_dma2 semaphore(%run_scoped3A : memref<!tpu.dma_semaphore, #tpu.memory_space<semaphore_mem>>) src(%dma_wait3A_32 : memref<80xi32, #tpu.memory_space<hbm>>) dst(%arg5 : memref<80xi32, #tpu.memory_space<vmem>>)
        tpu.yield
      }) : () -> ()
      "tpu.region"() ({
        %run_scoped3A = tpu.sem_alloc : memref<!tpu.dma_semaphore, #tpu.memory_space<semaphore_mem>>
        %dma_start3A = arith.constant 0 : i32
        %dma_start3A_31 = tpu.memref_slice %arg2[%add3A_24, %dma_start3A] : memref<1920000x16xf32, #tpu.memory_space<hbm>> -> memref<80x16xf32, #tpu.memory_space<hbm>>
        %dma_start3A_32 = arith.constant 0 : i32
        %dma_start3A_33 = tpu.memref_slice %arg2[%add3A_24, %dma_start3A_32] : memref<1920000x16xf32, #tpu.memory_space<hbm>> -> memref<80x16xf32, #tpu.memory_space<hbm>>
        tpu.enqueue_dma source(%dma_start3A_33 : memref<80x16xf32, #tpu.memory_space<hbm>>) target(%arg6 : memref<80x16xf32, #tpu.memory_space<vmem>>) target_semaphore(%run_scoped3A : memref<!tpu.dma_semaphore, #tpu.memory_space<semaphore_mem>>)
        %dma_wait3A = arith.constant 0 : i32
        %dma_wait3A_34 = tpu.memref_slice %arg2[%add3A_24, %dma_wait3A] : memref<1920000x16xf32, #tpu.memory_space<hbm>> -> memref<80x16xf32, #tpu.memory_space<hbm>>
        %dma_wait3A_35 = arith.constant 0 : i32
        %dma_wait3A_36 = tpu.memref_slice %arg2[%add3A_24, %dma_wait3A_35] : memref<1920000x16xf32, #tpu.memory_space<hbm>> -> memref<80x16xf32, #tpu.memory_space<hbm>>
        tpu.wait_dma2 semaphore(%run_scoped3A : memref<!tpu.dma_semaphore, #tpu.memory_space<semaphore_mem>>) src(%dma_wait3A_36 : memref<80x16xf32, #tpu.memory_space<hbm>>) dst(%arg6 : memref<80x16xf32, #tpu.memory_space<vmem>>)
        tpu.yield
      }) : () -> ()
      %scan3A_25 = arith.constant 0 : i32
      %scan3A_26 = arith.constant 0 : i32
      %scan3A_27 = arith.constant 5 : i32
      %scan3A_28 = arith.addi %scan3A_26, %scan3A_27 : i32
      %scan3A_29 = arith.constant 1 : i32
      scf.for %scan3A_31 = %scan3A_26 to %scan3A_28 step %scan3A_29  : i32 {
        %mul3A_32 = arith.constant 16 : i32
        %mul3A_33 = arith.muli %scan3A_31, %mul3A_32 : i32
        %get3A = arith.index_cast %mul3A_33 : i32 to index
        %get3A_34 = tpu.vector_load %arg5[%get3A] {strides = array<i32>} : memref<80xi32, #tpu.memory_space<vmem>>, vector<16xi32>,
        %get3A_35 = vector.shape_cast %get3A_34 : vector<16xi32> to vector<16xi32>
        %sub3A = vector.broadcast %mul3A_6 : i32 to vector<16xi32>
        %sub3A_36 = arith.subi %get3A_35, %sub3A : vector<16xi32>
        %ge3A = arith.constant 0 : i32
        %ge3A_37 = vector.broadcast %ge3A : i32 to vector<16xi32>
        %ge3A_38 = arith.cmpi sge, %sub3A_36, %ge3A_37 : vector<16xi32>
        %lt3A_39 = arith.constant 5000 : i32
        %lt3A_40 = vector.broadcast %lt3A_39 : i32 to vector<16xi32>
        %lt3A_41 = arith.cmpi slt, %sub3A_36, %lt3A_40 : vector<16xi32>
        %and3A = arith.andi %ge3A_38, %lt3A_41 : vector<16xi1>
        %jit3A = arith.constant 5000 : i32
        %broadcast_in_dim3A = vector.broadcast %jit3A : i32 to vector<16xi32>
        %select_n3A = arith.select %and3A, %sub3A_36, %broadcast_in_dim3A : vector<16xi1>, vector<16xi32>
        %mul3A_42 = arith.constant 16 : i32
        %mul3A_43 = arith.muli %scan3A_31, %mul3A_42 : i32
        %swap3A = arith.index_cast %mul3A_43 : i32 to index
        %swap3A_44 = tpu.vector_load %arg5[%swap3A] {strides = array<i32>} : memref<80xi32, #tpu.memory_space<vmem>>, vector<16xi32>,
        %swap3A_45 = vector.shape_cast %swap3A_44 : vector<16xi32> to vector<16xi32>
        %swap3A_46 = vector.shape_cast %select_n3A : vector<16xi32> to vector<16xi32>
        tpu.vector_store %arg5[%swap3A], %swap3A_46 {strides = array<i32>} : memref<80xi32, #tpu.memory_space<vmem>>, vector<16xi32>,
      }
      %scan3A_30 = arith.constant 5 : i32
      "tpu.region"() ({
        %run_scoped3A = tpu.sem_alloc : memref<!tpu.dma_semaphore, #tpu.memory_space<semaphore_mem>>
        %dma_start3A = arith.constant 0 : i32
        %dma_start3A_31 = arith.constant 0 : i32
        %dma_start3A_32 = tpu.memref_slice %arg8[%dma_start3A, %dma_start3A_31] : memref<5008x16xf32, #tpu.memory_space<vmem_shared>> -> memref<5008x16xf32, #tpu.memory_space<vmem_shared>>
        tpu.enqueue_indirect_dma source(%arg6 : memref<80x16xf32, #tpu.memory_space<vmem>>) target(%dma_start3A_32 : memref<5008x16xf32, #tpu.memory_space<vmem_shared>>) offsets(%arg5 : memref<80xi32, #tpu.memory_space<vmem>>) semaphore(%run_scoped3A : memref<!tpu.dma_semaphore, #tpu.memory_space<semaphore_mem>>) {add = true}
        %dma_wait3A = arith.constant 0 : i32
        %dma_wait3A_33 = arith.constant 0 : i32
        %dma_wait3A_34 = tpu.memref_slice %arg8[%dma_wait3A, %dma_wait3A_33] : memref<5008x16xf32, #tpu.memory_space<vmem_shared>> -> memref<5008x16xf32, #tpu.memory_space<vmem_shared>>
        tpu.wait_indirect_dma semaphore(%run_scoped3A : memref<!tpu.dma_semaphore, #tpu.memory_space<semaphore_mem>>) src(%arg6 : memref<80x16xf32, #tpu.memory_space<vmem>>) dst(%dma_wait3A_34 : memref<5008x16xf32, #tpu.memory_space<vmem_shared>>)
        tpu.yield
      }) : () -> ()
    }
    %scan3A_14 = arith.constant 250 : i32
    %barrier3A_15 = arith.constant 0 : index
    tpu.barrier barrier_id(%barrier3A_15)
    %lt3A_16 = arith.constant 5 : i32
    %lt3A_17 = arith.cmpi slt, %arg1, %lt3A_16 : i32
    %convert_element_type3A_18 = arith.extui %lt3A_17 : i1 to i32
    %cond3A_19 = arith.constant 0 : i32
    %cond3A_20 = arith.cmpi ne, %convert_element_type3A_18, %cond3A_19 : i32
    scf.if %cond3A_20 {
      %mul3A_21 = arith.constant 1000 : i32
      %mul3A_22 = arith.muli %arg1, %mul3A_21 : i32
      %mul3A_23 = arith.constant 5000 : i32
      %mul3A_24 = arith.muli %arg0, %mul3A_23 : i32
      %mul3A_25 = arith.constant 1000 : i32
      %mul3A_26 = arith.muli %arg1, %mul3A_25 : i32
      %add3A_27 = arith.addi %mul3A_24, %mul3A_26 : i32
      "tpu.region"() ({
        %run_scoped3A = tpu.sem_alloc : memref<!tpu.dma_semaphore, #tpu.memory_space<semaphore_mem>>
        %dma_start3A = arith.constant 0 : i32
        %dma_start3A_28 = tpu.memref_slice %arg4[%add3A_27, %dma_start3A] : memref<10000x16xf32, #tpu.memory_space<hbm>> -> memref<1000x16xf32, #tpu.memory_space<hbm>>
        %dma_start3A_29 = arith.constant 0 : i32
        %dma_start3A_30 = tpu.memref_slice %arg8[%mul3A_22, %dma_start3A_29] : memref<5008x16xf32, #tpu.memory_space<vmem_shared>> -> memref<1000x16xf32, #tpu.memory_space<vmem_shared>>
        tpu.enqueue_dma source(%dma_start3A_30 : memref<1000x16xf32, #tpu.memory_space<vmem_shared>>) target(%dma_start3A_28 : memref<1000x16xf32, #tpu.memory_space<hbm>>) target_semaphore(%run_scoped3A : memref<!tpu.dma_semaphore, #tpu.memory_space<semaphore_mem>>)
        %dma_wait3A = arith.constant 0 : i32
        %dma_wait3A_31 = tpu.memref_slice %arg4[%add3A_27, %dma_wait3A] : memref<10000x16xf32, #tpu.memory_space<hbm>> -> memref<1000x16xf32, #tpu.memory_space<hbm>>
        %dma_wait3A_32 = arith.constant 0 : i32
        %dma_wait3A_33 = tpu.memref_slice %arg8[%mul3A_22, %dma_wait3A_32] : memref<5008x16xf32, #tpu.memory_space<vmem_shared>> -> memref<1000x16xf32, #tpu.memory_space<vmem_shared>>
        tpu.wait_dma2 semaphore(%run_scoped3A : memref<!tpu.dma_semaphore, #tpu.memory_space<semaphore_mem>>) src(%dma_wait3A_33 : memref<1000x16xf32, #tpu.memory_space<vmem_shared>>) dst(%dma_wait3A_31 : memref<1000x16xf32, #tpu.memory_space<hbm>>)
        tpu.yield
      }) : () -> ()
    } else {
    }
    return
  }
}

#map = affine_map<(d0, d1) -> (0, 0)>
#map1 = affine_map<(d0, d1) -> (0)>
module attributes {stable_mosaic.version = 14 : i64} {
  func.func @gk(%arg0: i32, %arg1: i32, %arg2: memref<30000x128xf32, #tpu.memory_space<hbm>>, %arg3: memref<960000xi32, #tpu.memory_space<hbm>>, %arg4: memref<960000x128xf32, #tpu.memory_space<hbm>>, %arg5: memref<80xi32, #tpu.memory_space<vmem>>, %arg6: memref<80x128xf32, #tpu.memory_space<vmem>>, %arg7: memref<!tpu.dma_semaphore, #tpu.memory_space<semaphore_mem>>) attributes {dimension_semantics = [#tpu.dimension_semantics<core_parallel>, #tpu.dimension_semantics<subcore_parallel>], iteration_bounds = array<i64: 2, 16>, scalar_prefetch = 0 : i64, scratch_operands = 3 : i64, tpu.core_type = #tpu.core_type<sc_vector_subcore>, window_params = [{transform_indices = #map}, {transform_indices = #map1}, {transform_indices = #map}]} {
    %mul3A = arith.constant 2 : i32
    %mul3A_0 = arith.muli %arg1, %mul3A : i32
    %add3A = arith.addi %mul3A_0, %arg0 : i32
    %mul3A_1 = arith.constant 30000 : i32
    %mul3A_2 = arith.muli %add3A, %mul3A_1 : i32
    %scan3A = arith.constant 0 : i32
    %scan3A_3 = arith.constant 0 : i32
    %scan3A_4 = arith.constant 375 : i32
    %scan3A_5 = arith.addi %scan3A_3, %scan3A_4 : i32
    %scan3A_6 = arith.constant 1 : i32
    scf.for %scan3A_8 = %scan3A_3 to %scan3A_5 step %scan3A_6  : i32 {
      %mul3A_9 = arith.constant 80 : i32
      %mul3A_10 = arith.muli %scan3A_8, %mul3A_9 : i32
      %add3A_11 = arith.addi %mul3A_2, %mul3A_10 : i32
      "tpu.region"() ({
        %run_scoped3A = tpu.sem_alloc : memref<!tpu.dma_semaphore, #tpu.memory_space<semaphore_mem>>
        %dma_start3A_16 = tpu.memref_slice %arg3[%add3A_11] : memref<960000xi32, #tpu.memory_space<hbm>> -> memref<80xi32, #tpu.memory_space<hbm>>
        %dma_start3A_17 = tpu.memref_slice %arg3[%add3A_11] : memref<960000xi32, #tpu.memory_space<hbm>> -> memref<80xi32, #tpu.memory_space<hbm>>
        tpu.enqueue_dma source(%dma_start3A_17 : memref<80xi32, #tpu.memory_space<hbm>>) target(%arg5 : memref<80xi32, #tpu.memory_space<vmem>>) target_semaphore(%run_scoped3A : memref<!tpu.dma_semaphore, #tpu.memory_space<semaphore_mem>>)
        %dma_wait3A_18 = tpu.memref_slice %arg3[%add3A_11] : memref<960000xi32, #tpu.memory_space<hbm>> -> memref<80xi32, #tpu.memory_space<hbm>>
        %dma_wait3A_19 = tpu.memref_slice %arg3[%add3A_11] : memref<960000xi32, #tpu.memory_space<hbm>> -> memref<80xi32, #tpu.memory_space<hbm>>
        tpu.wait_dma2 semaphore(%run_scoped3A : memref<!tpu.dma_semaphore, #tpu.memory_space<semaphore_mem>>) src(%dma_wait3A_19 : memref<80xi32, #tpu.memory_space<hbm>>) dst(%arg5 : memref<80xi32, #tpu.memory_space<vmem>>)
        tpu.yield
      }) : () -> ()
      %dma_start3A = arith.constant 0 : i32
      %dma_start3A_12 = arith.constant 0 : i32
      %dma_start3A_13 = tpu.memref_slice %arg2[%dma_start3A, %dma_start3A_12] : memref<30000x128xf32, #tpu.memory_space<hbm>> -> memref<30000x128xf32, #tpu.memory_space<hbm>>
      tpu.enqueue_indirect_dma source(%dma_start3A_13 : memref<30000x128xf32, #tpu.memory_space<hbm>>) target(%arg6 : memref<80x128xf32, #tpu.memory_space<vmem>>) offsets(%arg5 : memref<80xi32, #tpu.memory_space<vmem>>) semaphore(%arg7 : memref<!tpu.dma_semaphore, #tpu.memory_space<semaphore_mem>>)
      %dma_wait3A = arith.constant 0 : i32
      %dma_wait3A_14 = arith.constant 0 : i32
      %dma_wait3A_15 = tpu.memref_slice %arg2[%dma_wait3A, %dma_wait3A_14] : memref<30000x128xf32, #tpu.memory_space<hbm>> -> memref<30000x128xf32, #tpu.memory_space<hbm>>
      tpu.wait_indirect_dma semaphore(%arg7 : memref<!tpu.dma_semaphore, #tpu.memory_space<semaphore_mem>>) src(%dma_wait3A_15 : memref<30000x128xf32, #tpu.memory_space<hbm>>) dst(%arg6 : memref<80x128xf32, #tpu.memory_space<vmem>>)
      "tpu.region"() ({
        %run_scoped3A = tpu.sem_alloc : memref<!tpu.dma_semaphore, #tpu.memory_space<semaphore_mem>>
        %dma_start3A_16 = arith.constant 0 : i32
        %dma_start3A_17 = tpu.memref_slice %arg4[%add3A_11, %dma_start3A_16] : memref<960000x128xf32, #tpu.memory_space<hbm>> -> memref<80x128xf32, #tpu.memory_space<hbm>>
        %dma_start3A_18 = arith.constant 0 : i32
        %dma_start3A_19 = tpu.memref_slice %arg4[%add3A_11, %dma_start3A_18] : memref<960000x128xf32, #tpu.memory_space<hbm>> -> memref<80x128xf32, #tpu.memory_space<hbm>>
        tpu.enqueue_dma source(%arg6 : memref<80x128xf32, #tpu.memory_space<vmem>>) target(%dma_start3A_19 : memref<80x128xf32, #tpu.memory_space<hbm>>) target_semaphore(%run_scoped3A : memref<!tpu.dma_semaphore, #tpu.memory_space<semaphore_mem>>)
        %dma_wait3A_20 = arith.constant 0 : i32
        %dma_wait3A_21 = tpu.memref_slice %arg4[%add3A_11, %dma_wait3A_20] : memref<960000x128xf32, #tpu.memory_space<hbm>> -> memref<80x128xf32, #tpu.memory_space<hbm>>
        %dma_wait3A_22 = arith.constant 0 : i32
        %dma_wait3A_23 = tpu.memref_slice %arg4[%add3A_11, %dma_wait3A_22] : memref<960000x128xf32, #tpu.memory_space<hbm>> -> memref<80x128xf32, #tpu.memory_space<hbm>>
        tpu.wait_dma2 semaphore(%run_scoped3A : memref<!tpu.dma_semaphore, #tpu.memory_space<semaphore_mem>>) src(%arg6 : memref<80x128xf32, #tpu.memory_space<vmem>>) dst(%dma_wait3A_23 : memref<80x128xf32, #tpu.memory_space<hbm>>)
        tpu.yield
      }) : () -> ()
    }
    %scan3A_7 = arith.constant 375 : i32
    return
  }
}

#map = affine_map<(d0, d1) -> (0, 0)>
#map1 = affine_map<(d0, d1) -> (0)>
module attributes {stable_mosaic.version = 14 : i64} {
  func.func @sk(%arg0: i32, %arg1: i32, %arg2: memref<1920000x16xf32, #tpu.memory_space<hbm>>, %arg3: memref<1920000xi32, #tpu.memory_space<hbm>>, %arg4: memref<10000x16xf32, #tpu.memory_space<hbm>>, %arg5: memref<80xi32, #tpu.memory_space<vmem>>, %arg6: memref<80x16xf32, #tpu.memory_space<vmem>>, %arg7: memref<200x16xf32, #tpu.memory_space<vmem>>, %arg8: memref<5008x16xf32, #tpu.memory_space<vmem_shared>>, %arg9: memref<!tpu.dma_semaphore, #tpu.memory_space<semaphore_mem>>) attributes {dimension_semantics = [#tpu.dimension_semantics<core_parallel>, #tpu.dimension_semantics<subcore_parallel>], iteration_bounds = array<i64: 2, 16>, scalar_prefetch = 0 : i64, scratch_operands = 5 : i64, tpu.core_type = #tpu.core_type<sc_vector_subcore>, window_params = [{transform_indices = #map}, {transform_indices = #map1}, {transform_indices = #map}]} {
    %lt3A = arith.constant 5 : i32
    %lt3A_0 = arith.cmpi slt, %arg1, %lt3A : i32
    %convert_element_type3A = arith.extui %lt3A_0 : i1 to i32
    %cond3A = arith.constant 0 : i32
    %cond3A_1 = arith.cmpi ne, %convert_element_type3A, %cond3A : i32
    scf.if %cond3A_1 {
      %broadcast_in_dim3A = arith.constant 0.000000e+00 : f32
      %broadcast_in_dim3A_21 = vector.broadcast %broadcast_in_dim3A : f32 to vector<16xf32>
      %scan3A_22 = arith.constant 0 : i32
      %scan3A_23 = arith.constant 0 : i32
      %scan3A_24 = arith.constant 200 : i32
      %scan3A_25 = arith.addi %scan3A_23, %scan3A_24 : i32
      %scan3A_26 = arith.constant 1 : i32
      scf.for %scan3A_48 = %scan3A_23 to %scan3A_25 step %scan3A_26  : i32 {
        %swap3A = arith.index_cast %scan3A_48 : i32 to index
        %swap3A_49 = arith.constant 0 : index
        %swap3A_50 = tpu.vector_load %arg7[%swap3A, %swap3A_49] {strides = array<i32>} : memref<200x16xf32, #tpu.memory_space<vmem>>, vector<1x16xf32>,
        %swap3A_51 = vector.shape_cast %swap3A_50 : vector<1x16xf32> to vector<16xf32>
        %swap3A_52 = vector.shape_cast %broadcast_in_dim3A_21 : vector<16xf32> to vector<1x16xf32>
        tpu.vector_store %arg7[%swap3A, %swap3A_49], %swap3A_52 {strides = array<i32>} : memref<200x16xf32, #tpu.memory_space<vmem>>, vector<1x16xf32>,
      }
      %scan3A_27 = arith.constant 200 : i32
      %mul3A_28 = arith.constant 1000 : i32
      %mul3A_29 = arith.muli %arg1, %mul3A_28 : i32
      %add3A_30 = arith.constant 0 : i32
      %add3A_31 = arith.addi %mul3A_29, %add3A_30 : i32
      "tpu.region"() ({
        %run_scoped3A = tpu.sem_alloc : memref<!tpu.dma_semaphore, #tpu.memory_space<semaphore_mem>>
        %dma_start3A = arith.constant 0 : i32
        %dma_start3A_48 = tpu.memref_slice %arg8[%add3A_31, %dma_start3A] : memref<5008x16xf32, #tpu.memory_space<vmem_shared>> -> memref<200x16xf32, #tpu.memory_space<vmem_shared>>
        %dma_start3A_49 = arith.constant 0 : i32
        %dma_start3A_50 = tpu.memref_slice %arg8[%add3A_31, %dma_start3A_49] : memref<5008x16xf32, #tpu.memory_space<vmem_shared>> -> memref<200x16xf32, #tpu.memory_space<vmem_shared>>
        tpu.enqueue_dma source(%arg7 : memref<200x16xf32, #tpu.memory_space<vmem>>) target(%dma_start3A_50 : memref<200x16xf32, #tpu.memory_space<vmem_shared>>) target_semaphore(%run_scoped3A : memref<!tpu.dma_semaphore, #tpu.memory_space<semaphore_mem>>)
        %dma_wait3A = arith.constant 0 : i32
        %dma_wait3A_51 = tpu.memref_slice %arg8[%add3A_31, %dma_wait3A] : memref<5008x16xf32, #tpu.memory_space<vmem_shared>> -> memref<200x16xf32, #tpu.memory_space<vmem_shared>>
        %dma_wait3A_52 = arith.constant 0 : i32
        %dma_wait3A_53 = tpu.memref_slice %arg8[%add3A_31, %dma_wait3A_52] : memref<5008x16xf32, #tpu.memory_space<vmem_shared>> -> memref<200x16xf32, #tpu.memory_space<vmem_shared>>
        tpu.wait_dma2 semaphore(%run_scoped3A : memref<!tpu.dma_semaphore, #tpu.memory_space<semaphore_mem>>) src(%arg7 : memref<200x16xf32, #tpu.memory_space<vmem>>) dst(%dma_wait3A_53 : memref<200x16xf32, #tpu.memory_space<vmem_shared>>)
        tpu.yield
      }) : () -> ()
      %mul3A_32 = arith.constant 1000 : i32
      %mul3A_33 = arith.muli %arg1, %mul3A_32 : i32
      %add3A_34 = arith.constant 200 : i32
      %add3A_35 = arith.addi %mul3A_33, %add3A_34 : i32
      "tpu.region"() ({
        %run_scoped3A = tpu.sem_alloc : memref<!tpu.dma_semaphore, #tpu.memory_space<semaphore_mem>>
        %dma_start3A = arith.constant 0 : i32
        %dma_start3A_48 = tpu.memref_slice %arg8[%add3A_35, %dma_start3A] : memref<5008x16xf32, #tpu.memory_space<vmem_shared>> -> memref<200x16xf32, #tpu.memory_space<vmem_shared>>
        %dma_start3A_49 = arith.constant 0 : i32
        %dma_start3A_50 = tpu.memref_slice %arg8[%add3A_35, %dma_start3A_49] : memref<5008x16xf32, #tpu.memory_space<vmem_shared>> -> memref<200x16xf32, #tpu.memory_space<vmem_shared>>
        tpu.enqueue_dma source(%arg7 : memref<200x16xf32, #tpu.memory_space<vmem>>) target(%dma_start3A_50 : memref<200x16xf32, #tpu.memory_space<vmem_shared>>) target_semaphore(%run_scoped3A : memref<!tpu.dma_semaphore, #tpu.memory_space<semaphore_mem>>)
        %dma_wait3A = arith.constant 0 : i32
        %dma_wait3A_51 = tpu.memref_slice %arg8[%add3A_35, %dma_wait3A] : memref<5008x16xf32, #tpu.memory_space<vmem_shared>> -> memref<200x16xf32, #tpu.memory_space<vmem_shared>>
        %dma_wait3A_52 = arith.constant 0 : i32
        %dma_wait3A_53 = tpu.memref_slice %arg8[%add3A_35, %dma_wait3A_52] : memref<5008x16xf32, #tpu.memory_space<vmem_shared>> -> memref<200x16xf32, #tpu.memory_space<vmem_shared>>
        tpu.wait_dma2 semaphore(%run_scoped3A : memref<!tpu.dma_semaphore, #tpu.memory_space<semaphore_mem>>) src(%arg7 : memref<200x16xf32, #tpu.memory_space<vmem>>) dst(%dma_wait3A_53 : memref<200x16xf32, #tpu.memory_space<vmem_shared>>)
        tpu.yield
      }) : () -> ()
      %mul3A_36 = arith.constant 1000 : i32
      %mul3A_37 = arith.muli %arg1, %mul3A_36 : i32
      %add3A_38 = arith.constant 400 : i32
      %add3A_39 = arith.addi %mul3A_37, %add3A_38 : i32
      "tpu.region"() ({
        %run_scoped3A = tpu.sem_alloc : memref<!tpu.dma_semaphore, #tpu.memory_space<semaphore_mem>>
        %dma_start3A = arith.constant 0 : i32
        %dma_start3A_48 = tpu.memref_slice %arg8[%add3A_39, %dma_start3A] : memref<5008x16xf32, #tpu.memory_space<vmem_shared>> -> memref<200x16xf32, #tpu.memory_space<vmem_shared>>
        %dma_start3A_49 = arith.constant 0 : i32
        %dma_start3A_50 = tpu.memref_slice %arg8[%add3A_39, %dma_start3A_49] : memref<5008x16xf32, #tpu.memory_space<vmem_shared>> -> memref<200x16xf32, #tpu.memory_space<vmem_shared>>
        tpu.enqueue_dma source(%arg7 : memref<200x16xf32, #tpu.memory_space<vmem>>) target(%dma_start3A_50 : memref<200x16xf32, #tpu.memory_space<vmem_shared>>) target_semaphore(%run_scoped3A : memref<!tpu.dma_semaphore, #tpu.memory_space<semaphore_mem>>)
        %dma_wait3A = arith.constant 0 : i32
        %dma_wait3A_51 = tpu.memref_slice %arg8[%add3A_39, %dma_wait3A] : memref<5008x16xf32, #tpu.memory_space<vmem_shared>> -> memref<200x16xf32, #tpu.memory_space<vmem_shared>>
        %dma_wait3A_52 = arith.constant 0 : i32
        %dma_wait3A_53 = tpu.memref_slice %arg8[%add3A_39, %dma_wait3A_52] : memref<5008x16xf32, #tpu.memory_space<vmem_shared>> -> memref<200x16xf32, #tpu.memory_space<vmem_shared>>
        tpu.wait_dma2 semaphore(%run_scoped3A : memref<!tpu.dma_semaphore, #tpu.memory_space<semaphore_mem>>) src(%arg7 : memref<200x16xf32, #tpu.memory_space<vmem>>) dst(%dma_wait3A_53 : memref<200x16xf32, #tpu.memory_space<vmem_shared>>)
        tpu.yield
      }) : () -> ()
      %mul3A_40 = arith.constant 1000 : i32
      %mul3A_41 = arith.muli %arg1, %mul3A_40 : i32
      %add3A_42 = arith.constant 600 : i32
      %add3A_43 = arith.addi %mul3A_41, %add3A_42 : i32
      "tpu.region"() ({
        %run_scoped3A = tpu.sem_alloc : memref<!tpu.dma_semaphore, #tpu.memory_space<semaphore_mem>>
        %dma_start3A = arith.constant 0 : i32
        %dma_start3A_48 = tpu.memref_slice %arg8[%add3A_43, %dma_start3A] : memref<5008x16xf32, #tpu.memory_space<vmem_shared>> -> memref<200x16xf32, #tpu.memory_space<vmem_shared>>
        %dma_start3A_49 = arith.constant 0 : i32
        %dma_start3A_50 = tpu.memref_slice %arg8[%add3A_43, %dma_start3A_49] : memref<5008x16xf32, #tpu.memory_space<vmem_shared>> -> memref<200x16xf32, #tpu.memory_space<vmem_shared>>
        tpu.enqueue_dma source(%arg7 : memref<200x16xf32, #tpu.memory_space<vmem>>) target(%dma_start3A_50 : memref<200x16xf32, #tpu.memory_space<vmem_shared>>) target_semaphore(%run_scoped3A : memref<!tpu.dma_semaphore, #tpu.memory_space<semaphore_mem>>)
        %dma_wait3A = arith.constant 0 : i32
        %dma_wait3A_51 = tpu.memref_slice %arg8[%add3A_43, %dma_wait3A] : memref<5008x16xf32, #tpu.memory_space<vmem_shared>> -> memref<200x16xf32, #tpu.memory_space<vmem_shared>>
        %dma_wait3A_52 = arith.constant 0 : i32
        %dma_wait3A_53 = tpu.memref_slice %arg8[%add3A_43, %dma_wait3A_52] : memref<5008x16xf32, #tpu.memory_space<vmem_shared>> -> memref<200x16xf32, #tpu.memory_space<vmem_shared>>
        tpu.wait_dma2 semaphore(%run_scoped3A : memref<!tpu.dma_semaphore, #tpu.memory_space<semaphore_mem>>) src(%arg7 : memref<200x16xf32, #tpu.memory_space<vmem>>) dst(%dma_wait3A_53 : memref<200x16xf32, #tpu.memory_space<vmem_shared>>)
        tpu.yield
      }) : () -> ()
      %mul3A_44 = arith.constant 1000 : i32
      %mul3A_45 = arith.muli %arg1, %mul3A_44 : i32
      %add3A_46 = arith.constant 800 : i32
      %add3A_47 = arith.addi %mul3A_45, %add3A_46 : i32
      "tpu.region"() ({
        %run_scoped3A = tpu.sem_alloc : memref<!tpu.dma_semaphore, #tpu.memory_space<semaphore_mem>>
        %dma_start3A = arith.constant 0 : i32
        %dma_start3A_48 = tpu.memref_slice %arg8[%add3A_47, %dma_start3A] : memref<5008x16xf32, #tpu.memory_space<vmem_shared>> -> memref<200x16xf32, #tpu.memory_space<vmem_shared>>
        %dma_start3A_49 = arith.constant 0 : i32
        %dma_start3A_50 = tpu.memref_slice %arg8[%add3A_47, %dma_start3A_49] : memref<5008x16xf32, #tpu.memory_space<vmem_shared>> -> memref<200x16xf32, #tpu.memory_space<vmem_shared>>
        tpu.enqueue_dma source(%arg7 : memref<200x16xf32, #tpu.memory_space<vmem>>) target(%dma_start3A_50 : memref<200x16xf32, #tpu.memory_space<vmem_shared>>) target_semaphore(%run_scoped3A : memref<!tpu.dma_semaphore, #tpu.memory_space<semaphore_mem>>)
        %dma_wait3A = arith.constant 0 : i32
        %dma_wait3A_51 = tpu.memref_slice %arg8[%add3A_47, %dma_wait3A] : memref<5008x16xf32, #tpu.memory_space<vmem_shared>> -> memref<200x16xf32, #tpu.memory_space<vmem_shared>>
        %dma_wait3A_52 = arith.constant 0 : i32
        %dma_wait3A_53 = tpu.memref_slice %arg8[%add3A_47, %dma_wait3A_52] : memref<5008x16xf32, #tpu.memory_space<vmem_shared>> -> memref<200x16xf32, #tpu.memory_space<vmem_shared>>
        tpu.wait_dma2 semaphore(%run_scoped3A : memref<!tpu.dma_semaphore, #tpu.memory_space<semaphore_mem>>) src(%arg7 : memref<200x16xf32, #tpu.memory_space<vmem>>) dst(%dma_wait3A_53 : memref<200x16xf32, #tpu.memory_space<vmem_shared>>)
        tpu.yield
      }) : () -> ()
    } else {
    }
    %eq3A = arith.constant 5 : i32
    %eq3A_2 = arith.cmpi eq, %arg1, %eq3A : i32
    %convert_element_type3A_3 = arith.extui %eq3A_2 : i1 to i32
    %cond3A_4 = arith.constant 0 : i32
    %cond3A_5 = arith.cmpi ne, %convert_element_type3A_3, %cond3A_4 : i32
    scf.if %cond3A_5 {
      %broadcast_in_dim3A = arith.constant 0.000000e+00 : f32
      %broadcast_in_dim3A_21 = vector.broadcast %broadcast_in_dim3A : f32 to vector<16xf32>
      %scan3A_22 = arith.constant 0 : i32
      %scan3A_23 = arith.constant 0 : i32
      %scan3A_24 = arith.constant 8 : i32
      %scan3A_25 = arith.addi %scan3A_23, %scan3A_24 : i32
      %scan3A_26 = arith.constant 1 : i32
      scf.for %scan3A_28 = %scan3A_23 to %scan3A_25 step %scan3A_26  : i32 {
        %swap3A = arith.index_cast %scan3A_28 : i32 to index
        %swap3A_29 = arith.constant 0 : index
        %swap3A_30 = tpu.vector_load %arg7[%swap3A, %swap3A_29] {strides = array<i32>} : memref<200x16xf32, #tpu.memory_space<vmem>>, vector<1x16xf32>,
        %swap3A_31 = vector.shape_cast %swap3A_30 : vector<1x16xf32> to vector<16xf32>
        %swap3A_32 = vector.shape_cast %broadcast_in_dim3A_21 : vector<16xf32> to vector<1x16xf32>
        tpu.vector_store %arg7[%swap3A, %swap3A_29], %swap3A_32 {strides = array<i32>} : memref<200x16xf32, #tpu.memory_space<vmem>>, vector<1x16xf32>,
      }
      %scan3A_27 = arith.constant 8 : i32
      "tpu.region"() ({
        %run_scoped3A = tpu.sem_alloc : memref<!tpu.dma_semaphore, #tpu.memory_space<semaphore_mem>>
        %dma_start3A = arith.constant 0 : i32
        %dma_start3A_28 = arith.constant 0 : i32
        %dma_start3A_29 = tpu.memref_slice %arg7[%dma_start3A, %dma_start3A_28] : memref<200x16xf32, #tpu.memory_space<vmem>> -> memref<8x16xf32, #tpu.memory_space<vmem>>
        %dma_start3A_30 = arith.constant 5000 : i32
        %dma_start3A_31 = arith.constant 0 : i32
        %dma_start3A_32 = tpu.memref_slice %arg8[%dma_start3A_30, %dma_start3A_31] : memref<5008x16xf32, #tpu.memory_space<vmem_shared>> -> memref<8x16xf32, #tpu.memory_space<vmem_shared>>
        %dma_start3A_33 = arith.constant 5000 : i32
        %dma_start3A_34 = arith.constant 0 : i32
        %dma_start3A_35 = tpu.memref_slice %arg8[%dma_start3A_33, %dma_start3A_34] : memref<5008x16xf32, #tpu.memory_space<vmem_shared>> -> memref<8x16xf32, #tpu.memory_space<vmem_shared>>
        %dma_start3A_36 = arith.constant 0 : i32
        %dma_start3A_37 = arith.constant 0 : i32
        %dma_start3A_38 = tpu.memref_slice %arg7[%dma_start3A_36, %dma_start3A_37] : memref<200x16xf32, #tpu.memory_space<vmem>> -> memref<8x16xf32, #tpu.memory_space<vmem>>
        tpu.enqueue_dma source(%dma_start3A_38 : memref<8x16xf32, #tpu.memory_space<vmem>>) target(%dma_start3A_35 : memref<8x16xf32, #tpu.memory_space<vmem_shared>>) target_semaphore(%run_scoped3A : memref<!tpu.dma_semaphore, #tpu.memory_space<semaphore_mem>>)
        %dma_wait3A = arith.constant 0 : i32
        %dma_wait3A_39 = arith.constant 0 : i32
        %dma_wait3A_40 = tpu.memref_slice %arg7[%dma_wait3A, %dma_wait3A_39] : memref<200x16xf32, #tpu.memory_space<vmem>> -> memref<8x16xf32, #tpu.memory_space<vmem>>
        %dma_wait3A_41 = arith.constant 5000 : i32
        %dma_wait3A_42 = arith.constant 0 : i32
        %dma_wait3A_43 = tpu.memref_slice %arg8[%dma_wait3A_41, %dma_wait3A_42] : memref<5008x16xf32, #tpu.memory_space<vmem_shared>> -> memref<8x16xf32, #tpu.memory_space<vmem_shared>>
        %dma_wait3A_44 = arith.constant 5000 : i32
        %dma_wait3A_45 = arith.constant 0 : i32
        %dma_wait3A_46 = tpu.memref_slice %arg8[%dma_wait3A_44, %dma_wait3A_45] : memref<5008x16xf32, #tpu.memory_space<vmem_shared>> -> memref<8x16xf32, #tpu.memory_space<vmem_shared>>
        %dma_wait3A_47 = arith.constant 0 : i32
        %dma_wait3A_48 = arith.constant 0 : i32
        %dma_wait3A_49 = tpu.memref_slice %arg7[%dma_wait3A_47, %dma_wait3A_48] : memref<200x16xf32, #tpu.memory_space<vmem>> -> memref<8x16xf32, #tpu.memory_space<vmem>>
        tpu.wait_dma2 semaphore(%run_scoped3A : memref<!tpu.dma_semaphore, #tpu.memory_space<semaphore_mem>>) src(%dma_wait3A_49 : memref<8x16xf32, #tpu.memory_space<vmem>>) dst(%dma_wait3A_46 : memref<8x16xf32, #tpu.memory_space<vmem_shared>>)
        tpu.yield
      }) : () -> ()
    } else {
    }
    %barrier3A = arith.constant 0 : index
    tpu.barrier barrier_id(%barrier3A)
    %mul3A = arith.constant 5000 : i32
    %mul3A_6 = arith.muli %arg0, %mul3A : i32
    %mul3A_7 = arith.constant 40000 : i32
    %mul3A_8 = arith.muli %arg1, %mul3A_7 : i32
    %add3A = arith.constant 320000 : i32
    %add3A_9 = arith.addi %add3A, %mul3A_8 : i32
    %scan3A = arith.constant 0 : i32
    %scan3A_10 = arith.constant 0 : i32
    %scan3A_11 = arith.constant 500 : i32
    %scan3A_12 = arith.addi %scan3A_10, %scan3A_11 : i32
    %scan3A_13 = arith.constant 1 : i32
    scf.for %scan3A_21 = %scan3A_10 to %scan3A_12 step %scan3A_13  : i32 {
      %mul3A_22 = arith.constant 80 : i32
      %mul3A_23 = arith.muli %scan3A_21, %mul3A_22 : i32
      %add3A_24 = arith.addi %add3A_9, %mul3A_23 : i32
      "tpu.region"() ({
        %run_scoped3A = tpu.sem_alloc : memref<!tpu.dma_semaphore, #tpu.memory_space<semaphore_mem>>
        %dma_start3A = tpu.memref_slice %arg3[%add3A_24] : memref<1920000xi32, #tpu.memory_space<hbm>> -> memref<80xi32, #tpu.memory_space<hbm>>
        %dma_start3A_31 = tpu.memref_slice %arg3[%add3A_24] : memref<1920000xi32, #tpu.memory_space<hbm>> -> memref<80xi32, #tpu.memory_space<hbm>>
        tpu.enqueue_dma source(%dma_start3A_31 : memref<80xi32, #tpu.memory_space<hbm>>) target(%arg5 : memref<80xi32, #tpu.memory_space<vmem>>) target_semaphore(%run_scoped3A : memref<!tpu.dma_semaphore, #tpu.memory_space<semaphore_mem>>)
        %dma_wait3A = tpu.memref_slice %arg3[%add3A_24] : memref<1920000xi32, #tpu.memory_space<hbm>> -> memref<80xi32, #tpu.memory_space<hbm>>
        %dma_wait3A_32 = tpu.memref_slice %arg3[%add3A_24] : memref<1920000xi32, #tpu.memory_space<hbm>> -> memref<80xi32, #tpu.memory_space<hbm>>
        tpu.wait_dma2 semaphore(%run_scoped3A : memref<!tpu.dma_semaphore, #tpu.memory_space<semaphore_mem>>) src(%dma_wait3A_32 : memref<80xi32, #tpu.memory_space<hbm>>) dst(%arg5 : memref<80xi32, #tpu.memory_space<vmem>>)
        tpu.yield
      }) : () -> ()
      "tpu.region"() ({
        %run_scoped3A = tpu.sem_alloc : memref<!tpu.dma_semaphore, #tpu.memory_space<semaphore_mem>>
        %dma_start3A = arith.constant 0 : i32
        %dma_start3A_31 = tpu.memref_slice %arg2[%add3A_24, %dma_start3A] : memref<1920000x16xf32, #tpu.memory_space<hbm>> -> memref<80x16xf32, #tpu.memory_space<hbm>>
        %dma_start3A_32 = arith.constant 0 : i32
        %dma_start3A_33 = tpu.memref_slice %arg2[%add3A_24, %dma_start3A_32] : memref<1920000x16xf32, #tpu.memory_space<hbm>> -> memref<80x16xf32, #tpu.memory_space<hbm>>
        tpu.enqueue_dma source(%dma_start3A_33 : memref<80x16xf32, #tpu.memory_space<hbm>>) target(%arg6 : memref<80x16xf32, #tpu.memory_space<vmem>>) target_semaphore(%run_scoped3A : memref<!tpu.dma_semaphore, #tpu.memory_space<semaphore_mem>>)
        %dma_wait3A = arith.constant 0 : i32
        %dma_wait3A_34 = tpu.memref_slice %arg2[%add3A_24, %dma_wait3A] : memref<1920000x16xf32, #tpu.memory_space<hbm>> -> memref<80x16xf32, #tpu.memory_space<hbm>>
        %dma_wait3A_35 = arith.constant 0 : i32
        %dma_wait3A_36 = tpu.memref_slice %arg2[%add3A_24, %dma_wait3A_35] : memref<1920000x16xf32, #tpu.memory_space<hbm>> -> memref<80x16xf32, #tpu.memory_space<hbm>>
        tpu.wait_dma2 semaphore(%run_scoped3A : memref<!tpu.dma_semaphore, #tpu.memory_space<semaphore_mem>>) src(%dma_wait3A_36 : memref<80x16xf32, #tpu.memory_space<hbm>>) dst(%arg6 : memref<80x16xf32, #tpu.memory_space<vmem>>)
        tpu.yield
      }) : () -> ()
      %scan3A_25 = arith.constant 0 : i32
      %scan3A_26 = arith.constant 0 : i32
      %scan3A_27 = arith.constant 5 : i32
      %scan3A_28 = arith.addi %scan3A_26, %scan3A_27 : i32
      %scan3A_29 = arith.constant 1 : i32
      scf.for %scan3A_31 = %scan3A_26 to %scan3A_28 step %scan3A_29  : i32 {
        %mul3A_32 = arith.constant 16 : i32
        %mul3A_33 = arith.muli %scan3A_31, %mul3A_32 : i32
        %get3A = arith.index_cast %mul3A_33 : i32 to index
        %get3A_34 = tpu.vector_load %arg5[%get3A] {strides = array<i32>} : memref<80xi32, #tpu.memory_space<vmem>>, vector<16xi32>,
        %get3A_35 = vector.shape_cast %get3A_34 : vector<16xi32> to vector<16xi32>
        %sub3A = vector.broadcast %mul3A_6 : i32 to vector<16xi32>
        %sub3A_36 = arith.subi %get3A_35, %sub3A : vector<16xi32>
        %ge3A = arith.constant 0 : i32
        %ge3A_37 = vector.broadcast %ge3A : i32 to vector<16xi32>
        %ge3A_38 = arith.cmpi sge, %sub3A_36, %ge3A_37 : vector<16xi32>
        %lt3A_39 = arith.constant 5000 : i32
        %lt3A_40 = vector.broadcast %lt3A_39 : i32 to vector<16xi32>
        %lt3A_41 = arith.cmpi slt, %sub3A_36, %lt3A_40 : vector<16xi32>
        %and3A = arith.andi %ge3A_38, %lt3A_41 : vector<16xi1>
        %jit3A = arith.constant 5000 : i32
        %broadcast_in_dim3A = vector.broadcast %jit3A : i32 to vector<16xi32>
        %select_n3A = arith.select %and3A, %sub3A_36, %broadcast_in_dim3A : vector<16xi1>, vector<16xi32>
        %mul3A_42 = arith.constant 16 : i32
        %mul3A_43 = arith.muli %scan3A_31, %mul3A_42 : i32
        %swap3A = arith.index_cast %mul3A_43 : i32 to index
        %swap3A_44 = tpu.vector_load %arg5[%swap3A] {strides = array<i32>} : memref<80xi32, #tpu.memory_space<vmem>>, vector<16xi32>,
        %swap3A_45 = vector.shape_cast %swap3A_44 : vector<16xi32> to vector<16xi32>
        %swap3A_46 = vector.shape_cast %select_n3A : vector<16xi32> to vector<16xi32>
        tpu.vector_store %arg5[%swap3A], %swap3A_46 {strides = array<i32>} : memref<80xi32, #tpu.memory_space<vmem>>, vector<16xi32>,
      }
      %scan3A_30 = arith.constant 5 : i32
      "tpu.region"() ({
        %run_scoped3A = tpu.sem_alloc : memref<!tpu.dma_semaphore, #tpu.memory_space<semaphore_mem>>
        %dma_start3A = arith.constant 0 : i32
        %dma_start3A_31 = arith.constant 0 : i32
        %dma_start3A_32 = tpu.memref_slice %arg8[%dma_start3A, %dma_start3A_31] : memref<5008x16xf32, #tpu.memory_space<vmem_shared>> -> memref<5008x16xf32, #tpu.memory_space<vmem_shared>>
        tpu.enqueue_indirect_dma source(%arg6 : memref<80x16xf32, #tpu.memory_space<vmem>>) target(%dma_start3A_32 : memref<5008x16xf32, #tpu.memory_space<vmem_shared>>) offsets(%arg5 : memref<80xi32, #tpu.memory_space<vmem>>) semaphore(%run_scoped3A : memref<!tpu.dma_semaphore, #tpu.memory_space<semaphore_mem>>) {add = true}
        %dma_wait3A = arith.constant 0 : i32
        %dma_wait3A_33 = arith.constant 0 : i32
        %dma_wait3A_34 = tpu.memref_slice %arg8[%dma_wait3A, %dma_wait3A_33] : memref<5008x16xf32, #tpu.memory_space<vmem_shared>> -> memref<5008x16xf32, #tpu.memory_space<vmem_shared>>
        tpu.wait_indirect_dma semaphore(%run_scoped3A : memref<!tpu.dma_semaphore, #tpu.memory_space<semaphore_mem>>) src(%arg6 : memref<80x16xf32, #tpu.memory_space<vmem>>) dst(%dma_wait3A_34 : memref<5008x16xf32, #tpu.memory_space<vmem_shared>>)
        tpu.yield
      }) : () -> ()
    }
    %scan3A_14 = arith.constant 500 : i32
    %barrier3A_15 = arith.constant 0 : index
    tpu.barrier barrier_id(%barrier3A_15)
    %lt3A_16 = arith.constant 5 : i32
    %lt3A_17 = arith.cmpi slt, %arg1, %lt3A_16 : i32
    %convert_element_type3A_18 = arith.extui %lt3A_17 : i1 to i32
    %cond3A_19 = arith.constant 0 : i32
    %cond3A_20 = arith.cmpi ne, %convert_element_type3A_18, %cond3A_19 : i32
    scf.if %cond3A_20 {
      %mul3A_21 = arith.constant 1000 : i32
      %mul3A_22 = arith.muli %arg1, %mul3A_21 : i32
      %mul3A_23 = arith.constant 5000 : i32
      %mul3A_24 = arith.muli %arg0, %mul3A_23 : i32
      %mul3A_25 = arith.constant 1000 : i32
      %mul3A_26 = arith.muli %arg1, %mul3A_25 : i32
      %add3A_27 = arith.addi %mul3A_24, %mul3A_26 : i32
      "tpu.region"() ({
        %run_scoped3A = tpu.sem_alloc : memref<!tpu.dma_semaphore, #tpu.memory_space<semaphore_mem>>
        %dma_start3A = arith.constant 0 : i32
        %dma_start3A_28 = tpu.memref_slice %arg4[%add3A_27, %dma_start3A] : memref<10000x16xf32, #tpu.memory_space<hbm>> -> memref<1000x16xf32, #tpu.memory_space<hbm>>
        %dma_start3A_29 = arith.constant 0 : i32
        %dma_start3A_30 = tpu.memref_slice %arg8[%mul3A_22, %dma_start3A_29] : memref<5008x16xf32, #tpu.memory_space<vmem_shared>> -> memref<1000x16xf32, #tpu.memory_space<vmem_shared>>
        tpu.enqueue_dma source(%dma_start3A_30 : memref<1000x16xf32, #tpu.memory_space<vmem_shared>>) target(%dma_start3A_28 : memref<1000x16xf32, #tpu.memory_space<hbm>>) target_semaphore(%run_scoped3A : memref<!tpu.dma_semaphore, #tpu.memory_space<semaphore_mem>>)
        %dma_wait3A = arith.constant 0 : i32
        %dma_wait3A_31 = tpu.memref_slice %arg4[%add3A_27, %dma_wait3A] : memref<10000x16xf32, #tpu.memory_space<hbm>> -> memref<1000x16xf32, #tpu.memory_space<hbm>>
        %dma_wait3A_32 = arith.constant 0 : i32
        %dma_wait3A_33 = tpu.memref_slice %arg8[%mul3A_22, %dma_wait3A_32] : memref<5008x16xf32, #tpu.memory_space<vmem_shared>> -> memref<1000x16xf32, #tpu.memory_space<vmem_shared>>
        tpu.wait_dma2 semaphore(%run_scoped3A : memref<!tpu.dma_semaphore, #tpu.memory_space<semaphore_mem>>) src(%dma_wait3A_33 : memref<1000x16xf32, #tpu.memory_space<vmem_shared>>) dst(%dma_wait3A_31 : memref<1000x16xf32, #tpu.memory_space<hbm>>)
        tpu.yield
      }) : () -> ()
    } else {
    }
    return
  }
}

#map = affine_map<(d0, d1) -> (0, 0)>
#map1 = affine_map<(d0, d1) -> (0)>
module attributes {stable_mosaic.version = 14 : i64} {
  func.func @sk(%arg0: i32, %arg1: i32, %arg2: memref<1920000x16xf32, #tpu.memory_space<hbm>>, %arg3: memref<1920000xi32, #tpu.memory_space<hbm>>, %arg4: memref<10000x16xf32, #tpu.memory_space<hbm>>, %arg5: memref<80xi32, #tpu.memory_space<vmem>>, %arg6: memref<80x16xf32, #tpu.memory_space<vmem>>, %arg7: memref<200x16xf32, #tpu.memory_space<vmem>>, %arg8: memref<5008x16xf32, #tpu.memory_space<vmem_shared>>, %arg9: memref<!tpu.dma_semaphore, #tpu.memory_space<semaphore_mem>>) attributes {dimension_semantics = [#tpu.dimension_semantics<core_parallel>, #tpu.dimension_semantics<subcore_parallel>], iteration_bounds = array<i64: 2, 16>, scalar_prefetch = 0 : i64, scratch_operands = 5 : i64, tpu.core_type = #tpu.core_type<sc_vector_subcore>, window_params = [{transform_indices = #map}, {transform_indices = #map1}, {transform_indices = #map}]} {
    %lt3A = arith.constant 5 : i32
    %lt3A_0 = arith.cmpi slt, %arg1, %lt3A : i32
    %convert_element_type3A = arith.extui %lt3A_0 : i1 to i32
    %cond3A = arith.constant 0 : i32
    %cond3A_1 = arith.cmpi ne, %convert_element_type3A, %cond3A : i32
    scf.if %cond3A_1 {
      %broadcast_in_dim3A = arith.constant 0.000000e+00 : f32
      %broadcast_in_dim3A_21 = vector.broadcast %broadcast_in_dim3A : f32 to vector<16xf32>
      %scan3A_22 = arith.constant 0 : i32
      %scan3A_23 = arith.constant 0 : i32
      %scan3A_24 = arith.constant 200 : i32
      %scan3A_25 = arith.addi %scan3A_23, %scan3A_24 : i32
      %scan3A_26 = arith.constant 1 : i32
      scf.for %scan3A_48 = %scan3A_23 to %scan3A_25 step %scan3A_26  : i32 {
        %swap3A = arith.index_cast %scan3A_48 : i32 to index
        %swap3A_49 = arith.constant 0 : index
        %swap3A_50 = tpu.vector_load %arg7[%swap3A, %swap3A_49] {strides = array<i32>} : memref<200x16xf32, #tpu.memory_space<vmem>>, vector<1x16xf32>,
        %swap3A_51 = vector.shape_cast %swap3A_50 : vector<1x16xf32> to vector<16xf32>
        %swap3A_52 = vector.shape_cast %broadcast_in_dim3A_21 : vector<16xf32> to vector<1x16xf32>
        tpu.vector_store %arg7[%swap3A, %swap3A_49], %swap3A_52 {strides = array<i32>} : memref<200x16xf32, #tpu.memory_space<vmem>>, vector<1x16xf32>,
      }
      %scan3A_27 = arith.constant 200 : i32
      %mul3A_28 = arith.constant 1000 : i32
      %mul3A_29 = arith.muli %arg1, %mul3A_28 : i32
      %add3A_30 = arith.constant 0 : i32
      %add3A_31 = arith.addi %mul3A_29, %add3A_30 : i32
      "tpu.region"() ({
        %run_scoped3A = tpu.sem_alloc : memref<!tpu.dma_semaphore, #tpu.memory_space<semaphore_mem>>
        %dma_start3A = arith.constant 0 : i32
        %dma_start3A_48 = tpu.memref_slice %arg8[%add3A_31, %dma_start3A] : memref<5008x16xf32, #tpu.memory_space<vmem_shared>> -> memref<200x16xf32, #tpu.memory_space<vmem_shared>>
        %dma_start3A_49 = arith.constant 0 : i32
        %dma_start3A_50 = tpu.memref_slice %arg8[%add3A_31, %dma_start3A_49] : memref<5008x16xf32, #tpu.memory_space<vmem_shared>> -> memref<200x16xf32, #tpu.memory_space<vmem_shared>>
        tpu.enqueue_dma source(%arg7 : memref<200x16xf32, #tpu.memory_space<vmem>>) target(%dma_start3A_50 : memref<200x16xf32, #tpu.memory_space<vmem_shared>>) target_semaphore(%run_scoped3A : memref<!tpu.dma_semaphore, #tpu.memory_space<semaphore_mem>>)
        %dma_wait3A = arith.constant 0 : i32
        %dma_wait3A_51 = tpu.memref_slice %arg8[%add3A_31, %dma_wait3A] : memref<5008x16xf32, #tpu.memory_space<vmem_shared>> -> memref<200x16xf32, #tpu.memory_space<vmem_shared>>
        %dma_wait3A_52 = arith.constant 0 : i32
        %dma_wait3A_53 = tpu.memref_slice %arg8[%add3A_31, %dma_wait3A_52] : memref<5008x16xf32, #tpu.memory_space<vmem_shared>> -> memref<200x16xf32, #tpu.memory_space<vmem_shared>>
        tpu.wait_dma2 semaphore(%run_scoped3A : memref<!tpu.dma_semaphore, #tpu.memory_space<semaphore_mem>>) src(%arg7 : memref<200x16xf32, #tpu.memory_space<vmem>>) dst(%dma_wait3A_53 : memref<200x16xf32, #tpu.memory_space<vmem_shared>>)
        tpu.yield
      }) : () -> ()
      %mul3A_32 = arith.constant 1000 : i32
      %mul3A_33 = arith.muli %arg1, %mul3A_32 : i32
      %add3A_34 = arith.constant 200 : i32
      %add3A_35 = arith.addi %mul3A_33, %add3A_34 : i32
      "tpu.region"() ({
        %run_scoped3A = tpu.sem_alloc : memref<!tpu.dma_semaphore, #tpu.memory_space<semaphore_mem>>
        %dma_start3A = arith.constant 0 : i32
        %dma_start3A_48 = tpu.memref_slice %arg8[%add3A_35, %dma_start3A] : memref<5008x16xf32, #tpu.memory_space<vmem_shared>> -> memref<200x16xf32, #tpu.memory_space<vmem_shared>>
        %dma_start3A_49 = arith.constant 0 : i32
        %dma_start3A_50 = tpu.memref_slice %arg8[%add3A_35, %dma_start3A_49] : memref<5008x16xf32, #tpu.memory_space<vmem_shared>> -> memref<200x16xf32, #tpu.memory_space<vmem_shared>>
        tpu.enqueue_dma source(%arg7 : memref<200x16xf32, #tpu.memory_space<vmem>>) target(%dma_start3A_50 : memref<200x16xf32, #tpu.memory_space<vmem_shared>>) target_semaphore(%run_scoped3A : memref<!tpu.dma_semaphore, #tpu.memory_space<semaphore_mem>>)
        %dma_wait3A = arith.constant 0 : i32
        %dma_wait3A_51 = tpu.memref_slice %arg8[%add3A_35, %dma_wait3A] : memref<5008x16xf32, #tpu.memory_space<vmem_shared>> -> memref<200x16xf32, #tpu.memory_space<vmem_shared>>
        %dma_wait3A_52 = arith.constant 0 : i32
        %dma_wait3A_53 = tpu.memref_slice %arg8[%add3A_35, %dma_wait3A_52] : memref<5008x16xf32, #tpu.memory_space<vmem_shared>> -> memref<200x16xf32, #tpu.memory_space<vmem_shared>>
        tpu.wait_dma2 semaphore(%run_scoped3A : memref<!tpu.dma_semaphore, #tpu.memory_space<semaphore_mem>>) src(%arg7 : memref<200x16xf32, #tpu.memory_space<vmem>>) dst(%dma_wait3A_53 : memref<200x16xf32, #tpu.memory_space<vmem_shared>>)
        tpu.yield
      }) : () -> ()
      %mul3A_36 = arith.constant 1000 : i32
      %mul3A_37 = arith.muli %arg1, %mul3A_36 : i32
      %add3A_38 = arith.constant 400 : i32
      %add3A_39 = arith.addi %mul3A_37, %add3A_38 : i32
      "tpu.region"() ({
        %run_scoped3A = tpu.sem_alloc : memref<!tpu.dma_semaphore, #tpu.memory_space<semaphore_mem>>
        %dma_start3A = arith.constant 0 : i32
        %dma_start3A_48 = tpu.memref_slice %arg8[%add3A_39, %dma_start3A] : memref<5008x16xf32, #tpu.memory_space<vmem_shared>> -> memref<200x16xf32, #tpu.memory_space<vmem_shared>>
        %dma_start3A_49 = arith.constant 0 : i32
        %dma_start3A_50 = tpu.memref_slice %arg8[%add3A_39, %dma_start3A_49] : memref<5008x16xf32, #tpu.memory_space<vmem_shared>> -> memref<200x16xf32, #tpu.memory_space<vmem_shared>>
        tpu.enqueue_dma source(%arg7 : memref<200x16xf32, #tpu.memory_space<vmem>>) target(%dma_start3A_50 : memref<200x16xf32, #tpu.memory_space<vmem_shared>>) target_semaphore(%run_scoped3A : memref<!tpu.dma_semaphore, #tpu.memory_space<semaphore_mem>>)
        %dma_wait3A = arith.constant 0 : i32
        %dma_wait3A_51 = tpu.memref_slice %arg8[%add3A_39, %dma_wait3A] : memref<5008x16xf32, #tpu.memory_space<vmem_shared>> -> memref<200x16xf32, #tpu.memory_space<vmem_shared>>
        %dma_wait3A_52 = arith.constant 0 : i32
        %dma_wait3A_53 = tpu.memref_slice %arg8[%add3A_39, %dma_wait3A_52] : memref<5008x16xf32, #tpu.memory_space<vmem_shared>> -> memref<200x16xf32, #tpu.memory_space<vmem_shared>>
        tpu.wait_dma2 semaphore(%run_scoped3A : memref<!tpu.dma_semaphore, #tpu.memory_space<semaphore_mem>>) src(%arg7 : memref<200x16xf32, #tpu.memory_space<vmem>>) dst(%dma_wait3A_53 : memref<200x16xf32, #tpu.memory_space<vmem_shared>>)
        tpu.yield
      }) : () -> ()
      %mul3A_40 = arith.constant 1000 : i32
      %mul3A_41 = arith.muli %arg1, %mul3A_40 : i32
      %add3A_42 = arith.constant 600 : i32
      %add3A_43 = arith.addi %mul3A_41, %add3A_42 : i32
      "tpu.region"() ({
        %run_scoped3A = tpu.sem_alloc : memref<!tpu.dma_semaphore, #tpu.memory_space<semaphore_mem>>
        %dma_start3A = arith.constant 0 : i32
        %dma_start3A_48 = tpu.memref_slice %arg8[%add3A_43, %dma_start3A] : memref<5008x16xf32, #tpu.memory_space<vmem_shared>> -> memref<200x16xf32, #tpu.memory_space<vmem_shared>>
        %dma_start3A_49 = arith.constant 0 : i32
        %dma_start3A_50 = tpu.memref_slice %arg8[%add3A_43, %dma_start3A_49] : memref<5008x16xf32, #tpu.memory_space<vmem_shared>> -> memref<200x16xf32, #tpu.memory_space<vmem_shared>>
        tpu.enqueue_dma source(%arg7 : memref<200x16xf32, #tpu.memory_space<vmem>>) target(%dma_start3A_50 : memref<200x16xf32, #tpu.memory_space<vmem_shared>>) target_semaphore(%run_scoped3A : memref<!tpu.dma_semaphore, #tpu.memory_space<semaphore_mem>>)
        %dma_wait3A = arith.constant 0 : i32
        %dma_wait3A_51 = tpu.memref_slice %arg8[%add3A_43, %dma_wait3A] : memref<5008x16xf32, #tpu.memory_space<vmem_shared>> -> memref<200x16xf32, #tpu.memory_space<vmem_shared>>
        %dma_wait3A_52 = arith.constant 0 : i32
        %dma_wait3A_53 = tpu.memref_slice %arg8[%add3A_43, %dma_wait3A_52] : memref<5008x16xf32, #tpu.memory_space<vmem_shared>> -> memref<200x16xf32, #tpu.memory_space<vmem_shared>>
        tpu.wait_dma2 semaphore(%run_scoped3A : memref<!tpu.dma_semaphore, #tpu.memory_space<semaphore_mem>>) src(%arg7 : memref<200x16xf32, #tpu.memory_space<vmem>>) dst(%dma_wait3A_53 : memref<200x16xf32, #tpu.memory_space<vmem_shared>>)
        tpu.yield
      }) : () -> ()
      %mul3A_44 = arith.constant 1000 : i32
      %mul3A_45 = arith.muli %arg1, %mul3A_44 : i32
      %add3A_46 = arith.constant 800 : i32
      %add3A_47 = arith.addi %mul3A_45, %add3A_46 : i32
      "tpu.region"() ({
        %run_scoped3A = tpu.sem_alloc : memref<!tpu.dma_semaphore, #tpu.memory_space<semaphore_mem>>
        %dma_start3A = arith.constant 0 : i32
        %dma_start3A_48 = tpu.memref_slice %arg8[%add3A_47, %dma_start3A] : memref<5008x16xf32, #tpu.memory_space<vmem_shared>> -> memref<200x16xf32, #tpu.memory_space<vmem_shared>>
        %dma_start3A_49 = arith.constant 0 : i32
        %dma_start3A_50 = tpu.memref_slice %arg8[%add3A_47, %dma_start3A_49] : memref<5008x16xf32, #tpu.memory_space<vmem_shared>> -> memref<200x16xf32, #tpu.memory_space<vmem_shared>>
        tpu.enqueue_dma source(%arg7 : memref<200x16xf32, #tpu.memory_space<vmem>>) target(%dma_start3A_50 : memref<200x16xf32, #tpu.memory_space<vmem_shared>>) target_semaphore(%run_scoped3A : memref<!tpu.dma_semaphore, #tpu.memory_space<semaphore_mem>>)
        %dma_wait3A = arith.constant 0 : i32
        %dma_wait3A_51 = tpu.memref_slice %arg8[%add3A_47, %dma_wait3A] : memref<5008x16xf32, #tpu.memory_space<vmem_shared>> -> memref<200x16xf32, #tpu.memory_space<vmem_shared>>
        %dma_wait3A_52 = arith.constant 0 : i32
        %dma_wait3A_53 = tpu.memref_slice %arg8[%add3A_47, %dma_wait3A_52] : memref<5008x16xf32, #tpu.memory_space<vmem_shared>> -> memref<200x16xf32, #tpu.memory_space<vmem_shared>>
        tpu.wait_dma2 semaphore(%run_scoped3A : memref<!tpu.dma_semaphore, #tpu.memory_space<semaphore_mem>>) src(%arg7 : memref<200x16xf32, #tpu.memory_space<vmem>>) dst(%dma_wait3A_53 : memref<200x16xf32, #tpu.memory_space<vmem_shared>>)
        tpu.yield
      }) : () -> ()
    } else {
    }
    %eq3A = arith.constant 5 : i32
    %eq3A_2 = arith.cmpi eq, %arg1, %eq3A : i32
    %convert_element_type3A_3 = arith.extui %eq3A_2 : i1 to i32
    %cond3A_4 = arith.constant 0 : i32
    %cond3A_5 = arith.cmpi ne, %convert_element_type3A_3, %cond3A_4 : i32
    scf.if %cond3A_5 {
      %broadcast_in_dim3A = arith.constant 0.000000e+00 : f32
      %broadcast_in_dim3A_21 = vector.broadcast %broadcast_in_dim3A : f32 to vector<16xf32>
      %scan3A_22 = arith.constant 0 : i32
      %scan3A_23 = arith.constant 0 : i32
      %scan3A_24 = arith.constant 8 : i32
      %scan3A_25 = arith.addi %scan3A_23, %scan3A_24 : i32
      %scan3A_26 = arith.constant 1 : i32
      scf.for %scan3A_28 = %scan3A_23 to %scan3A_25 step %scan3A_26  : i32 {
        %swap3A = arith.index_cast %scan3A_28 : i32 to index
        %swap3A_29 = arith.constant 0 : index
        %swap3A_30 = tpu.vector_load %arg7[%swap3A, %swap3A_29] {strides = array<i32>} : memref<200x16xf32, #tpu.memory_space<vmem>>, vector<1x16xf32>,
        %swap3A_31 = vector.shape_cast %swap3A_30 : vector<1x16xf32> to vector<16xf32>
        %swap3A_32 = vector.shape_cast %broadcast_in_dim3A_21 : vector<16xf32> to vector<1x16xf32>
        tpu.vector_store %arg7[%swap3A, %swap3A_29], %swap3A_32 {strides = array<i32>} : memref<200x16xf32, #tpu.memory_space<vmem>>, vector<1x16xf32>,
      }
      %scan3A_27 = arith.constant 8 : i32
      "tpu.region"() ({
        %run_scoped3A = tpu.sem_alloc : memref<!tpu.dma_semaphore, #tpu.memory_space<semaphore_mem>>
        %dma_start3A = arith.constant 0 : i32
        %dma_start3A_28 = arith.constant 0 : i32
        %dma_start3A_29 = tpu.memref_slice %arg7[%dma_start3A, %dma_start3A_28] : memref<200x16xf32, #tpu.memory_space<vmem>> -> memref<8x16xf32, #tpu.memory_space<vmem>>
        %dma_start3A_30 = arith.constant 5000 : i32
        %dma_start3A_31 = arith.constant 0 : i32
        %dma_start3A_32 = tpu.memref_slice %arg8[%dma_start3A_30, %dma_start3A_31] : memref<5008x16xf32, #tpu.memory_space<vmem_shared>> -> memref<8x16xf32, #tpu.memory_space<vmem_shared>>
        %dma_start3A_33 = arith.constant 5000 : i32
        %dma_start3A_34 = arith.constant 0 : i32
        %dma_start3A_35 = tpu.memref_slice %arg8[%dma_start3A_33, %dma_start3A_34] : memref<5008x16xf32, #tpu.memory_space<vmem_shared>> -> memref<8x16xf32, #tpu.memory_space<vmem_shared>>
        %dma_start3A_36 = arith.constant 0 : i32
        %dma_start3A_37 = arith.constant 0 : i32
        %dma_start3A_38 = tpu.memref_slice %arg7[%dma_start3A_36, %dma_start3A_37] : memref<200x16xf32, #tpu.memory_space<vmem>> -> memref<8x16xf32, #tpu.memory_space<vmem>>
        tpu.enqueue_dma source(%dma_start3A_38 : memref<8x16xf32, #tpu.memory_space<vmem>>) target(%dma_start3A_35 : memref<8x16xf32, #tpu.memory_space<vmem_shared>>) target_semaphore(%run_scoped3A : memref<!tpu.dma_semaphore, #tpu.memory_space<semaphore_mem>>)
        %dma_wait3A = arith.constant 0 : i32
        %dma_wait3A_39 = arith.constant 0 : i32
        %dma_wait3A_40 = tpu.memref_slice %arg7[%dma_wait3A, %dma_wait3A_39] : memref<200x16xf32, #tpu.memory_space<vmem>> -> memref<8x16xf32, #tpu.memory_space<vmem>>
        %dma_wait3A_41 = arith.constant 5000 : i32
        %dma_wait3A_42 = arith.constant 0 : i32
        %dma_wait3A_43 = tpu.memref_slice %arg8[%dma_wait3A_41, %dma_wait3A_42] : memref<5008x16xf32, #tpu.memory_space<vmem_shared>> -> memref<8x16xf32, #tpu.memory_space<vmem_shared>>
        %dma_wait3A_44 = arith.constant 5000 : i32
        %dma_wait3A_45 = arith.constant 0 : i32
        %dma_wait3A_46 = tpu.memref_slice %arg8[%dma_wait3A_44, %dma_wait3A_45] : memref<5008x16xf32, #tpu.memory_space<vmem_shared>> -> memref<8x16xf32, #tpu.memory_space<vmem_shared>>
        %dma_wait3A_47 = arith.constant 0 : i32
        %dma_wait3A_48 = arith.constant 0 : i32
        %dma_wait3A_49 = tpu.memref_slice %arg7[%dma_wait3A_47, %dma_wait3A_48] : memref<200x16xf32, #tpu.memory_space<vmem>> -> memref<8x16xf32, #tpu.memory_space<vmem>>
        tpu.wait_dma2 semaphore(%run_scoped3A : memref<!tpu.dma_semaphore, #tpu.memory_space<semaphore_mem>>) src(%dma_wait3A_49 : memref<8x16xf32, #tpu.memory_space<vmem>>) dst(%dma_wait3A_46 : memref<8x16xf32, #tpu.memory_space<vmem_shared>>)
        tpu.yield
      }) : () -> ()
    } else {
    }
    %barrier3A = arith.constant 0 : index
    tpu.barrier barrier_id(%barrier3A)
    %mul3A = arith.constant 5000 : i32
    %mul3A_6 = arith.muli %arg0, %mul3A : i32
    %mul3A_7 = arith.constant 60000 : i32
    %mul3A_8 = arith.muli %arg1, %mul3A_7 : i32
    %add3A = arith.constant 960000 : i32
    %add3A_9 = arith.addi %add3A, %mul3A_8 : i32
    %scan3A = arith.constant 0 : i32
    %scan3A_10 = arith.constant 0 : i32
    %scan3A_11 = arith.constant 750 : i32
    %scan3A_12 = arith.addi %scan3A_10, %scan3A_11 : i32
    %scan3A_13 = arith.constant 1 : i32
    scf.for %scan3A_21 = %scan3A_10 to %scan3A_12 step %scan3A_13  : i32 {
      %mul3A_22 = arith.constant 80 : i32
      %mul3A_23 = arith.muli %scan3A_21, %mul3A_22 : i32
      %add3A_24 = arith.addi %add3A_9, %mul3A_23 : i32
      "tpu.region"() ({
        %run_scoped3A = tpu.sem_alloc : memref<!tpu.dma_semaphore, #tpu.memory_space<semaphore_mem>>
        %dma_start3A = tpu.memref_slice %arg3[%add3A_24] : memref<1920000xi32, #tpu.memory_space<hbm>> -> memref<80xi32, #tpu.memory_space<hbm>>
        %dma_start3A_31 = tpu.memref_slice %arg3[%add3A_24] : memref<1920000xi32, #tpu.memory_space<hbm>> -> memref<80xi32, #tpu.memory_space<hbm>>
        tpu.enqueue_dma source(%dma_start3A_31 : memref<80xi32, #tpu.memory_space<hbm>>) target(%arg5 : memref<80xi32, #tpu.memory_space<vmem>>) target_semaphore(%run_scoped3A : memref<!tpu.dma_semaphore, #tpu.memory_space<semaphore_mem>>)
        %dma_wait3A = tpu.memref_slice %arg3[%add3A_24] : memref<1920000xi32, #tpu.memory_space<hbm>> -> memref<80xi32, #tpu.memory_space<hbm>>
        %dma_wait3A_32 = tpu.memref_slice %arg3[%add3A_24] : memref<1920000xi32, #tpu.memory_space<hbm>> -> memref<80xi32, #tpu.memory_space<hbm>>
        tpu.wait_dma2 semaphore(%run_scoped3A : memref<!tpu.dma_semaphore, #tpu.memory_space<semaphore_mem>>) src(%dma_wait3A_32 : memref<80xi32, #tpu.memory_space<hbm>>) dst(%arg5 : memref<80xi32, #tpu.memory_space<vmem>>)
        tpu.yield
      }) : () -> ()
      "tpu.region"() ({
        %run_scoped3A = tpu.sem_alloc : memref<!tpu.dma_semaphore, #tpu.memory_space<semaphore_mem>>
        %dma_start3A = arith.constant 0 : i32
        %dma_start3A_31 = tpu.memref_slice %arg2[%add3A_24, %dma_start3A] : memref<1920000x16xf32, #tpu.memory_space<hbm>> -> memref<80x16xf32, #tpu.memory_space<hbm>>
        %dma_start3A_32 = arith.constant 0 : i32
        %dma_start3A_33 = tpu.memref_slice %arg2[%add3A_24, %dma_start3A_32] : memref<1920000x16xf32, #tpu.memory_space<hbm>> -> memref<80x16xf32, #tpu.memory_space<hbm>>
        tpu.enqueue_dma source(%dma_start3A_33 : memref<80x16xf32, #tpu.memory_space<hbm>>) target(%arg6 : memref<80x16xf32, #tpu.memory_space<vmem>>) target_semaphore(%run_scoped3A : memref<!tpu.dma_semaphore, #tpu.memory_space<semaphore_mem>>)
        %dma_wait3A = arith.constant 0 : i32
        %dma_wait3A_34 = tpu.memref_slice %arg2[%add3A_24, %dma_wait3A] : memref<1920000x16xf32, #tpu.memory_space<hbm>> -> memref<80x16xf32, #tpu.memory_space<hbm>>
        %dma_wait3A_35 = arith.constant 0 : i32
        %dma_wait3A_36 = tpu.memref_slice %arg2[%add3A_24, %dma_wait3A_35] : memref<1920000x16xf32, #tpu.memory_space<hbm>> -> memref<80x16xf32, #tpu.memory_space<hbm>>
        tpu.wait_dma2 semaphore(%run_scoped3A : memref<!tpu.dma_semaphore, #tpu.memory_space<semaphore_mem>>) src(%dma_wait3A_36 : memref<80x16xf32, #tpu.memory_space<hbm>>) dst(%arg6 : memref<80x16xf32, #tpu.memory_space<vmem>>)
        tpu.yield
      }) : () -> ()
      %scan3A_25 = arith.constant 0 : i32
      %scan3A_26 = arith.constant 0 : i32
      %scan3A_27 = arith.constant 5 : i32
      %scan3A_28 = arith.addi %scan3A_26, %scan3A_27 : i32
      %scan3A_29 = arith.constant 1 : i32
      scf.for %scan3A_31 = %scan3A_26 to %scan3A_28 step %scan3A_29  : i32 {
        %mul3A_32 = arith.constant 16 : i32
        %mul3A_33 = arith.muli %scan3A_31, %mul3A_32 : i32
        %get3A = arith.index_cast %mul3A_33 : i32 to index
        %get3A_34 = tpu.vector_load %arg5[%get3A] {strides = array<i32>} : memref<80xi32, #tpu.memory_space<vmem>>, vector<16xi32>,
        %get3A_35 = vector.shape_cast %get3A_34 : vector<16xi32> to vector<16xi32>
        %sub3A = vector.broadcast %mul3A_6 : i32 to vector<16xi32>
        %sub3A_36 = arith.subi %get3A_35, %sub3A : vector<16xi32>
        %ge3A = arith.constant 0 : i32
        %ge3A_37 = vector.broadcast %ge3A : i32 to vector<16xi32>
        %ge3A_38 = arith.cmpi sge, %sub3A_36, %ge3A_37 : vector<16xi32>
        %lt3A_39 = arith.constant 5000 : i32
        %lt3A_40 = vector.broadcast %lt3A_39 : i32 to vector<16xi32>
        %lt3A_41 = arith.cmpi slt, %sub3A_36, %lt3A_40 : vector<16xi32>
        %and3A = arith.andi %ge3A_38, %lt3A_41 : vector<16xi1>
        %jit3A = arith.constant 5000 : i32
        %broadcast_in_dim3A = vector.broadcast %jit3A : i32 to vector<16xi32>
        %select_n3A = arith.select %and3A, %sub3A_36, %broadcast_in_dim3A : vector<16xi1>, vector<16xi32>
        %mul3A_42 = arith.constant 16 : i32
        %mul3A_43 = arith.muli %scan3A_31, %mul3A_42 : i32
        %swap3A = arith.index_cast %mul3A_43 : i32 to index
        %swap3A_44 = tpu.vector_load %arg5[%swap3A] {strides = array<i32>} : memref<80xi32, #tpu.memory_space<vmem>>, vector<16xi32>,
        %swap3A_45 = vector.shape_cast %swap3A_44 : vector<16xi32> to vector<16xi32>
        %swap3A_46 = vector.shape_cast %select_n3A : vector<16xi32> to vector<16xi32>
        tpu.vector_store %arg5[%swap3A], %swap3A_46 {strides = array<i32>} : memref<80xi32, #tpu.memory_space<vmem>>, vector<16xi32>,
      }
      %scan3A_30 = arith.constant 5 : i32
      "tpu.region"() ({
        %run_scoped3A = tpu.sem_alloc : memref<!tpu.dma_semaphore, #tpu.memory_space<semaphore_mem>>
        %dma_start3A = arith.constant 0 : i32
        %dma_start3A_31 = arith.constant 0 : i32
        %dma_start3A_32 = tpu.memref_slice %arg8[%dma_start3A, %dma_start3A_31] : memref<5008x16xf32, #tpu.memory_space<vmem_shared>> -> memref<5008x16xf32, #tpu.memory_space<vmem_shared>>
        tpu.enqueue_indirect_dma source(%arg6 : memref<80x16xf32, #tpu.memory_space<vmem>>) target(%dma_start3A_32 : memref<5008x16xf32, #tpu.memory_space<vmem_shared>>) offsets(%arg5 : memref<80xi32, #tpu.memory_space<vmem>>) semaphore(%run_scoped3A : memref<!tpu.dma_semaphore, #tpu.memory_space<semaphore_mem>>) {add = true}
        %dma_wait3A = arith.constant 0 : i32
        %dma_wait3A_33 = arith.constant 0 : i32
        %dma_wait3A_34 = tpu.memref_slice %arg8[%dma_wait3A, %dma_wait3A_33] : memref<5008x16xf32, #tpu.memory_space<vmem_shared>> -> memref<5008x16xf32, #tpu.memory_space<vmem_shared>>
        tpu.wait_indirect_dma semaphore(%run_scoped3A : memref<!tpu.dma_semaphore, #tpu.memory_space<semaphore_mem>>) src(%arg6 : memref<80x16xf32, #tpu.memory_space<vmem>>) dst(%dma_wait3A_34 : memref<5008x16xf32, #tpu.memory_space<vmem_shared>>)
        tpu.yield
      }) : () -> ()
    }
    %scan3A_14 = arith.constant 750 : i32
    %barrier3A_15 = arith.constant 0 : index
    tpu.barrier barrier_id(%barrier3A_15)
    %lt3A_16 = arith.constant 5 : i32
    %lt3A_17 = arith.cmpi slt, %arg1, %lt3A_16 : i32
    %convert_element_type3A_18 = arith.extui %lt3A_17 : i1 to i32
    %cond3A_19 = arith.constant 0 : i32
    %cond3A_20 = arith.cmpi ne, %convert_element_type3A_18, %cond3A_19 : i32
    scf.if %cond3A_20 {
      %mul3A_21 = arith.constant 1000 : i32
      %mul3A_22 = arith.muli %arg1, %mul3A_21 : i32
      %mul3A_23 = arith.constant 5000 : i32
      %mul3A_24 = arith.muli %arg0, %mul3A_23 : i32
      %mul3A_25 = arith.constant 1000 : i32
      %mul3A_26 = arith.muli %arg1, %mul3A_25 : i32
      %add3A_27 = arith.addi %mul3A_24, %mul3A_26 : i32
      "tpu.region"() ({
        %run_scoped3A = tpu.sem_alloc : memref<!tpu.dma_semaphore, #tpu.memory_space<semaphore_mem>>
        %dma_start3A = arith.constant 0 : i32
        %dma_start3A_28 = tpu.memref_slice %arg4[%add3A_27, %dma_start3A] : memref<10000x16xf32, #tpu.memory_space<hbm>> -> memref<1000x16xf32, #tpu.memory_space<hbm>>
        %dma_start3A_29 = arith.constant 0 : i32
        %dma_start3A_30 = tpu.memref_slice %arg8[%mul3A_22, %dma_start3A_29] : memref<5008x16xf32, #tpu.memory_space<vmem_shared>> -> memref<1000x16xf32, #tpu.memory_space<vmem_shared>>
        tpu.enqueue_dma source(%dma_start3A_30 : memref<1000x16xf32, #tpu.memory_space<vmem_shared>>) target(%dma_start3A_28 : memref<1000x16xf32, #tpu.memory_space<hbm>>) target_semaphore(%run_scoped3A : memref<!tpu.dma_semaphore, #tpu.memory_space<semaphore_mem>>)
        %dma_wait3A = arith.constant 0 : i32
        %dma_wait3A_31 = tpu.memref_slice %arg4[%add3A_27, %dma_wait3A] : memref<10000x16xf32, #tpu.memory_space<hbm>> -> memref<1000x16xf32, #tpu.memory_space<hbm>>
        %dma_wait3A_32 = arith.constant 0 : i32
        %dma_wait3A_33 = tpu.memref_slice %arg8[%mul3A_22, %dma_wait3A_32] : memref<5008x16xf32, #tpu.memory_space<vmem_shared>> -> memref<1000x16xf32, #tpu.memory_space<vmem_shared>>
        tpu.wait_dma2 semaphore(%run_scoped3A : memref<!tpu.dma_semaphore, #tpu.memory_space<semaphore_mem>>) src(%dma_wait3A_33 : memref<1000x16xf32, #tpu.memory_space<vmem_shared>>) dst(%dma_wait3A_31 : memref<1000x16xf32, #tpu.memory_space<hbm>>)
        tpu.yield
      }) : () -> ()
    } else {
    }
    return
  }
}

#map = affine_map<(d0, d1) -> (0, 0)>
#map1 = affine_map<(d0, d1) -> (0)>
module attributes {stable_mosaic.version = 14 : i64} {
  func.func @sk(%arg0: i32, %arg1: i32, %arg2: memref<1920000x128xf32, #tpu.memory_space<hbm>>, %arg3: memref<1920000x128xf32, #tpu.memory_space<hbm>>, %arg4: memref<1920000xi32, #tpu.memory_space<hbm>>, %arg5: memref<10000x128xf32, #tpu.memory_space<hbm>>, %arg6: memref<10000x128xf32, #tpu.memory_space<hbm>>, %arg7: memref<80xi32, #tpu.memory_space<vmem>>, %arg8: memref<80x128xf32, #tpu.memory_space<vmem>>, %arg9: memref<200x128xf32, #tpu.memory_space<vmem>>, %arg10: memref<10000x128xf32, #tpu.memory_space<vmem_shared>>, %arg11: memref<!tpu.dma_semaphore, #tpu.memory_space<semaphore_mem>>) attributes {dimension_semantics = [#tpu.dimension_semantics<core_parallel>, #tpu.dimension_semantics<subcore_parallel>], iteration_bounds = array<i64: 2, 16>, scalar_prefetch = 0 : i64, scratch_operands = 5 : i64, tpu.core_type = #tpu.core_type<sc_vector_subcore>, window_params = [{transform_indices = #map}, {transform_indices = #map}, {transform_indices = #map1}, {transform_indices = #map}, {transform_indices = #map}]} {
    %lt3A = arith.constant 10 : i32
    %lt3A_0 = arith.cmpi slt, %arg1, %lt3A : i32
    %convert_element_type3A = arith.extui %lt3A_0 : i1 to i32
    %cond3A = arith.constant 0 : i32
    %cond3A_1 = arith.cmpi ne, %convert_element_type3A, %cond3A : i32
    scf.if %cond3A_1 {
      %broadcast_in_dim3A = arith.constant 0.000000e+00 : f32
      %broadcast_in_dim3A_26 = vector.broadcast %broadcast_in_dim3A : f32 to vector<16xf32>
      %scan3A_27 = arith.constant 0 : i32
      %scan3A_28 = arith.constant 0 : i32
      %scan3A_29 = arith.constant 200 : i32
      %scan3A_30 = arith.addi %scan3A_28, %scan3A_29 : i32
      %scan3A_31 = arith.constant 1 : i32
      scf.for %scan3A_53 = %scan3A_28 to %scan3A_30 step %scan3A_31  : i32 {
        %swap3A = arith.index_cast %scan3A_53 : i32 to index
        %swap3A_54 = arith.constant 0 : index
        %swap3A_55 = tpu.vector_load %arg9[%swap3A, %swap3A_54] {strides = array<i32>} : memref<200x128xf32, #tpu.memory_space<vmem>>, vector<1x16xf32>,
        %swap3A_56 = vector.shape_cast %swap3A_55 : vector<1x16xf32> to vector<16xf32>
        %swap3A_57 = vector.shape_cast %broadcast_in_dim3A_26 : vector<16xf32> to vector<1x16xf32>
        tpu.vector_store %arg9[%swap3A, %swap3A_54], %swap3A_57 {strides = array<i32>} : memref<200x128xf32, #tpu.memory_space<vmem>>, vector<1x16xf32>,
        %swap3A_58 = arith.index_cast %scan3A_53 : i32 to index
        %swap3A_59 = arith.constant 16 : index
        %swap3A_60 = tpu.vector_load %arg9[%swap3A_58, %swap3A_59] {strides = array<i32>} : memref<200x128xf32, #tpu.memory_space<vmem>>, vector<1x16xf32>,
        %swap3A_61 = vector.shape_cast %swap3A_60 : vector<1x16xf32> to vector<16xf32>
        %swap3A_62 = vector.shape_cast %broadcast_in_dim3A_26 : vector<16xf32> to vector<1x16xf32>
        tpu.vector_store %arg9[%swap3A_58, %swap3A_59], %swap3A_62 {strides = array<i32>} : memref<200x128xf32, #tpu.memory_space<vmem>>, vector<1x16xf32>,
        %swap3A_63 = arith.index_cast %scan3A_53 : i32 to index
        %swap3A_64 = arith.constant 32 : index
        %swap3A_65 = tpu.vector_load %arg9[%swap3A_63, %swap3A_64] {strides = array<i32>} : memref<200x128xf32, #tpu.memory_space<vmem>>, vector<1x16xf32>,
        %swap3A_66 = vector.shape_cast %swap3A_65 : vector<1x16xf32> to vector<16xf32>
        %swap3A_67 = vector.shape_cast %broadcast_in_dim3A_26 : vector<16xf32> to vector<1x16xf32>
        tpu.vector_store %arg9[%swap3A_63, %swap3A_64], %swap3A_67 {strides = array<i32>} : memref<200x128xf32, #tpu.memory_space<vmem>>, vector<1x16xf32>,
        %swap3A_68 = arith.index_cast %scan3A_53 : i32 to index
        %swap3A_69 = arith.constant 48 : index
        %swap3A_70 = tpu.vector_load %arg9[%swap3A_68, %swap3A_69] {strides = array<i32>} : memref<200x128xf32, #tpu.memory_space<vmem>>, vector<1x16xf32>,
        %swap3A_71 = vector.shape_cast %swap3A_70 : vector<1x16xf32> to vector<16xf32>
        %swap3A_72 = vector.shape_cast %broadcast_in_dim3A_26 : vector<16xf32> to vector<1x16xf32>
        tpu.vector_store %arg9[%swap3A_68, %swap3A_69], %swap3A_72 {strides = array<i32>} : memref<200x128xf32, #tpu.memory_space<vmem>>, vector<1x16xf32>,
        %swap3A_73 = arith.index_cast %scan3A_53 : i32 to index
        %swap3A_74 = arith.constant 64 : index
        %swap3A_75 = tpu.vector_load %arg9[%swap3A_73, %swap3A_74] {strides = array<i32>} : memref<200x128xf32, #tpu.memory_space<vmem>>, vector<1x16xf32>,
        %swap3A_76 = vector.shape_cast %swap3A_75 : vector<1x16xf32> to vector<16xf32>
        %swap3A_77 = vector.shape_cast %broadcast_in_dim3A_26 : vector<16xf32> to vector<1x16xf32>
        tpu.vector_store %arg9[%swap3A_73, %swap3A_74], %swap3A_77 {strides = array<i32>} : memref<200x128xf32, #tpu.memory_space<vmem>>, vector<1x16xf32>,
        %swap3A_78 = arith.index_cast %scan3A_53 : i32 to index
        %swap3A_79 = arith.constant 80 : index
        %swap3A_80 = tpu.vector_load %arg9[%swap3A_78, %swap3A_79] {strides = array<i32>} : memref<200x128xf32, #tpu.memory_space<vmem>>, vector<1x16xf32>,
        %swap3A_81 = vector.shape_cast %swap3A_80 : vector<1x16xf32> to vector<16xf32>
        %swap3A_82 = vector.shape_cast %broadcast_in_dim3A_26 : vector<16xf32> to vector<1x16xf32>
        tpu.vector_store %arg9[%swap3A_78, %swap3A_79], %swap3A_82 {strides = array<i32>} : memref<200x128xf32, #tpu.memory_space<vmem>>, vector<1x16xf32>,
        %swap3A_83 = arith.index_cast %scan3A_53 : i32 to index
        %swap3A_84 = arith.constant 96 : index
        %swap3A_85 = tpu.vector_load %arg9[%swap3A_83, %swap3A_84] {strides = array<i32>} : memref<200x128xf32, #tpu.memory_space<vmem>>, vector<1x16xf32>,
        %swap3A_86 = vector.shape_cast %swap3A_85 : vector<1x16xf32> to vector<16xf32>
        %swap3A_87 = vector.shape_cast %broadcast_in_dim3A_26 : vector<16xf32> to vector<1x16xf32>
        tpu.vector_store %arg9[%swap3A_83, %swap3A_84], %swap3A_87 {strides = array<i32>} : memref<200x128xf32, #tpu.memory_space<vmem>>, vector<1x16xf32>,
        %swap3A_88 = arith.index_cast %scan3A_53 : i32 to index
        %swap3A_89 = arith.constant 112 : index
        %swap3A_90 = tpu.vector_load %arg9[%swap3A_88, %swap3A_89] {strides = array<i32>} : memref<200x128xf32, #tpu.memory_space<vmem>>, vector<1x16xf32>,
        %swap3A_91 = vector.shape_cast %swap3A_90 : vector<1x16xf32> to vector<16xf32>
        %swap3A_92 = vector.shape_cast %broadcast_in_dim3A_26 : vector<16xf32> to vector<1x16xf32>
        tpu.vector_store %arg9[%swap3A_88, %swap3A_89], %swap3A_92 {strides = array<i32>} : memref<200x128xf32, #tpu.memory_space<vmem>>, vector<1x16xf32>,
      }
      %scan3A_32 = arith.constant 200 : i32
      %mul3A_33 = arith.constant 1000 : i32
      %mul3A_34 = arith.muli %arg1, %mul3A_33 : i32
      %add3A_35 = arith.constant 0 : i32
      %add3A_36 = arith.addi %mul3A_34, %add3A_35 : i32
      "tpu.region"() ({
        %run_scoped3A = tpu.sem_alloc : memref<!tpu.dma_semaphore, #tpu.memory_space<semaphore_mem>>
        %dma_start3A = arith.constant 0 : i32
        %dma_start3A_53 = tpu.memref_slice %arg10[%add3A_36, %dma_start3A] : memref<10000x128xf32, #tpu.memory_space<vmem_shared>> -> memref<200x128xf32, #tpu.memory_space<vmem_shared>>
        %dma_start3A_54 = arith.constant 0 : i32
        %dma_start3A_55 = tpu.memref_slice %arg10[%add3A_36, %dma_start3A_54] : memref<10000x128xf32, #tpu.memory_space<vmem_shared>> -> memref<200x128xf32, #tpu.memory_space<vmem_shared>>
        tpu.enqueue_dma source(%arg9 : memref<200x128xf32, #tpu.memory_space<vmem>>) target(%dma_start3A_55 : memref<200x128xf32, #tpu.memory_space<vmem_shared>>) target_semaphore(%run_scoped3A : memref<!tpu.dma_semaphore, #tpu.memory_space<semaphore_mem>>)
        %dma_wait3A = arith.constant 0 : i32
        %dma_wait3A_56 = tpu.memref_slice %arg10[%add3A_36, %dma_wait3A] : memref<10000x128xf32, #tpu.memory_space<vmem_shared>> -> memref<200x128xf32, #tpu.memory_space<vmem_shared>>
        %dma_wait3A_57 = arith.constant 0 : i32
        %dma_wait3A_58 = tpu.memref_slice %arg10[%add3A_36, %dma_wait3A_57] : memref<10000x128xf32, #tpu.memory_space<vmem_shared>> -> memref<200x128xf32, #tpu.memory_space<vmem_shared>>
        tpu.wait_dma2 semaphore(%run_scoped3A : memref<!tpu.dma_semaphore, #tpu.memory_space<semaphore_mem>>) src(%arg9 : memref<200x128xf32, #tpu.memory_space<vmem>>) dst(%dma_wait3A_58 : memref<200x128xf32, #tpu.memory_space<vmem_shared>>)
        tpu.yield
      }) : () -> ()
      %mul3A_37 = arith.constant 1000 : i32
      %mul3A_38 = arith.muli %arg1, %mul3A_37 : i32
      %add3A_39 = arith.constant 200 : i32
      %add3A_40 = arith.addi %mul3A_38, %add3A_39 : i32
      "tpu.region"() ({
        %run_scoped3A = tpu.sem_alloc : memref<!tpu.dma_semaphore, #tpu.memory_space<semaphore_mem>>
        %dma_start3A = arith.constant 0 : i32
        %dma_start3A_53 = tpu.memref_slice %arg10[%add3A_40, %dma_start3A] : memref<10000x128xf32, #tpu.memory_space<vmem_shared>> -> memref<200x128xf32, #tpu.memory_space<vmem_shared>>
        %dma_start3A_54 = arith.constant 0 : i32
        %dma_start3A_55 = tpu.memref_slice %arg10[%add3A_40, %dma_start3A_54] : memref<10000x128xf32, #tpu.memory_space<vmem_shared>> -> memref<200x128xf32, #tpu.memory_space<vmem_shared>>
        tpu.enqueue_dma source(%arg9 : memref<200x128xf32, #tpu.memory_space<vmem>>) target(%dma_start3A_55 : memref<200x128xf32, #tpu.memory_space<vmem_shared>>) target_semaphore(%run_scoped3A : memref<!tpu.dma_semaphore, #tpu.memory_space<semaphore_mem>>)
        %dma_wait3A = arith.constant 0 : i32
        %dma_wait3A_56 = tpu.memref_slice %arg10[%add3A_40, %dma_wait3A] : memref<10000x128xf32, #tpu.memory_space<vmem_shared>> -> memref<200x128xf32, #tpu.memory_space<vmem_shared>>
        %dma_wait3A_57 = arith.constant 0 : i32
        %dma_wait3A_58 = tpu.memref_slice %arg10[%add3A_40, %dma_wait3A_57] : memref<10000x128xf32, #tpu.memory_space<vmem_shared>> -> memref<200x128xf32, #tpu.memory_space<vmem_shared>>
        tpu.wait_dma2 semaphore(%run_scoped3A : memref<!tpu.dma_semaphore, #tpu.memory_space<semaphore_mem>>) src(%arg9 : memref<200x128xf32, #tpu.memory_space<vmem>>) dst(%dma_wait3A_58 : memref<200x128xf32, #tpu.memory_space<vmem_shared>>)
        tpu.yield
      }) : () -> ()
      %mul3A_41 = arith.constant 1000 : i32
      %mul3A_42 = arith.muli %arg1, %mul3A_41 : i32
      %add3A_43 = arith.constant 400 : i32
      %add3A_44 = arith.addi %mul3A_42, %add3A_43 : i32
      "tpu.region"() ({
        %run_scoped3A = tpu.sem_alloc : memref<!tpu.dma_semaphore, #tpu.memory_space<semaphore_mem>>
        %dma_start3A = arith.constant 0 : i32
        %dma_start3A_53 = tpu.memref_slice %arg10[%add3A_44, %dma_start3A] : memref<10000x128xf32, #tpu.memory_space<vmem_shared>> -> memref<200x128xf32, #tpu.memory_space<vmem_shared>>
        %dma_start3A_54 = arith.constant 0 : i32
        %dma_start3A_55 = tpu.memref_slice %arg10[%add3A_44, %dma_start3A_54] : memref<10000x128xf32, #tpu.memory_space<vmem_shared>> -> memref<200x128xf32, #tpu.memory_space<vmem_shared>>
        tpu.enqueue_dma source(%arg9 : memref<200x128xf32, #tpu.memory_space<vmem>>) target(%dma_start3A_55 : memref<200x128xf32, #tpu.memory_space<vmem_shared>>) target_semaphore(%run_scoped3A : memref<!tpu.dma_semaphore, #tpu.memory_space<semaphore_mem>>)
        %dma_wait3A = arith.constant 0 : i32
        %dma_wait3A_56 = tpu.memref_slice %arg10[%add3A_44, %dma_wait3A] : memref<10000x128xf32, #tpu.memory_space<vmem_shared>> -> memref<200x128xf32, #tpu.memory_space<vmem_shared>>
        %dma_wait3A_57 = arith.constant 0 : i32
        %dma_wait3A_58 = tpu.memref_slice %arg10[%add3A_44, %dma_wait3A_57] : memref<10000x128xf32, #tpu.memory_space<vmem_shared>> -> memref<200x128xf32, #tpu.memory_space<vmem_shared>>
        tpu.wait_dma2 semaphore(%run_scoped3A : memref<!tpu.dma_semaphore, #tpu.memory_space<semaphore_mem>>) src(%arg9 : memref<200x128xf32, #tpu.memory_space<vmem>>) dst(%dma_wait3A_58 : memref<200x128xf32, #tpu.memory_space<vmem_shared>>)
        tpu.yield
      }) : () -> ()
      %mul3A_45 = arith.constant 1000 : i32
      %mul3A_46 = arith.muli %arg1, %mul3A_45 : i32
      %add3A_47 = arith.constant 600 : i32
      %add3A_48 = arith.addi %mul3A_46, %add3A_47 : i32
      "tpu.region"() ({
        %run_scoped3A = tpu.sem_alloc : memref<!tpu.dma_semaphore, #tpu.memory_space<semaphore_mem>>
        %dma_start3A = arith.constant 0 : i32
        %dma_start3A_53 = tpu.memref_slice %arg10[%add3A_48, %dma_start3A] : memref<10000x128xf32, #tpu.memory_space<vmem_shared>> -> memref<200x128xf32, #tpu.memory_space<vmem_shared>>
        %dma_start3A_54 = arith.constant 0 : i32
        %dma_start3A_55 = tpu.memref_slice %arg10[%add3A_48, %dma_start3A_54] : memref<10000x128xf32, #tpu.memory_space<vmem_shared>> -> memref<200x128xf32, #tpu.memory_space<vmem_shared>>
        tpu.enqueue_dma source(%arg9 : memref<200x128xf32, #tpu.memory_space<vmem>>) target(%dma_start3A_55 : memref<200x128xf32, #tpu.memory_space<vmem_shared>>) target_semaphore(%run_scoped3A : memref<!tpu.dma_semaphore, #tpu.memory_space<semaphore_mem>>)
        %dma_wait3A = arith.constant 0 : i32
        %dma_wait3A_56 = tpu.memref_slice %arg10[%add3A_48, %dma_wait3A] : memref<10000x128xf32, #tpu.memory_space<vmem_shared>> -> memref<200x128xf32, #tpu.memory_space<vmem_shared>>
        %dma_wait3A_57 = arith.constant 0 : i32
        %dma_wait3A_58 = tpu.memref_slice %arg10[%add3A_48, %dma_wait3A_57] : memref<10000x128xf32, #tpu.memory_space<vmem_shared>> -> memref<200x128xf32, #tpu.memory_space<vmem_shared>>
        tpu.wait_dma2 semaphore(%run_scoped3A : memref<!tpu.dma_semaphore, #tpu.memory_space<semaphore_mem>>) src(%arg9 : memref<200x128xf32, #tpu.memory_space<vmem>>) dst(%dma_wait3A_58 : memref<200x128xf32, #tpu.memory_space<vmem_shared>>)
        tpu.yield
      }) : () -> ()
      %mul3A_49 = arith.constant 1000 : i32
      %mul3A_50 = arith.muli %arg1, %mul3A_49 : i32
      %add3A_51 = arith.constant 800 : i32
      %add3A_52 = arith.addi %mul3A_50, %add3A_51 : i32
      "tpu.region"() ({
        %run_scoped3A = tpu.sem_alloc : memref<!tpu.dma_semaphore, #tpu.memory_space<semaphore_mem>>
        %dma_start3A = arith.constant 0 : i32
        %dma_start3A_53 = tpu.memref_slice %arg10[%add3A_52, %dma_start3A] : memref<10000x128xf32, #tpu.memory_space<vmem_shared>> -> memref<200x128xf32, #tpu.memory_space<vmem_shared>>
        %dma_start3A_54 = arith.constant 0 : i32
        %dma_start3A_55 = tpu.memref_slice %arg10[%add3A_52, %dma_start3A_54] : memref<10000x128xf32, #tpu.memory_space<vmem_shared>> -> memref<200x128xf32, #tpu.memory_space<vmem_shared>>
        tpu.enqueue_dma source(%arg9 : memref<200x128xf32, #tpu.memory_space<vmem>>) target(%dma_start3A_55 : memref<200x128xf32, #tpu.memory_space<vmem_shared>>) target_semaphore(%run_scoped3A : memref<!tpu.dma_semaphore, #tpu.memory_space<semaphore_mem>>)
        %dma_wait3A = arith.constant 0 : i32
        %dma_wait3A_56 = tpu.memref_slice %arg10[%add3A_52, %dma_wait3A] : memref<10000x128xf32, #tpu.memory_space<vmem_shared>> -> memref<200x128xf32, #tpu.memory_space<vmem_shared>>
        %dma_wait3A_57 = arith.constant 0 : i32
        %dma_wait3A_58 = tpu.memref_slice %arg10[%add3A_52, %dma_wait3A_57] : memref<10000x128xf32, #tpu.memory_space<vmem_shared>> -> memref<200x128xf32, #tpu.memory_space<vmem_shared>>
        tpu.wait_dma2 semaphore(%run_scoped3A : memref<!tpu.dma_semaphore, #tpu.memory_space<semaphore_mem>>) src(%arg9 : memref<200x128xf32, #tpu.memory_space<vmem>>) dst(%dma_wait3A_58 : memref<200x128xf32, #tpu.memory_space<vmem_shared>>)
        tpu.yield
      }) : () -> ()
    } else {
    }
    %barrier3A = arith.constant 0 : index
    tpu.barrier barrier_id(%barrier3A)
    %mul3A = arith.constant 20000 : i32
    %mul3A_2 = arith.muli %arg1, %mul3A : i32
    %add3A = arith.constant 0 : i32
    %add3A_3 = arith.addi %add3A, %mul3A_2 : i32
    %scan3A = arith.constant 0 : i32
    %scan3A_4 = arith.constant 0 : i32
    %scan3A_5 = arith.constant 250 : i32
    %scan3A_6 = arith.addi %scan3A_4, %scan3A_5 : i32
    %scan3A_7 = arith.constant 1 : i32
    scf.for %scan3A_26 = %scan3A_4 to %scan3A_6 step %scan3A_7  : i32 {
      %mul3A_27 = arith.constant 80 : i32
      %mul3A_28 = arith.muli %scan3A_26, %mul3A_27 : i32
      %add3A_29 = arith.addi %add3A_3, %mul3A_28 : i32
      "tpu.region"() ({
        %run_scoped3A = tpu.sem_alloc : memref<!tpu.dma_semaphore, #tpu.memory_space<semaphore_mem>>
        %dma_start3A = tpu.memref_slice %arg4[%add3A_29] : memref<1920000xi32, #tpu.memory_space<hbm>> -> memref<80xi32, #tpu.memory_space<hbm>>
        %dma_start3A_40 = tpu.memref_slice %arg4[%add3A_29] : memref<1920000xi32, #tpu.memory_space<hbm>> -> memref<80xi32, #tpu.memory_space<hbm>>
        tpu.enqueue_dma source(%dma_start3A_40 : memref<80xi32, #tpu.memory_space<hbm>>) target(%arg7 : memref<80xi32, #tpu.memory_space<vmem>>) target_semaphore(%run_scoped3A : memref<!tpu.dma_semaphore, #tpu.memory_space<semaphore_mem>>)
        %dma_wait3A = tpu.memref_slice %arg4[%add3A_29] : memref<1920000xi32, #tpu.memory_space<hbm>> -> memref<80xi32, #tpu.memory_space<hbm>>
        %dma_wait3A_41 = tpu.memref_slice %arg4[%add3A_29] : memref<1920000xi32, #tpu.memory_space<hbm>> -> memref<80xi32, #tpu.memory_space<hbm>>
        tpu.wait_dma2 semaphore(%run_scoped3A : memref<!tpu.dma_semaphore, #tpu.memory_space<semaphore_mem>>) src(%dma_wait3A_41 : memref<80xi32, #tpu.memory_space<hbm>>) dst(%arg7 : memref<80xi32, #tpu.memory_space<vmem>>)
        tpu.yield
      }) : () -> ()
      %eq3A_30 = arith.constant 0 : i32
      %eq3A_31 = arith.cmpi eq, %arg0, %eq3A_30 : i32
      %convert_element_type3A_32 = arith.extui %eq3A_31 : i1 to i32
      %cond3A_33 = arith.constant 0 : i32
      %cond3A_34 = arith.cmpi ne, %convert_element_type3A_32, %cond3A_33 : i32
      scf.if %cond3A_34 {
        "tpu.region"() ({
          %run_scoped3A = tpu.sem_alloc : memref<!tpu.dma_semaphore, #tpu.memory_space<semaphore_mem>>
          %dma_start3A = arith.constant 0 : i32
          %dma_start3A_40 = tpu.memref_slice %arg2[%add3A_29, %dma_start3A] : memref<1920000x128xf32, #tpu.memory_space<hbm>> -> memref<80x128xf32, #tpu.memory_space<hbm>>
          %dma_start3A_41 = arith.constant 0 : i32
          %dma_start3A_42 = tpu.memref_slice %arg2[%add3A_29, %dma_start3A_41] : memref<1920000x128xf32, #tpu.memory_space<hbm>> -> memref<80x128xf32, #tpu.memory_space<hbm>>
          tpu.enqueue_dma source(%dma_start3A_42 : memref<80x128xf32, #tpu.memory_space<hbm>>) target(%arg8 : memref<80x128xf32, #tpu.memory_space<vmem>>) target_semaphore(%run_scoped3A : memref<!tpu.dma_semaphore, #tpu.memory_space<semaphore_mem>>)
          %dma_wait3A = arith.constant 0 : i32
          %dma_wait3A_43 = tpu.memref_slice %arg2[%add3A_29, %dma_wait3A] : memref<1920000x128xf32, #tpu.memory_space<hbm>> -> memref<80x128xf32, #tpu.memory_space<hbm>>
          %dma_wait3A_44 = arith.constant 0 : i32
          %dma_wait3A_45 = tpu.memref_slice %arg2[%add3A_29, %dma_wait3A_44] : memref<1920000x128xf32, #tpu.memory_space<hbm>> -> memref<80x128xf32, #tpu.memory_space<hbm>>
          tpu.wait_dma2 semaphore(%run_scoped3A : memref<!tpu.dma_semaphore, #tpu.memory_space<semaphore_mem>>) src(%dma_wait3A_45 : memref<80x128xf32, #tpu.memory_space<hbm>>) dst(%arg8 : memref<80x128xf32, #tpu.memory_space<vmem>>)
          tpu.yield
        }) : () -> ()
      } else {
      }
      %eq3A_35 = arith.constant 1 : i32
      %eq3A_36 = arith.cmpi eq, %arg0, %eq3A_35 : i32
      %convert_element_type3A_37 = arith.extui %eq3A_36 : i1 to i32
      %cond3A_38 = arith.constant 0 : i32
      %cond3A_39 = arith.cmpi ne, %convert_element_type3A_37, %cond3A_38 : i32
      scf.if %cond3A_39 {
        "tpu.region"() ({
          %run_scoped3A = tpu.sem_alloc : memref<!tpu.dma_semaphore, #tpu.memory_space<semaphore_mem>>
          %dma_start3A = arith.constant 0 : i32
          %dma_start3A_40 = tpu.memref_slice %arg3[%add3A_29, %dma_start3A] : memref<1920000x128xf32, #tpu.memory_space<hbm>> -> memref<80x128xf32, #tpu.memory_space<hbm>>
          %dma_start3A_41 = arith.constant 0 : i32
          %dma_start3A_42 = tpu.memref_slice %arg3[%add3A_29, %dma_start3A_41] : memref<1920000x128xf32, #tpu.memory_space<hbm>> -> memref<80x128xf32, #tpu.memory_space<hbm>>
          tpu.enqueue_dma source(%dma_start3A_42 : memref<80x128xf32, #tpu.memory_space<hbm>>) target(%arg8 : memref<80x128xf32, #tpu.memory_space<vmem>>) target_semaphore(%run_scoped3A : memref<!tpu.dma_semaphore, #tpu.memory_space<semaphore_mem>>)
          %dma_wait3A = arith.constant 0 : i32
          %dma_wait3A_43 = tpu.memref_slice %arg3[%add3A_29, %dma_wait3A] : memref<1920000x128xf32, #tpu.memory_space<hbm>> -> memref<80x128xf32, #tpu.memory_space<hbm>>
          %dma_wait3A_44 = arith.constant 0 : i32
          %dma_wait3A_45 = tpu.memref_slice %arg3[%add3A_29, %dma_wait3A_44] : memref<1920000x128xf32, #tpu.memory_space<hbm>> -> memref<80x128xf32, #tpu.memory_space<hbm>>
          tpu.wait_dma2 semaphore(%run_scoped3A : memref<!tpu.dma_semaphore, #tpu.memory_space<semaphore_mem>>) src(%dma_wait3A_45 : memref<80x128xf32, #tpu.memory_space<hbm>>) dst(%arg8 : memref<80x128xf32, #tpu.memory_space<vmem>>)
          tpu.yield
        }) : () -> ()
      } else {
      }
      "tpu.region"() ({
        %run_scoped3A = tpu.sem_alloc : memref<!tpu.dma_semaphore, #tpu.memory_space<semaphore_mem>>
        %dma_start3A = arith.constant 0 : i32
        %dma_start3A_40 = arith.constant 0 : i32
        %dma_start3A_41 = tpu.memref_slice %arg10[%dma_start3A, %dma_start3A_40] : memref<10000x128xf32, #tpu.memory_space<vmem_shared>> -> memref<10000x128xf32, #tpu.memory_space<vmem_shared>>
        tpu.enqueue_indirect_dma source(%arg8 : memref<80x128xf32, #tpu.memory_space<vmem>>) target(%dma_start3A_41 : memref<10000x128xf32, #tpu.memory_space<vmem_shared>>) offsets(%arg7 : memref<80xi32, #tpu.memory_space<vmem>>) semaphore(%run_scoped3A : memref<!tpu.dma_semaphore, #tpu.memory_space<semaphore_mem>>) {add = true}
        %dma_wait3A = arith.constant 0 : i32
        %dma_wait3A_42 = arith.constant 0 : i32
        %dma_wait3A_43 = tpu.memref_slice %arg10[%dma_wait3A, %dma_wait3A_42] : memref<10000x128xf32, #tpu.memory_space<vmem_shared>> -> memref<10000x128xf32, #tpu.memory_space<vmem_shared>>
        tpu.wait_indirect_dma semaphore(%run_scoped3A : memref<!tpu.dma_semaphore, #tpu.memory_space<semaphore_mem>>) src(%arg8 : memref<80x128xf32, #tpu.memory_space<vmem>>) dst(%dma_wait3A_43 : memref<10000x128xf32, #tpu.memory_space<vmem_shared>>)
        tpu.yield
      }) : () -> ()
    }
    %scan3A_8 = arith.constant 250 : i32
    %barrier3A_9 = arith.constant 0 : index
    tpu.barrier barrier_id(%barrier3A_9)
    %mul3A_10 = arith.constant 1000 : i32
    %mul3A_11 = arith.muli %arg1, %mul3A_10 : i32
    %eq3A = arith.constant 0 : i32
    %eq3A_12 = arith.cmpi eq, %arg0, %eq3A : i32
    %lt3A_13 = arith.constant 10 : i32
    %lt3A_14 = arith.cmpi slt, %arg1, %lt3A_13 : i32
    %and3A = arith.andi %eq3A_12, %lt3A_14 : i1
    %convert_element_type3A_15 = arith.extui %and3A : i1 to i32
    %cond3A_16 = arith.constant 0 : i32
    %cond3A_17 = arith.cmpi ne, %convert_element_type3A_15, %cond3A_16 : i32
    scf.if %cond3A_17 {
      "tpu.region"() ({
        %run_scoped3A = tpu.sem_alloc : memref<!tpu.dma_semaphore, #tpu.memory_space<semaphore_mem>>
        %dma_start3A = arith.constant 0 : i32
        %dma_start3A_26 = tpu.memref_slice %arg5[%mul3A_11, %dma_start3A] : memref<10000x128xf32, #tpu.memory_space<hbm>> -> memref<1000x128xf32, #tpu.memory_space<hbm>>
        %dma_start3A_27 = arith.constant 0 : i32
        %dma_start3A_28 = tpu.memref_slice %arg10[%mul3A_11, %dma_start3A_27] : memref<10000x128xf32, #tpu.memory_space<vmem_shared>> -> memref<1000x128xf32, #tpu.memory_space<vmem_shared>>
        tpu.enqueue_dma source(%dma_start3A_28 : memref<1000x128xf32, #tpu.memory_space<vmem_shared>>) target(%dma_start3A_26 : memref<1000x128xf32, #tpu.memory_space<hbm>>) target_semaphore(%run_scoped3A : memref<!tpu.dma_semaphore, #tpu.memory_space<semaphore_mem>>)
        %dma_wait3A = arith.constant 0 : i32
        %dma_wait3A_29 = tpu.memref_slice %arg5[%mul3A_11, %dma_wait3A] : memref<10000x128xf32, #tpu.memory_space<hbm>> -> memref<1000x128xf32, #tpu.memory_space<hbm>>
        %dma_wait3A_30 = arith.constant 0 : i32
        %dma_wait3A_31 = tpu.memref_slice %arg10[%mul3A_11, %dma_wait3A_30] : memref<10000x128xf32, #tpu.memory_space<vmem_shared>> -> memref<1000x128xf32, #tpu.memory_space<vmem_shared>>
        tpu.wait_dma2 semaphore(%run_scoped3A : memref<!tpu.dma_semaphore, #tpu.memory_space<semaphore_mem>>) src(%dma_wait3A_31 : memref<1000x128xf32, #tpu.memory_space<vmem_shared>>) dst(%dma_wait3A_29 : memref<1000x128xf32, #tpu.memory_space<hbm>>)
        tpu.yield
      }) : () -> ()
    } else {
    }
    %eq3A_18 = arith.constant 1 : i32
    %eq3A_19 = arith.cmpi eq, %arg0, %eq3A_18 : i32
    %lt3A_20 = arith.constant 10 : i32
    %lt3A_21 = arith.cmpi slt, %arg1, %lt3A_20 : i32
    %and3A_22 = arith.andi %eq3A_19, %lt3A_21 : i1
    %convert_element_type3A_23 = arith.extui %and3A_22 : i1 to i32
    %cond3A_24 = arith.constant 0 : i32
    %cond3A_25 = arith.cmpi ne, %convert_element_type3A_23, %cond3A_24 : i32
    scf.if %cond3A_25 {
      "tpu.region"() ({
        %run_scoped3A = tpu.sem_alloc : memref<!tpu.dma_semaphore, #tpu.memory_space<semaphore_mem>>
        %dma_start3A = arith.constant 0 : i32
        %dma_start3A_26 = tpu.memref_slice %arg6[%mul3A_11, %dma_start3A] : memref<10000x128xf32, #tpu.memory_space<hbm>> -> memref<1000x128xf32, #tpu.memory_space<hbm>>
        %dma_start3A_27 = arith.constant 0 : i32
        %dma_start3A_28 = tpu.memref_slice %arg10[%mul3A_11, %dma_start3A_27] : memref<10000x128xf32, #tpu.memory_space<vmem_shared>> -> memref<1000x128xf32, #tpu.memory_space<vmem_shared>>
        tpu.enqueue_dma source(%dma_start3A_28 : memref<1000x128xf32, #tpu.memory_space<vmem_shared>>) target(%dma_start3A_26 : memref<1000x128xf32, #tpu.memory_space<hbm>>) target_semaphore(%run_scoped3A : memref<!tpu.dma_semaphore, #tpu.memory_space<semaphore_mem>>)
        %dma_wait3A = arith.constant 0 : i32
        %dma_wait3A_29 = tpu.memref_slice %arg6[%mul3A_11, %dma_wait3A] : memref<10000x128xf32, #tpu.memory_space<hbm>> -> memref<1000x128xf32, #tpu.memory_space<hbm>>
        %dma_wait3A_30 = arith.constant 0 : i32
        %dma_wait3A_31 = tpu.memref_slice %arg10[%mul3A_11, %dma_wait3A_30] : memref<10000x128xf32, #tpu.memory_space<vmem_shared>> -> memref<1000x128xf32, #tpu.memory_space<vmem_shared>>
        tpu.wait_dma2 semaphore(%run_scoped3A : memref<!tpu.dma_semaphore, #tpu.memory_space<semaphore_mem>>) src(%dma_wait3A_31 : memref<1000x128xf32, #tpu.memory_space<vmem_shared>>) dst(%dma_wait3A_29 : memref<1000x128xf32, #tpu.memory_space<hbm>>)
        tpu.yield
      }) : () -> ()
    } else {
    }
    return
  }
}

#map = affine_map<(d0, d1) -> (0, 0)>
#map1 = affine_map<(d0, d1) -> (0)>
module attributes {stable_mosaic.version = 14 : i64} {
  func.func @sk(%arg0: i32, %arg1: i32, %arg2: memref<1920000x128xf32, #tpu.memory_space<hbm>>, %arg3: memref<1920000x128xf32, #tpu.memory_space<hbm>>, %arg4: memref<1920000xi32, #tpu.memory_space<hbm>>, %arg5: memref<10000x128xf32, #tpu.memory_space<hbm>>, %arg6: memref<10000x128xf32, #tpu.memory_space<hbm>>, %arg7: memref<80xi32, #tpu.memory_space<vmem>>, %arg8: memref<80x128xf32, #tpu.memory_space<vmem>>, %arg9: memref<200x128xf32, #tpu.memory_space<vmem>>, %arg10: memref<10000x128xf32, #tpu.memory_space<vmem_shared>>, %arg11: memref<!tpu.dma_semaphore, #tpu.memory_space<semaphore_mem>>) attributes {dimension_semantics = [#tpu.dimension_semantics<core_parallel>, #tpu.dimension_semantics<subcore_parallel>], iteration_bounds = array<i64: 2, 16>, scalar_prefetch = 0 : i64, scratch_operands = 5 : i64, tpu.core_type = #tpu.core_type<sc_vector_subcore>, window_params = [{transform_indices = #map}, {transform_indices = #map}, {transform_indices = #map1}, {transform_indices = #map}, {transform_indices = #map}]} {
    %lt3A = arith.constant 10 : i32
    %lt3A_0 = arith.cmpi slt, %arg1, %lt3A : i32
    %convert_element_type3A = arith.extui %lt3A_0 : i1 to i32
    %cond3A = arith.constant 0 : i32
    %cond3A_1 = arith.cmpi ne, %convert_element_type3A, %cond3A : i32
    scf.if %cond3A_1 {
      %broadcast_in_dim3A = arith.constant 0.000000e+00 : f32
      %broadcast_in_dim3A_26 = vector.broadcast %broadcast_in_dim3A : f32 to vector<16xf32>
      %scan3A_27 = arith.constant 0 : i32
      %scan3A_28 = arith.constant 0 : i32
      %scan3A_29 = arith.constant 200 : i32
      %scan3A_30 = arith.addi %scan3A_28, %scan3A_29 : i32
      %scan3A_31 = arith.constant 1 : i32
      scf.for %scan3A_53 = %scan3A_28 to %scan3A_30 step %scan3A_31  : i32 {
        %swap3A = arith.index_cast %scan3A_53 : i32 to index
        %swap3A_54 = arith.constant 0 : index
        %swap3A_55 = tpu.vector_load %arg9[%swap3A, %swap3A_54] {strides = array<i32>} : memref<200x128xf32, #tpu.memory_space<vmem>>, vector<1x16xf32>,
        %swap3A_56 = vector.shape_cast %swap3A_55 : vector<1x16xf32> to vector<16xf32>
        %swap3A_57 = vector.shape_cast %broadcast_in_dim3A_26 : vector<16xf32> to vector<1x16xf32>
        tpu.vector_store %arg9[%swap3A, %swap3A_54], %swap3A_57 {strides = array<i32>} : memref<200x128xf32, #tpu.memory_space<vmem>>, vector<1x16xf32>,
        %swap3A_58 = arith.index_cast %scan3A_53 : i32 to index
        %swap3A_59 = arith.constant 16 : index
        %swap3A_60 = tpu.vector_load %arg9[%swap3A_58, %swap3A_59] {strides = array<i32>} : memref<200x128xf32, #tpu.memory_space<vmem>>, vector<1x16xf32>,
        %swap3A_61 = vector.shape_cast %swap3A_60 : vector<1x16xf32> to vector<16xf32>
        %swap3A_62 = vector.shape_cast %broadcast_in_dim3A_26 : vector<16xf32> to vector<1x16xf32>
        tpu.vector_store %arg9[%swap3A_58, %swap3A_59], %swap3A_62 {strides = array<i32>} : memref<200x128xf32, #tpu.memory_space<vmem>>, vector<1x16xf32>,
        %swap3A_63 = arith.index_cast %scan3A_53 : i32 to index
        %swap3A_64 = arith.constant 32 : index
        %swap3A_65 = tpu.vector_load %arg9[%swap3A_63, %swap3A_64] {strides = array<i32>} : memref<200x128xf32, #tpu.memory_space<vmem>>, vector<1x16xf32>,
        %swap3A_66 = vector.shape_cast %swap3A_65 : vector<1x16xf32> to vector<16xf32>
        %swap3A_67 = vector.shape_cast %broadcast_in_dim3A_26 : vector<16xf32> to vector<1x16xf32>
        tpu.vector_store %arg9[%swap3A_63, %swap3A_64], %swap3A_67 {strides = array<i32>} : memref<200x128xf32, #tpu.memory_space<vmem>>, vector<1x16xf32>,
        %swap3A_68 = arith.index_cast %scan3A_53 : i32 to index
        %swap3A_69 = arith.constant 48 : index
        %swap3A_70 = tpu.vector_load %arg9[%swap3A_68, %swap3A_69] {strides = array<i32>} : memref<200x128xf32, #tpu.memory_space<vmem>>, vector<1x16xf32>,
        %swap3A_71 = vector.shape_cast %swap3A_70 : vector<1x16xf32> to vector<16xf32>
        %swap3A_72 = vector.shape_cast %broadcast_in_dim3A_26 : vector<16xf32> to vector<1x16xf32>
        tpu.vector_store %arg9[%swap3A_68, %swap3A_69], %swap3A_72 {strides = array<i32>} : memref<200x128xf32, #tpu.memory_space<vmem>>, vector<1x16xf32>,
        %swap3A_73 = arith.index_cast %scan3A_53 : i32 to index
        %swap3A_74 = arith.constant 64 : index
        %swap3A_75 = tpu.vector_load %arg9[%swap3A_73, %swap3A_74] {strides = array<i32>} : memref<200x128xf32, #tpu.memory_space<vmem>>, vector<1x16xf32>,
        %swap3A_76 = vector.shape_cast %swap3A_75 : vector<1x16xf32> to vector<16xf32>
        %swap3A_77 = vector.shape_cast %broadcast_in_dim3A_26 : vector<16xf32> to vector<1x16xf32>
        tpu.vector_store %arg9[%swap3A_73, %swap3A_74], %swap3A_77 {strides = array<i32>} : memref<200x128xf32, #tpu.memory_space<vmem>>, vector<1x16xf32>,
        %swap3A_78 = arith.index_cast %scan3A_53 : i32 to index
        %swap3A_79 = arith.constant 80 : index
        %swap3A_80 = tpu.vector_load %arg9[%swap3A_78, %swap3A_79] {strides = array<i32>} : memref<200x128xf32, #tpu.memory_space<vmem>>, vector<1x16xf32>,
        %swap3A_81 = vector.shape_cast %swap3A_80 : vector<1x16xf32> to vector<16xf32>
        %swap3A_82 = vector.shape_cast %broadcast_in_dim3A_26 : vector<16xf32> to vector<1x16xf32>
        tpu.vector_store %arg9[%swap3A_78, %swap3A_79], %swap3A_82 {strides = array<i32>} : memref<200x128xf32, #tpu.memory_space<vmem>>, vector<1x16xf32>,
        %swap3A_83 = arith.index_cast %scan3A_53 : i32 to index
        %swap3A_84 = arith.constant 96 : index
        %swap3A_85 = tpu.vector_load %arg9[%swap3A_83, %swap3A_84] {strides = array<i32>} : memref<200x128xf32, #tpu.memory_space<vmem>>, vector<1x16xf32>,
        %swap3A_86 = vector.shape_cast %swap3A_85 : vector<1x16xf32> to vector<16xf32>
        %swap3A_87 = vector.shape_cast %broadcast_in_dim3A_26 : vector<16xf32> to vector<1x16xf32>
        tpu.vector_store %arg9[%swap3A_83, %swap3A_84], %swap3A_87 {strides = array<i32>} : memref<200x128xf32, #tpu.memory_space<vmem>>, vector<1x16xf32>,
        %swap3A_88 = arith.index_cast %scan3A_53 : i32 to index
        %swap3A_89 = arith.constant 112 : index
        %swap3A_90 = tpu.vector_load %arg9[%swap3A_88, %swap3A_89] {strides = array<i32>} : memref<200x128xf32, #tpu.memory_space<vmem>>, vector<1x16xf32>,
        %swap3A_91 = vector.shape_cast %swap3A_90 : vector<1x16xf32> to vector<16xf32>
        %swap3A_92 = vector.shape_cast %broadcast_in_dim3A_26 : vector<16xf32> to vector<1x16xf32>
        tpu.vector_store %arg9[%swap3A_88, %swap3A_89], %swap3A_92 {strides = array<i32>} : memref<200x128xf32, #tpu.memory_space<vmem>>, vector<1x16xf32>,
      }
      %scan3A_32 = arith.constant 200 : i32
      %mul3A_33 = arith.constant 1000 : i32
      %mul3A_34 = arith.muli %arg1, %mul3A_33 : i32
      %add3A_35 = arith.constant 0 : i32
      %add3A_36 = arith.addi %mul3A_34, %add3A_35 : i32
      "tpu.region"() ({
        %run_scoped3A = tpu.sem_alloc : memref<!tpu.dma_semaphore, #tpu.memory_space<semaphore_mem>>
        %dma_start3A = arith.constant 0 : i32
        %dma_start3A_53 = tpu.memref_slice %arg10[%add3A_36, %dma_start3A] : memref<10000x128xf32, #tpu.memory_space<vmem_shared>> -> memref<200x128xf32, #tpu.memory_space<vmem_shared>>
        %dma_start3A_54 = arith.constant 0 : i32
        %dma_start3A_55 = tpu.memref_slice %arg10[%add3A_36, %dma_start3A_54] : memref<10000x128xf32, #tpu.memory_space<vmem_shared>> -> memref<200x128xf32, #tpu.memory_space<vmem_shared>>
        tpu.enqueue_dma source(%arg9 : memref<200x128xf32, #tpu.memory_space<vmem>>) target(%dma_start3A_55 : memref<200x128xf32, #tpu.memory_space<vmem_shared>>) target_semaphore(%run_scoped3A : memref<!tpu.dma_semaphore, #tpu.memory_space<semaphore_mem>>)
        %dma_wait3A = arith.constant 0 : i32
        %dma_wait3A_56 = tpu.memref_slice %arg10[%add3A_36, %dma_wait3A] : memref<10000x128xf32, #tpu.memory_space<vmem_shared>> -> memref<200x128xf32, #tpu.memory_space<vmem_shared>>
        %dma_wait3A_57 = arith.constant 0 : i32
        %dma_wait3A_58 = tpu.memref_slice %arg10[%add3A_36, %dma_wait3A_57] : memref<10000x128xf32, #tpu.memory_space<vmem_shared>> -> memref<200x128xf32, #tpu.memory_space<vmem_shared>>
        tpu.wait_dma2 semaphore(%run_scoped3A : memref<!tpu.dma_semaphore, #tpu.memory_space<semaphore_mem>>) src(%arg9 : memref<200x128xf32, #tpu.memory_space<vmem>>) dst(%dma_wait3A_58 : memref<200x128xf32, #tpu.memory_space<vmem_shared>>)
        tpu.yield
      }) : () -> ()
      %mul3A_37 = arith.constant 1000 : i32
      %mul3A_38 = arith.muli %arg1, %mul3A_37 : i32
      %add3A_39 = arith.constant 200 : i32
      %add3A_40 = arith.addi %mul3A_38, %add3A_39 : i32
      "tpu.region"() ({
        %run_scoped3A = tpu.sem_alloc : memref<!tpu.dma_semaphore, #tpu.memory_space<semaphore_mem>>
        %dma_start3A = arith.constant 0 : i32
        %dma_start3A_53 = tpu.memref_slice %arg10[%add3A_40, %dma_start3A] : memref<10000x128xf32, #tpu.memory_space<vmem_shared>> -> memref<200x128xf32, #tpu.memory_space<vmem_shared>>
        %dma_start3A_54 = arith.constant 0 : i32
        %dma_start3A_55 = tpu.memref_slice %arg10[%add3A_40, %dma_start3A_54] : memref<10000x128xf32, #tpu.memory_space<vmem_shared>> -> memref<200x128xf32, #tpu.memory_space<vmem_shared>>
        tpu.enqueue_dma source(%arg9 : memref<200x128xf32, #tpu.memory_space<vmem>>) target(%dma_start3A_55 : memref<200x128xf32, #tpu.memory_space<vmem_shared>>) target_semaphore(%run_scoped3A : memref<!tpu.dma_semaphore, #tpu.memory_space<semaphore_mem>>)
        %dma_wait3A = arith.constant 0 : i32
        %dma_wait3A_56 = tpu.memref_slice %arg10[%add3A_40, %dma_wait3A] : memref<10000x128xf32, #tpu.memory_space<vmem_shared>> -> memref<200x128xf32, #tpu.memory_space<vmem_shared>>
        %dma_wait3A_57 = arith.constant 0 : i32
        %dma_wait3A_58 = tpu.memref_slice %arg10[%add3A_40, %dma_wait3A_57] : memref<10000x128xf32, #tpu.memory_space<vmem_shared>> -> memref<200x128xf32, #tpu.memory_space<vmem_shared>>
        tpu.wait_dma2 semaphore(%run_scoped3A : memref<!tpu.dma_semaphore, #tpu.memory_space<semaphore_mem>>) src(%arg9 : memref<200x128xf32, #tpu.memory_space<vmem>>) dst(%dma_wait3A_58 : memref<200x128xf32, #tpu.memory_space<vmem_shared>>)
        tpu.yield
      }) : () -> ()
      %mul3A_41 = arith.constant 1000 : i32
      %mul3A_42 = arith.muli %arg1, %mul3A_41 : i32
      %add3A_43 = arith.constant 400 : i32
      %add3A_44 = arith.addi %mul3A_42, %add3A_43 : i32
      "tpu.region"() ({
        %run_scoped3A = tpu.sem_alloc : memref<!tpu.dma_semaphore, #tpu.memory_space<semaphore_mem>>
        %dma_start3A = arith.constant 0 : i32
        %dma_start3A_53 = tpu.memref_slice %arg10[%add3A_44, %dma_start3A] : memref<10000x128xf32, #tpu.memory_space<vmem_shared>> -> memref<200x128xf32, #tpu.memory_space<vmem_shared>>
        %dma_start3A_54 = arith.constant 0 : i32
        %dma_start3A_55 = tpu.memref_slice %arg10[%add3A_44, %dma_start3A_54] : memref<10000x128xf32, #tpu.memory_space<vmem_shared>> -> memref<200x128xf32, #tpu.memory_space<vmem_shared>>
        tpu.enqueue_dma source(%arg9 : memref<200x128xf32, #tpu.memory_space<vmem>>) target(%dma_start3A_55 : memref<200x128xf32, #tpu.memory_space<vmem_shared>>) target_semaphore(%run_scoped3A : memref<!tpu.dma_semaphore, #tpu.memory_space<semaphore_mem>>)
        %dma_wait3A = arith.constant 0 : i32
        %dma_wait3A_56 = tpu.memref_slice %arg10[%add3A_44, %dma_wait3A] : memref<10000x128xf32, #tpu.memory_space<vmem_shared>> -> memref<200x128xf32, #tpu.memory_space<vmem_shared>>
        %dma_wait3A_57 = arith.constant 0 : i32
        %dma_wait3A_58 = tpu.memref_slice %arg10[%add3A_44, %dma_wait3A_57] : memref<10000x128xf32, #tpu.memory_space<vmem_shared>> -> memref<200x128xf32, #tpu.memory_space<vmem_shared>>
        tpu.wait_dma2 semaphore(%run_scoped3A : memref<!tpu.dma_semaphore, #tpu.memory_space<semaphore_mem>>) src(%arg9 : memref<200x128xf32, #tpu.memory_space<vmem>>) dst(%dma_wait3A_58 : memref<200x128xf32, #tpu.memory_space<vmem_shared>>)
        tpu.yield
      }) : () -> ()
      %mul3A_45 = arith.constant 1000 : i32
      %mul3A_46 = arith.muli %arg1, %mul3A_45 : i32
      %add3A_47 = arith.constant 600 : i32
      %add3A_48 = arith.addi %mul3A_46, %add3A_47 : i32
      "tpu.region"() ({
        %run_scoped3A = tpu.sem_alloc : memref<!tpu.dma_semaphore, #tpu.memory_space<semaphore_mem>>
        %dma_start3A = arith.constant 0 : i32
        %dma_start3A_53 = tpu.memref_slice %arg10[%add3A_48, %dma_start3A] : memref<10000x128xf32, #tpu.memory_space<vmem_shared>> -> memref<200x128xf32, #tpu.memory_space<vmem_shared>>
        %dma_start3A_54 = arith.constant 0 : i32
        %dma_start3A_55 = tpu.memref_slice %arg10[%add3A_48, %dma_start3A_54] : memref<10000x128xf32, #tpu.memory_space<vmem_shared>> -> memref<200x128xf32, #tpu.memory_space<vmem_shared>>
        tpu.enqueue_dma source(%arg9 : memref<200x128xf32, #tpu.memory_space<vmem>>) target(%dma_start3A_55 : memref<200x128xf32, #tpu.memory_space<vmem_shared>>) target_semaphore(%run_scoped3A : memref<!tpu.dma_semaphore, #tpu.memory_space<semaphore_mem>>)
        %dma_wait3A = arith.constant 0 : i32
        %dma_wait3A_56 = tpu.memref_slice %arg10[%add3A_48, %dma_wait3A] : memref<10000x128xf32, #tpu.memory_space<vmem_shared>> -> memref<200x128xf32, #tpu.memory_space<vmem_shared>>
        %dma_wait3A_57 = arith.constant 0 : i32
        %dma_wait3A_58 = tpu.memref_slice %arg10[%add3A_48, %dma_wait3A_57] : memref<10000x128xf32, #tpu.memory_space<vmem_shared>> -> memref<200x128xf32, #tpu.memory_space<vmem_shared>>
        tpu.wait_dma2 semaphore(%run_scoped3A : memref<!tpu.dma_semaphore, #tpu.memory_space<semaphore_mem>>) src(%arg9 : memref<200x128xf32, #tpu.memory_space<vmem>>) dst(%dma_wait3A_58 : memref<200x128xf32, #tpu.memory_space<vmem_shared>>)
        tpu.yield
      }) : () -> ()
      %mul3A_49 = arith.constant 1000 : i32
      %mul3A_50 = arith.muli %arg1, %mul3A_49 : i32
      %add3A_51 = arith.constant 800 : i32
      %add3A_52 = arith.addi %mul3A_50, %add3A_51 : i32
      "tpu.region"() ({
        %run_scoped3A = tpu.sem_alloc : memref<!tpu.dma_semaphore, #tpu.memory_space<semaphore_mem>>
        %dma_start3A = arith.constant 0 : i32
        %dma_start3A_53 = tpu.memref_slice %arg10[%add3A_52, %dma_start3A] : memref<10000x128xf32, #tpu.memory_space<vmem_shared>> -> memref<200x128xf32, #tpu.memory_space<vmem_shared>>
        %dma_start3A_54 = arith.constant 0 : i32
        %dma_start3A_55 = tpu.memref_slice %arg10[%add3A_52, %dma_start3A_54] : memref<10000x128xf32, #tpu.memory_space<vmem_shared>> -> memref<200x128xf32, #tpu.memory_space<vmem_shared>>
        tpu.enqueue_dma source(%arg9 : memref<200x128xf32, #tpu.memory_space<vmem>>) target(%dma_start3A_55 : memref<200x128xf32, #tpu.memory_space<vmem_shared>>) target_semaphore(%run_scoped3A : memref<!tpu.dma_semaphore, #tpu.memory_space<semaphore_mem>>)
        %dma_wait3A = arith.constant 0 : i32
        %dma_wait3A_56 = tpu.memref_slice %arg10[%add3A_52, %dma_wait3A] : memref<10000x128xf32, #tpu.memory_space<vmem_shared>> -> memref<200x128xf32, #tpu.memory_space<vmem_shared>>
        %dma_wait3A_57 = arith.constant 0 : i32
        %dma_wait3A_58 = tpu.memref_slice %arg10[%add3A_52, %dma_wait3A_57] : memref<10000x128xf32, #tpu.memory_space<vmem_shared>> -> memref<200x128xf32, #tpu.memory_space<vmem_shared>>
        tpu.wait_dma2 semaphore(%run_scoped3A : memref<!tpu.dma_semaphore, #tpu.memory_space<semaphore_mem>>) src(%arg9 : memref<200x128xf32, #tpu.memory_space<vmem>>) dst(%dma_wait3A_58 : memref<200x128xf32, #tpu.memory_space<vmem_shared>>)
        tpu.yield
      }) : () -> ()
    } else {
    }
    %barrier3A = arith.constant 0 : index
    tpu.barrier barrier_id(%barrier3A)
    %mul3A = arith.constant 40000 : i32
    %mul3A_2 = arith.muli %arg1, %mul3A : i32
    %add3A = arith.constant 320000 : i32
    %add3A_3 = arith.addi %add3A, %mul3A_2 : i32
    %scan3A = arith.constant 0 : i32
    %scan3A_4 = arith.constant 0 : i32
    %scan3A_5 = arith.constant 500 : i32
    %scan3A_6 = arith.addi %scan3A_4, %scan3A_5 : i32
    %scan3A_7 = arith.constant 1 : i32
    scf.for %scan3A_26 = %scan3A_4 to %scan3A_6 step %scan3A_7  : i32 {
      %mul3A_27 = arith.constant 80 : i32
      %mul3A_28 = arith.muli %scan3A_26, %mul3A_27 : i32
      %add3A_29 = arith.addi %add3A_3, %mul3A_28 : i32
      "tpu.region"() ({
        %run_scoped3A = tpu.sem_alloc : memref<!tpu.dma_semaphore, #tpu.memory_space<semaphore_mem>>
        %dma_start3A = tpu.memref_slice %arg4[%add3A_29] : memref<1920000xi32, #tpu.memory_space<hbm>> -> memref<80xi32, #tpu.memory_space<hbm>>
        %dma_start3A_40 = tpu.memref_slice %arg4[%add3A_29] : memref<1920000xi32, #tpu.memory_space<hbm>> -> memref<80xi32, #tpu.memory_space<hbm>>
        tpu.enqueue_dma source(%dma_start3A_40 : memref<80xi32, #tpu.memory_space<hbm>>) target(%arg7 : memref<80xi32, #tpu.memory_space<vmem>>) target_semaphore(%run_scoped3A : memref<!tpu.dma_semaphore, #tpu.memory_space<semaphore_mem>>)
        %dma_wait3A = tpu.memref_slice %arg4[%add3A_29] : memref<1920000xi32, #tpu.memory_space<hbm>> -> memref<80xi32, #tpu.memory_space<hbm>>
        %dma_wait3A_41 = tpu.memref_slice %arg4[%add3A_29] : memref<1920000xi32, #tpu.memory_space<hbm>> -> memref<80xi32, #tpu.memory_space<hbm>>
        tpu.wait_dma2 semaphore(%run_scoped3A : memref<!tpu.dma_semaphore, #tpu.memory_space<semaphore_mem>>) src(%dma_wait3A_41 : memref<80xi32, #tpu.memory_space<hbm>>) dst(%arg7 : memref<80xi32, #tpu.memory_space<vmem>>)
        tpu.yield
      }) : () -> ()
      %eq3A_30 = arith.constant 0 : i32
      %eq3A_31 = arith.cmpi eq, %arg0, %eq3A_30 : i32
      %convert_element_type3A_32 = arith.extui %eq3A_31 : i1 to i32
      %cond3A_33 = arith.constant 0 : i32
      %cond3A_34 = arith.cmpi ne, %convert_element_type3A_32, %cond3A_33 : i32
      scf.if %cond3A_34 {
        "tpu.region"() ({
          %run_scoped3A = tpu.sem_alloc : memref<!tpu.dma_semaphore, #tpu.memory_space<semaphore_mem>>
          %dma_start3A = arith.constant 0 : i32
          %dma_start3A_40 = tpu.memref_slice %arg2[%add3A_29, %dma_start3A] : memref<1920000x128xf32, #tpu.memory_space<hbm>> -> memref<80x128xf32, #tpu.memory_space<hbm>>
          %dma_start3A_41 = arith.constant 0 : i32
          %dma_start3A_42 = tpu.memref_slice %arg2[%add3A_29, %dma_start3A_41] : memref<1920000x128xf32, #tpu.memory_space<hbm>> -> memref<80x128xf32, #tpu.memory_space<hbm>>
          tpu.enqueue_dma source(%dma_start3A_42 : memref<80x128xf32, #tpu.memory_space<hbm>>) target(%arg8 : memref<80x128xf32, #tpu.memory_space<vmem>>) target_semaphore(%run_scoped3A : memref<!tpu.dma_semaphore, #tpu.memory_space<semaphore_mem>>)
          %dma_wait3A = arith.constant 0 : i32
          %dma_wait3A_43 = tpu.memref_slice %arg2[%add3A_29, %dma_wait3A] : memref<1920000x128xf32, #tpu.memory_space<hbm>> -> memref<80x128xf32, #tpu.memory_space<hbm>>
          %dma_wait3A_44 = arith.constant 0 : i32
          %dma_wait3A_45 = tpu.memref_slice %arg2[%add3A_29, %dma_wait3A_44] : memref<1920000x128xf32, #tpu.memory_space<hbm>> -> memref<80x128xf32, #tpu.memory_space<hbm>>
          tpu.wait_dma2 semaphore(%run_scoped3A : memref<!tpu.dma_semaphore, #tpu.memory_space<semaphore_mem>>) src(%dma_wait3A_45 : memref<80x128xf32, #tpu.memory_space<hbm>>) dst(%arg8 : memref<80x128xf32, #tpu.memory_space<vmem>>)
          tpu.yield
        }) : () -> ()
      } else {
      }
      %eq3A_35 = arith.constant 1 : i32
      %eq3A_36 = arith.cmpi eq, %arg0, %eq3A_35 : i32
      %convert_element_type3A_37 = arith.extui %eq3A_36 : i1 to i32
      %cond3A_38 = arith.constant 0 : i32
      %cond3A_39 = arith.cmpi ne, %convert_element_type3A_37, %cond3A_38 : i32
      scf.if %cond3A_39 {
        "tpu.region"() ({
          %run_scoped3A = tpu.sem_alloc : memref<!tpu.dma_semaphore, #tpu.memory_space<semaphore_mem>>
          %dma_start3A = arith.constant 0 : i32
          %dma_start3A_40 = tpu.memref_slice %arg3[%add3A_29, %dma_start3A] : memref<1920000x128xf32, #tpu.memory_space<hbm>> -> memref<80x128xf32, #tpu.memory_space<hbm>>
          %dma_start3A_41 = arith.constant 0 : i32
          %dma_start3A_42 = tpu.memref_slice %arg3[%add3A_29, %dma_start3A_41] : memref<1920000x128xf32, #tpu.memory_space<hbm>> -> memref<80x128xf32, #tpu.memory_space<hbm>>
          tpu.enqueue_dma source(%dma_start3A_42 : memref<80x128xf32, #tpu.memory_space<hbm>>) target(%arg8 : memref<80x128xf32, #tpu.memory_space<vmem>>) target_semaphore(%run_scoped3A : memref<!tpu.dma_semaphore, #tpu.memory_space<semaphore_mem>>)
          %dma_wait3A = arith.constant 0 : i32
          %dma_wait3A_43 = tpu.memref_slice %arg3[%add3A_29, %dma_wait3A] : memref<1920000x128xf32, #tpu.memory_space<hbm>> -> memref<80x128xf32, #tpu.memory_space<hbm>>
          %dma_wait3A_44 = arith.constant 0 : i32
          %dma_wait3A_45 = tpu.memref_slice %arg3[%add3A_29, %dma_wait3A_44] : memref<1920000x128xf32, #tpu.memory_space<hbm>> -> memref<80x128xf32, #tpu.memory_space<hbm>>
          tpu.wait_dma2 semaphore(%run_scoped3A : memref<!tpu.dma_semaphore, #tpu.memory_space<semaphore_mem>>) src(%dma_wait3A_45 : memref<80x128xf32, #tpu.memory_space<hbm>>) dst(%arg8 : memref<80x128xf32, #tpu.memory_space<vmem>>)
          tpu.yield
        }) : () -> ()
      } else {
      }
      "tpu.region"() ({
        %run_scoped3A = tpu.sem_alloc : memref<!tpu.dma_semaphore, #tpu.memory_space<semaphore_mem>>
        %dma_start3A = arith.constant 0 : i32
        %dma_start3A_40 = arith.constant 0 : i32
        %dma_start3A_41 = tpu.memref_slice %arg10[%dma_start3A, %dma_start3A_40] : memref<10000x128xf32, #tpu.memory_space<vmem_shared>> -> memref<10000x128xf32, #tpu.memory_space<vmem_shared>>
        tpu.enqueue_indirect_dma source(%arg8 : memref<80x128xf32, #tpu.memory_space<vmem>>) target(%dma_start3A_41 : memref<10000x128xf32, #tpu.memory_space<vmem_shared>>) offsets(%arg7 : memref<80xi32, #tpu.memory_space<vmem>>) semaphore(%run_scoped3A : memref<!tpu.dma_semaphore, #tpu.memory_space<semaphore_mem>>) {add = true}
        %dma_wait3A = arith.constant 0 : i32
        %dma_wait3A_42 = arith.constant 0 : i32
        %dma_wait3A_43 = tpu.memref_slice %arg10[%dma_wait3A, %dma_wait3A_42] : memref<10000x128xf32, #tpu.memory_space<vmem_shared>> -> memref<10000x128xf32, #tpu.memory_space<vmem_shared>>
        tpu.wait_indirect_dma semaphore(%run_scoped3A : memref<!tpu.dma_semaphore, #tpu.memory_space<semaphore_mem>>) src(%arg8 : memref<80x128xf32, #tpu.memory_space<vmem>>) dst(%dma_wait3A_43 : memref<10000x128xf32, #tpu.memory_space<vmem_shared>>)
        tpu.yield
      }) : () -> ()
    }
    %scan3A_8 = arith.constant 500 : i32
    %barrier3A_9 = arith.constant 0 : index
    tpu.barrier barrier_id(%barrier3A_9)
    %mul3A_10 = arith.constant 1000 : i32
    %mul3A_11 = arith.muli %arg1, %mul3A_10 : i32
    %eq3A = arith.constant 0 : i32
    %eq3A_12 = arith.cmpi eq, %arg0, %eq3A : i32
    %lt3A_13 = arith.constant 10 : i32
    %lt3A_14 = arith.cmpi slt, %arg1, %lt3A_13 : i32
    %and3A = arith.andi %eq3A_12, %lt3A_14 : i1
    %convert_element_type3A_15 = arith.extui %and3A : i1 to i32
    %cond3A_16 = arith.constant 0 : i32
    %cond3A_17 = arith.cmpi ne, %convert_element_type3A_15, %cond3A_16 : i32
    scf.if %cond3A_17 {
      "tpu.region"() ({
        %run_scoped3A = tpu.sem_alloc : memref<!tpu.dma_semaphore, #tpu.memory_space<semaphore_mem>>
        %dma_start3A = arith.constant 0 : i32
        %dma_start3A_26 = tpu.memref_slice %arg5[%mul3A_11, %dma_start3A] : memref<10000x128xf32, #tpu.memory_space<hbm>> -> memref<1000x128xf32, #tpu.memory_space<hbm>>
        %dma_start3A_27 = arith.constant 0 : i32
        %dma_start3A_28 = tpu.memref_slice %arg10[%mul3A_11, %dma_start3A_27] : memref<10000x128xf32, #tpu.memory_space<vmem_shared>> -> memref<1000x128xf32, #tpu.memory_space<vmem_shared>>
        tpu.enqueue_dma source(%dma_start3A_28 : memref<1000x128xf32, #tpu.memory_space<vmem_shared>>) target(%dma_start3A_26 : memref<1000x128xf32, #tpu.memory_space<hbm>>) target_semaphore(%run_scoped3A : memref<!tpu.dma_semaphore, #tpu.memory_space<semaphore_mem>>)
        %dma_wait3A = arith.constant 0 : i32
        %dma_wait3A_29 = tpu.memref_slice %arg5[%mul3A_11, %dma_wait3A] : memref<10000x128xf32, #tpu.memory_space<hbm>> -> memref<1000x128xf32, #tpu.memory_space<hbm>>
        %dma_wait3A_30 = arith.constant 0 : i32
        %dma_wait3A_31 = tpu.memref_slice %arg10[%mul3A_11, %dma_wait3A_30] : memref<10000x128xf32, #tpu.memory_space<vmem_shared>> -> memref<1000x128xf32, #tpu.memory_space<vmem_shared>>
        tpu.wait_dma2 semaphore(%run_scoped3A : memref<!tpu.dma_semaphore, #tpu.memory_space<semaphore_mem>>) src(%dma_wait3A_31 : memref<1000x128xf32, #tpu.memory_space<vmem_shared>>) dst(%dma_wait3A_29 : memref<1000x128xf32, #tpu.memory_space<hbm>>)
        tpu.yield
      }) : () -> ()
    } else {
    }
    %eq3A_18 = arith.constant 1 : i32
    %eq3A_19 = arith.cmpi eq, %arg0, %eq3A_18 : i32
    %lt3A_20 = arith.constant 10 : i32
    %lt3A_21 = arith.cmpi slt, %arg1, %lt3A_20 : i32
    %and3A_22 = arith.andi %eq3A_19, %lt3A_21 : i1
    %convert_element_type3A_23 = arith.extui %and3A_22 : i1 to i32
    %cond3A_24 = arith.constant 0 : i32
    %cond3A_25 = arith.cmpi ne, %convert_element_type3A_23, %cond3A_24 : i32
    scf.if %cond3A_25 {
      "tpu.region"() ({
        %run_scoped3A = tpu.sem_alloc : memref<!tpu.dma_semaphore, #tpu.memory_space<semaphore_mem>>
        %dma_start3A = arith.constant 0 : i32
        %dma_start3A_26 = tpu.memref_slice %arg6[%mul3A_11, %dma_start3A] : memref<10000x128xf32, #tpu.memory_space<hbm>> -> memref<1000x128xf32, #tpu.memory_space<hbm>>
        %dma_start3A_27 = arith.constant 0 : i32
        %dma_start3A_28 = tpu.memref_slice %arg10[%mul3A_11, %dma_start3A_27] : memref<10000x128xf32, #tpu.memory_space<vmem_shared>> -> memref<1000x128xf32, #tpu.memory_space<vmem_shared>>
        tpu.enqueue_dma source(%dma_start3A_28 : memref<1000x128xf32, #tpu.memory_space<vmem_shared>>) target(%dma_start3A_26 : memref<1000x128xf32, #tpu.memory_space<hbm>>) target_semaphore(%run_scoped3A : memref<!tpu.dma_semaphore, #tpu.memory_space<semaphore_mem>>)
        %dma_wait3A = arith.constant 0 : i32
        %dma_wait3A_29 = tpu.memref_slice %arg6[%mul3A_11, %dma_wait3A] : memref<10000x128xf32, #tpu.memory_space<hbm>> -> memref<1000x128xf32, #tpu.memory_space<hbm>>
        %dma_wait3A_30 = arith.constant 0 : i32
        %dma_wait3A_31 = tpu.memref_slice %arg10[%mul3A_11, %dma_wait3A_30] : memref<10000x128xf32, #tpu.memory_space<vmem_shared>> -> memref<1000x128xf32, #tpu.memory_space<vmem_shared>>
        tpu.wait_dma2 semaphore(%run_scoped3A : memref<!tpu.dma_semaphore, #tpu.memory_space<semaphore_mem>>) src(%dma_wait3A_31 : memref<1000x128xf32, #tpu.memory_space<vmem_shared>>) dst(%dma_wait3A_29 : memref<1000x128xf32, #tpu.memory_space<hbm>>)
        tpu.yield
      }) : () -> ()
    } else {
    }
    return
  }
}

#map = affine_map<(d0, d1) -> (0, 0)>
#map1 = affine_map<(d0, d1) -> (0)>
module attributes {stable_mosaic.version = 14 : i64} {
  func.func @sk(%arg0: i32, %arg1: i32, %arg2: memref<1920000x128xf32, #tpu.memory_space<hbm>>, %arg3: memref<1920000x128xf32, #tpu.memory_space<hbm>>, %arg4: memref<1920000xi32, #tpu.memory_space<hbm>>, %arg5: memref<10000x128xf32, #tpu.memory_space<hbm>>, %arg6: memref<10000x128xf32, #tpu.memory_space<hbm>>, %arg7: memref<80xi32, #tpu.memory_space<vmem>>, %arg8: memref<80x128xf32, #tpu.memory_space<vmem>>, %arg9: memref<200x128xf32, #tpu.memory_space<vmem>>, %arg10: memref<10000x128xf32, #tpu.memory_space<vmem_shared>>, %arg11: memref<!tpu.dma_semaphore, #tpu.memory_space<semaphore_mem>>) attributes {dimension_semantics = [#tpu.dimension_semantics<core_parallel>, #tpu.dimension_semantics<subcore_parallel>], iteration_bounds = array<i64: 2, 16>, scalar_prefetch = 0 : i64, scratch_operands = 5 : i64, tpu.core_type = #tpu.core_type<sc_vector_subcore>, window_params = [{transform_indices = #map}, {transform_indices = #map}, {transform_indices = #map1}, {transform_indices = #map}, {transform_indices = #map}]} {
    %lt3A = arith.constant 10 : i32
    %lt3A_0 = arith.cmpi slt, %arg1, %lt3A : i32
    %convert_element_type3A = arith.extui %lt3A_0 : i1 to i32
    %cond3A = arith.constant 0 : i32
    %cond3A_1 = arith.cmpi ne, %convert_element_type3A, %cond3A : i32
    scf.if %cond3A_1 {
      %broadcast_in_dim3A = arith.constant 0.000000e+00 : f32
      %broadcast_in_dim3A_26 = vector.broadcast %broadcast_in_dim3A : f32 to vector<16xf32>
      %scan3A_27 = arith.constant 0 : i32
      %scan3A_28 = arith.constant 0 : i32
      %scan3A_29 = arith.constant 200 : i32
      %scan3A_30 = arith.addi %scan3A_28, %scan3A_29 : i32
      %scan3A_31 = arith.constant 1 : i32
      scf.for %scan3A_53 = %scan3A_28 to %scan3A_30 step %scan3A_31  : i32 {
        %swap3A = arith.index_cast %scan3A_53 : i32 to index
        %swap3A_54 = arith.constant 0 : index
        %swap3A_55 = tpu.vector_load %arg9[%swap3A, %swap3A_54] {strides = array<i32>} : memref<200x128xf32, #tpu.memory_space<vmem>>, vector<1x16xf32>,
        %swap3A_56 = vector.shape_cast %swap3A_55 : vector<1x16xf32> to vector<16xf32>
        %swap3A_57 = vector.shape_cast %broadcast_in_dim3A_26 : vector<16xf32> to vector<1x16xf32>
        tpu.vector_store %arg9[%swap3A, %swap3A_54], %swap3A_57 {strides = array<i32>} : memref<200x128xf32, #tpu.memory_space<vmem>>, vector<1x16xf32>,
        %swap3A_58 = arith.index_cast %scan3A_53 : i32 to index
        %swap3A_59 = arith.constant 16 : index
        %swap3A_60 = tpu.vector_load %arg9[%swap3A_58, %swap3A_59] {strides = array<i32>} : memref<200x128xf32, #tpu.memory_space<vmem>>, vector<1x16xf32>,
        %swap3A_61 = vector.shape_cast %swap3A_60 : vector<1x16xf32> to vector<16xf32>
        %swap3A_62 = vector.shape_cast %broadcast_in_dim3A_26 : vector<16xf32> to vector<1x16xf32>
        tpu.vector_store %arg9[%swap3A_58, %swap3A_59], %swap3A_62 {strides = array<i32>} : memref<200x128xf32, #tpu.memory_space<vmem>>, vector<1x16xf32>,
        %swap3A_63 = arith.index_cast %scan3A_53 : i32 to index
        %swap3A_64 = arith.constant 32 : index
        %swap3A_65 = tpu.vector_load %arg9[%swap3A_63, %swap3A_64] {strides = array<i32>} : memref<200x128xf32, #tpu.memory_space<vmem>>, vector<1x16xf32>,
        %swap3A_66 = vector.shape_cast %swap3A_65 : vector<1x16xf32> to vector<16xf32>
        %swap3A_67 = vector.shape_cast %broadcast_in_dim3A_26 : vector<16xf32> to vector<1x16xf32>
        tpu.vector_store %arg9[%swap3A_63, %swap3A_64], %swap3A_67 {strides = array<i32>} : memref<200x128xf32, #tpu.memory_space<vmem>>, vector<1x16xf32>,
        %swap3A_68 = arith.index_cast %scan3A_53 : i32 to index
        %swap3A_69 = arith.constant 48 : index
        %swap3A_70 = tpu.vector_load %arg9[%swap3A_68, %swap3A_69] {strides = array<i32>} : memref<200x128xf32, #tpu.memory_space<vmem>>, vector<1x16xf32>,
        %swap3A_71 = vector.shape_cast %swap3A_70 : vector<1x16xf32> to vector<16xf32>
        %swap3A_72 = vector.shape_cast %broadcast_in_dim3A_26 : vector<16xf32> to vector<1x16xf32>
        tpu.vector_store %arg9[%swap3A_68, %swap3A_69], %swap3A_72 {strides = array<i32>} : memref<200x128xf32, #tpu.memory_space<vmem>>, vector<1x16xf32>,
        %swap3A_73 = arith.index_cast %scan3A_53 : i32 to index
        %swap3A_74 = arith.constant 64 : index
        %swap3A_75 = tpu.vector_load %arg9[%swap3A_73, %swap3A_74] {strides = array<i32>} : memref<200x128xf32, #tpu.memory_space<vmem>>, vector<1x16xf32>,
        %swap3A_76 = vector.shape_cast %swap3A_75 : vector<1x16xf32> to vector<16xf32>
        %swap3A_77 = vector.shape_cast %broadcast_in_dim3A_26 : vector<16xf32> to vector<1x16xf32>
        tpu.vector_store %arg9[%swap3A_73, %swap3A_74], %swap3A_77 {strides = array<i32>} : memref<200x128xf32, #tpu.memory_space<vmem>>, vector<1x16xf32>,
        %swap3A_78 = arith.index_cast %scan3A_53 : i32 to index
        %swap3A_79 = arith.constant 80 : index
        %swap3A_80 = tpu.vector_load %arg9[%swap3A_78, %swap3A_79] {strides = array<i32>} : memref<200x128xf32, #tpu.memory_space<vmem>>, vector<1x16xf32>,
        %swap3A_81 = vector.shape_cast %swap3A_80 : vector<1x16xf32> to vector<16xf32>
        %swap3A_82 = vector.shape_cast %broadcast_in_dim3A_26 : vector<16xf32> to vector<1x16xf32>
        tpu.vector_store %arg9[%swap3A_78, %swap3A_79], %swap3A_82 {strides = array<i32>} : memref<200x128xf32, #tpu.memory_space<vmem>>, vector<1x16xf32>,
        %swap3A_83 = arith.index_cast %scan3A_53 : i32 to index
        %swap3A_84 = arith.constant 96 : index
        %swap3A_85 = tpu.vector_load %arg9[%swap3A_83, %swap3A_84] {strides = array<i32>} : memref<200x128xf32, #tpu.memory_space<vmem>>, vector<1x16xf32>,
        %swap3A_86 = vector.shape_cast %swap3A_85 : vector<1x16xf32> to vector<16xf32>
        %swap3A_87 = vector.shape_cast %broadcast_in_dim3A_26 : vector<16xf32> to vector<1x16xf32>
        tpu.vector_store %arg9[%swap3A_83, %swap3A_84], %swap3A_87 {strides = array<i32>} : memref<200x128xf32, #tpu.memory_space<vmem>>, vector<1x16xf32>,
        %swap3A_88 = arith.index_cast %scan3A_53 : i32 to index
        %swap3A_89 = arith.constant 112 : index
        %swap3A_90 = tpu.vector_load %arg9[%swap3A_88, %swap3A_89] {strides = array<i32>} : memref<200x128xf32, #tpu.memory_space<vmem>>, vector<1x16xf32>,
        %swap3A_91 = vector.shape_cast %swap3A_90 : vector<1x16xf32> to vector<16xf32>
        %swap3A_92 = vector.shape_cast %broadcast_in_dim3A_26 : vector<16xf32> to vector<1x16xf32>
        tpu.vector_store %arg9[%swap3A_88, %swap3A_89], %swap3A_92 {strides = array<i32>} : memref<200x128xf32, #tpu.memory_space<vmem>>, vector<1x16xf32>,
      }
      %scan3A_32 = arith.constant 200 : i32
      %mul3A_33 = arith.constant 1000 : i32
      %mul3A_34 = arith.muli %arg1, %mul3A_33 : i32
      %add3A_35 = arith.constant 0 : i32
      %add3A_36 = arith.addi %mul3A_34, %add3A_35 : i32
      "tpu.region"() ({
        %run_scoped3A = tpu.sem_alloc : memref<!tpu.dma_semaphore, #tpu.memory_space<semaphore_mem>>
        %dma_start3A = arith.constant 0 : i32
        %dma_start3A_53 = tpu.memref_slice %arg10[%add3A_36, %dma_start3A] : memref<10000x128xf32, #tpu.memory_space<vmem_shared>> -> memref<200x128xf32, #tpu.memory_space<vmem_shared>>
        %dma_start3A_54 = arith.constant 0 : i32
        %dma_start3A_55 = tpu.memref_slice %arg10[%add3A_36, %dma_start3A_54] : memref<10000x128xf32, #tpu.memory_space<vmem_shared>> -> memref<200x128xf32, #tpu.memory_space<vmem_shared>>
        tpu.enqueue_dma source(%arg9 : memref<200x128xf32, #tpu.memory_space<vmem>>) target(%dma_start3A_55 : memref<200x128xf32, #tpu.memory_space<vmem_shared>>) target_semaphore(%run_scoped3A : memref<!tpu.dma_semaphore, #tpu.memory_space<semaphore_mem>>)
        %dma_wait3A = arith.constant 0 : i32
        %dma_wait3A_56 = tpu.memref_slice %arg10[%add3A_36, %dma_wait3A] : memref<10000x128xf32, #tpu.memory_space<vmem_shared>> -> memref<200x128xf32, #tpu.memory_space<vmem_shared>>
        %dma_wait3A_57 = arith.constant 0 : i32
        %dma_wait3A_58 = tpu.memref_slice %arg10[%add3A_36, %dma_wait3A_57] : memref<10000x128xf32, #tpu.memory_space<vmem_shared>> -> memref<200x128xf32, #tpu.memory_space<vmem_shared>>
        tpu.wait_dma2 semaphore(%run_scoped3A : memref<!tpu.dma_semaphore, #tpu.memory_space<semaphore_mem>>) src(%arg9 : memref<200x128xf32, #tpu.memory_space<vmem>>) dst(%dma_wait3A_58 : memref<200x128xf32, #tpu.memory_space<vmem_shared>>)
        tpu.yield
      }) : () -> ()
      %mul3A_37 = arith.constant 1000 : i32
      %mul3A_38 = arith.muli %arg1, %mul3A_37 : i32
      %add3A_39 = arith.constant 200 : i32
      %add3A_40 = arith.addi %mul3A_38, %add3A_39 : i32
      "tpu.region"() ({
        %run_scoped3A = tpu.sem_alloc : memref<!tpu.dma_semaphore, #tpu.memory_space<semaphore_mem>>
        %dma_start3A = arith.constant 0 : i32
        %dma_start3A_53 = tpu.memref_slice %arg10[%add3A_40, %dma_start3A] : memref<10000x128xf32, #tpu.memory_space<vmem_shared>> -> memref<200x128xf32, #tpu.memory_space<vmem_shared>>
        %dma_start3A_54 = arith.constant 0 : i32
        %dma_start3A_55 = tpu.memref_slice %arg10[%add3A_40, %dma_start3A_54] : memref<10000x128xf32, #tpu.memory_space<vmem_shared>> -> memref<200x128xf32, #tpu.memory_space<vmem_shared>>
        tpu.enqueue_dma source(%arg9 : memref<200x128xf32, #tpu.memory_space<vmem>>) target(%dma_start3A_55 : memref<200x128xf32, #tpu.memory_space<vmem_shared>>) target_semaphore(%run_scoped3A : memref<!tpu.dma_semaphore, #tpu.memory_space<semaphore_mem>>)
        %dma_wait3A = arith.constant 0 : i32
        %dma_wait3A_56 = tpu.memref_slice %arg10[%add3A_40, %dma_wait3A] : memref<10000x128xf32, #tpu.memory_space<vmem_shared>> -> memref<200x128xf32, #tpu.memory_space<vmem_shared>>
        %dma_wait3A_57 = arith.constant 0 : i32
        %dma_wait3A_58 = tpu.memref_slice %arg10[%add3A_40, %dma_wait3A_57] : memref<10000x128xf32, #tpu.memory_space<vmem_shared>> -> memref<200x128xf32, #tpu.memory_space<vmem_shared>>
        tpu.wait_dma2 semaphore(%run_scoped3A : memref<!tpu.dma_semaphore, #tpu.memory_space<semaphore_mem>>) src(%arg9 : memref<200x128xf32, #tpu.memory_space<vmem>>) dst(%dma_wait3A_58 : memref<200x128xf32, #tpu.memory_space<vmem_shared>>)
        tpu.yield
      }) : () -> ()
      %mul3A_41 = arith.constant 1000 : i32
      %mul3A_42 = arith.muli %arg1, %mul3A_41 : i32
      %add3A_43 = arith.constant 400 : i32
      %add3A_44 = arith.addi %mul3A_42, %add3A_43 : i32
      "tpu.region"() ({
        %run_scoped3A = tpu.sem_alloc : memref<!tpu.dma_semaphore, #tpu.memory_space<semaphore_mem>>
        %dma_start3A = arith.constant 0 : i32
        %dma_start3A_53 = tpu.memref_slice %arg10[%add3A_44, %dma_start3A] : memref<10000x128xf32, #tpu.memory_space<vmem_shared>> -> memref<200x128xf32, #tpu.memory_space<vmem_shared>>
        %dma_start3A_54 = arith.constant 0 : i32
        %dma_start3A_55 = tpu.memref_slice %arg10[%add3A_44, %dma_start3A_54] : memref<10000x128xf32, #tpu.memory_space<vmem_shared>> -> memref<200x128xf32, #tpu.memory_space<vmem_shared>>
        tpu.enqueue_dma source(%arg9 : memref<200x128xf32, #tpu.memory_space<vmem>>) target(%dma_start3A_55 : memref<200x128xf32, #tpu.memory_space<vmem_shared>>) target_semaphore(%run_scoped3A : memref<!tpu.dma_semaphore, #tpu.memory_space<semaphore_mem>>)
        %dma_wait3A = arith.constant 0 : i32
        %dma_wait3A_56 = tpu.memref_slice %arg10[%add3A_44, %dma_wait3A] : memref<10000x128xf32, #tpu.memory_space<vmem_shared>> -> memref<200x128xf32, #tpu.memory_space<vmem_shared>>
        %dma_wait3A_57 = arith.constant 0 : i32
        %dma_wait3A_58 = tpu.memref_slice %arg10[%add3A_44, %dma_wait3A_57] : memref<10000x128xf32, #tpu.memory_space<vmem_shared>> -> memref<200x128xf32, #tpu.memory_space<vmem_shared>>
        tpu.wait_dma2 semaphore(%run_scoped3A : memref<!tpu.dma_semaphore, #tpu.memory_space<semaphore_mem>>) src(%arg9 : memref<200x128xf32, #tpu.memory_space<vmem>>) dst(%dma_wait3A_58 : memref<200x128xf32, #tpu.memory_space<vmem_shared>>)
        tpu.yield
      }) : () -> ()
      %mul3A_45 = arith.constant 1000 : i32
      %mul3A_46 = arith.muli %arg1, %mul3A_45 : i32
      %add3A_47 = arith.constant 600 : i32
      %add3A_48 = arith.addi %mul3A_46, %add3A_47 : i32
      "tpu.region"() ({
        %run_scoped3A = tpu.sem_alloc : memref<!tpu.dma_semaphore, #tpu.memory_space<semaphore_mem>>
        %dma_start3A = arith.constant 0 : i32
        %dma_start3A_53 = tpu.memref_slice %arg10[%add3A_48, %dma_start3A] : memref<10000x128xf32, #tpu.memory_space<vmem_shared>> -> memref<200x128xf32, #tpu.memory_space<vmem_shared>>
        %dma_start3A_54 = arith.constant 0 : i32
        %dma_start3A_55 = tpu.memref_slice %arg10[%add3A_48, %dma_start3A_54] : memref<10000x128xf32, #tpu.memory_space<vmem_shared>> -> memref<200x128xf32, #tpu.memory_space<vmem_shared>>
        tpu.enqueue_dma source(%arg9 : memref<200x128xf32, #tpu.memory_space<vmem>>) target(%dma_start3A_55 : memref<200x128xf32, #tpu.memory_space<vmem_shared>>) target_semaphore(%run_scoped3A : memref<!tpu.dma_semaphore, #tpu.memory_space<semaphore_mem>>)
        %dma_wait3A = arith.constant 0 : i32
        %dma_wait3A_56 = tpu.memref_slice %arg10[%add3A_48, %dma_wait3A] : memref<10000x128xf32, #tpu.memory_space<vmem_shared>> -> memref<200x128xf32, #tpu.memory_space<vmem_shared>>
        %dma_wait3A_57 = arith.constant 0 : i32
        %dma_wait3A_58 = tpu.memref_slice %arg10[%add3A_48, %dma_wait3A_57] : memref<10000x128xf32, #tpu.memory_space<vmem_shared>> -> memref<200x128xf32, #tpu.memory_space<vmem_shared>>
        tpu.wait_dma2 semaphore(%run_scoped3A : memref<!tpu.dma_semaphore, #tpu.memory_space<semaphore_mem>>) src(%arg9 : memref<200x128xf32, #tpu.memory_space<vmem>>) dst(%dma_wait3A_58 : memref<200x128xf32, #tpu.memory_space<vmem_shared>>)
        tpu.yield
      }) : () -> ()
      %mul3A_49 = arith.constant 1000 : i32
      %mul3A_50 = arith.muli %arg1, %mul3A_49 : i32
      %add3A_51 = arith.constant 800 : i32
      %add3A_52 = arith.addi %mul3A_50, %add3A_51 : i32
      "tpu.region"() ({
        %run_scoped3A = tpu.sem_alloc : memref<!tpu.dma_semaphore, #tpu.memory_space<semaphore_mem>>
        %dma_start3A = arith.constant 0 : i32
        %dma_start3A_53 = tpu.memref_slice %arg10[%add3A_52, %dma_start3A] : memref<10000x128xf32, #tpu.memory_space<vmem_shared>> -> memref<200x128xf32, #tpu.memory_space<vmem_shared>>
        %dma_start3A_54 = arith.constant 0 : i32
        %dma_start3A_55 = tpu.memref_slice %arg10[%add3A_52, %dma_start3A_54] : memref<10000x128xf32, #tpu.memory_space<vmem_shared>> -> memref<200x128xf32, #tpu.memory_space<vmem_shared>>
        tpu.enqueue_dma source(%arg9 : memref<200x128xf32, #tpu.memory_space<vmem>>) target(%dma_start3A_55 : memref<200x128xf32, #tpu.memory_space<vmem_shared>>) target_semaphore(%run_scoped3A : memref<!tpu.dma_semaphore, #tpu.memory_space<semaphore_mem>>)
        %dma_wait3A = arith.constant 0 : i32
        %dma_wait3A_56 = tpu.memref_slice %arg10[%add3A_52, %dma_wait3A] : memref<10000x128xf32, #tpu.memory_space<vmem_shared>> -> memref<200x128xf32, #tpu.memory_space<vmem_shared>>
        %dma_wait3A_57 = arith.constant 0 : i32
        %dma_wait3A_58 = tpu.memref_slice %arg10[%add3A_52, %dma_wait3A_57] : memref<10000x128xf32, #tpu.memory_space<vmem_shared>> -> memref<200x128xf32, #tpu.memory_space<vmem_shared>>
        tpu.wait_dma2 semaphore(%run_scoped3A : memref<!tpu.dma_semaphore, #tpu.memory_space<semaphore_mem>>) src(%arg9 : memref<200x128xf32, #tpu.memory_space<vmem>>) dst(%dma_wait3A_58 : memref<200x128xf32, #tpu.memory_space<vmem_shared>>)
        tpu.yield
      }) : () -> ()
    } else {
    }
    %barrier3A = arith.constant 0 : index
    tpu.barrier barrier_id(%barrier3A)
    %mul3A = arith.constant 60000 : i32
    %mul3A_2 = arith.muli %arg1, %mul3A : i32
    %add3A = arith.constant 960000 : i32
    %add3A_3 = arith.addi %add3A, %mul3A_2 : i32
    %scan3A = arith.constant 0 : i32
    %scan3A_4 = arith.constant 0 : i32
    %scan3A_5 = arith.constant 750 : i32
    %scan3A_6 = arith.addi %scan3A_4, %scan3A_5 : i32
    %scan3A_7 = arith.constant 1 : i32
    scf.for %scan3A_26 = %scan3A_4 to %scan3A_6 step %scan3A_7  : i32 {
      %mul3A_27 = arith.constant 80 : i32
      %mul3A_28 = arith.muli %scan3A_26, %mul3A_27 : i32
      %add3A_29 = arith.addi %add3A_3, %mul3A_28 : i32
      "tpu.region"() ({
        %run_scoped3A = tpu.sem_alloc : memref<!tpu.dma_semaphore, #tpu.memory_space<semaphore_mem>>
        %dma_start3A = tpu.memref_slice %arg4[%add3A_29] : memref<1920000xi32, #tpu.memory_space<hbm>> -> memref<80xi32, #tpu.memory_space<hbm>>
        %dma_start3A_40 = tpu.memref_slice %arg4[%add3A_29] : memref<1920000xi32, #tpu.memory_space<hbm>> -> memref<80xi32, #tpu.memory_space<hbm>>
        tpu.enqueue_dma source(%dma_start3A_40 : memref<80xi32, #tpu.memory_space<hbm>>) target(%arg7 : memref<80xi32, #tpu.memory_space<vmem>>) target_semaphore(%run_scoped3A : memref<!tpu.dma_semaphore, #tpu.memory_space<semaphore_mem>>)
        %dma_wait3A = tpu.memref_slice %arg4[%add3A_29] : memref<1920000xi32, #tpu.memory_space<hbm>> -> memref<80xi32, #tpu.memory_space<hbm>>
        %dma_wait3A_41 = tpu.memref_slice %arg4[%add3A_29] : memref<1920000xi32, #tpu.memory_space<hbm>> -> memref<80xi32, #tpu.memory_space<hbm>>
        tpu.wait_dma2 semaphore(%run_scoped3A : memref<!tpu.dma_semaphore, #tpu.memory_space<semaphore_mem>>) src(%dma_wait3A_41 : memref<80xi32, #tpu.memory_space<hbm>>) dst(%arg7 : memref<80xi32, #tpu.memory_space<vmem>>)
        tpu.yield
      }) : () -> ()
      %eq3A_30 = arith.constant 0 : i32
      %eq3A_31 = arith.cmpi eq, %arg0, %eq3A_30 : i32
      %convert_element_type3A_32 = arith.extui %eq3A_31 : i1 to i32
      %cond3A_33 = arith.constant 0 : i32
      %cond3A_34 = arith.cmpi ne, %convert_element_type3A_32, %cond3A_33 : i32
      scf.if %cond3A_34 {
        "tpu.region"() ({
          %run_scoped3A = tpu.sem_alloc : memref<!tpu.dma_semaphore, #tpu.memory_space<semaphore_mem>>
          %dma_start3A = arith.constant 0 : i32
          %dma_start3A_40 = tpu.memref_slice %arg2[%add3A_29, %dma_start3A] : memref<1920000x128xf32, #tpu.memory_space<hbm>> -> memref<80x128xf32, #tpu.memory_space<hbm>>
          %dma_start3A_41 = arith.constant 0 : i32
          %dma_start3A_42 = tpu.memref_slice %arg2[%add3A_29, %dma_start3A_41] : memref<1920000x128xf32, #tpu.memory_space<hbm>> -> memref<80x128xf32, #tpu.memory_space<hbm>>
          tpu.enqueue_dma source(%dma_start3A_42 : memref<80x128xf32, #tpu.memory_space<hbm>>) target(%arg8 : memref<80x128xf32, #tpu.memory_space<vmem>>) target_semaphore(%run_scoped3A : memref<!tpu.dma_semaphore, #tpu.memory_space<semaphore_mem>>)
          %dma_wait3A = arith.constant 0 : i32
          %dma_wait3A_43 = tpu.memref_slice %arg2[%add3A_29, %dma_wait3A] : memref<1920000x128xf32, #tpu.memory_space<hbm>> -> memref<80x128xf32, #tpu.memory_space<hbm>>
          %dma_wait3A_44 = arith.constant 0 : i32
          %dma_wait3A_45 = tpu.memref_slice %arg2[%add3A_29, %dma_wait3A_44] : memref<1920000x128xf32, #tpu.memory_space<hbm>> -> memref<80x128xf32, #tpu.memory_space<hbm>>
          tpu.wait_dma2 semaphore(%run_scoped3A : memref<!tpu.dma_semaphore, #tpu.memory_space<semaphore_mem>>) src(%dma_wait3A_45 : memref<80x128xf32, #tpu.memory_space<hbm>>) dst(%arg8 : memref<80x128xf32, #tpu.memory_space<vmem>>)
          tpu.yield
        }) : () -> ()
      } else {
      }
      %eq3A_35 = arith.constant 1 : i32
      %eq3A_36 = arith.cmpi eq, %arg0, %eq3A_35 : i32
      %convert_element_type3A_37 = arith.extui %eq3A_36 : i1 to i32
      %cond3A_38 = arith.constant 0 : i32
      %cond3A_39 = arith.cmpi ne, %convert_element_type3A_37, %cond3A_38 : i32
      scf.if %cond3A_39 {
        "tpu.region"() ({
          %run_scoped3A = tpu.sem_alloc : memref<!tpu.dma_semaphore, #tpu.memory_space<semaphore_mem>>
          %dma_start3A = arith.constant 0 : i32
          %dma_start3A_40 = tpu.memref_slice %arg3[%add3A_29, %dma_start3A] : memref<1920000x128xf32, #tpu.memory_space<hbm>> -> memref<80x128xf32, #tpu.memory_space<hbm>>
          %dma_start3A_41 = arith.constant 0 : i32
          %dma_start3A_42 = tpu.memref_slice %arg3[%add3A_29, %dma_start3A_41] : memref<1920000x128xf32, #tpu.memory_space<hbm>> -> memref<80x128xf32, #tpu.memory_space<hbm>>
          tpu.enqueue_dma source(%dma_start3A_42 : memref<80x128xf32, #tpu.memory_space<hbm>>) target(%arg8 : memref<80x128xf32, #tpu.memory_space<vmem>>) target_semaphore(%run_scoped3A : memref<!tpu.dma_semaphore, #tpu.memory_space<semaphore_mem>>)
          %dma_wait3A = arith.constant 0 : i32
          %dma_wait3A_43 = tpu.memref_slice %arg3[%add3A_29, %dma_wait3A] : memref<1920000x128xf32, #tpu.memory_space<hbm>> -> memref<80x128xf32, #tpu.memory_space<hbm>>
          %dma_wait3A_44 = arith.constant 0 : i32
          %dma_wait3A_45 = tpu.memref_slice %arg3[%add3A_29, %dma_wait3A_44] : memref<1920000x128xf32, #tpu.memory_space<hbm>> -> memref<80x128xf32, #tpu.memory_space<hbm>>
          tpu.wait_dma2 semaphore(%run_scoped3A : memref<!tpu.dma_semaphore, #tpu.memory_space<semaphore_mem>>) src(%dma_wait3A_45 : memref<80x128xf32, #tpu.memory_space<hbm>>) dst(%arg8 : memref<80x128xf32, #tpu.memory_space<vmem>>)
          tpu.yield
        }) : () -> ()
      } else {
      }
      "tpu.region"() ({
        %run_scoped3A = tpu.sem_alloc : memref<!tpu.dma_semaphore, #tpu.memory_space<semaphore_mem>>
        %dma_start3A = arith.constant 0 : i32
        %dma_start3A_40 = arith.constant 0 : i32
        %dma_start3A_41 = tpu.memref_slice %arg10[%dma_start3A, %dma_start3A_40] : memref<10000x128xf32, #tpu.memory_space<vmem_shared>> -> memref<10000x128xf32, #tpu.memory_space<vmem_shared>>
        tpu.enqueue_indirect_dma source(%arg8 : memref<80x128xf32, #tpu.memory_space<vmem>>) target(%dma_start3A_41 : memref<10000x128xf32, #tpu.memory_space<vmem_shared>>) offsets(%arg7 : memref<80xi32, #tpu.memory_space<vmem>>) semaphore(%run_scoped3A : memref<!tpu.dma_semaphore, #tpu.memory_space<semaphore_mem>>) {add = true}
        %dma_wait3A = arith.constant 0 : i32
        %dma_wait3A_42 = arith.constant 0 : i32
        %dma_wait3A_43 = tpu.memref_slice %arg10[%dma_wait3A, %dma_wait3A_42] : memref<10000x128xf32, #tpu.memory_space<vmem_shared>> -> memref<10000x128xf32, #tpu.memory_space<vmem_shared>>
        tpu.wait_indirect_dma semaphore(%run_scoped3A : memref<!tpu.dma_semaphore, #tpu.memory_space<semaphore_mem>>) src(%arg8 : memref<80x128xf32, #tpu.memory_space<vmem>>) dst(%dma_wait3A_43 : memref<10000x128xf32, #tpu.memory_space<vmem_shared>>)
        tpu.yield
      }) : () -> ()
    }
    %scan3A_8 = arith.constant 750 : i32
    %barrier3A_9 = arith.constant 0 : index
    tpu.barrier barrier_id(%barrier3A_9)
    %mul3A_10 = arith.constant 1000 : i32
    %mul3A_11 = arith.muli %arg1, %mul3A_10 : i32
    %eq3A = arith.constant 0 : i32
    %eq3A_12 = arith.cmpi eq, %arg0, %eq3A : i32
    %lt3A_13 = arith.constant 10 : i32
    %lt3A_14 = arith.cmpi slt, %arg1, %lt3A_13 : i32
    %and3A = arith.andi %eq3A_12, %lt3A_14 : i1
    %convert_element_type3A_15 = arith.extui %and3A : i1 to i32
    %cond3A_16 = arith.constant 0 : i32
    %cond3A_17 = arith.cmpi ne, %convert_element_type3A_15, %cond3A_16 : i32
    scf.if %cond3A_17 {
      "tpu.region"() ({
        %run_scoped3A = tpu.sem_alloc : memref<!tpu.dma_semaphore, #tpu.memory_space<semaphore_mem>>
        %dma_start3A = arith.constant 0 : i32
        %dma_start3A_26 = tpu.memref_slice %arg5[%mul3A_11, %dma_start3A] : memref<10000x128xf32, #tpu.memory_space<hbm>> -> memref<1000x128xf32, #tpu.memory_space<hbm>>
        %dma_start3A_27 = arith.constant 0 : i32
        %dma_start3A_28 = tpu.memref_slice %arg10[%mul3A_11, %dma_start3A_27] : memref<10000x128xf32, #tpu.memory_space<vmem_shared>> -> memref<1000x128xf32, #tpu.memory_space<vmem_shared>>
        tpu.enqueue_dma source(%dma_start3A_28 : memref<1000x128xf32, #tpu.memory_space<vmem_shared>>) target(%dma_start3A_26 : memref<1000x128xf32, #tpu.memory_space<hbm>>) target_semaphore(%run_scoped3A : memref<!tpu.dma_semaphore, #tpu.memory_space<semaphore_mem>>)
        %dma_wait3A = arith.constant 0 : i32
        %dma_wait3A_29 = tpu.memref_slice %arg5[%mul3A_11, %dma_wait3A] : memref<10000x128xf32, #tpu.memory_space<hbm>> -> memref<1000x128xf32, #tpu.memory_space<hbm>>
        %dma_wait3A_30 = arith.constant 0 : i32
        %dma_wait3A_31 = tpu.memref_slice %arg10[%mul3A_11, %dma_wait3A_30] : memref<10000x128xf32, #tpu.memory_space<vmem_shared>> -> memref<1000x128xf32, #tpu.memory_space<vmem_shared>>
        tpu.wait_dma2 semaphore(%run_scoped3A : memref<!tpu.dma_semaphore, #tpu.memory_space<semaphore_mem>>) src(%dma_wait3A_31 : memref<1000x128xf32, #tpu.memory_space<vmem_shared>>) dst(%dma_wait3A_29 : memref<1000x128xf32, #tpu.memory_space<hbm>>)
        tpu.yield
      }) : () -> ()
    } else {
    }
    %eq3A_18 = arith.constant 1 : i32
    %eq3A_19 = arith.cmpi eq, %arg0, %eq3A_18 : i32
    %lt3A_20 = arith.constant 10 : i32
    %lt3A_21 = arith.cmpi slt, %arg1, %lt3A_20 : i32
    %and3A_22 = arith.andi %eq3A_19, %lt3A_21 : i1
    %convert_element_type3A_23 = arith.extui %and3A_22 : i1 to i32
    %cond3A_24 = arith.constant 0 : i32
    %cond3A_25 = arith.cmpi ne, %convert_element_type3A_23, %cond3A_24 : i32
    scf.if %cond3A_25 {
      "tpu.region"() ({
        %run_scoped3A = tpu.sem_alloc : memref<!tpu.dma_semaphore, #tpu.memory_space<semaphore_mem>>
        %dma_start3A = arith.constant 0 : i32
        %dma_start3A_26 = tpu.memref_slice %arg6[%mul3A_11, %dma_start3A] : memref<10000x128xf32, #tpu.memory_space<hbm>> -> memref<1000x128xf32, #tpu.memory_space<hbm>>
        %dma_start3A_27 = arith.constant 0 : i32
        %dma_start3A_28 = tpu.memref_slice %arg10[%mul3A_11, %dma_start3A_27] : memref<10000x128xf32, #tpu.memory_space<vmem_shared>> -> memref<1000x128xf32, #tpu.memory_space<vmem_shared>>
        tpu.enqueue_dma source(%dma_start3A_28 : memref<1000x128xf32, #tpu.memory_space<vmem_shared>>) target(%dma_start3A_26 : memref<1000x128xf32, #tpu.memory_space<hbm>>) target_semaphore(%run_scoped3A : memref<!tpu.dma_semaphore, #tpu.memory_space<semaphore_mem>>)
        %dma_wait3A = arith.constant 0 : i32
        %dma_wait3A_29 = tpu.memref_slice %arg6[%mul3A_11, %dma_wait3A] : memref<10000x128xf32, #tpu.memory_space<hbm>> -> memref<1000x128xf32, #tpu.memory_space<hbm>>
        %dma_wait3A_30 = arith.constant 0 : i32
        %dma_wait3A_31 = tpu.memref_slice %arg10[%mul3A_11, %dma_wait3A_30] : memref<10000x128xf32, #tpu.memory_space<vmem_shared>> -> memref<1000x128xf32, #tpu.memory_space<vmem_shared>>
        tpu.wait_dma2 semaphore(%run_scoped3A : memref<!tpu.dma_semaphore, #tpu.memory_space<semaphore_mem>>) src(%dma_wait3A_31 : memref<1000x128xf32, #tpu.memory_space<vmem_shared>>) dst(%dma_wait3A_29 : memref<1000x128xf32, #tpu.memory_space<hbm>>)
        tpu.yield
      }) : () -> ()
    } else {
    }
    return
  }
}

module attributes {stable_mosaic.version = 14 : i64} {
  func.func @body(%arg0: i32, %arg1: memref<3000x128xf32, #tpu.memory_space<vmem>>, %arg2: memref<128x384xf32, #tpu.memory_space<vmem>>, %arg3: memref<1x384xf32, #tpu.memory_space<vmem>>, %arg4: memref<3000x128xf32, #tpu.memory_space<vmem>>, %arg5: memref<3000x128xf32, #tpu.memory_space<vmem>>, %arg6: memref<3000x128xf32, #tpu.memory_space<vmem>>) attributes {dimension_semantics = [#tpu.dimension_semantics<arbitrary>], iteration_bounds = array<i64: 10>, scalar_prefetch = 0 : i64, scratch_operands = 0 : i64, tpu.core_type = #tpu.core_type<tc>, window_params = [{transform_indices = @transform_0, window_bounds = array<i64: 3000, 128>}, {pipeline_mode = #tpu.pipeline_mode<synchronous>, transform_indices = @transform_1, window_bounds = array<i64: 128, 384>}, {pipeline_mode = #tpu.pipeline_mode<synchronous>, transform_indices = @transform_2, window_bounds = array<i64: 1, 384>}, {transform_indices = @transform_3, window_bounds = array<i64: 3000, 128>}, {transform_indices = @transform_4, window_bounds = array<i64: 3000, 128>}, {transform_indices = @transform_5, window_bounds = array<i64: 3000, 128>}]} {
    %get3A = arith.constant 0 : index
    %get3A_0 = arith.constant 0 : index
    %get3A_1 = vector.load %arg1[%get3A, %get3A_0] : memref<3000x128xf32, #tpu.memory_space<vmem>>, vector<3000x128xf32>
    %get3A_2 = arith.constant 0 : index
    %get3A_3 = arith.constant 0 : index
    %get3A_4 = vector.load %arg2[%get3A_2, %get3A_3] : memref<128x384xf32, #tpu.memory_space<vmem>>, vector<128x384xf32>
    %dot_general3A = arith.constant dense<0.000000e+00> : vector<3000x384xf32>
    %dot_general3A_5 = tpu.matmul %get3A_1, %get3A_4, %dot_general3A {dimension_numbers = #tpu.dot_dimension_numbers<[1], [0], [0], [1], [0, 0, 1, 1], [], []>, transpose_lhs_hint = false} : vector<3000x128xf32>, vector<128x384xf32>, vector<3000x384xf32> -> vector<3000x384xf32>
    %get3A_6 = arith.constant 0 : index
    %get3A_7 = arith.constant 0 : index
    %get3A_8 = vector.load %arg3[%get3A_6, %get3A_7] : memref<1x384xf32, #tpu.memory_space<vmem>>, vector<1x384xf32>
    %add3A = vector.broadcast %get3A_8 : vector<1x384xf32> to vector<3000x384xf32>
    %add3A_9 = arith.addf %dot_general3A_5, %add3A : vector<3000x384xf32>
    %slice3A = vector.extract_strided_slice %add3A_9 {offsets = [0, 0], sizes = [3000, 128], strides = [1, 1]} : vector<3000x384xf32> to vector<3000x128xf32>
    %swap3A = arith.constant 0 : index
    %swap3A_10 = arith.constant 0 : index
    %swap3A_11 = vector.load %arg4[%swap3A, %swap3A_10] : memref<3000x128xf32, #tpu.memory_space<vmem>>, vector<3000x128xf32>
    tpu.vector_store %arg4[%swap3A, %swap3A_10], %slice3A {strides = array<i32>} : memref<3000x128xf32, #tpu.memory_space<vmem>>, vector<3000x128xf32>,
    %slice3A_12 = vector.extract_strided_slice %add3A_9 {offsets = [0, 128], sizes = [3000, 128], strides = [1, 1]} : vector<3000x384xf32> to vector<3000x128xf32>
    %swap3A_13 = arith.constant 0 : index
    %swap3A_14 = arith.constant 0 : index
    %swap3A_15 = vector.load %arg5[%swap3A_13, %swap3A_14] : memref<3000x128xf32, #tpu.memory_space<vmem>>, vector<3000x128xf32>
    tpu.vector_store %arg5[%swap3A_13, %swap3A_14], %slice3A_12 {strides = array<i32>} : memref<3000x128xf32, #tpu.memory_space<vmem>>, vector<3000x128xf32>,
    %slice3A_16 = vector.extract_strided_slice %add3A_9 {offsets = [0, 256], sizes = [3000, 128], strides = [1, 1]} : vector<3000x384xf32> to vector<3000x128xf32>
    %swap3A_17 = arith.constant 0 : index
    %swap3A_18 = arith.constant 0 : index
    %swap3A_19 = vector.load %arg6[%swap3A_17, %swap3A_18] : memref<3000x128xf32, #tpu.memory_space<vmem>>, vector<3000x128xf32>
    tpu.vector_store %arg6[%swap3A_17, %swap3A_18], %slice3A_16 {strides = array<i32>} : memref<3000x128xf32, #tpu.memory_space<vmem>>, vector<3000x128xf32>,
    return
  }
  func.func @transform_0(%arg0: i32) -> (i32, i32) {
    %c0_i32 = arith.constant 0 : i32
    %c0_i32_0 = arith.constant 0 : i32
    return %arg0, %c0_i32 : i32, i32
  }
  func.func @transform_1(%arg0: i32) -> (i32, i32) {
    %c0_i32 = arith.constant 0 : i32
    %c0_i32_0 = arith.constant 0 : i32
    %c0_i32_1 = arith.constant 0 : i32
    return %c0_i32, %c0_i32_0 : i32, i32
  }
  func.func @transform_2(%arg0: i32) -> (i32, i32) {
    %c0_i32 = arith.constant 0 : i32
    %c0_i32_0 = arith.constant 0 : i32
    %c0_i32_1 = arith.constant 0 : i32
    return %c0_i32, %c0_i32_0 : i32, i32
  }
  func.func @transform_3(%arg0: i32) -> (i32, i32) {
    %c0_i32 = arith.constant 0 : i32
    %c0_i32_0 = arith.constant 0 : i32
    return %arg0, %c0_i32 : i32, i32
  }
  func.func @transform_4(%arg0: i32) -> (i32, i32) {
    %c0_i32 = arith.constant 0 : i32
    %c0_i32_0 = arith.constant 0 : i32
    return %arg0, %c0_i32 : i32, i32
  }
  func.func @transform_5(%arg0: i32) -> (i32, i32) {
    %c0_i32 = arith.constant 0 : i32
    %c0_i32_0 = arith.constant 0 : i32
    return %arg0, %c0_i32 : i32, i32
  }
}

module attributes {stable_mosaic.version = 14 : i64} {
  func.func @body(%arg0: i32, %arg1: i32, %arg2: memref<2560x128xf32, #tpu.memory_space<vmem>>, %arg3: memref<2560x128xf32, #tpu.memory_space<vmem>>, %arg4: memref<128x16xf32, #tpu.memory_space<vmem>>, %arg5: memref<2560x16xf32, #tpu.memory_space<vmem>>) attributes {dimension_semantics = [#tpu.dimension_semantics<arbitrary>, #tpu.dimension_semantics<arbitrary>], iteration_bounds = array<i64: 6, 125>, scalar_prefetch = 0 : i64, scratch_operands = 0 : i64, tpu.core_type = #tpu.core_type<tc>, window_params = [{transform_indices = @transform_0, window_bounds = array<i64: 2560, 128>}, {transform_indices = @transform_1, window_bounds = array<i64: 2560, 128>}, {pipeline_mode = #tpu.pipeline_mode<synchronous>, transform_indices = @transform_2, window_bounds = array<i64: 128, 16>}, {transform_indices = @transform_3, window_bounds = array<i64: 2560, 16>}]} {
    %get3A = arith.constant 0 : index
    %get3A_0 = arith.constant 0 : index
    %get3A_1 = vector.load %arg2[%get3A, %get3A_0] : memref<2560x128xf32, #tpu.memory_space<vmem>>, vector<2560x128xf32>
    %get3A_2 = arith.constant 0 : index
    %get3A_3 = arith.constant 0 : index
    %get3A_4 = vector.load %arg3[%get3A_2, %get3A_3] : memref<2560x128xf32, #tpu.memory_space<vmem>>, vector<2560x128xf32>
    %mul3A = arith.mulf %get3A_1, %get3A_4 : vector<2560x128xf32>
    %get3A_5 = arith.constant 0 : index
    %get3A_6 = arith.constant 0 : index
    %get3A_7 = vector.load %arg4[%get3A_5, %get3A_6] : memref<128x16xf32, #tpu.memory_space<vmem>>, vector<128x16xf32>
    %dot_general3A = arith.constant dense<0.000000e+00> : vector<2560x16xf32>
    %dot_general3A_8 = tpu.matmul %mul3A, %get3A_7, %dot_general3A {dimension_numbers = #tpu.dot_dimension_numbers<[1], [0], [0], [1], [0, 0, 1, 1], [], []>, transpose_lhs_hint = false} : vector<2560x128xf32>, vector<128x16xf32>, vector<2560x16xf32> -> vector<2560x16xf32>
    %iota3A = tpu.iota {dimensions = array<i32: 1>} : vector<2560x16xi32>
    %lt3A = arith.constant 8 : i32
    %lt3A_9 = vector.broadcast %lt3A : i32 to vector<2560x16xi32>
    %lt3A_10 = arith.cmpi slt, %iota3A, %lt3A_9 : vector<2560x16xi32>
    %exp3A = math.exp %dot_general3A_8 : vector<2560x16xf32>
    %jit3A = arith.constant 0.000000e+00 : f32
    %broadcast_in_dim3A = vector.broadcast %jit3A : f32 to vector<2560x16xf32>
    %select_n3A = arith.select %lt3A_10, %exp3A, %broadcast_in_dim3A : vector<2560x16xi1>, vector<2560x16xf32>
    %swap3A = arith.constant 0 : index
    %swap3A_11 = arith.constant 0 : index
    %swap3A_12 = vector.load %arg5[%swap3A, %swap3A_11] : memref<2560x16xf32, #tpu.memory_space<vmem>>, vector<2560x16xf32>
    tpu.vector_store %arg5[%swap3A, %swap3A_11], %select_n3A {strides = array<i32>} : memref<2560x16xf32, #tpu.memory_space<vmem>>, vector<2560x16xf32>,
    return
  }
  func.func @transform_0(%arg0: i32, %arg1: i32) -> (i32, i32) {
    %mul3A = arith.constant 125 : i32
    %mul3A_0 = arith.muli %arg0, %mul3A : i32
    %add3A = arith.addi %mul3A_0, %arg1 : i32
    %c0_i32 = arith.constant 0 : i32
    %c0_i32_1 = arith.constant 0 : i32
    return %add3A, %c0_i32 : i32, i32
  }
  func.func @transform_1(%arg0: i32, %arg1: i32) -> (i32, i32) {
    %ge3A = arith.constant 1 : i32
    %ge3A_0 = arith.cmpi sge, %arg0, %ge3A : i32
    %convert_element_type3A = arith.extui %ge3A_0 : i1 to i32
    %add3A = arith.constant 0 : i32
    %add3A_1 = arith.addi %add3A, %convert_element_type3A : i32
    %ge3A_2 = arith.constant 3 : i32
    %ge3A_3 = arith.cmpi sge, %arg0, %ge3A_2 : i32
    %convert_element_type3A_4 = arith.extui %ge3A_3 : i1 to i32
    %add3A_5 = arith.addi %add3A_1, %convert_element_type3A_4 : i32
    %add3A_6 = arith.constant 1 : i32
    %add3A_7 = arith.addi %add3A_5, %add3A_6 : i32
    %mul3A = arith.muli %add3A_5, %add3A_7 : i32
    %jit3A = arith.constant 2 : i32
    %div3A = arith.divsi %mul3A, %jit3A : i32
    %sign3A = arith.constant 0 : i32
    %sign3A_8 = arith.cmpi sgt, %mul3A, %sign3A : i32
    %sign3A_9 = arith.extui %sign3A_8 : i1 to i32
    %sign3A_10 = arith.constant 0 : i32
    %sign3A_11 = arith.cmpi slt, %mul3A, %sign3A_10 : i32
    %sign3A_12 = arith.extui %sign3A_11 : i1 to i32
    %sign3A_13 = arith.subi %sign3A_9, %sign3A_12 : i32
    %sign3A_14 = arith.constant 0 : i32
    %sign3A_15 = arith.cmpi sgt, %jit3A, %sign3A_14 : i32
    %sign3A_16 = arith.extui %sign3A_15 : i1 to i32
    %sign3A_17 = arith.constant 0 : i32
    %sign3A_18 = arith.cmpi slt, %jit3A, %sign3A_17 : i32
    %sign3A_19 = arith.extui %sign3A_18 : i1 to i32
    %sign3A_20 = arith.subi %sign3A_16, %sign3A_19 : i32
    %ne3A = arith.cmpi ne, %sign3A_13, %sign3A_20 : i32
    %rem3A = arith.remsi %mul3A, %jit3A : i32
    %ne3A_21 = arith.constant 0 : i32
    %ne3A_22 = arith.cmpi ne, %rem3A, %ne3A_21 : i32
    %and3A = arith.andi %ne3A, %ne3A_22 : i1
    %sub3A = arith.constant 1 : i32
    %sub3A_23 = arith.subi %div3A, %sub3A : i32
    %select_n3A = arith.select %and3A, %sub3A_23, %div3A : i32
    %sub3A_24 = arith.subi %arg0, %select_n3A : i32
    %mul3A_25 = arith.constant 125 : i32
    %mul3A_26 = arith.muli %sub3A_24, %mul3A_25 : i32
    %add3A_27 = arith.addi %mul3A_26, %arg1 : i32
    %c0_i32 = arith.constant 0 : i32
    %c0_i32_28 = arith.constant 0 : i32
    return %add3A_27, %c0_i32 : i32, i32
  }
  func.func @transform_2(%arg0: i32, %arg1: i32) -> (i32, i32) {
    %c0_i32 = arith.constant 0 : i32
    %c0_i32_0 = arith.constant 0 : i32
    %c0_i32_1 = arith.constant 0 : i32
    return %c0_i32, %c0_i32_0 : i32, i32
  }
  func.func @transform_3(%arg0: i32, %arg1: i32) -> (i32, i32) {
    %mul3A = arith.constant 125 : i32
    %mul3A_0 = arith.muli %arg0, %mul3A : i32
    %add3A = arith.addi %mul3A_0, %arg1 : i32
    %c0_i32 = arith.constant 0 : i32
    %c0_i32_1 = arith.constant 0 : i32
    return %add3A, %c0_i32 : i32, i32
  }
}

module attributes {stable_mosaic.version = 14 : i64} {
  func.func @body(%arg0: i32, %arg1: i32, %arg2: memref<2560x16xf32, #tpu.memory_space<vmem>>, %arg3: memref<2560x16xf32, #tpu.memory_space<vmem>>, %arg4: memref<2560x128xf32, #tpu.memory_space<vmem>>, %arg5: memref<16x128xf32, #tpu.memory_space<vmem>>, %arg6: memref<2560x16xf32, #tpu.memory_space<vmem>>, %arg7: memref<2560x128xf32, #tpu.memory_space<vmem>>, %arg8: memref<2560x128xf32, #tpu.memory_space<vmem>>) attributes {dimension_semantics = [#tpu.dimension_semantics<arbitrary>, #tpu.dimension_semantics<arbitrary>], iteration_bounds = array<i64: 6, 125>, scalar_prefetch = 0 : i64, scratch_operands = 0 : i64, tpu.core_type = #tpu.core_type<tc>, window_params = [{transform_indices = @transform_0, window_bounds = array<i64: 2560, 16>}, {transform_indices = @transform_1, window_bounds = array<i64: 2560, 16>}, {transform_indices = @transform_2, window_bounds = array<i64: 2560, 128>}, {pipeline_mode = #tpu.pipeline_mode<synchronous>, transform_indices = @transform_3, window_bounds = array<i64: 16, 128>}, {transform_indices = @transform_4, window_bounds = array<i64: 2560, 16>}, {transform_indices = @transform_5, window_bounds = array<i64: 2560, 128>}, {transform_indices = @transform_6, window_bounds = array<i64: 2560, 128>}]} {
    %get3A = arith.constant 0 : index
    %get3A_0 = arith.constant 0 : index
    %get3A_1 = vector.load %arg2[%get3A, %get3A_0] : memref<2560x16xf32, #tpu.memory_space<vmem>>, vector<2560x16xf32>
    %get3A_2 = arith.constant 0 : index
    %get3A_3 = arith.constant 0 : index
    %get3A_4 = vector.load %arg3[%get3A_2, %get3A_3] : memref<2560x16xf32, #tpu.memory_space<vmem>>, vector<2560x16xf32>
    %add3A = arith.constant 1.000000e-16 : f32
    %add3A_5 = vector.broadcast %add3A : f32 to vector<2560x16xf32>
    %add3A_6 = arith.addf %get3A_4, %add3A_5 : vector<2560x16xf32>
    %div3A = arith.divf %get3A_1, %add3A_6 : vector<2560x16xf32>
    %iota3A = tpu.iota {dimensions = array<i32: 1>} : vector<2560x16xi32>
    %lt3A = arith.constant 8 : i32
    %lt3A_7 = vector.broadcast %lt3A : i32 to vector<2560x16xi32>
    %lt3A_8 = arith.cmpi slt, %iota3A, %lt3A_7 : vector<2560x16xi32>
    %neg3A = arith.constant 0.000000e+00 : f32
    %neg3A_9 = vector.broadcast %neg3A : f32 to vector<2560x16xf32>
    %neg3A_10 = arith.subf %neg3A_9, %div3A : vector<2560x16xf32>
    %exp3A = math.exp %neg3A_10 : vector<2560x16xf32>
    %jit3A = arith.constant 0.000000e+00 : f32
    %broadcast_in_dim3A = vector.broadcast %jit3A : f32 to vector<2560x16xf32>
    %select_n3A = arith.select %lt3A_8, %exp3A, %broadcast_in_dim3A : vector<2560x16xi1>, vector<2560x16xf32>
    %swap3A = arith.constant 0 : index
    %swap3A_11 = arith.constant 0 : index
    %swap3A_12 = vector.load %arg6[%swap3A, %swap3A_11] : memref<2560x16xf32, #tpu.memory_space<vmem>>, vector<2560x16xf32>
    tpu.vector_store %arg6[%swap3A, %swap3A_11], %select_n3A {strides = array<i32>} : memref<2560x16xf32, #tpu.memory_space<vmem>>, vector<2560x16xf32>,
    %get3A_13 = arith.constant 0 : index
    %get3A_14 = arith.constant 0 : index
    %get3A_15 = vector.load %arg4[%get3A_13, %get3A_14] : memref<2560x128xf32, #tpu.memory_space<vmem>>, vector<2560x128xf32>
    %get3A_16 = arith.constant 0 : index
    %get3A_17 = arith.constant 0 : index
    %get3A_18 = vector.load %arg5[%get3A_16, %get3A_17] : memref<16x128xf32, #tpu.memory_space<vmem>>, vector<16x128xf32>
    %dot_general3A = arith.constant dense<0.000000e+00> : vector<2560x128xf32>
    %dot_general3A_19 = tpu.matmul %get3A_1, %get3A_18, %dot_general3A {dimension_numbers = #tpu.dot_dimension_numbers<[1], [0], [0], [1], [0, 0, 1, 1], [], []>, transpose_lhs_hint = false} : vector<2560x16xf32>, vector<16x128xf32>, vector<2560x128xf32> -> vector<2560x128xf32>
    %mul3A = arith.mulf %dot_general3A_19, %get3A_15 : vector<2560x128xf32>
    %swap3A_20 = arith.constant 0 : index
    %swap3A_21 = arith.constant 0 : index
    %swap3A_22 = vector.load %arg7[%swap3A_20, %swap3A_21] : memref<2560x128xf32, #tpu.memory_space<vmem>>, vector<2560x128xf32>
    tpu.vector_store %arg7[%swap3A_20, %swap3A_21], %mul3A {strides = array<i32>} : memref<2560x128xf32, #tpu.memory_space<vmem>>, vector<2560x128xf32>,
    %dot_general3A_23 = arith.constant dense<0.000000e+00> : vector<2560x128xf32>
    %dot_general3A_24 = tpu.matmul %select_n3A, %get3A_18, %dot_general3A_23 {dimension_numbers = #tpu.dot_dimension_numbers<[1], [0], [0], [1], [0, 0, 1, 1], [], []>, transpose_lhs_hint = false} : vector<2560x16xf32>, vector<16x128xf32>, vector<2560x128xf32> -> vector<2560x128xf32>
    %mul3A_25 = arith.mulf %dot_general3A_24, %get3A_15 : vector<2560x128xf32>
    %swap3A_26 = arith.constant 0 : index
    %swap3A_27 = arith.constant 0 : index
    %swap3A_28 = vector.load %arg8[%swap3A_26, %swap3A_27] : memref<2560x128xf32, #tpu.memory_space<vmem>>, vector<2560x128xf32>
    tpu.vector_store %arg8[%swap3A_26, %swap3A_27], %mul3A_25 {strides = array<i32>} : memref<2560x128xf32, #tpu.memory_space<vmem>>, vector<2560x128xf32>,
    return
  }
  func.func @transform_0(%arg0: i32, %arg1: i32) -> (i32, i32) {
    %mul3A = arith.constant 125 : i32
    %mul3A_0 = arith.muli %arg0, %mul3A : i32
    %add3A = arith.addi %mul3A_0, %arg1 : i32
    %c0_i32 = arith.constant 0 : i32
    %c0_i32_1 = arith.constant 0 : i32
    return %add3A, %c0_i32 : i32, i32
  }
  func.func @transform_1(%arg0: i32, %arg1: i32) -> (i32, i32) {
    %mul3A = arith.constant 125 : i32
    %mul3A_0 = arith.muli %arg0, %mul3A : i32
    %add3A = arith.addi %mul3A_0, %arg1 : i32
    %c0_i32 = arith.constant 0 : i32
    %c0_i32_1 = arith.constant 0 : i32
    return %add3A, %c0_i32 : i32, i32
  }
  func.func @transform_2(%arg0: i32, %arg1: i32) -> (i32, i32) {
    %ge3A = arith.constant 1 : i32
    %ge3A_0 = arith.cmpi sge, %arg0, %ge3A : i32
    %convert_element_type3A = arith.extui %ge3A_0 : i1 to i32
    %add3A = arith.constant 0 : i32
    %add3A_1 = arith.addi %add3A, %convert_element_type3A : i32
    %ge3A_2 = arith.constant 3 : i32
    %ge3A_3 = arith.cmpi sge, %arg0, %ge3A_2 : i32
    %convert_element_type3A_4 = arith.extui %ge3A_3 : i1 to i32
    %add3A_5 = arith.addi %add3A_1, %convert_element_type3A_4 : i32
    %add3A_6 = arith.constant 1 : i32
    %add3A_7 = arith.addi %add3A_5, %add3A_6 : i32
    %mul3A = arith.muli %add3A_5, %add3A_7 : i32
    %jit3A = arith.constant 2 : i32
    %div3A = arith.divsi %mul3A, %jit3A : i32
    %sign3A = arith.constant 0 : i32
    %sign3A_8 = arith.cmpi sgt, %mul3A, %sign3A : i32
    %sign3A_9 = arith.extui %sign3A_8 : i1 to i32
    %sign3A_10 = arith.constant 0 : i32
    %sign3A_11 = arith.cmpi slt, %mul3A, %sign3A_10 : i32
    %sign3A_12 = arith.extui %sign3A_11 : i1 to i32
    %sign3A_13 = arith.subi %sign3A_9, %sign3A_12 : i32
    %sign3A_14 = arith.constant 0 : i32
    %sign3A_15 = arith.cmpi sgt, %jit3A, %sign3A_14 : i32
    %sign3A_16 = arith.extui %sign3A_15 : i1 to i32
    %sign3A_17 = arith.constant 0 : i32
    %sign3A_18 = arith.cmpi slt, %jit3A, %sign3A_17 : i32
    %sign3A_19 = arith.extui %sign3A_18 : i1 to i32
    %sign3A_20 = arith.subi %sign3A_16, %sign3A_19 : i32
    %ne3A = arith.cmpi ne, %sign3A_13, %sign3A_20 : i32
    %rem3A = arith.remsi %mul3A, %jit3A : i32
    %ne3A_21 = arith.constant 0 : i32
    %ne3A_22 = arith.cmpi ne, %rem3A, %ne3A_21 : i32
    %and3A = arith.andi %ne3A, %ne3A_22 : i1
    %sub3A = arith.constant 1 : i32
    %sub3A_23 = arith.subi %div3A, %sub3A : i32
    %select_n3A = arith.select %and3A, %sub3A_23, %div3A : i32
    %sub3A_24 = arith.subi %arg0, %select_n3A : i32
    %mul3A_25 = arith.constant 125 : i32
    %mul3A_26 = arith.muli %sub3A_24, %mul3A_25 : i32
    %add3A_27 = arith.addi %mul3A_26, %arg1 : i32
    %c0_i32 = arith.constant 0 : i32
    %c0_i32_28 = arith.constant 0 : i32
    return %add3A_27, %c0_i32 : i32, i32
  }
  func.func @transform_3(%arg0: i32, %arg1: i32) -> (i32, i32) {
    %c0_i32 = arith.constant 0 : i32
    %c0_i32_0 = arith.constant 0 : i32
    %c0_i32_1 = arith.constant 0 : i32
    return %c0_i32, %c0_i32_0 : i32, i32
  }
  func.func @transform_4(%arg0: i32, %arg1: i32) -> (i32, i32) {
    %mul3A = arith.constant 125 : i32
    %mul3A_0 = arith.muli %arg0, %mul3A : i32
    %add3A = arith.addi %mul3A_0, %arg1 : i32
    %c0_i32 = arith.constant 0 : i32
    %c0_i32_1 = arith.constant 0 : i32
    return %add3A, %c0_i32 : i32, i32
  }
  func.func @transform_5(%arg0: i32, %arg1: i32) -> (i32, i32) {
    %mul3A = arith.constant 125 : i32
    %mul3A_0 = arith.muli %arg0, %mul3A : i32
    %add3A = arith.addi %mul3A_0, %arg1 : i32
    %c0_i32 = arith.constant 0 : i32
    %c0_i32_1 = arith.constant 0 : i32
    return %add3A, %c0_i32 : i32, i32
  }
  func.func @transform_6(%arg0: i32, %arg1: i32) -> (i32, i32) {
    %mul3A = arith.constant 125 : i32
    %mul3A_0 = arith.muli %arg0, %mul3A : i32
    %add3A = arith.addi %mul3A_0, %arg1 : i32
    %c0_i32 = arith.constant 0 : i32
    %c0_i32_1 = arith.constant 0 : i32
    return %add3A, %c0_i32 : i32, i32
  }
}

module attributes {stable_mosaic.version = 14 : i64} {
  func.func @body(%arg0: i32, %arg1: memref<2000x128xf32, #tpu.memory_space<vmem>>, %arg2: memref<2000x128xf32, #tpu.memory_space<vmem>>, %arg3: memref<2000x16xf32, #tpu.memory_space<vmem>>, %arg4: memref<2000x16xf32, #tpu.memory_space<vmem>>, %arg5: memref<2000x128xf32, #tpu.memory_space<vmem>>, %arg6: memref<16x128xf32, #tpu.memory_space<vmem>>, %arg7: memref<128x256xf32, #tpu.memory_space<vmem>>, %arg8: memref<1x256xf32, #tpu.memory_space<vmem>>, %arg9: memref<256x128xf32, #tpu.memory_space<vmem>>, %arg10: memref<1x128xf32, #tpu.memory_space<vmem>>, %arg11: memref<1x128xf32, #tpu.memory_space<vmem>>, %arg12: memref<1x128xf32, #tpu.memory_space<vmem>>, %arg13: memref<2000x128xf32, #tpu.memory_space<vmem>>, %arg14: memref<2000x128xf32, #tpu.memory_space<vmem>>, %arg15: memref<2000x128xf32, #tpu.memory_space<vmem>>) attributes {dimension_semantics = [#tpu.dimension_semantics<arbitrary>], iteration_bounds = array<i64: 5>, scalar_prefetch = 0 : i64, scratch_operands = 0 : i64, tpu.core_type = #tpu.core_type<tc>, window_params = [{transform_indices = @transform_0, window_bounds = array<i64: 2000, 128>}, {transform_indices = @transform_1, window_bounds = array<i64: 2000, 128>}, {transform_indices = @transform_2, window_bounds = array<i64: 2000, 16>}, {transform_indices = @transform_3, window_bounds = array<i64: 2000, 16>}, {transform_indices = @transform_4, window_bounds = array<i64: 2000, 128>}, {pipeline_mode = #tpu.pipeline_mode<synchronous>, transform_indices = @transform_5, window_bounds = array<i64: 16, 128>}, {pipeline_mode = #tpu.pipeline_mode<synchronous>, transform_indices = @transform_6, window_bounds = array<i64: 128, 256>}, {pipeline_mode = #tpu.pipeline_mode<synchronous>, transform_indices = @transform_7, window_bounds = array<i64: 1, 256>}, {pipeline_mode = #tpu.pipeline_mode<synchronous>, transform_indices = @transform_8, window_bounds = array<i64: 256, 128>}, {pipeline_mode = #tpu.pipeline_mode<synchronous>, transform_indices = @transform_9, window_bounds = array<i64: 1, 128>}, {pipeline_mode = #tpu.pipeline_mode<synchronous>, transform_indices = @transform_10, window_bounds = array<i64: 1, 128>}, {pipeline_mode = #tpu.pipeline_mode<synchronous>, transform_indices = @transform_11, window_bounds = array<i64: 1, 128>}, {transform_indices = @transform_12, window_bounds = array<i64: 2000, 128>}, {transform_indices = @transform_13, window_bounds = array<i64: 2000, 128>}, {transform_indices = @transform_14, window_bounds = array<i64: 2000, 128>}]} {
    %get3A = arith.constant 0 : index
    %get3A_0 = arith.constant 0 : index
    %get3A_1 = vector.load %arg6[%get3A, %get3A_0] : memref<16x128xf32, #tpu.memory_space<vmem>>, vector<16x128xf32>
    %get3A_2 = arith.constant 0 : index
    %get3A_3 = arith.constant 0 : index
    %get3A_4 = vector.load %arg3[%get3A_2, %get3A_3] : memref<2000x16xf32, #tpu.memory_space<vmem>>, vector<2000x16xf32>
    %dot_general3A = arith.constant dense<0.000000e+00> : vector<2000x128xf32>
    %dot_general3A_5 = tpu.matmul %get3A_4, %get3A_1, %dot_general3A {dimension_numbers = #tpu.dot_dimension_numbers<[1], [0], [0], [1], [0, 0, 1, 1], [], []>, transpose_lhs_hint = false} : vector<2000x16xf32>, vector<16x128xf32>, vector<2000x128xf32> -> vector<2000x128xf32>
    %get3A_6 = arith.constant 0 : index
    %get3A_7 = arith.constant 0 : index
    %get3A_8 = vector.load %arg4[%get3A_6, %get3A_7] : memref<2000x16xf32, #tpu.memory_space<vmem>>, vector<2000x16xf32>
    %dot_general3A_9 = arith.constant dense<0.000000e+00> : vector<2000x128xf32>
    %dot_general3A_10 = tpu.matmul %get3A_8, %get3A_1, %dot_general3A_9 {dimension_numbers = #tpu.dot_dimension_numbers<[1], [0], [0], [1], [0, 0, 1, 1], [], []>, transpose_lhs_hint = false} : vector<2000x16xf32>, vector<16x128xf32>, vector<2000x128xf32> -> vector<2000x128xf32>
    %get3A_11 = arith.constant 0 : index
    %get3A_12 = arith.constant 0 : index
    %get3A_13 = vector.load %arg1[%get3A_11, %get3A_12] : memref<2000x128xf32, #tpu.memory_space<vmem>>, vector<2000x128xf32>
    %add3A = arith.constant 1.000000e-16 : f32
    %add3A_14 = vector.broadcast %add3A : f32 to vector<2000x128xf32>
    %add3A_15 = arith.addf %dot_general3A_5, %add3A_14 : vector<2000x128xf32>
    %div3A = arith.divf %get3A_13, %add3A_15 : vector<2000x128xf32>
    %get3A_16 = arith.constant 0 : index
    %get3A_17 = arith.constant 0 : index
    %get3A_18 = vector.load %arg5[%get3A_16, %get3A_17] : memref<2000x128xf32, #tpu.memory_space<vmem>>, vector<2000x128xf32>
    %add3A_19 = arith.addf %div3A, %get3A_18 : vector<2000x128xf32>
    %get3A_20 = arith.constant 0 : index
    %get3A_21 = arith.constant 0 : index
    %get3A_22 = vector.load %arg2[%get3A_20, %get3A_21] : memref<2000x128xf32, #tpu.memory_space<vmem>>, vector<2000x128xf32>
    %add3A_23 = arith.constant 1.000000e-16 : f32
    %add3A_24 = vector.broadcast %add3A_23 : f32 to vector<2000x128xf32>
    %add3A_25 = arith.addf %dot_general3A_10, %add3A_24 : vector<2000x128xf32>
    %div3A_26 = arith.divf %get3A_22, %add3A_25 : vector<2000x128xf32>
    %reduce_sum3A = arith.constant dense<0.000000e+00> : vector<2000xf32>
    %reduce_sum3A_27 = vector.multi_reduction <add>, %add3A_19, %reduce_sum3A [1] : vector<2000x128xf32> to vector<2000xf32>
    %broadcast_in_dim3A = vector.shape_cast %reduce_sum3A_27 : vector<2000xf32> to vector<2000x1xf32>
    %div3A_28 = arith.constant 1.280000e+02 : f32
    %div3A_29 = vector.broadcast %div3A_28 : f32 to vector<2000x1xf32>
    %div3A_30 = arith.divf %broadcast_in_dim3A, %div3A_29 : vector<2000x1xf32>
    %sub3A = vector.broadcast %div3A_30 : vector<2000x1xf32> to vector<2000x128xf32>
    %sub3A_31 = arith.subf %add3A_19, %sub3A : vector<2000x128xf32>
    %integer_pow3A = arith.mulf %sub3A_31, %sub3A_31 : vector<2000x128xf32>
    %reduce_sum3A_32 = arith.constant dense<0.000000e+00> : vector<2000xf32>
    %reduce_sum3A_33 = vector.multi_reduction <add>, %integer_pow3A, %reduce_sum3A_32 [1] : vector<2000x128xf32> to vector<2000xf32>
    %broadcast_in_dim3A_34 = vector.shape_cast %reduce_sum3A_33 : vector<2000xf32> to vector<2000x1xf32>
    %div3A_35 = arith.constant 1.280000e+02 : f32
    %div3A_36 = vector.broadcast %div3A_35 : f32 to vector<2000x1xf32>
    %div3A_37 = arith.divf %broadcast_in_dim3A_34, %div3A_36 : vector<2000x1xf32>
    %sub3A_38 = vector.broadcast %div3A_30 : vector<2000x1xf32> to vector<2000x128xf32>
    %sub3A_39 = arith.subf %add3A_19, %sub3A_38 : vector<2000x128xf32>
    %add3A_40 = arith.constant 9.99999974E-6 : f32
    %add3A_41 = vector.broadcast %add3A_40 : f32 to vector<2000x1xf32>
    %add3A_42 = arith.addf %div3A_37, %add3A_41 : vector<2000x1xf32>
    %sqrt3A = math.sqrt %add3A_42 : vector<2000x1xf32>
    %div3A_43 = vector.broadcast %sqrt3A : vector<2000x1xf32> to vector<2000x128xf32>
    %div3A_44 = arith.divf %sub3A_39, %div3A_43 : vector<2000x128xf32>
    %get3A_45 = arith.constant 0 : index
    %get3A_46 = arith.constant 0 : index
    %get3A_47 = vector.load %arg11[%get3A_45, %get3A_46] : memref<1x128xf32, #tpu.memory_space<vmem>>, vector<1x128xf32>
    %mul3A = vector.broadcast %get3A_47 : vector<1x128xf32> to vector<2000x128xf32>
    %mul3A_48 = arith.mulf %div3A_44, %mul3A : vector<2000x128xf32>
    %get3A_49 = arith.constant 0 : index
    %get3A_50 = arith.constant 0 : index
    %get3A_51 = vector.load %arg12[%get3A_49, %get3A_50] : memref<1x128xf32, #tpu.memory_space<vmem>>, vector<1x128xf32>
    %add3A_52 = vector.broadcast %get3A_51 : vector<1x128xf32> to vector<2000x128xf32>
    %add3A_53 = arith.addf %mul3A_48, %add3A_52 : vector<2000x128xf32>
    %get3A_54 = arith.constant 0 : index
    %get3A_55 = arith.constant 0 : index
    %get3A_56 = vector.load %arg7[%get3A_54, %get3A_55] : memref<128x256xf32, #tpu.memory_space<vmem>>, vector<128x256xf32>
    %dot_general3A_57 = arith.constant dense<0.000000e+00> : vector<2000x256xf32>
    %dot_general3A_58 = tpu.matmul %add3A_53, %get3A_56, %dot_general3A_57 {dimension_numbers = #tpu.dot_dimension_numbers<[1], [0], [0], [1], [0, 0, 1, 1], [], []>, transpose_lhs_hint = false} : vector<2000x128xf32>, vector<128x256xf32>, vector<2000x256xf32> -> vector<2000x256xf32>
    %get3A_59 = arith.constant 0 : index
    %get3A_60 = arith.constant 0 : index
    %get3A_61 = vector.load %arg8[%get3A_59, %get3A_60] : memref<1x256xf32, #tpu.memory_space<vmem>>, vector<1x256xf32>
    %add3A_62 = vector.broadcast %get3A_61 : vector<1x256xf32> to vector<2000x256xf32>
    %add3A_63 = arith.addf %dot_general3A_58, %add3A_62 : vector<2000x256xf32>
    %mul3A_64 = arith.constant 5.000000e-01 : f32
    %mul3A_65 = vector.broadcast %mul3A_64 : f32 to vector<2000x256xf32>
    %mul3A_66 = arith.mulf %mul3A_65, %add3A_63 : vector<2000x256xf32>
    %mul3A_67 = arith.constant 0.707106769 : f32
    %mul3A_68 = vector.broadcast %mul3A_67 : f32 to vector<2000x256xf32>
    %mul3A_69 = arith.mulf %add3A_63, %mul3A_68 : vector<2000x256xf32>
    %abs3A = math.absf %mul3A_69 : vector<2000x256xf32>
    %mul3A_70 = arith.constant 0.327591091 : f32
    %mul3A_71 = vector.broadcast %mul3A_70 : f32 to vector<2000x256xf32>
    %mul3A_72 = arith.mulf %mul3A_71, %abs3A : vector<2000x256xf32>
    %add3A_73 = arith.constant 1.000000e+00 : f32
    %add3A_74 = vector.broadcast %add3A_73 : f32 to vector<2000x256xf32>
    %add3A_75 = arith.addf %add3A_74, %mul3A_72 : vector<2000x256xf32>
    %div3A_76 = arith.constant 1.000000e+00 : f32
    %div3A_77 = vector.broadcast %div3A_76 : f32 to vector<2000x256xf32>
    %div3A_78 = arith.divf %div3A_77, %add3A_75 : vector<2000x256xf32>
    %mul3A_79 = arith.constant 1.06140542 : f32
    %mul3A_80 = vector.broadcast %mul3A_79 : f32 to vector<2000x256xf32>
    %mul3A_81 = arith.mulf %mul3A_80, %div3A_78 : vector<2000x256xf32>
    %sub3A_82 = arith.constant 1.45315206 : f32
    %sub3A_83 = vector.broadcast %sub3A_82 : f32 to vector<2000x256xf32>
    %sub3A_84 = arith.subf %mul3A_81, %sub3A_83 : vector<2000x256xf32>
    %mul3A_85 = arith.mulf %sub3A_84, %div3A_78 : vector<2000x256xf32>
    %add3A_86 = arith.constant 1.42141378 : f32
    %add3A_87 = vector.broadcast %add3A_86 : f32 to vector<2000x256xf32>
    %add3A_88 = arith.addf %mul3A_85, %add3A_87 : vector<2000x256xf32>
    %mul3A_89 = arith.mulf %add3A_88, %div3A_78 : vector<2000x256xf32>
    %sub3A_90 = arith.constant 0.284496725 : f32
    %sub3A_91 = vector.broadcast %sub3A_90 : f32 to vector<2000x256xf32>
    %sub3A_92 = arith.subf %mul3A_89, %sub3A_91 : vector<2000x256xf32>
    %mul3A_93 = arith.mulf %sub3A_92, %div3A_78 : vector<2000x256xf32>
    %add3A_94 = arith.constant 0.254829586 : f32
    %add3A_95 = vector.broadcast %add3A_94 : f32 to vector<2000x256xf32>
    %add3A_96 = arith.addf %mul3A_93, %add3A_95 : vector<2000x256xf32>
    %mul3A_97 = arith.mulf %add3A_96, %div3A_78 : vector<2000x256xf32>
    %sign3A = tpu.bitcast %mul3A_69 : vector<2000x256xf32> -> vector<2000x256xi32>
    %sign3A_98 = arith.constant -2147483648 : i32
    %sign3A_99 = vector.broadcast %sign3A_98 : i32 to vector<2000x256xi32>
    %sign3A_100 = arith.andi %sign3A, %sign3A_99 : vector<2000x256xi32>
    %sign3A_101 = arith.constant 1065353216 : i32
    %sign3A_102 = vector.broadcast %sign3A_101 : i32 to vector<2000x256xi32>
    %sign3A_103 = arith.ori %sign3A_102, %sign3A_100 : vector<2000x256xi32>
    %sign3A_104 = tpu.bitcast %sign3A_103 : vector<2000x256xi32> -> vector<2000x256xf32>
    %sign3A_105 = math.absf %mul3A_69 : vector<2000x256xf32>
    %sign3A_106 = arith.constant 0.000000e+00 : f32
    %sign3A_107 = vector.broadcast %sign3A_106 : f32 to vector<2000x256xf32>
    %sign3A_108 = arith.cmpf ogt, %sign3A_105, %sign3A_107 : vector<2000x256xf32>
    %sign3A_109 = arith.select %sign3A_108, %sign3A_104, %mul3A_69 : vector<2000x256xi1>, vector<2000x256xf32>
    %neg3A = arith.constant 0.000000e+00 : f32
    %neg3A_110 = vector.broadcast %neg3A : f32 to vector<2000x256xf32>
    %neg3A_111 = arith.subf %neg3A_110, %mul3A_69 : vector<2000x256xf32>
    %mul3A_112 = arith.mulf %neg3A_111, %mul3A_69 : vector<2000x256xf32>
    %exp3A = math.exp %mul3A_112 : vector<2000x256xf32>
    %mul3A_113 = arith.mulf %mul3A_97, %exp3A : vector<2000x256xf32>
    %sub3A_114 = arith.constant 1.000000e+00 : f32
    %sub3A_115 = vector.broadcast %sub3A_114 : f32 to vector<2000x256xf32>
    %sub3A_116 = arith.subf %sub3A_115, %mul3A_113 : vector<2000x256xf32>
    %mul3A_117 = arith.mulf %sign3A_109, %sub3A_116 : vector<2000x256xf32>
    %add3A_118 = arith.constant 1.000000e+00 : f32
    %add3A_119 = vector.broadcast %add3A_118 : f32 to vector<2000x256xf32>
    %add3A_120 = arith.addf %add3A_119, %mul3A_117 : vector<2000x256xf32>
    %mul3A_121 = arith.mulf %mul3A_66, %add3A_120 : vector<2000x256xf32>
    %get3A_122 = arith.constant 0 : index
    %get3A_123 = arith.constant 0 : index
    %get3A_124 = vector.load %arg9[%get3A_122, %get3A_123] : memref<256x128xf32, #tpu.memory_space<vmem>>, vector<256x128xf32>
    %dot_general3A_125 = arith.constant dense<0.000000e+00> : vector<2000x128xf32>
    %dot_general3A_126 = tpu.matmul %mul3A_121, %get3A_124, %dot_general3A_125 {dimension_numbers = #tpu.dot_dimension_numbers<[1], [0], [0], [1], [0, 0, 1, 1], [], []>, transpose_lhs_hint = false} : vector<2000x256xf32>, vector<256x128xf32>, vector<2000x128xf32> -> vector<2000x128xf32>
    %get3A_127 = arith.constant 0 : index
    %get3A_128 = arith.constant 0 : index
    %get3A_129 = vector.load %arg10[%get3A_127, %get3A_128] : memref<1x128xf32, #tpu.memory_space<vmem>>, vector<1x128xf32>
    %add3A_130 = vector.broadcast %get3A_129 : vector<1x128xf32> to vector<2000x128xf32>
    %add3A_131 = arith.addf %dot_general3A_126, %add3A_130 : vector<2000x128xf32>
    %add3A_132 = arith.addf %add3A_19, %add3A_131 : vector<2000x128xf32>
    %reduce_sum3A_133 = arith.constant dense<0.000000e+00> : vector<2000xf32>
    %reduce_sum3A_134 = vector.multi_reduction <add>, %div3A_26, %reduce_sum3A_133 [1] : vector<2000x128xf32> to vector<2000xf32>
    %broadcast_in_dim3A_135 = vector.shape_cast %reduce_sum3A_134 : vector<2000xf32> to vector<2000x1xf32>
    %div3A_136 = arith.constant 1.280000e+02 : f32
    %div3A_137 = vector.broadcast %div3A_136 : f32 to vector<2000x1xf32>
    %div3A_138 = arith.divf %broadcast_in_dim3A_135, %div3A_137 : vector<2000x1xf32>
    %sub3A_139 = vector.broadcast %div3A_138 : vector<2000x1xf32> to vector<2000x128xf32>
    %sub3A_140 = arith.subf %div3A_26, %sub3A_139 : vector<2000x128xf32>
    %integer_pow3A_141 = arith.mulf %sub3A_140, %sub3A_140 : vector<2000x128xf32>
    %reduce_sum3A_142 = arith.constant dense<0.000000e+00> : vector<2000xf32>
    %reduce_sum3A_143 = vector.multi_reduction <add>, %integer_pow3A_141, %reduce_sum3A_142 [1] : vector<2000x128xf32> to vector<2000xf32>
    %broadcast_in_dim3A_144 = vector.shape_cast %reduce_sum3A_143 : vector<2000xf32> to vector<2000x1xf32>
    %div3A_145 = arith.constant 1.280000e+02 : f32
    %div3A_146 = vector.broadcast %div3A_145 : f32 to vector<2000x1xf32>
    %div3A_147 = arith.divf %broadcast_in_dim3A_144, %div3A_146 : vector<2000x1xf32>
    %sub3A_148 = vector.broadcast %div3A_138 : vector<2000x1xf32> to vector<2000x128xf32>
    %sub3A_149 = arith.subf %div3A_26, %sub3A_148 : vector<2000x128xf32>
    %add3A_150 = arith.constant 9.99999974E-6 : f32
    %add3A_151 = vector.broadcast %add3A_150 : f32 to vector<2000x1xf32>
    %add3A_152 = arith.addf %div3A_147, %add3A_151 : vector<2000x1xf32>
    %sqrt3A_153 = math.sqrt %add3A_152 : vector<2000x1xf32>
    %div3A_154 = vector.broadcast %sqrt3A_153 : vector<2000x1xf32> to vector<2000x128xf32>
    %div3A_155 = arith.divf %sub3A_149, %div3A_154 : vector<2000x128xf32>
    %get3A_156 = arith.constant 0 : index
    %get3A_157 = arith.constant 0 : index
    %get3A_158 = vector.load %arg11[%get3A_156, %get3A_157] : memref<1x128xf32, #tpu.memory_space<vmem>>, vector<1x128xf32>
    %mul3A_159 = vector.broadcast %get3A_158 : vector<1x128xf32> to vector<2000x128xf32>
    %mul3A_160 = arith.mulf %div3A_155, %mul3A_159 : vector<2000x128xf32>
    %get3A_161 = arith.constant 0 : index
    %get3A_162 = arith.constant 0 : index
    %get3A_163 = vector.load %arg12[%get3A_161, %get3A_162] : memref<1x128xf32, #tpu.memory_space<vmem>>, vector<1x128xf32>
    %add3A_164 = vector.broadcast %get3A_163 : vector<1x128xf32> to vector<2000x128xf32>
    %add3A_165 = arith.addf %mul3A_160, %add3A_164 : vector<2000x128xf32>
    %get3A_166 = arith.constant 0 : index
    %get3A_167 = arith.constant 0 : index
    %get3A_168 = vector.load %arg7[%get3A_166, %get3A_167] : memref<128x256xf32, #tpu.memory_space<vmem>>, vector<128x256xf32>
    %dot_general3A_169 = arith.constant dense<0.000000e+00> : vector<2000x256xf32>
    %dot_general3A_170 = tpu.matmul %add3A_165, %get3A_168, %dot_general3A_169 {dimension_numbers = #tpu.dot_dimension_numbers<[1], [0], [0], [1], [0, 0, 1, 1], [], []>, transpose_lhs_hint = false} : vector<2000x128xf32>, vector<128x256xf32>, vector<2000x256xf32> -> vector<2000x256xf32>
    %get3A_171 = arith.constant 0 : index
    %get3A_172 = arith.constant 0 : index
    %get3A_173 = vector.load %arg8[%get3A_171, %get3A_172] : memref<1x256xf32, #tpu.memory_space<vmem>>, vector<1x256xf32>
    %add3A_174 = vector.broadcast %get3A_173 : vector<1x256xf32> to vector<2000x256xf32>
    %add3A_175 = arith.addf %dot_general3A_170, %add3A_174 : vector<2000x256xf32>
    %mul3A_176 = arith.constant 5.000000e-01 : f32
    %mul3A_177 = vector.broadcast %mul3A_176 : f32 to vector<2000x256xf32>
    %mul3A_178 = arith.mulf %mul3A_177, %add3A_175 : vector<2000x256xf32>
    %mul3A_179 = arith.constant 0.707106769 : f32
    %mul3A_180 = vector.broadcast %mul3A_179 : f32 to vector<2000x256xf32>
    %mul3A_181 = arith.mulf %add3A_175, %mul3A_180 : vector<2000x256xf32>
    %abs3A_182 = math.absf %mul3A_181 : vector<2000x256xf32>
    %mul3A_183 = arith.constant 0.327591091 : f32
    %mul3A_184 = vector.broadcast %mul3A_183 : f32 to vector<2000x256xf32>
    %mul3A_185 = arith.mulf %mul3A_184, %abs3A_182 : vector<2000x256xf32>
    %add3A_186 = arith.constant 1.000000e+00 : f32
    %add3A_187 = vector.broadcast %add3A_186 : f32 to vector<2000x256xf32>
    %add3A_188 = arith.addf %add3A_187, %mul3A_185 : vector<2000x256xf32>
    %div3A_189 = arith.constant 1.000000e+00 : f32
    %div3A_190 = vector.broadcast %div3A_189 : f32 to vector<2000x256xf32>
    %div3A_191 = arith.divf %div3A_190, %add3A_188 : vector<2000x256xf32>
    %mul3A_192 = arith.constant 1.06140542 : f32
    %mul3A_193 = vector.broadcast %mul3A_192 : f32 to vector<2000x256xf32>
    %mul3A_194 = arith.mulf %mul3A_193, %div3A_191 : vector<2000x256xf32>
    %sub3A_195 = arith.constant 1.45315206 : f32
    %sub3A_196 = vector.broadcast %sub3A_195 : f32 to vector<2000x256xf32>
    %sub3A_197 = arith.subf %mul3A_194, %sub3A_196 : vector<2000x256xf32>
    %mul3A_198 = arith.mulf %sub3A_197, %div3A_191 : vector<2000x256xf32>
    %add3A_199 = arith.constant 1.42141378 : f32
    %add3A_200 = vector.broadcast %add3A_199 : f32 to vector<2000x256xf32>
    %add3A_201 = arith.addf %mul3A_198, %add3A_200 : vector<2000x256xf32>
    %mul3A_202 = arith.mulf %add3A_201, %div3A_191 : vector<2000x256xf32>
    %sub3A_203 = arith.constant 0.284496725 : f32
    %sub3A_204 = vector.broadcast %sub3A_203 : f32 to vector<2000x256xf32>
    %sub3A_205 = arith.subf %mul3A_202, %sub3A_204 : vector<2000x256xf32>
    %mul3A_206 = arith.mulf %sub3A_205, %div3A_191 : vector<2000x256xf32>
    %add3A_207 = arith.constant 0.254829586 : f32
    %add3A_208 = vector.broadcast %add3A_207 : f32 to vector<2000x256xf32>
    %add3A_209 = arith.addf %mul3A_206, %add3A_208 : vector<2000x256xf32>
    %mul3A_210 = arith.mulf %add3A_209, %div3A_191 : vector<2000x256xf32>
    %sign3A_211 = tpu.bitcast %mul3A_181 : vector<2000x256xf32> -> vector<2000x256xi32>
    %sign3A_212 = arith.constant -2147483648 : i32
    %sign3A_213 = vector.broadcast %sign3A_212 : i32 to vector<2000x256xi32>
    %sign3A_214 = arith.andi %sign3A_211, %sign3A_213 : vector<2000x256xi32>
    %sign3A_215 = arith.constant 1065353216 : i32
    %sign3A_216 = vector.broadcast %sign3A_215 : i32 to vector<2000x256xi32>
    %sign3A_217 = arith.ori %sign3A_216, %sign3A_214 : vector<2000x256xi32>
    %sign3A_218 = tpu.bitcast %sign3A_217 : vector<2000x256xi32> -> vector<2000x256xf32>
    %sign3A_219 = math.absf %mul3A_181 : vector<2000x256xf32>
    %sign3A_220 = arith.constant 0.000000e+00 : f32
    %sign3A_221 = vector.broadcast %sign3A_220 : f32 to vector<2000x256xf32>
    %sign3A_222 = arith.cmpf ogt, %sign3A_219, %sign3A_221 : vector<2000x256xf32>
    %sign3A_223 = arith.select %sign3A_222, %sign3A_218, %mul3A_181 : vector<2000x256xi1>, vector<2000x256xf32>
    %neg3A_224 = arith.constant 0.000000e+00 : f32
    %neg3A_225 = vector.broadcast %neg3A_224 : f32 to vector<2000x256xf32>
    %neg3A_226 = arith.subf %neg3A_225, %mul3A_181 : vector<2000x256xf32>
    %mul3A_227 = arith.mulf %neg3A_226, %mul3A_181 : vector<2000x256xf32>
    %exp3A_228 = math.exp %mul3A_227 : vector<2000x256xf32>
    %mul3A_229 = arith.mulf %mul3A_210, %exp3A_228 : vector<2000x256xf32>
    %sub3A_230 = arith.constant 1.000000e+00 : f32
    %sub3A_231 = vector.broadcast %sub3A_230 : f32 to vector<2000x256xf32>
    %sub3A_232 = arith.subf %sub3A_231, %mul3A_229 : vector<2000x256xf32>
    %mul3A_233 = arith.mulf %sign3A_223, %sub3A_232 : vector<2000x256xf32>
    %add3A_234 = arith.constant 1.000000e+00 : f32
    %add3A_235 = vector.broadcast %add3A_234 : f32 to vector<2000x256xf32>
    %add3A_236 = arith.addf %add3A_235, %mul3A_233 : vector<2000x256xf32>
    %mul3A_237 = arith.mulf %mul3A_178, %add3A_236 : vector<2000x256xf32>
    %get3A_238 = arith.constant 0 : index
    %get3A_239 = arith.constant 0 : index
    %get3A_240 = vector.load %arg9[%get3A_238, %get3A_239] : memref<256x128xf32, #tpu.memory_space<vmem>>, vector<256x128xf32>
    %dot_general3A_241 = arith.constant dense<0.000000e+00> : vector<2000x128xf32>
    %dot_general3A_242 = tpu.matmul %mul3A_237, %get3A_240, %dot_general3A_241 {dimension_numbers = #tpu.dot_dimension_numbers<[1], [0], [0], [1], [0, 0, 1, 1], [], []>, transpose_lhs_hint = false} : vector<2000x256xf32>, vector<256x128xf32>, vector<2000x128xf32> -> vector<2000x128xf32>
    %get3A_243 = arith.constant 0 : index
    %get3A_244 = arith.constant 0 : index
    %get3A_245 = vector.load %arg10[%get3A_243, %get3A_244] : memref<1x128xf32, #tpu.memory_space<vmem>>, vector<1x128xf32>
    %add3A_246 = vector.broadcast %get3A_245 : vector<1x128xf32> to vector<2000x128xf32>
    %add3A_247 = arith.addf %dot_general3A_242, %add3A_246 : vector<2000x128xf32>
    %add3A_248 = arith.addf %div3A_26, %add3A_247 : vector<2000x128xf32>
    %add3A_249 = arith.addf %add3A_132, %add3A_248 : vector<2000x128xf32>
    %swap3A = arith.constant 0 : index
    %swap3A_250 = arith.constant 0 : index
    %swap3A_251 = vector.load %arg13[%swap3A, %swap3A_250] : memref<2000x128xf32, #tpu.memory_space<vmem>>, vector<2000x128xf32>
    tpu.vector_store %arg13[%swap3A, %swap3A_250], %add3A_249 {strides = array<i32>} : memref<2000x128xf32, #tpu.memory_space<vmem>>, vector<2000x128xf32>,
    %swap3A_252 = arith.constant 0 : index
    %swap3A_253 = arith.constant 0 : index
    %swap3A_254 = vector.load %arg14[%swap3A_252, %swap3A_253] : memref<2000x128xf32, #tpu.memory_space<vmem>>, vector<2000x128xf32>
    tpu.vector_store %arg14[%swap3A_252, %swap3A_253], %add3A_132 {strides = array<i32>} : memref<2000x128xf32, #tpu.memory_space<vmem>>, vector<2000x128xf32>,
    %swap3A_255 = arith.constant 0 : index
    %swap3A_256 = arith.constant 0 : index
    %swap3A_257 = vector.load %arg15[%swap3A_255, %swap3A_256] : memref<2000x128xf32, #tpu.memory_space<vmem>>, vector<2000x128xf32>
    tpu.vector_store %arg15[%swap3A_255, %swap3A_256], %add3A_248 {strides = array<i32>} : memref<2000x128xf32, #tpu.memory_space<vmem>>, vector<2000x128xf32>,
    return
  }
  func.func @transform_0(%arg0: i32) -> (i32, i32) {
    %c0_i32 = arith.constant 0 : i32
    %c0_i32_0 = arith.constant 0 : i32
    return %arg0, %c0_i32 : i32, i32
  }
  func.func @transform_1(%arg0: i32) -> (i32, i32) {
    %c0_i32 = arith.constant 0 : i32
    %c0_i32_0 = arith.constant 0 : i32
    return %arg0, %c0_i32 : i32, i32
  }
  func.func @transform_2(%arg0: i32) -> (i32, i32) {
    %c0_i32 = arith.constant 0 : i32
    %c0_i32_0 = arith.constant 0 : i32
    return %arg0, %c0_i32 : i32, i32
  }
  func.func @transform_3(%arg0: i32) -> (i32, i32) {
    %c0_i32 = arith.constant 0 : i32
    %c0_i32_0 = arith.constant 0 : i32
    return %arg0, %c0_i32 : i32, i32
  }
  func.func @transform_4(%arg0: i32) -> (i32, i32) {
    %c0_i32 = arith.constant 0 : i32
    %c0_i32_0 = arith.constant 0 : i32
    return %arg0, %c0_i32 : i32, i32
  }
  func.func @transform_5(%arg0: i32) -> (i32, i32) {
    %c0_i32 = arith.constant 0 : i32
    %c0_i32_0 = arith.constant 0 : i32
    %c0_i32_1 = arith.constant 0 : i32
    return %c0_i32, %c0_i32_0 : i32, i32
  }
  func.func @transform_6(%arg0: i32) -> (i32, i32) {
    %c0_i32 = arith.constant 0 : i32
    %c0_i32_0 = arith.constant 0 : i32
    %c0_i32_1 = arith.constant 0 : i32
    return %c0_i32, %c0_i32_0 : i32, i32
  }
  func.func @transform_7(%arg0: i32) -> (i32, i32) {
    %c0_i32 = arith.constant 0 : i32
    %c0_i32_0 = arith.constant 0 : i32
    %c0_i32_1 = arith.constant 0 : i32
    return %c0_i32, %c0_i32_0 : i32, i32
  }
  func.func @transform_8(%arg0: i32) -> (i32, i32) {
    %c0_i32 = arith.constant 0 : i32
    %c0_i32_0 = arith.constant 0 : i32
    %c0_i32_1 = arith.constant 0 : i32
    return %c0_i32, %c0_i32_0 : i32, i32
  }
  func.func @transform_9(%arg0: i32) -> (i32, i32) {
    %c0_i32 = arith.constant 0 : i32
    %c0_i32_0 = arith.constant 0 : i32
    %c0_i32_1 = arith.constant 0 : i32
    return %c0_i32, %c0_i32_0 : i32, i32
  }
  func.func @transform_10(%arg0: i32) -> (i32, i32) {
    %c0_i32 = arith.constant 0 : i32
    %c0_i32_0 = arith.constant 0 : i32
    %c0_i32_1 = arith.constant 0 : i32
    return %c0_i32, %c0_i32_0 : i32, i32
  }
  func.func @transform_11(%arg0: i32) -> (i32, i32) {
    %c0_i32 = arith.constant 0 : i32
    %c0_i32_0 = arith.constant 0 : i32
    %c0_i32_1 = arith.constant 0 : i32
    return %c0_i32, %c0_i32_0 : i32, i32
  }
  func.func @transform_12(%arg0: i32) -> (i32, i32) {
    %c0_i32 = arith.constant 0 : i32
    %c0_i32_0 = arith.constant 0 : i32
    return %arg0, %c0_i32 : i32, i32
  }
  func.func @transform_13(%arg0: i32) -> (i32, i32) {
    %c0_i32 = arith.constant 0 : i32
    %c0_i32_0 = arith.constant 0 : i32
    return %arg0, %c0_i32 : i32, i32
  }
  func.func @transform_14(%arg0: i32) -> (i32, i32) {
    %c0_i32 = arith.constant 0 : i32
    %c0_i32_0 = arith.constant 0 : i32
    return %arg0, %c0_i32 : i32, i32
  }
}

</mosaic_0001>

<sc_bundles>
// kernel: kernel.19.cloned.1.call-start
scs
__scs_entry_jumppad:
0x0: {  	(pc) =	sbr.rel $0x88, $3  }
0x1: {  	(tag) =	ssettag $0x0;
	lr =	simm.s32 $0x1  }
0x2: {  	[smem:$0x3F93] =	sst lr;
	_ =	strace $0xD0000000  }
0x3: {  	_ = 	snop  }
0x4: {  	_ = 	snop  }
0x5: {  	_ = 	snop  }
0x6: {  	_ = 	snop  }
0x7: {  	_ = 	snop  }
__scs_overlays_trampoline_lowered:
0x8: {  	[smem:$0x3FA2] =	sst s0  }
0x9: {  	[smem:$0x3FA3] =	sst s1  }
0xa: {  	[smem:$0x3FA4] =	sst s2  }
0xb: {  	[smem:$0x3FA5] =	sst s3  }
0xc: {  	[smem:$0x3FA6] =	sst s4  }
0xd: {  	[smem:$0x3FA7] =	sst s5  }
0xe: {  	[smem:$0x3FA8] =	sst s6  }
0xf: {  	[smem:$0x3FA9] =	sst s7  }
0x10: {  	[smem:$0x3FAA] =	sst s8  }
0x11: {  	[smem:$0x3FAB] =	sst s9;
	s0 =	simm.s32 @!p0 $0x0  }
0x12: {  	s1 =	sld [smem:$0x3F91];
	s0 =	simm.s32 @p0 $0x1  }
0x13: {  	[smem:$0x3FAC] =	sst s0;
	s0 =	simm.s32 @!p1 $0x0  }
0x14: {  	s2 =	sld [smem:$0x3F90];
	s0 =	simm.s32 @p1 $0x1  }
0x15: {  	[smem:$0x3FAD] =	sst s0;
	s0 =	simm.s32 @!p2 $0x0  }
0x16: {  	s3 =	sld [smem:$0x3FDB];
	s0 =	simm.s32 @p2 $0x1  }
0x17: {  	s4 =	simm.s32 $0x1BF5;
	[smem:$0x3FAF] =	sst s0  }
0x18: {  	s0 =	sld [smem:$0x3F92];
	_ =	swait.ge [sflag:s4], $0x0  }
0x19: {  	s7 =	sld [smem:$0x3F93]  }
0x1a: {  	s8 =	sadd.s32 $0xFFFFE003, lr  }
0x1b: {  	s9 =	sadd.s32 $0xFFFFFEF7, lr;
	s5 =	simm.s32 $0xFFFFFFFF;
	p2 =	slt.u32 s8, $0xFFFFF086  }
0x1c: {  	p1 =	slt.u32 s9, $0xF7A;
	s5 =	simm.s32 @!p2 $0x0  }
0x1d: {  	s5 =	simm.s32 @p1 $0x1;
	p0 =	seq.s32 s7, s2  }
0x1e: {  	s7 =	smul.u32 @!p0 $0xF7A, s2;
	p2 =	seq.s32 @!p0 s5, $0x0  }
0x1f: {  	s9 =	smul.u32 $0xF7A, s1;
	s8 =	simm.s32 @!p0 $0x1BF5;
	p2 =	por !p2, p0  }
0x20: {  	[sflag:s8] =	ssyncset.s32 @!p0 $0xFFFFF086;
	s6 =	sadd.s32 @!p0 s3, s7;
	s7 =	simm.s32 @!p0 $0x108  }
0x21: {  	s3 =	sadd.s32 s3, s9;
	s6 =	sadd.s32 @!p0 $0x88, s6;
	s7 =	simm.s32 @p2 $0x1082  }
0x22: {  	[simem:s7], [sflag:s8] =	dma.local @!p0 [hbm:s6], $0xF7A  }
0x23: {  	s9 =	sor.u32 $0xD0000000, s2;
	s6 =	simm.s32 $0x108;
	_ =	swait.ge @!p0 [sflag:s8], $0x0  }
0x24: {  	s3 =	sadd.s32 $0x88, s3;
	s6 =	simm.s32 @!p1 $0x1082;
	[sflag:s4] =	ssyncset.s32 $0xFFFFF086  }
0x25: {  	[simem:s6], [sflag:s4] =	dma.local [hbm:s3], $0xF7A  }
0x26: {  	[smem:$0x3F93] =	sst s1;
	(tag) =	ssettag s2;
	_ =	strace s9  }
0x27: {  	s1 =	sld [smem:$0x3FA3]  }
0x28: {  	s2 =	sld [smem:$0x3FA4]  }
0x29: {  	s4 =	sld [smem:$0x3FA6]  }
0x2a: {  	p0 =	seq.s32 s5, $0x0;
	s5 =	sld [smem:$0x3FA7]  }
0x2b: {  	s6 =	sld [smem:$0x3FA8]  }
0x2c: {  	s7 =	sld [smem:$0x3FA9]  }
0x2d: {  	s3 =	simm.s32 $0x108;
	s8 =	sld [smem:$0x3FAA]  }
0x2e: {  	s3 =	simm.s32 @!p0 $0x1082;
	s9 =	sld [smem:$0x3FAB]  }
0x2f: {  	lr =	sadd.s32 s0, s3;
	s0 =	sld [smem:$0x3FA2]  }
0x30: {  	s3 =	sld [smem:$0x3FA5]  }
0x31: {  	[smem:$0x3FAE] =	sst s10  }
0x32: {  	s10 =	sld [smem:$0x3FAC];
	_ =	sdelay $0x3  }
0x33: {  	p0 =	seq.s32 s10, $0x1;
	s10 =	sld [smem:$0x3FAE];
	_ =	sdelay $0x3  }
0x34: {  	[smem:$0x3FAE] =	sst s10  }
0x35: {  	s10 =	sld [smem:$0x3FAD];
	_ =	sdelay $0x3  }
0x36: {  	p1 =	seq.s32 s10, $0x1;
	s10 =	sld [smem:$0x3FAE];
	_ =	sdelay $0x3  }
0x37: {  	[smem:$0x3FAE] =	sst s10  }
0x38: {  	s10 =	sld [smem:$0x3FAF]  }
0x39: {  	_ = 	snop;
	(pc) =	sbr.ind lr, $3  }
0x3a: {  	_ = 	snop  }
0x3b: {  	_ = 	snop  }
0x3c: {  	p2 =	seq.s32 s10, $0x1;
	s10 =	sld [smem:$0x3FAE]  }
0x3d: {  	_ =	shalt  }
0x3e: {  	_ =	shalt  }
0x3f: {  	_ =	shalt  }
0x40: {  	_ =	shalt  }
0x41: {  	_ =	shalt  }
0x42: {  	_ =	shalt  }
0x43: {  	_ =	shalt  }
0x44: {  	_ =	shalt  }
0x45: {  	_ =	shalt  }
0x46: {  	_ =	shalt  }
0x47: {  	_ =	shalt  }
0x48: {  	_ =	shalt  }
0x49: {  	_ =	shalt  }
0x4a: {  	_ =	shalt  }
0x4b: {  	_ =	shalt  }
0x4c: {  	_ =	shalt  }
0x4d: {  	_ =	shalt  }
0x4e: {  	_ =	shalt  }
0x4f: {  	_ =	shalt  }
0x50: {  	_ =	shalt  }
0x51: {  	_ =	shalt  }
0x52: {  	_ =	shalt  }
0x53: {  	_ =	shalt  }
0x54: {  	_ =	shalt  }
0x55: {  	_ =	shalt  }
0x56: {  	_ =	shalt  }
0x57: {  	_ =	shalt  }
0x58: {  	_ =	shalt  }
0x59: {  	_ =	shalt  }
0x5a: {  	_ =	shalt  }
0x5b: {  	_ =	shalt  }
0x5c: {  	_ =	shalt  }
0x5d: {  	_ =	shalt  }
0x5e: {  	_ =	shalt  }
0x5f: {  	_ =	shalt  }
0x60: {  	_ =	shalt  }
0x61: {  	_ =	shalt  }
0x62: {  	_ =	shalt  }
0x63: {  	_ =	shalt  }
0x64: {  	_ =	shalt  }
0x65: {  	_ =	shalt  }
0x66: {  	_ =	shalt  }
0x67: {  	_ =	shalt  }
0x68: {  	_ =	shalt  }
0x69: {  	_ =	shalt  }
0x6a: {  	_ =	shalt  }
0x6b: {  	_ =	shalt  }
0x6c: {  	_ =	shalt  }
0x6d: {  	_ =	shalt  }
0x6e: {  	_ =	shalt  }
0x6f: {  	_ =	shalt  }
0x70: {  	_ =	shalt  }
0x71: {  	_ =	shalt  }
0x72: {  	_ =	shalt  }
0x73: {  	_ =	shalt  }
0x74: {  	_ =	shalt  }
0x75: {  	_ =	shalt  }
0x76: {  	_ =	shalt  }
0x77: {  	_ =	shalt  }
0x78: {  	_ =	shalt  }
0x79: {  	_ =	shalt  }
0x7a: {  	_ =	shalt  }
0x7b: {  	_ =	shalt  }
0x7c: {  	_ =	shalt  }
0x7d: {  	_ =	shalt  }
0x7e: {  	_ =	shalt  }
0x7f: {  	_ =	shalt  }
0x80: {  	_ =	shalt  }
0x81: {  	_ =	shalt  }
0x82: {  	_ =	shalt  }
0x83: {  	_ =	shalt  }
0x84: {  	_ =	shalt  }
0x85: {  	_ =	shalt  }
0x86: {  	_ =	shalt  }
0x87: {  	_ =	shalt  }
.Lfunc_end0:
.L_simem_size_0:
called_computation_lowered:
.L_overlay_start_0:
0x88: {  	s2 =	sld [smem:$0x3FD9]  }
0x89: {  	s3 =	sld [smem:$0x3FFE];
	_ =	sdelay $0x1  }
0x8a: {  	s1 =	srdreg.scid  }
0x8b: {  	s0 =	sand.u32 $0x1, s1  }
0x8c: {  	s14 =	sshll.u32 s0, $0xA;
	s2 =	sadd.s32 s3, s2  }
0x8d: {  	s2 =	sadd.s32 s2, s14  }
0x8e: {  	[smem:$0x3FBA] =	sst s2  }
0x8f: {  	_ = 	snop  }
0x90: {  	s2 =	sld [smem:$0x3FD0];
	_ =	sdelay $0x2  }
0x91: {  	s15 =	simm.s32 $0xF;
	s4 =	simm.s32 $0x10  }
0x92: {  	[smem:s4], [sflag:s15] =	dma.local [hbm:s2], $0x1  }
0x93: {  	_ =	swait.eq [sflag:s15], $0x1  }
0x94: {  	[sflag:s15] =	ssyncset.done $0x0  }
0x95: {  	[sflag:s15] =	ssyncadd.s32 $0xFFFFFFFF  }
0x96: {  	s16 =	sld [smem:$0x10];
	(tm) =	ssettm $0x1  }
0x97: {  	s17 =	sld [smem:$0x3FFB];
	_ =	sdelay $0x3  }
0x98: {  	_ =	strace s17  }
0x99: {  	s3 =	sld [smem:$0x3FFC];
	_ =	sdelay $0x3  }
0x9a: {  	_ =	strace s3  }
0x9b: {  	s3 =	sld [smem:$0x3FFD];
	_ =	sdelay $0x3  }
0x9c: {  	_ =	strace s3  }
0x9d: {  	_ =	strace $0x8FFFFFFF  }
0x9e: {  	s18 =	sld [smem:$0x3FDB];
	_ =	sdelay $0x1  }
0x9f: {  	s19 =	simm.s32 $_scs_section_size  }
0xa0: {  	s5 =	simm.s32 $_size__tile_overlayer_lowered;
	s6 =	simm.s32 $_tile_overlayer_lowered  }
0xa1: {  	s22 =	simm.s32 $0x1BFF;
	s21 =	sshll.u32 s6, $0x1;
	s3 =	sadd.s32 s19, s18  }
0xa2: {  	s7 =	simm.s32 $0x0;
	s20 =	sshll.u32 s5, $0x1;
	s5 =	sadd.s32 s21, s3  }
0xa3: {  	[timem:s7], [sflag:s22] =	dma.local [hbm:s5], s20  }
0xa4: {  	_ =	swait.ge [sflag:s22], s20  }
0xa5: {  	s4 =	ssub.s32 $0x0, s20;
	[sflag:s22] =	ssyncset.done $0x0  }
0xa6: {  	[sflag:s22] =	ssyncadd.s32 s4;
	_ =	sdelay $0x1  }
0xa7: {  	s23 =	simm.s32 $0x1B8B  }
0xa8: {  	_ =	swait.ge [sflag:s23], $0x1  }
0xa9: {  	[sflag:s23] =	ssyncset.done $0x0  }
0xaa: {  	s25 =	simm.s32 $0x1B8E;
	s24 =	sld [smem:$0x3FFE];
	[sflag:s23] =	ssyncadd.s32 $0xFFFFFFFF  }
0xab: {  	s26 =	simm.s32 $execute0_lowered;
	[smem:$0x3FD2] =	sst s25  }
0xac: {  	s5 =	sshll.u32 s26, $0x1;
	_ =	strace $0x80000046;
	[dreg:$0x1] =	wrdreg $0xFFFFFFFF  }
0xad: {  	s28 =	simm.s32 $_size_execute0_lowered;
	s3 =	sadd.s32 s3, s5;
	[dreg:$0x0] =	wrdreg $0x0  }
0xae: {  	s5 =	sshll.u32 s28, $0x1;
	[dreg:$0x2] =	wrdreg s3  }
0xaf: {  	[dreg:$0x3] =	wrdreg s5  }
0xb0: {  	[dreg:$0x4] =	wrdreg $0xC0  }
0xb1: {  	_ =	task [dreg:s7], $0x5FFFF  }
0xb2: {  	[dreg:$0x1] =	wrdreg $0xFFFFFFFF  }
0xb3: {  	[dreg:$0x0] =	wrdreg $0x60  }
0xb4: {  	[dreg:$0x2] =	wrdreg s16  }
0xb5: {  	[dreg:$0x3] =	wrdreg s24  }
0xb6: {  	[dreg:$0x4] =	wrdreg $0x9  }
0xb7: {  	_ =	task.clear_ibuf [dreg:s7], $0x5FFFF;
	_ =	strace $0x90000046  }
0xb8: {  	s29 =	simm.s32 $0x9;
	_ =	strace $0x80000048  }
0xb9: {  	_ =	swait.ge [sflag:s29], $0x1  }
0xba: {  	[sflag:s29] =	ssyncadd.s32 $0xFFFFFFFF  }
0xbb: {  	_ =	strace $0x90000048  }
0xbc: {  	_ =	sfence  }
0xbd: {  	s30 =	sld [smem:$0x0];
	_ =	sdelay $0x2  }
0xbe: {  	s31 =	sshll.u32 s1, $0xD;
	s1 =	sshrl.u32 s1, $0x2  }
0xbf: {  	s3 =	sand.u32 $0x4000, s31;
	s1 =	sadd.s32 s1, s30  }
0xc0: {  	s0 =	sor.u32 s3, s0;
	s1 =	sshll.u32 s1, $0x11  }
0xc1: {  	s0 =	sor.u32 s1, s0  }
0xc2: {  	s0 =	sadd.s32 $0x8F2B, s0  }
0xc3: {  	[sflag:s0] =	ssyncadd.remote.s32 $0x1  }
0xc4: {  	_ =	sfence.sel $0xFFFF  }
0xc5: {  	[dreg:$0x0] =	wrdreg $0xFFFFFFFF;
	(pc) =	sbr.abs _section_cstart, $3  }
0xc6: {  	[dreg:$0x1] =	wrdreg $0xFFFFFFFF  }
0xc7: {  	_ =	task.clear_ibuf [dreg:s7], $0x2FFFF;
	_ =	strace $0x9FFFFFFF  }
0xc8: {  	(tm) =	ssettm $0x7FFFFFFF  }
0xc9: {  	_ =	shalt  }
tec
execute0_lowered:
.L_overlay_start_1:
0x0: {  	(tag) =	ssettag $0x1  }
0x1: {  	s2 =	rddreg [dreg:$0x0]  }
0x2: {  	s4 =	rddreg [dreg:$0x1]  }
0x3: {  	s0 =	rddreg [dreg:$0x2];
	s1 =	stileid.u32  }
0x4: {  	s5 =	srdreg.scid;
	s3 =	simm.s32 $0x0;
	s6 =	smul.u32 $0x1D4C0, s1  }
0x5: {  	s10 =	simm.s32 $0x0;
	s5 =	sand.u32 $0x1, s5;
	s8 =	smul.u32 $0x1D4C00, s1  }
0x6: {  	[smem:$0x7FF] =	sst s3;
	s7 =	smul.u32 $0xEA60, s5;
	s9 =	ssub.s32 $0x2, s5  }
0x7: {  	_ =	strace $0x80000047;
	s5 =	smul.u32 $0xEA600, s5;
	s31 =	sshrl.u32 s9, $0x1  }
0x8: {  	s8 =	sadd.s32 s8, s4;
	s6 =	sadd.s32 s7, s6;
	s7 =	ssub.s32 s9, s31  }
0x9: {  	s5 =	sadd.s32 s5, s8;
	s8 =	simm.s32 $0x50;
	s6 =	sshrl.u32 s6, $0x3  }
0xa: {  	s9 =	simm.s32 $0x1;
	s5 =	sadd.s32 $0x87800, s5;
	s6 =	sadd.s32 s6, s4  }
0xb: {  	s4 =	smax.u32 s7, $0x1;
	s7 =	simm.s32 $0x2;
	s6 =	sadd.s32 $0x4CE00, s6  }
.LBB2_1:
0xc: {  	s11 =	sadd.s32 $0x0, s6  }
0xd: {  	[tilespmem:s3], [sflag:$0x2] =	stream.linear.gather [hbm4b:s11+s3], $0x50, $0x38;
	[tilespmem:$0x2850] =	vst v63  }
0xe: {  	_ =	swait.ge [sflag:s7], $0x50  }
0xf: {  	[sflag:s7] =	ssyncset.done $0x0  }
0x10: {  	[sflag:s7] =	ssyncadd.s32 $0xFFFFFFB0  }
0x11: {  	[tilespmem:s8], [sflag:$0x1] =	stream.indirect.gather [hbm4b:s2+s8], $0x80, s3, s8, $0xb8;
	[tilespmem:$0x2850] =	vst v63  }
0x12: {  	_ =	swait.ge [sflag:s9], $0x2800  }
0x13: {  	[sflag:s9] =	ssyncset.done $0x0  }
0x14: {  	[sflag:s9] =	ssyncadd.s32 $0xFFFFD800  }
0x15: {  	[hbm4b:s5+s3] =	stream.linear.scatter [tilespmem:s8], [sflag:$0x2], $0x2800, $0x38;
	[tilespmem:$0x2850] =	vst v63  }
0x16: {  	s12 =	simm.s32 $0xA;
	_ =	swait.ge [sflag:s7], $0x2800  }
0x17: {  	s13 =	simm.s32 $0x14;
	s11 =	sadd.s32 $0x500, s5;
	[sflag:s7] =	ssyncset.done $0x0  }
.LBB2_2:
0x18: {  	s14 =	sadd.s32 s12, s6  }
0x19: {  	[sflag:s7] =	ssyncadd.s32 $0xFFFFD800;
	s12 =	smov.u32 s13;
	s15 =	sadd.s32 $0xA, s13  }
0x1a: {  	[tilespmem:s3], [sflag:$0x2] =	stream.linear.gather [hbm4b:s14+s3], $0x50, $0x38;
	[tilespmem:$0x2850] =	vst v63  }
0x1b: {  	p0 =	sne.s32 s13, $0x1D42;
	_ =	swait.ge [sflag:s7], $0x50  }
0x1c: {  	[sflag:s7] =	ssyncset.done $0x0  }
0x1d: {  	[sflag:s7] =	ssyncadd.s32 $0xFFFFFFB0  }
0x1e: {  	[tilespmem:s8], [sflag:$0x1] =	stream.indirect.gather [hbm4b:s2+s8], $0x80, s3, s8, $0xb8;
	[tilespmem:$0x2850] =	vst v63  }
0x1f: {  	_ =	swait.ge [sflag:s9], $0x2800  }
.Ltmp0:
0x20: {  	[sflag:s9] =	ssyncset.done $0x0;
	(pc) =	sbr.rel @p0 .LBB2_2-.Ltmp0, $4  }
0x21: {  	[sflag:s9] =	ssyncadd.s32 $0xFFFFD800  }
0x22: {  	[hbm4b:s11+s3] =	stream.linear.scatter [tilespmem:s8], [sflag:$0x2], $0x2800, $0x38;
	[tilespmem:$0x2850] =	vst v63  }
0x23: {  	_ =	swait.ge [sflag:s7], $0x2800  }
0x24: {  	s13 =	smov.u32 s15;
	s11 =	sadd.s32 $0x500, s11;
	[sflag:s7] =	ssyncset.done $0x0  }
0x25: {  	s12 =	sadd.s32 s12, s6;
	[sflag:s7] =	ssyncadd.s32 $0xFFFFD800  }
0x26: {  	[tilespmem:s3], [sflag:$0x2] =	stream.linear.gather [hbm4b:s12+s3], $0x50, $0x38;
	[tilespmem:$0x2850] =	vst v63  }
0x27: {  	_ =	swait.ge [sflag:s7], $0x50  }
0x28: {  	[sflag:s7] =	ssyncset.done $0x0  }
0x29: {  	[sflag:s7] =	ssyncadd.s32 $0xFFFFFFB0  }
0x2a: {  	[tilespmem:s8], [sflag:$0x1] =	stream.indirect.gather [hbm4b:s2+s8], $0x80, s3, s8, $0xb8;
	[tilespmem:$0x2850] =	vst v63  }
0x2b: {  	s10 =	sadd.s32 $0x1, s10;
	_ =	swait.ge [sflag:s9], $0x2800  }
0x2c: {  	p0 =	sne.s32 s10, s4;
	[sflag:s9] =	ssyncset.done $0x0  }
.Ltmp1:
0x2d: {  	[sflag:s9] =	ssyncadd.s32 $0xFFFFD800;
	(pc) =	sbr.rel @p0 .LBB2_1-.Ltmp1, $4  }
0x2e: {  	[hbm4b:s11+s3] =	stream.linear.scatter [tilespmem:s8], [sflag:$0x2], $0x2800, $0x38;
	[tilespmem:$0x2850] =	vst v63  }
0x2f: {  	_ =	swait.ge [sflag:s7], $0x2800  }
0x30: {  	[sflag:s7] =	ssyncset.done $0x0  }
0x31: {  	[sflag:s7] =	ssyncadd.s32 $0xFFFFD800  }
0x32: {  	_ =	sfence.sel $0x180000  }
0x33: {  	[bflag:$0x0] =	sbarrier.arrive $0xFFFF  }
0x34: {  	p0 =	sne.s32 s1, $0x0;
	_ =	strace $0x90000047  }
0x35: {  	s0 =	sadd.s32 @!p0 $0x100000, s0;
	[bflag:$0x2] =	sbarrier.arrive $0xFFFF  }
0x36: {  	[sflag:s0] =	ssyncadd.tile.s32 @!p0 $0x1;
	_ =	shalt  }
.Lfunc_end2:
_tile_overlayer_lowered:
.L_overlay_start_2:
0x37: {  	(tag) =	ssettag $0x2  }
0x38: {  	s0 =	rddreg [dreg:$0x0];
	s2 =	stileid.u32  }
0x39: {  	s1 =	rddreg [dreg:$0x1];
	p0 =	sne.s32 s2, $0x0  }
0x3a: {  	s3 =	rddreg [dreg:$0x2];
	[bflag:$0x3] =	sbarrier.arrive $0xFFFF;
	s2 =	simm.s32 @!p0 $0x1C02  }
0x3b: {  	[timem:s3], [sflag:s2] =	dma.local @!p0 [hbm:s0], s1  }
0x3c: {  	s0 =	simm.s32 @!p0 $0x2  }
0x3d: {  	_ =	swait.ge @!p0 [sflag:s0], s1  }
0x3e: {  	s1 =	ssub.s32 @!p0 $0x0, s1;
	[sflag:s0] =	ssyncset.done @!p0 $0x0  }
0x3f: {  	[sflag:s0] =	ssyncadd.s32 @!p0 s1  }
0x40: {  	[bflag:$0x3] =	sbarrier.arrive $0xFFFF  }
0x41: {  	_ =	shalt  }

// kernel: kernel.22.cloned.1.call-start
scs
__scs_entry_jumppad:
0x0: {  	(pc) =	sbr.rel $0x88, $3  }
0x1: {  	(tag) =	ssettag $0x0;
	lr =	simm.s32 $0x1  }
0x2: {  	[smem:$0x3F93] =	sst lr;
	_ =	strace $0xD0000000  }
0x3: {  	_ = 	snop  }
0x4: {  	_ = 	snop  }
0x5: {  	_ = 	snop  }
0x6: {  	_ = 	snop  }
0x7: {  	_ = 	snop  }
__scs_overlays_trampoline_lowered:
0x8: {  	[smem:$0x3FA2] =	sst s0  }
0x9: {  	[smem:$0x3FA3] =	sst s1  }
0xa: {  	[smem:$0x3FA4] =	sst s2  }
0xb: {  	[smem:$0x3FA5] =	sst s3  }
0xc: {  	[smem:$0x3FA6] =	sst s4  }
0xd: {  	[smem:$0x3FA7] =	sst s5  }
0xe: {  	[smem:$0x3FA8] =	sst s6  }
0xf: {  	[smem:$0x3FA9] =	sst s7  }
0x10: {  	[smem:$0x3FAA] =	sst s8  }
0x11: {  	[smem:$0x3FAB] =	sst s9;
	s0 =	simm.s32 @!p0 $0x0  }
0x12: {  	s1 =	sld [smem:$0x3F91];
	s0 =	simm.s32 @p0 $0x1  }
0x13: {  	[smem:$0x3FAC] =	sst s0;
	s0 =	simm.s32 @!p1 $0x0  }
0x14: {  	s2 =	sld [smem:$0x3F90];
	s0 =	simm.s32 @p1 $0x1  }
0x15: {  	[smem:$0x3FAD] =	sst s0;
	s0 =	simm.s32 @!p2 $0x0  }
0x16: {  	s3 =	sld [smem:$0x3FDB];
	s0 =	simm.s32 @p2 $0x1  }
0x17: {  	s4 =	simm.s32 $0x1BF5;
	[smem:$0x3FAF] =	sst s0  }
0x18: {  	s0 =	sld [smem:$0x3F92];
	_ =	swait.ge [sflag:s4], $0x0  }
0x19: {  	s7 =	sld [smem:$0x3F93]  }
0x1a: {  	s8 =	sadd.s32 $0xFFFFE003, lr  }
0x1b: {  	s9 =	sadd.s32 $0xFFFFFEF7, lr;
	s5 =	simm.s32 $0xFFFFFFFF;
	p2 =	slt.u32 s8, $0xFFFFF086  }
0x1c: {  	p1 =	slt.u32 s9, $0xF7A;
	s5 =	simm.s32 @!p2 $0x0  }
0x1d: {  	s5 =	simm.s32 @p1 $0x1;
	p0 =	seq.s32 s7, s2  }
0x1e: {  	s7 =	smul.u32 @!p0 $0xF7A, s2;
	p2 =	seq.s32 @!p0 s5, $0x0  }
0x1f: {  	s9 =	smul.u32 $0xF7A, s1;
	s8 =	simm.s32 @!p0 $0x1BF5;
	p2 =	por !p2, p0  }
0x20: {  	[sflag:s8] =	ssyncset.s32 @!p0 $0xFFFFF086;
	s6 =	sadd.s32 @!p0 s3, s7;
	s7 =	simm.s32 @!p0 $0x108  }
0x21: {  	s3 =	sadd.s32 s3, s9;
	s6 =	sadd.s32 @!p0 $0x88, s6;
	s7 =	simm.s32 @p2 $0x1082  }
0x22: {  	[simem:s7], [sflag:s8] =	dma.local @!p0 [hbm:s6], $0xF7A  }
0x23: {  	s9 =	sor.u32 $0xD0000000, s2;
	s6 =	simm.s32 $0x108;
	_ =	swait.ge @!p0 [sflag:s8], $0x0  }
0x24: {  	s3 =	sadd.s32 $0x88, s3;
	s6 =	simm.s32 @!p1 $0x1082;
	[sflag:s4] =	ssyncset.s32 $0xFFFFF086  }
0x25: {  	[simem:s6], [sflag:s4] =	dma.local [hbm:s3], $0xF7A  }
0x26: {  	[smem:$0x3F93] =	sst s1;
	(tag) =	ssettag s2;
	_ =	strace s9  }
0x27: {  	s1 =	sld [smem:$0x3FA3]  }
0x28: {  	s2 =	sld [smem:$0x3FA4]  }
0x29: {  	s4 =	sld [smem:$0x3FA6]  }
0x2a: {  	p0 =	seq.s32 s5, $0x0;
	s5 =	sld [smem:$0x3FA7]  }
0x2b: {  	s6 =	sld [smem:$0x3FA8]  }
0x2c: {  	s7 =	sld [smem:$0x3FA9]  }
0x2d: {  	s3 =	simm.s32 $0x108;
	s8 =	sld [smem:$0x3FAA]  }
0x2e: {  	s3 =	simm.s32 @!p0 $0x1082;
	s9 =	sld [smem:$0x3FAB]  }
0x2f: {  	lr =	sadd.s32 s0, s3;
	s0 =	sld [smem:$0x3FA2]  }
0x30: {  	s3 =	sld [smem:$0x3FA5]  }
0x31: {  	[smem:$0x3FAE] =	sst s10  }
0x32: {  	s10 =	sld [smem:$0x3FAC];
	_ =	sdelay $0x3  }
0x33: {  	p0 =	seq.s32 s10, $0x1;
	s10 =	sld [smem:$0x3FAE];
	_ =	sdelay $0x3  }
0x34: {  	[smem:$0x3FAE] =	sst s10  }
0x35: {  	s10 =	sld [smem:$0x3FAD];
	_ =	sdelay $0x3  }
0x36: {  	p1 =	seq.s32 s10, $0x1;
	s10 =	sld [smem:$0x3FAE];
	_ =	sdelay $0x3  }
0x37: {  	[smem:$0x3FAE] =	sst s10  }
0x38: {  	s10 =	sld [smem:$0x3FAF]  }
0x39: {  	_ = 	snop;
	(pc) =	sbr.ind lr, $3  }
0x3a: {  	_ = 	snop  }
0x3b: {  	_ = 	snop  }
0x3c: {  	p2 =	seq.s32 s10, $0x1;
	s10 =	sld [smem:$0x3FAE]  }
0x3d: {  	_ =	shalt  }
0x3e: {  	_ =	shalt  }
0x3f: {  	_ =	shalt  }
0x40: {  	_ =	shalt  }
0x41: {  	_ =	shalt  }
0x42: {  	_ =	shalt  }
0x43: {  	_ =	shalt  }
0x44: {  	_ =	shalt  }
0x45: {  	_ =	shalt  }
0x46: {  	_ =	shalt  }
0x47: {  	_ =	shalt  }
0x48: {  	_ =	shalt  }
0x49: {  	_ =	shalt  }
0x4a: {  	_ =	shalt  }
0x4b: {  	_ =	shalt  }
0x4c: {  	_ =	shalt  }
0x4d: {  	_ =	shalt  }
0x4e: {  	_ =	shalt  }
0x4f: {  	_ =	shalt  }
0x50: {  	_ =	shalt  }
0x51: {  	_ =	shalt  }
0x52: {  	_ =	shalt  }
0x53: {  	_ =	shalt  }
0x54: {  	_ =	shalt  }
0x55: {  	_ =	shalt  }
0x56: {  	_ =	shalt  }
0x57: {  	_ =	shalt  }
0x58: {  	_ =	shalt  }
0x59: {  	_ =	shalt  }
0x5a: {  	_ =	shalt  }
0x5b: {  	_ =	shalt  }
0x5c: {  	_ =	shalt  }
0x5d: {  	_ =	shalt  }
0x5e: {  	_ =	shalt  }
0x5f: {  	_ =	shalt  }
0x60: {  	_ =	shalt  }
0x61: {  	_ =	shalt  }
0x62: {  	_ =	shalt  }
0x63: {  	_ =	shalt  }
0x64: {  	_ =	shalt  }
0x65: {  	_ =	shalt  }
0x66: {  	_ =	shalt  }
0x67: {  	_ =	shalt  }
0x68: {  	_ =	shalt  }
0x69: {  	_ =	shalt  }
0x6a: {  	_ =	shalt  }
0x6b: {  	_ =	shalt  }
0x6c: {  	_ =	shalt  }
0x6d: {  	_ =	shalt  }
0x6e: {  	_ =	shalt  }
0x6f: {  	_ =	shalt  }
0x70: {  	_ =	shalt  }
0x71: {  	_ =	shalt  }
0x72: {  	_ =	shalt  }
0x73: {  	_ =	shalt  }
0x74: {  	_ =	shalt  }
0x75: {  	_ =	shalt  }
0x76: {  	_ =	shalt  }
0x77: {  	_ =	shalt  }
0x78: {  	_ =	shalt  }
0x79: {  	_ =	shalt  }
0x7a: {  	_ =	shalt  }
0x7b: {  	_ =	shalt  }
0x7c: {  	_ =	shalt  }
0x7d: {  	_ =	shalt  }
0x7e: {  	_ =	shalt  }
0x7f: {  	_ =	shalt  }
0x80: {  	_ =	shalt  }
0x81: {  	_ =	shalt  }
0x82: {  	_ =	shalt  }
0x83: {  	_ =	shalt  }
0x84: {  	_ =	shalt  }
0x85: {  	_ =	shalt  }
0x86: {  	_ =	shalt  }
0x87: {  	_ =	shalt  }
.Lfunc_end0:
.L_simem_size_0:
called_computation.1_lowered:
.L_overlay_start_0:
0x88: {  	s2 =	sld [smem:$0x3FD9]  }
0x89: {  	s3 =	sld [smem:$0x3FFE];
	_ =	sdelay $0x1  }
0x8a: {  	s1 =	srdreg.scid  }
0x8b: {  	s0 =	sand.u32 $0x1, s1  }
0x8c: {  	s15 =	sshll.u32 s0, $0xA;
	s2 =	sadd.s32 s3, s2  }
0x8d: {  	s2 =	sadd.s32 s2, s15  }
0x8e: {  	[smem:$0x3FBA] =	sst s2  }
0x8f: {  	_ = 	snop  }
0x90: {  	s2 =	sld [smem:$0x3FD0];
	_ =	sdelay $0x2  }
0x91: {  	s16 =	simm.s32 $0xF;
	s4 =	simm.s32 $0x10  }
0x92: {  	[smem:s4], [sflag:s16] =	dma.local [hbm:s2], $0x1  }
0x93: {  	_ =	swait.eq [sflag:s16], $0x1  }
0x94: {  	[sflag:s16] =	ssyncset.done $0x0  }
0x95: {  	[sflag:s16] =	ssyncadd.s32 $0xFFFFFFFF  }
0x96: {  	s17 =	sld [smem:$0x12];
	(tm) =	ssettm $0x1  }
0x97: {  	s18 =	sld [smem:$0x3FFB];
	_ =	sdelay $0x3  }
0x98: {  	_ =	strace s18  }
0x99: {  	s2 =	sld [smem:$0x3FFC];
	_ =	sdelay $0x3  }
0x9a: {  	_ =	strace s2  }
0x9b: {  	s2 =	sld [smem:$0x3FFD];
	_ =	sdelay $0x3  }
0x9c: {  	_ =	strace s2  }
0x9d: {  	_ =	strace $0x8FFFFFFF  }
0x9e: {  	s19 =	sld [smem:$0x3FDB];
	_ =	sdelay $0x1  }
0x9f: {  	s20 =	simm.s32 $_scs_section_size  }
0xa0: {  	s5 =	simm.s32 $_size__tile_overlayer_lowered;
	s6 =	simm.s32 $_tile_overlayer_lowered  }
0xa1: {  	s7 =	simm.s32 $0x1BFF;
	s21 =	sshll.u32 s6, $0x1;
	s4 =	sadd.s32 s20, s19  }
0xa2: {  	s22 =	simm.s32 $0x0;
	s5 =	sshll.u32 s5, $0x1;
	s6 =	sadd.s32 s21, s4  }
0xa3: {  	[timem:s22], [sflag:s7] =	dma.local [hbm:s6], s5  }
0xa4: {  	_ =	swait.ge [sflag:s7], s5  }
0xa5: {  	s5 =	ssub.s32 $0x0, s5;
	[sflag:s7] =	ssyncset.done $0x0  }
0xa6: {  	[sflag:s7] =	ssyncadd.s32 s5;
	_ =	sdelay $0x1  }
0xa7: {  	s23 =	simm.s32 $0x1B8B  }
0xa8: {  	_ =	swait.ge [sflag:s23], $0x1  }
0xa9: {  	[sflag:s23] =	ssyncset.done $0x0  }
0xaa: {  	[sflag:s23] =	ssyncadd.s32 $0xFFFFFFFF  }
0xab: {  	s5 =	sld [smem:$0x0]  }
0xac: {  	s6 =	sand.u32 $0xFFFFFFFE, s1  }
0xad: {  	p0 =	sne.s32 s1, s6  }
0xae: {  	s6 =	sshll.u32 @p0 s6, $0xE  }
0xaf: {  	s6 =	sadd.s32 @p0 $0x11B8D, s6;
	s7 =	sshll.u32 @p0 s5, $0x11  }
0xb0: {  	s6 =	sor.u32 @p0 s7, s6  }
0xb1: {  	[sflag:s6] =	ssyncadd.remote.s32 @p0 $0x1;
	_ =	sdelay $0x1  }
0xb2: {  	s6 =	simm.s32 @p0 $0x1B8D  }
0xb3: {  	_ =	swait.eq @p0 [sflag:s6], $0x1  }
0xb4: {  	[sflag:s6] =	ssyncadd.s32 @p0 $0xFFFFFFFF  }
0xb5: {  	s7 =	sshll.u32 @!p0 s1, $0xE  }
0xb6: {  	s7 =	sor.u32 @!p0 $0x4000, s7;
	s6 =	simm.s32 @!p0 $0x1B8D  }
0xb7: {  	s5 =	sshll.u32 @!p0 s5, $0x11;
	s7 =	sadd.s32 @!p0 $0x11B8D, s7;
	_ =	swait.eq @!p0 [sflag:s6], $0x1  }
0xb8: {  	s5 =	sor.u32 @!p0 s5, s7;
	[sflag:s6] =	ssyncadd.s32 @!p0 $0xFFFFFFFF  }
0xb9: {  	s25 =	simm.s32 $0x1B8E;
	s24 =	sld [smem:$0x3FFE];
	[sflag:s5] =	ssyncadd.remote.s32 @!p0 $0x1  }
0xba: {  	s26 =	simm.s32 $execute0_lowered;
	[smem:$0x3FD2] =	sst s25  }
0xbb: {  	s6 =	sshll.u32 s26, $0x1;
	_ =	strace $0x80000049;
	[dreg:$0x1] =	wrdreg $0xFFFFFFFF  }
0xbc: {  	s28 =	simm.s32 $_size_execute0_lowered;
	s4 =	sadd.s32 s4, s6;
	[dreg:$0x0] =	wrdreg $0x0  }
0xbd: {  	s6 =	sshll.u32 s28, $0x1;
	[dreg:$0x2] =	wrdreg s4  }
0xbe: {  	[dreg:$0x3] =	wrdreg s6  }
0xbf: {  	[dreg:$0x4] =	wrdreg $0xC0  }
0xc0: {  	_ =	task [dreg:s22], $0x5FFFF  }
0xc1: {  	[dreg:$0x1] =	wrdreg $0xFFFFFFFF  }
0xc2: {  	[dreg:$0x0] =	wrdreg $0x60  }
0xc3: {  	[dreg:$0x2] =	wrdreg s17  }
0xc4: {  	[dreg:$0x3] =	wrdreg s24  }
0xc5: {  	[dreg:$0x4] =	wrdreg $0xA  }
0xc6: {  	_ =	task.clear_ibuf [dreg:s22], $0x5FFFF;
	_ =	strace $0x90000049  }
0xc7: {  	s29 =	simm.s32 $0xA;
	_ =	strace $0x8000004B  }
0xc8: {  	_ =	swait.ge [sflag:s29], $0x1  }
0xc9: {  	[sflag:s29] =	ssyncadd.s32 $0xFFFFFFFF  }
0xca: {  	_ =	strace $0x9000004B  }
0xcb: {  	_ =	sfence  }
0xcc: {  	s30 =	sld [smem:$0x0];
	_ =	sdelay $0x2  }
0xcd: {  	s31 =	sshll.u32 s1, $0xD;
	s1 =	sshrl.u32 s1, $0x2  }
0xce: {  	s4 =	sand.u32 $0x4000, s31;
	s1 =	sadd.s32 s1, s30  }
0xcf: {  	s0 =	sor.u32 s4, s0;
	s1 =	sshll.u32 s1, $0x11  }
0xd0: {  	s0 =	sor.u32 s1, s0  }
0xd1: {  	s0 =	sadd.s32 $0x8F2B, s0  }
0xd2: {  	[sflag:s0] =	ssyncadd.remote.s32 $0x1  }
0xd3: {  	_ =	sfence.sel $0xFFFF  }
0xd4: {  	[dreg:$0x0] =	wrdreg $0xFFFFFFFF;
	(pc) =	sbr.abs _section_cstart, $3  }
0xd5: {  	[dreg:$0x1] =	wrdreg $0xFFFFFFFF  }
0xd6: {  	_ =	task.clear_ibuf [dreg:s22], $0x2FFFF;
	_ =	strace $0x9FFFFFFF  }
0xd7: {  	(tm) =	ssettm $0x7FFFFFFF  }
tec
execute0_lowered:
.L_overlay_start_1:
0x0: {  	(tag) =	ssettag $0x1  }
0x1: {  	s2 =	rddreg [dreg:$0x0]  }
0x2: {  	s4 =	rddreg [dreg:$0x1]  }
0x3: {  	s0 =	rddreg [dreg:$0x2];
	s1 =	stileid.u32  }
0x4: {  	s5 =	srdreg.scid;
	s3 =	simm.s32 $0x0;
	s6 =	smul.u32 $0xEA60, s1  }
0x5: {  	s10 =	simm.s32 $0x0;
	s5 =	sand.u32 $0x1, s5;
	s8 =	smul.u32 $0xEA600, s1  }
0x6: {  	[smem:$0x7FF] =	sst s3;
	s7 =	smul.u32 $0x7530, s5;
	s9 =	ssub.s32 $0x2, s5  }
0x7: {  	_ =	strace $0x8000004A;
	s5 =	smul.u32 $0x75300, s5;
	s31 =	sshrl.u32 s9, $0x1  }
0x8: {  	s8 =	sadd.s32 s8, s4;
	s6 =	sadd.s32 s7, s6;
	s7 =	ssub.s32 s9, s31  }
0x9: {  	s5 =	sadd.s32 s5, s8;
	s8 =	simm.s32 $0x50;
	s6 =	sshrl.u32 s6, $0x3  }
0xa: {  	s9 =	simm.s32 $0x1;
	s5 =	sadd.s32 $0x1DD3800, s5;
	s6 =	sadd.s32 s6, s4  }
0xb: {  	s4 =	smax.u32 s7, $0x1;
	s7 =	simm.s32 $0x2;
	s6 =	sadd.s32 $0x8200, s6  }
.LBB2_1:
0xc: {  	s11 =	sadd.s32 $0x0, s6  }
0xd: {  	[tilespmem:s3], [sflag:$0x2] =	stream.linear.gather [hbm4b:s11+s3], $0x50, $0x38;
	[tilespmem:$0x2850] =	vst v63  }
0xe: {  	_ =	swait.ge [sflag:s7], $0x50  }
0xf: {  	[sflag:s7] =	ssyncset.done $0x0  }
0x10: {  	[sflag:s7] =	ssyncadd.s32 $0xFFFFFFB0  }
0x11: {  	[tilespmem:s8], [sflag:$0x1] =	stream.indirect.gather [hbm4b:s2+s8], $0x80, s3, s8, $0xb8;
	[tilespmem:$0x2850] =	vst v63  }
0x12: {  	_ =	swait.ge [sflag:s9], $0x2800  }
0x13: {  	[sflag:s9] =	ssyncset.done $0x0  }
0x14: {  	[sflag:s9] =	ssyncadd.s32 $0xFFFFD800  }
0x15: {  	[hbm4b:s5+s3] =	stream.linear.scatter [tilespmem:s8], [sflag:$0x2], $0x2800, $0x38;
	[tilespmem:$0x2850] =	vst v63  }
0x16: {  	s12 =	simm.s32 $0xA;
	_ =	swait.ge [sflag:s7], $0x2800  }
0x17: {  	s13 =	simm.s32 $0x14;
	s11 =	sadd.s32 $0x500, s5;
	[sflag:s7] =	ssyncset.done $0x0  }
.LBB2_2:
0x18: {  	s14 =	sadd.s32 s12, s6  }
0x19: {  	[sflag:s7] =	ssyncadd.s32 $0xFFFFD800;
	s12 =	smov.u32 s13;
	s15 =	sadd.s32 $0xA, s13  }
0x1a: {  	[tilespmem:s3], [sflag:$0x2] =	stream.linear.gather [hbm4b:s14+s3], $0x50, $0x38;
	[tilespmem:$0x2850] =	vst v63  }
0x1b: {  	p0 =	sne.s32 s13, $0xE9C;
	_ =	swait.ge [sflag:s7], $0x50  }
0x1c: {  	[sflag:s7] =	ssyncset.done $0x0  }
0x1d: {  	[sflag:s7] =	ssyncadd.s32 $0xFFFFFFB0  }
0x1e: {  	[tilespmem:s8], [sflag:$0x1] =	stream.indirect.gather [hbm4b:s2+s8], $0x80, s3, s8, $0xb8;
	[tilespmem:$0x2850] =	vst v63  }
0x1f: {  	_ =	swait.ge [sflag:s9], $0x2800  }
.Ltmp0:
0x20: {  	[sflag:s9] =	ssyncset.done $0x0;
	(pc) =	sbr.rel @p0 .LBB2_2-.Ltmp0, $4  }
0x21: {  	[sflag:s9] =	ssyncadd.s32 $0xFFFFD800  }
0x22: {  	[hbm4b:s11+s3] =	stream.linear.scatter [tilespmem:s8], [sflag:$0x2], $0x2800, $0x38;
	[tilespmem:$0x2850] =	vst v63  }
0x23: {  	_ =	swait.ge [sflag:s7], $0x2800  }
0x24: {  	s13 =	smov.u32 s15;
	s11 =	sadd.s32 $0x500, s11;
	[sflag:s7] =	ssyncset.done $0x0  }
0x25: {  	s12 =	sadd.s32 s12, s6;
	[sflag:s7] =	ssyncadd.s32 $0xFFFFD800  }
0x26: {  	[tilespmem:s3], [sflag:$0x2] =	stream.linear.gather [hbm4b:s12+s3], $0x50, $0x38;
	[tilespmem:$0x2850] =	vst v63  }
0x27: {  	_ =	swait.ge [sflag:s7], $0x50  }
0x28: {  	[sflag:s7] =	ssyncset.done $0x0  }
0x29: {  	[sflag:s7] =	ssyncadd.s32 $0xFFFFFFB0  }
0x2a: {  	[tilespmem:s8], [sflag:$0x1] =	stream.indirect.gather [hbm4b:s2+s8], $0x80, s3, s8, $0xb8;
	[tilespmem:$0x2850] =	vst v63  }
0x2b: {  	s10 =	sadd.s32 $0x1, s10;
	_ =	swait.ge [sflag:s9], $0x2800  }
0x2c: {  	p0 =	sne.s32 s10, s4;
	[sflag:s9] =	ssyncset.done $0x0  }
.Ltmp1:
0x2d: {  	[sflag:s9] =	ssyncadd.s32 $0xFFFFD800;
	(pc) =	sbr.rel @p0 .LBB2_1-.Ltmp1, $4  }
0x2e: {  	[hbm4b:s11+s3] =	stream.linear.scatter [tilespmem:s8], [sflag:$0x2], $0x2800, $0x38;
	[tilespmem:$0x2850] =	vst v63  }
0x2f: {  	_ =	swait.ge [sflag:s7], $0x2800  }
0x30: {  	[sflag:s7] =	ssyncset.done $0x0  }
0x31: {  	[sflag:s7] =	ssyncadd.s32 $0xFFFFD800  }
0x32: {  	_ =	sfence.sel $0x180000  }
0x33: {  	[bflag:$0x0] =	sbarrier.arrive $0xFFFF  }
0x34: {  	p0 =	sne.s32 s1, $0x0;
	_ =	strace $0x9000004A  }
0x35: {  	s0 =	sadd.s32 @!p0 $0x100000, s0;
	[bflag:$0x2] =	sbarrier.arrive $0xFFFF  }
0x36: {  	[sflag:s0] =	ssyncadd.tile.s32 @!p0 $0x1;
	_ =	shalt  }
.Lfunc_end2:
_tile_overlayer_lowered:
.L_overlay_start_2:
0x37: {  	(tag) =	ssettag $0x2  }
0x38: {  	s0 =	rddreg [dreg:$0x0];
	s2 =	stileid.u32  }
0x39: {  	s1 =	rddreg [dreg:$0x1];
	p0 =	sne.s32 s2, $0x0  }
0x3a: {  	s3 =	rddreg [dreg:$0x2];
	[bflag:$0x3] =	sbarrier.arrive $0xFFFF;
	s2 =	simm.s32 @!p0 $0x1C02  }
0x3b: {  	[timem:s3], [sflag:s2] =	dma.local @!p0 [hbm:s0], s1  }
0x3c: {  	s0 =	simm.s32 @!p0 $0x2  }
0x3d: {  	_ =	swait.ge @!p0 [sflag:s0], s1  }
0x3e: {  	s1 =	ssub.s32 @!p0 $0x0, s1;
	[sflag:s0] =	ssyncset.done @!p0 $0x0  }
0x3f: {  	[sflag:s0] =	ssyncadd.s32 @!p0 s1  }
0x40: {  	[bflag:$0x3] =	sbarrier.arrive $0xFFFF  }
0x41: {  	_ =	shalt  }

// kernel: kernel.25.cloned.1.call-start
scs
__scs_entry_jumppad:
0x0: {  	(pc) =	sbr.rel $0x88, $3  }
0x1: {  	(tag) =	ssettag $0x0;
	lr =	simm.s32 $0x1  }
0x2: {  	[smem:$0x3F93] =	sst lr;
	_ =	strace $0xD0000000  }
0x3: {  	_ = 	snop  }
0x4: {  	_ = 	snop  }
0x5: {  	_ = 	snop  }
0x6: {  	_ = 	snop  }
0x7: {  	_ = 	snop  }
__scs_overlays_trampoline_lowered:
0x8: {  	[smem:$0x3FA2] =	sst s0  }
0x9: {  	[smem:$0x3FA3] =	sst s1  }
0xa: {  	[smem:$0x3FA4] =	sst s2  }
0xb: {  	[smem:$0x3FA5] =	sst s3  }
0xc: {  	[smem:$0x3FA6] =	sst s4  }
0xd: {  	[smem:$0x3FA7] =	sst s5  }
0xe: {  	[smem:$0x3FA8] =	sst s6  }
0xf: {  	[smem:$0x3FA9] =	sst s7  }
0x10: {  	[smem:$0x3FAA] =	sst s8  }
0x11: {  	[smem:$0x3FAB] =	sst s9;
	s0 =	simm.s32 @!p0 $0x0  }
0x12: {  	s1 =	sld [smem:$0x3F91];
	s0 =	simm.s32 @p0 $0x1  }
0x13: {  	[smem:$0x3FAC] =	sst s0;
	s0 =	simm.s32 @!p1 $0x0  }
0x14: {  	s2 =	sld [smem:$0x3F90];
	s0 =	simm.s32 @p1 $0x1  }
0x15: {  	[smem:$0x3FAD] =	sst s0;
	s0 =	simm.s32 @!p2 $0x0  }
0x16: {  	s3 =	sld [smem:$0x3FDB];
	s0 =	simm.s32 @p2 $0x1  }
0x17: {  	s4 =	simm.s32 $0x1BF5;
	[smem:$0x3FAF] =	sst s0  }
0x18: {  	s0 =	sld [smem:$0x3F92];
	_ =	swait.ge [sflag:s4], $0x0  }
0x19: {  	s7 =	sld [smem:$0x3F93]  }
0x1a: {  	s8 =	sadd.s32 $0xFFFFE003, lr  }
0x1b: {  	s9 =	sadd.s32 $0xFFFFFEF7, lr;
	s5 =	simm.s32 $0xFFFFFFFF;
	p2 =	slt.u32 s8, $0xFFFFF086  }
0x1c: {  	p1 =	slt.u32 s9, $0xF7A;
	s5 =	simm.s32 @!p2 $0x0  }
0x1d: {  	s5 =	simm.s32 @p1 $0x1;
	p0 =	seq.s32 s7, s2  }
0x1e: {  	s7 =	smul.u32 @!p0 $0xF7A, s2;
	p2 =	seq.s32 @!p0 s5, $0x0  }
0x1f: {  	s9 =	smul.u32 $0xF7A, s1;
	s8 =	simm.s32 @!p0 $0x1BF5;
	p2 =	por !p2, p0  }
0x20: {  	[sflag:s8] =	ssyncset.s32 @!p0 $0xFFFFF086;
	s6 =	sadd.s32 @!p0 s3, s7;
	s7 =	simm.s32 @!p0 $0x108  }
0x21: {  	s3 =	sadd.s32 s3, s9;
	s6 =	sadd.s32 @!p0 $0x88, s6;
	s7 =	simm.s32 @p2 $0x1082  }
0x22: {  	[simem:s7], [sflag:s8] =	dma.local @!p0 [hbm:s6], $0xF7A  }
0x23: {  	s9 =	sor.u32 $0xD0000000, s2;
	s6 =	simm.s32 $0x108;
	_ =	swait.ge @!p0 [sflag:s8], $0x0  }
0x24: {  	s3 =	sadd.s32 $0x88, s3;
	s6 =	simm.s32 @!p1 $0x1082;
	[sflag:s4] =	ssyncset.s32 $0xFFFFF086  }
0x25: {  	[simem:s6], [sflag:s4] =	dma.local [hbm:s3], $0xF7A  }
0x26: {  	[smem:$0x3F93] =	sst s1;
	(tag) =	ssettag s2;
	_ =	strace s9  }
0x27: {  	s1 =	sld [smem:$0x3FA3]  }
0x28: {  	s2 =	sld [smem:$0x3FA4]  }
0x29: {  	s4 =	sld [smem:$0x3FA6]  }
0x2a: {  	p0 =	seq.s32 s5, $0x0;
	s5 =	sld [smem:$0x3FA7]  }
0x2b: {  	s6 =	sld [smem:$0x3FA8]  }
0x2c: {  	s7 =	sld [smem:$0x3FA9]  }
0x2d: {  	s3 =	simm.s32 $0x108;
	s8 =	sld [smem:$0x3FAA]  }
0x2e: {  	s3 =	simm.s32 @!p0 $0x1082;
	s9 =	sld [smem:$0x3FAB]  }
0x2f: {  	lr =	sadd.s32 s0, s3;
	s0 =	sld [smem:$0x3FA2]  }
0x30: {  	s3 =	sld [smem:$0x3FA5]  }
0x31: {  	[smem:$0x3FAE] =	sst s10  }
0x32: {  	s10 =	sld [smem:$0x3FAC];
	_ =	sdelay $0x3  }
0x33: {  	p0 =	seq.s32 s10, $0x1;
	s10 =	sld [smem:$0x3FAE];
	_ =	sdelay $0x3  }
0x34: {  	[smem:$0x3FAE] =	sst s10  }
0x35: {  	s10 =	sld [smem:$0x3FAD];
	_ =	sdelay $0x3  }
0x36: {  	p1 =	seq.s32 s10, $0x1;
	s10 =	sld [smem:$0x3FAE];
	_ =	sdelay $0x3  }
0x37: {  	[smem:$0x3FAE] =	sst s10  }
0x38: {  	s10 =	sld [smem:$0x3FAF]  }
0x39: {  	_ = 	snop;
	(pc) =	sbr.ind lr, $3  }
0x3a: {  	_ = 	snop  }
0x3b: {  	_ = 	snop  }
0x3c: {  	p2 =	seq.s32 s10, $0x1;
	s10 =	sld [smem:$0x3FAE]  }
0x3d: {  	_ =	shalt  }
0x3e: {  	_ =	shalt  }
0x3f: {  	_ =	shalt  }
0x40: {  	_ =	shalt  }
0x41: {  	_ =	shalt  }
0x42: {  	_ =	shalt  }
0x43: {  	_ =	shalt  }
0x44: {  	_ =	shalt  }
0x45: {  	_ =	shalt  }
0x46: {  	_ =	shalt  }
0x47: {  	_ =	shalt  }
0x48: {  	_ =	shalt  }
0x49: {  	_ =	shalt  }
0x4a: {  	_ =	shalt  }
0x4b: {  	_ =	shalt  }
0x4c: {  	_ =	shalt  }
0x4d: {  	_ =	shalt  }
0x4e: {  	_ =	shalt  }
0x4f: {  	_ =	shalt  }
0x50: {  	_ =	shalt  }
0x51: {  	_ =	shalt  }
0x52: {  	_ =	shalt  }
0x53: {  	_ =	shalt  }
0x54: {  	_ =	shalt  }
0x55: {  	_ =	shalt  }
0x56: {  	_ =	shalt  }
0x57: {  	_ =	shalt  }
0x58: {  	_ =	shalt  }
0x59: {  	_ =	shalt  }
0x5a: {  	_ =	shalt  }
0x5b: {  	_ =	shalt  }
0x5c: {  	_ =	shalt  }
0x5d: {  	_ =	shalt  }
0x5e: {  	_ =	shalt  }
0x5f: {  	_ =	shalt  }
0x60: {  	_ =	shalt  }
0x61: {  	_ =	shalt  }
0x62: {  	_ =	shalt  }
0x63: {  	_ =	shalt  }
0x64: {  	_ =	shalt  }
0x65: {  	_ =	shalt  }
0x66: {  	_ =	shalt  }
0x67: {  	_ =	shalt  }
0x68: {  	_ =	shalt  }
0x69: {  	_ =	shalt  }
0x6a: {  	_ =	shalt  }
0x6b: {  	_ =	shalt  }
0x6c: {  	_ =	shalt  }
0x6d: {  	_ =	shalt  }
0x6e: {  	_ =	shalt  }
0x6f: {  	_ =	shalt  }
0x70: {  	_ =	shalt  }
0x71: {  	_ =	shalt  }
0x72: {  	_ =	shalt  }
0x73: {  	_ =	shalt  }
0x74: {  	_ =	shalt  }
0x75: {  	_ =	shalt  }
0x76: {  	_ =	shalt  }
0x77: {  	_ =	shalt  }
0x78: {  	_ =	shalt  }
0x79: {  	_ =	shalt  }
0x7a: {  	_ =	shalt  }
0x7b: {  	_ =	shalt  }
0x7c: {  	_ =	shalt  }
0x7d: {  	_ =	shalt  }
0x7e: {  	_ =	shalt  }
0x7f: {  	_ =	shalt  }
0x80: {  	_ =	shalt  }
0x81: {  	_ =	shalt  }
0x82: {  	_ =	shalt  }
0x83: {  	_ =	shalt  }
0x84: {  	_ =	shalt  }
0x85: {  	_ =	shalt  }
0x86: {  	_ =	shalt  }
0x87: {  	_ =	shalt  }
.Lfunc_end0:
.L_simem_size_0:
called_computation.2_lowered:
.L_overlay_start_0:
0x88: {  	s2 =	sld [smem:$0x3FD9]  }
0x89: {  	s3 =	sld [smem:$0x3FFE];
	_ =	sdelay $0x1  }
0x8a: {  	s1 =	srdreg.scid  }
0x8b: {  	s0 =	sand.u32 $0x1, s1  }
0x8c: {  	s15 =	sshll.u32 s0, $0xA;
	s2 =	sadd.s32 s3, s2  }
0x8d: {  	s2 =	sadd.s32 s2, s15  }
0x8e: {  	[smem:$0x3FBA] =	sst s2  }
0x8f: {  	_ = 	snop  }
0x90: {  	s2 =	sld [smem:$0x3FD0];
	_ =	sdelay $0x2  }
0x91: {  	s16 =	simm.s32 $0xF;
	s4 =	simm.s32 $0x10  }
0x92: {  	[smem:s4], [sflag:s16] =	dma.local [hbm:s2], $0x1  }
0x93: {  	_ =	swait.eq [sflag:s16], $0x1  }
0x94: {  	[sflag:s16] =	ssyncset.done $0x0  }
0x95: {  	[sflag:s16] =	ssyncadd.s32 $0xFFFFFFFF  }
0x96: {  	s17 =	sld [smem:$0x11];
	(tm) =	ssettm $0x1  }
0x97: {  	s18 =	sld [smem:$0x3FFB];
	_ =	sdelay $0x3  }
0x98: {  	_ =	strace s18  }
0x99: {  	s2 =	sld [smem:$0x3FFC];
	_ =	sdelay $0x3  }
0x9a: {  	_ =	strace s2  }
0x9b: {  	s2 =	sld [smem:$0x3FFD];
	_ =	sdelay $0x3  }
0x9c: {  	_ =	strace s2  }
0x9d: {  	_ =	strace $0x8FFFFFFF  }
0x9e: {  	s19 =	sld [smem:$0x3FDB];
	_ =	sdelay $0x1  }
0x9f: {  	s20 =	simm.s32 $_scs_section_size  }
0xa0: {  	s5 =	simm.s32 $_size__tile_overlayer_lowered;
	s6 =	simm.s32 $_tile_overlayer_lowered  }
0xa1: {  	s7 =	simm.s32 $0x1BFF;
	s21 =	sshll.u32 s6, $0x1;
	s4 =	sadd.s32 s20, s19  }
0xa2: {  	s22 =	simm.s32 $0x0;
	s5 =	sshll.u32 s5, $0x1;
	s6 =	sadd.s32 s21, s4  }
0xa3: {  	[timem:s22], [sflag:s7] =	dma.local [hbm:s6], s5  }
0xa4: {  	_ =	swait.ge [sflag:s7], s5  }
0xa5: {  	s5 =	ssub.s32 $0x0, s5;
	[sflag:s7] =	ssyncset.done $0x0  }
0xa6: {  	[sflag:s7] =	ssyncadd.s32 s5;
	_ =	sdelay $0x1  }
0xa7: {  	s23 =	simm.s32 $0x1B8B  }
0xa8: {  	_ =	swait.ge [sflag:s23], $0x1  }
0xa9: {  	[sflag:s23] =	ssyncset.done $0x0  }
0xaa: {  	[sflag:s23] =	ssyncadd.s32 $0xFFFFFFFF  }
0xab: {  	s5 =	sld [smem:$0x0]  }
0xac: {  	s6 =	sand.u32 $0xFFFFFFFE, s1  }
0xad: {  	p0 =	sne.s32 s1, s6  }
0xae: {  	s6 =	sshll.u32 @p0 s6, $0xE  }
0xaf: {  	s6 =	sadd.s32 @p0 $0x11B8D, s6;
	s7 =	sshll.u32 @p0 s5, $0x11  }
0xb0: {  	s6 =	sor.u32 @p0 s7, s6  }
0xb1: {  	[sflag:s6] =	ssyncadd.remote.s32 @p0 $0x1;
	_ =	sdelay $0x1  }
0xb2: {  	s6 =	simm.s32 @p0 $0x1B8D  }
0xb3: {  	_ =	swait.eq @p0 [sflag:s6], $0x1  }
0xb4: {  	[sflag:s6] =	ssyncadd.s32 @p0 $0xFFFFFFFF  }
0xb5: {  	s7 =	sshll.u32 @!p0 s1, $0xE  }
0xb6: {  	s7 =	sor.u32 @!p0 $0x4000, s7;
	s6 =	simm.s32 @!p0 $0x1B8D  }
0xb7: {  	s5 =	sshll.u32 @!p0 s5, $0x11;
	s7 =	sadd.s32 @!p0 $0x11B8D, s7;
	_ =	swait.eq @!p0 [sflag:s6], $0x1  }
0xb8: {  	s5 =	sor.u32 @!p0 s5, s7;
	[sflag:s6] =	ssyncadd.s32 @!p0 $0xFFFFFFFF  }
0xb9: {  	s25 =	simm.s32 $0x1B8E;
	s24 =	sld [smem:$0x3FFE];
	[sflag:s5] =	ssyncadd.remote.s32 @!p0 $0x1  }
0xba: {  	s26 =	simm.s32 $execute0_lowered;
	[smem:$0x3FD2] =	sst s25  }
0xbb: {  	s6 =	sshll.u32 s26, $0x1;
	_ =	strace $0x80000052;
	[dreg:$0x1] =	wrdreg $0xFFFFFFFF  }
0xbc: {  	s28 =	simm.s32 $_size_execute0_lowered;
	s4 =	sadd.s32 s4, s6;
	[dreg:$0x0] =	wrdreg $0x0  }
0xbd: {  	s6 =	sshll.u32 s28, $0x1;
	[dreg:$0x2] =	wrdreg s4  }
0xbe: {  	[dreg:$0x3] =	wrdreg s6  }
0xbf: {  	[dreg:$0x4] =	wrdreg $0xC0  }
0xc0: {  	_ =	task [dreg:s22], $0x5FFFF  }
0xc1: {  	[dreg:$0x1] =	wrdreg $0xFFFFFFFF  }
0xc2: {  	[dreg:$0x0] =	wrdreg $0x60  }
0xc3: {  	[dreg:$0x2] =	wrdreg s17  }
0xc4: {  	[dreg:$0x3] =	wrdreg s24  }
0xc5: {  	[dreg:$0x4] =	wrdreg $0x9  }
0xc6: {  	_ =	task.clear_ibuf [dreg:s22], $0x5FFFF;
	_ =	strace $0x90000052  }
0xc7: {  	s29 =	simm.s32 $0x9;
	_ =	strace $0x80000054  }
0xc8: {  	_ =	swait.ge [sflag:s29], $0x1  }
0xc9: {  	[sflag:s29] =	ssyncadd.s32 $0xFFFFFFFF  }
0xca: {  	_ =	strace $0x90000054  }
0xcb: {  	_ =	sfence  }
0xcc: {  	s30 =	sld [smem:$0x0];
	_ =	sdelay $0x2  }
0xcd: {  	s31 =	sshll.u32 s1, $0xD;
	s1 =	sshrl.u32 s1, $0x2  }
0xce: {  	s4 =	sand.u32 $0x4000, s31;
	s1 =	sadd.s32 s1, s30  }
0xcf: {  	s0 =	sor.u32 s4, s0;
	s1 =	sshll.u32 s1, $0x11  }
0xd0: {  	s0 =	sor.u32 s1, s0  }
0xd1: {  	s0 =	sadd.s32 $0x8F2B, s0  }
0xd2: {  	[sflag:s0] =	ssyncadd.remote.s32 $0x1  }
0xd3: {  	_ =	sfence.sel $0xFFFF  }
0xd4: {  	[dreg:$0x0] =	wrdreg $0xFFFFFFFF;
	(pc) =	sbr.abs _section_cstart, $3  }
0xd5: {  	[dreg:$0x1] =	wrdreg $0xFFFFFFFF  }
0xd6: {  	_ =	task.clear_ibuf [dreg:s22], $0x2FFFF;
	_ =	strace $0x9FFFFFFF  }
0xd7: {  	(tm) =	ssettm $0x7FFFFFFF  }
tec
execute0_lowered:
.L_overlay_start_1:
0x0: {  	(tag) =	ssettag $0x1  }
0x1: {  	s2 =	rddreg [dreg:$0x0]  }
0x2: {  	s4 =	rddreg [dreg:$0x1]  }
0x3: {  	s0 =	rddreg [dreg:$0x2];
	s1 =	stileid.u32  }
0x4: {  	s5 =	srdreg.scid;
	s3 =	simm.s32 $0x0;
	s6 =	smul.u32 $0xEA60, s1  }
0x5: {  	s10 =	simm.s32 $0x0;
	s5 =	sand.u32 $0x1, s5;
	s8 =	smul.u32 $0xEA600, s1  }
0x6: {  	[smem:$0x7FF] =	sst s3;
	s7 =	smul.u32 $0x7530, s5;
	s9 =	ssub.s32 $0x2, s5  }
0x7: {  	_ =	strace $0x80000053;
	s5 =	smul.u32 $0x75300, s5;
	s31 =	sshrl.u32 s9, $0x1  }
0x8: {  	s8 =	sadd.s32 s8, s4;
	s6 =	sadd.s32 s7, s6;
	s7 =	ssub.s32 s9, s31  }
0x9: {  	s5 =	sadd.s32 s5, s8;
	s8 =	simm.s32 $0x50;
	s6 =	sshrl.u32 s6, $0x3  }
0xa: {  	s9 =	simm.s32 $0x1;
	s5 =	sadd.s32 $0x431000, s5;
	s6 =	sadd.s32 s6, s4  }
0xb: {  	s4 =	smax.u32 s7, $0x1;
	s7 =	simm.s32 $0x2;
	s6 =	sadd.s32 $0x8200, s6  }
.LBB2_1:
0xc: {  	s11 =	sadd.s32 $0x0, s6  }
0xd: {  	[tilespmem:s3], [sflag:$0x2] =	stream.linear.gather [hbm4b:s11+s3], $0x50, $0x38;
	[tilespmem:$0x2850] =	vst v63  }
0xe: {  	_ =	swait.ge [sflag:s7], $0x50  }
0xf: {  	[sflag:s7] =	ssyncset.done $0x0  }
0x10: {  	[sflag:s7] =	ssyncadd.s32 $0xFFFFFFB0  }
0x11: {  	[tilespmem:s8], [sflag:$0x1] =	stream.indirect.gather [hbm4b:s2+s8], $0x80, s3, s8, $0xb8;
	[tilespmem:$0x2850] =	vst v63  }
0x12: {  	_ =	swait.ge [sflag:s9], $0x2800  }
0x13: {  	[sflag:s9] =	ssyncset.done $0x0  }
0x14: {  	[sflag:s9] =	ssyncadd.s32 $0xFFFFD800  }
0x15: {  	[hbm4b:s5+s3] =	stream.linear.scatter [tilespmem:s8], [sflag:$0x2], $0x2800, $0x38;
	[tilespmem:$0x2850] =	vst v63  }
0x16: {  	s12 =	simm.s32 $0xA;
	_ =	swait.ge [sflag:s7], $0x2800  }
0x17: {  	s13 =	simm.s32 $0x14;
	s11 =	sadd.s32 $0x500, s5;
	[sflag:s7] =	ssyncset.done $0x0  }
.LBB2_2:
0x18: {  	s14 =	sadd.s32 s12, s6  }
0x19: {  	[sflag:s7] =	ssyncadd.s32 $0xFFFFD800;
	s12 =	smov.u32 s13;
	s15 =	sadd.s32 $0xA, s13  }
0x1a: {  	[tilespmem:s3], [sflag:$0x2] =	stream.linear.gather [hbm4b:s14+s3], $0x50, $0x38;
	[tilespmem:$0x2850] =	vst v63  }
0x1b: {  	p0 =	sne.s32 s13, $0xE9C;
	_ =	swait.ge [sflag:s7], $0x50  }
0x1c: {  	[sflag:s7] =	ssyncset.done $0x0  }
0x1d: {  	[sflag:s7] =	ssyncadd.s32 $0xFFFFFFB0  }
0x1e: {  	[tilespmem:s8], [sflag:$0x1] =	stream.indirect.gather [hbm4b:s2+s8], $0x80, s3, s8, $0xb8;
	[tilespmem:$0x2850] =	vst v63  }
0x1f: {  	_ =	swait.ge [sflag:s9], $0x2800  }
.Ltmp0:
0x20: {  	[sflag:s9] =	ssyncset.done $0x0;
	(pc) =	sbr.rel @p0 .LBB2_2-.Ltmp0, $4  }
0x21: {  	[sflag:s9] =	ssyncadd.s32 $0xFFFFD800  }
0x22: {  	[hbm4b:s11+s3] =	stream.linear.scatter [tilespmem:s8], [sflag:$0x2], $0x2800, $0x38;
	[tilespmem:$0x2850] =	vst v63  }
0x23: {  	_ =	swait.ge [sflag:s7], $0x2800  }
0x24: {  	s13 =	smov.u32 s15;
	s11 =	sadd.s32 $0x500, s11;
	[sflag:s7] =	ssyncset.done $0x0  }
0x25: {  	s12 =	sadd.s32 s12, s6;
	[sflag:s7] =	ssyncadd.s32 $0xFFFFD800  }
0x26: {  	[tilespmem:s3], [sflag:$0x2] =	stream.linear.gather [hbm4b:s12+s3], $0x50, $0x38;
	[tilespmem:$0x2850] =	vst v63  }
0x27: {  	_ =	swait.ge [sflag:s7], $0x50  }
0x28: {  	[sflag:s7] =	ssyncset.done $0x0  }
0x29: {  	[sflag:s7] =	ssyncadd.s32 $0xFFFFFFB0  }
0x2a: {  	[tilespmem:s8], [sflag:$0x1] =	stream.indirect.gather [hbm4b:s2+s8], $0x80, s3, s8, $0xb8;
	[tilespmem:$0x2850] =	vst v63  }
0x2b: {  	s10 =	sadd.s32 $0x1, s10;
	_ =	swait.ge [sflag:s9], $0x2800  }
0x2c: {  	p0 =	sne.s32 s10, s4;
	[sflag:s9] =	ssyncset.done $0x0  }
.Ltmp1:
0x2d: {  	[sflag:s9] =	ssyncadd.s32 $0xFFFFD800;
	(pc) =	sbr.rel @p0 .LBB2_1-.Ltmp1, $4  }
0x2e: {  	[hbm4b:s11+s3] =	stream.linear.scatter [tilespmem:s8], [sflag:$0x2], $0x2800, $0x38;
	[tilespmem:$0x2850] =	vst v63  }
0x2f: {  	_ =	swait.ge [sflag:s7], $0x2800  }
0x30: {  	[sflag:s7] =	ssyncset.done $0x0  }
0x31: {  	[sflag:s7] =	ssyncadd.s32 $0xFFFFD800  }
0x32: {  	_ =	sfence.sel $0x180000  }
0x33: {  	[bflag:$0x0] =	sbarrier.arrive $0xFFFF  }
0x34: {  	p0 =	sne.s32 s1, $0x0;
	_ =	strace $0x90000053  }
0x35: {  	s0 =	sadd.s32 @!p0 $0x100000, s0;
	[bflag:$0x2] =	sbarrier.arrive $0xFFFF  }
0x36: {  	[sflag:s0] =	ssyncadd.tile.s32 @!p0 $0x1;
	_ =	shalt  }
.Lfunc_end2:
_tile_overlayer_lowered:
.L_overlay_start_2:
0x37: {  	(tag) =	ssettag $0x2  }
0x38: {  	s0 =	rddreg [dreg:$0x0];
	s2 =	stileid.u32  }
0x39: {  	s1 =	rddreg [dreg:$0x1];
	p0 =	sne.s32 s2, $0x0  }
0x3a: {  	s3 =	rddreg [dreg:$0x2];
	[bflag:$0x3] =	sbarrier.arrive $0xFFFF;
	s2 =	simm.s32 @!p0 $0x1C02  }
0x3b: {  	[timem:s3], [sflag:s2] =	dma.local @!p0 [hbm:s0], s1  }
0x3c: {  	s0 =	simm.s32 @!p0 $0x2  }
0x3d: {  	_ =	swait.ge @!p0 [sflag:s0], s1  }
0x3e: {  	s1 =	ssub.s32 @!p0 $0x0, s1;
	[sflag:s0] =	ssyncset.done @!p0 $0x0  }
0x3f: {  	[sflag:s0] =	ssyncadd.s32 @!p0 s1  }
0x40: {  	[bflag:$0x3] =	sbarrier.arrive $0xFFFF  }
0x41: {  	_ =	shalt  }

// kernel: kernel.28.cloned.1.call-start
scs
__scs_entry_jumppad:
0x0: {  	(pc) =	sbr.rel $0x88, $3  }
0x1: {  	(tag) =	ssettag $0x0;
	lr =	simm.s32 $0x1  }
0x2: {  	[smem:$0x3F93] =	sst lr;
	_ =	strace $0xD0000000  }
0x3: {  	_ = 	snop  }
0x4: {  	_ = 	snop  }
0x5: {  	_ = 	snop  }
0x6: {  	_ = 	snop  }
0x7: {  	_ = 	snop  }
__scs_overlays_trampoline_lowered:
0x8: {  	[smem:$0x3FA2] =	sst s0  }
0x9: {  	[smem:$0x3FA3] =	sst s1  }
0xa: {  	[smem:$0x3FA4] =	sst s2  }
0xb: {  	[smem:$0x3FA5] =	sst s3  }
0xc: {  	[smem:$0x3FA6] =	sst s4  }
0xd: {  	[smem:$0x3FA7] =	sst s5  }
0xe: {  	[smem:$0x3FA8] =	sst s6  }
0xf: {  	[smem:$0x3FA9] =	sst s7  }
0x10: {  	[smem:$0x3FAA] =	sst s8  }
0x11: {  	[smem:$0x3FAB] =	sst s9;
	s0 =	simm.s32 @!p0 $0x0  }
0x12: {  	s1 =	sld [smem:$0x3F91];
	s0 =	simm.s32 @p0 $0x1  }
0x13: {  	[smem:$0x3FAC] =	sst s0;
	s0 =	simm.s32 @!p1 $0x0  }
0x14: {  	s2 =	sld [smem:$0x3F90];
	s0 =	simm.s32 @p1 $0x1  }
0x15: {  	[smem:$0x3FAD] =	sst s0;
	s0 =	simm.s32 @!p2 $0x0  }
0x16: {  	s3 =	sld [smem:$0x3FDB];
	s0 =	simm.s32 @p2 $0x1  }
0x17: {  	s4 =	simm.s32 $0x1BF5;
	[smem:$0x3FAF] =	sst s0  }
0x18: {  	s0 =	sld [smem:$0x3F92];
	_ =	swait.ge [sflag:s4], $0x0  }
0x19: {  	s7 =	sld [smem:$0x3F93]  }
0x1a: {  	s8 =	sadd.s32 $0xFFFFE003, lr  }
0x1b: {  	s9 =	sadd.s32 $0xFFFFFEF7, lr;
	s5 =	simm.s32 $0xFFFFFFFF;
	p2 =	slt.u32 s8, $0xFFFFF086  }
0x1c: {  	p1 =	slt.u32 s9, $0xF7A;
	s5 =	simm.s32 @!p2 $0x0  }
0x1d: {  	s5 =	simm.s32 @p1 $0x1;
	p0 =	seq.s32 s7, s2  }
0x1e: {  	s7 =	smul.u32 @!p0 $0xF7A, s2;
	p2 =	seq.s32 @!p0 s5, $0x0  }
0x1f: {  	s9 =	smul.u32 $0xF7A, s1;
	s8 =	simm.s32 @!p0 $0x1BF5;
	p2 =	por !p2, p0  }
0x20: {  	[sflag:s8] =	ssyncset.s32 @!p0 $0xFFFFF086;
	s6 =	sadd.s32 @!p0 s3, s7;
	s7 =	simm.s32 @!p0 $0x108  }
0x21: {  	s3 =	sadd.s32 s3, s9;
	s6 =	sadd.s32 @!p0 $0x88, s6;
	s7 =	simm.s32 @p2 $0x1082  }
0x22: {  	[simem:s7], [sflag:s8] =	dma.local @!p0 [hbm:s6], $0xF7A  }
0x23: {  	s9 =	sor.u32 $0xD0000000, s2;
	s6 =	simm.s32 $0x108;
	_ =	swait.ge @!p0 [sflag:s8], $0x0  }
0x24: {  	s3 =	sadd.s32 $0x88, s3;
	s6 =	simm.s32 @!p1 $0x1082;
	[sflag:s4] =	ssyncset.s32 $0xFFFFF086  }
0x25: {  	[simem:s6], [sflag:s4] =	dma.local [hbm:s3], $0xF7A  }
0x26: {  	[smem:$0x3F93] =	sst s1;
	(tag) =	ssettag s2;
	_ =	strace s9  }
0x27: {  	s1 =	sld [smem:$0x3FA3]  }
0x28: {  	s2 =	sld [smem:$0x3FA4]  }
0x29: {  	s4 =	sld [smem:$0x3FA6]  }
0x2a: {  	p0 =	seq.s32 s5, $0x0;
	s5 =	sld [smem:$0x3FA7]  }
0x2b: {  	s6 =	sld [smem:$0x3FA8]  }
0x2c: {  	s7 =	sld [smem:$0x3FA9]  }
0x2d: {  	s3 =	simm.s32 $0x108;
	s8 =	sld [smem:$0x3FAA]  }
0x2e: {  	s3 =	simm.s32 @!p0 $0x1082;
	s9 =	sld [smem:$0x3FAB]  }
0x2f: {  	lr =	sadd.s32 s0, s3;
	s0 =	sld [smem:$0x3FA2]  }
0x30: {  	s3 =	sld [smem:$0x3FA5]  }
0x31: {  	[smem:$0x3FAE] =	sst s10  }
0x32: {  	s10 =	sld [smem:$0x3FAC];
	_ =	sdelay $0x3  }
0x33: {  	p0 =	seq.s32 s10, $0x1;
	s10 =	sld [smem:$0x3FAE];
	_ =	sdelay $0x3  }
0x34: {  	[smem:$0x3FAE] =	sst s10  }
0x35: {  	s10 =	sld [smem:$0x3FAD];
	_ =	sdelay $0x3  }
0x36: {  	p1 =	seq.s32 s10, $0x1;
	s10 =	sld [smem:$0x3FAE];
	_ =	sdelay $0x3  }
0x37: {  	[smem:$0x3FAE] =	sst s10  }
0x38: {  	s10 =	sld [smem:$0x3FAF]  }
0x39: {  	_ = 	snop;
	(pc) =	sbr.ind lr, $3  }
0x3a: {  	_ = 	snop  }
0x3b: {  	_ = 	snop  }
0x3c: {  	p2 =	seq.s32 s10, $0x1;
	s10 =	sld [smem:$0x3FAE]  }
0x3d: {  	_ =	shalt  }
0x3e: {  	_ =	shalt  }
0x3f: {  	_ =	shalt  }
0x40: {  	_ =	shalt  }
0x41: {  	_ =	shalt  }
0x42: {  	_ =	shalt  }
0x43: {  	_ =	shalt  }
0x44: {  	_ =	shalt  }
0x45: {  	_ =	shalt  }
0x46: {  	_ =	shalt  }
0x47: {  	_ =	shalt  }
0x48: {  	_ =	shalt  }
0x49: {  	_ =	shalt  }
0x4a: {  	_ =	shalt  }
0x4b: {  	_ =	shalt  }
0x4c: {  	_ =	shalt  }
0x4d: {  	_ =	shalt  }
0x4e: {  	_ =	shalt  }
0x4f: {  	_ =	shalt  }
0x50: {  	_ =	shalt  }
0x51: {  	_ =	shalt  }
0x52: {  	_ =	shalt  }
0x53: {  	_ =	shalt  }
0x54: {  	_ =	shalt  }
0x55: {  	_ =	shalt  }
0x56: {  	_ =	shalt  }
0x57: {  	_ =	shalt  }
0x58: {  	_ =	shalt  }
0x59: {  	_ =	shalt  }
0x5a: {  	_ =	shalt  }
0x5b: {  	_ =	shalt  }
0x5c: {  	_ =	shalt  }
0x5d: {  	_ =	shalt  }
0x5e: {  	_ =	shalt  }
0x5f: {  	_ =	shalt  }
0x60: {  	_ =	shalt  }
0x61: {  	_ =	shalt  }
0x62: {  	_ =	shalt  }
0x63: {  	_ =	shalt  }
0x64: {  	_ =	shalt  }
0x65: {  	_ =	shalt  }
0x66: {  	_ =	shalt  }
0x67: {  	_ =	shalt  }
0x68: {  	_ =	shalt  }
0x69: {  	_ =	shalt  }
0x6a: {  	_ =	shalt  }
0x6b: {  	_ =	shalt  }
0x6c: {  	_ =	shalt  }
0x6d: {  	_ =	shalt  }
0x6e: {  	_ =	shalt  }
0x6f: {  	_ =	shalt  }
0x70: {  	_ =	shalt  }
0x71: {  	_ =	shalt  }
0x72: {  	_ =	shalt  }
0x73: {  	_ =	shalt  }
0x74: {  	_ =	shalt  }
0x75: {  	_ =	shalt  }
0x76: {  	_ =	shalt  }
0x77: {  	_ =	shalt  }
0x78: {  	_ =	shalt  }
0x79: {  	_ =	shalt  }
0x7a: {  	_ =	shalt  }
0x7b: {  	_ =	shalt  }
0x7c: {  	_ =	shalt  }
0x7d: {  	_ =	shalt  }
0x7e: {  	_ =	shalt  }
0x7f: {  	_ =	shalt  }
0x80: {  	_ =	shalt  }
0x81: {  	_ =	shalt  }
0x82: {  	_ =	shalt  }
0x83: {  	_ =	shalt  }
0x84: {  	_ =	shalt  }
0x85: {  	_ =	shalt  }
0x86: {  	_ =	shalt  }
0x87: {  	_ =	shalt  }
.Lfunc_end0:
.L_simem_size_0:
called_computation.3_lowered:
.L_overlay_start_0:
0x88: {  	s2 =	sld [smem:$0x3FD9]  }
0x89: {  	s3 =	sld [smem:$0x3FFE];
	_ =	sdelay $0x1  }
0x8a: {  	s1 =	srdreg.scid  }
0x8b: {  	s0 =	sand.u32 $0x1, s1  }
0x8c: {  	s14 =	sshll.u32 s0, $0xA;
	s2 =	sadd.s32 s3, s2  }
0x8d: {  	s2 =	sadd.s32 s2, s14  }
0x8e: {  	[smem:$0x3FBA] =	sst s2  }
0x8f: {  	_ = 	snop  }
0x90: {  	s2 =	sld [smem:$0x3FD0];
	_ =	sdelay $0x2  }
0x91: {  	s15 =	simm.s32 $0xF;
	s4 =	simm.s32 $0x10  }
0x92: {  	[smem:s4], [sflag:s15] =	dma.local [hbm:s2], $0x1  }
0x93: {  	_ =	swait.eq [sflag:s15], $0x1  }
0x94: {  	[sflag:s15] =	ssyncset.done $0x0  }
0x95: {  	[sflag:s15] =	ssyncadd.s32 $0xFFFFFFFF  }
0x96: {  	s16 =	sld [smem:$0x10];
	(tm) =	ssettm $0x1  }
0x97: {  	s17 =	sld [smem:$0x3FFB];
	_ =	sdelay $0x3  }
0x98: {  	_ =	strace s17  }
0x99: {  	s3 =	sld [smem:$0x3FFC];
	_ =	sdelay $0x3  }
0x9a: {  	_ =	strace s3  }
0x9b: {  	s3 =	sld [smem:$0x3FFD];
	_ =	sdelay $0x3  }
0x9c: {  	_ =	strace s3  }
0x9d: {  	_ =	strace $0x8FFFFFFF  }
0x9e: {  	s18 =	sld [smem:$0x3FDB];
	_ =	sdelay $0x1  }
0x9f: {  	s19 =	simm.s32 $_scs_section_size  }
0xa0: {  	s5 =	simm.s32 $_size__tile_overlayer_lowered;
	s6 =	simm.s32 $_tile_overlayer_lowered  }
0xa1: {  	s22 =	simm.s32 $0x1BFF;
	s21 =	sshll.u32 s6, $0x1;
	s3 =	sadd.s32 s19, s18  }
0xa2: {  	s7 =	simm.s32 $0x0;
	s20 =	sshll.u32 s5, $0x1;
	s5 =	sadd.s32 s21, s3  }
0xa3: {  	[timem:s7], [sflag:s22] =	dma.local [hbm:s5], s20  }
0xa4: {  	_ =	swait.ge [sflag:s22], s20  }
0xa5: {  	s4 =	ssub.s32 $0x0, s20;
	[sflag:s22] =	ssyncset.done $0x0  }
0xa6: {  	[sflag:s22] =	ssyncadd.s32 s4;
	_ =	sdelay $0x1  }
0xa7: {  	s23 =	simm.s32 $0x1B8B  }
0xa8: {  	_ =	swait.ge [sflag:s23], $0x1  }
0xa9: {  	[sflag:s23] =	ssyncset.done $0x0  }
0xaa: {  	s25 =	simm.s32 $0x1B8E;
	s24 =	sld [smem:$0x3FFE];
	[sflag:s23] =	ssyncadd.s32 $0xFFFFFFFF  }
0xab: {  	s26 =	simm.s32 $execute0_lowered;
	[smem:$0x3FD2] =	sst s25  }
0xac: {  	s5 =	sshll.u32 s26, $0x1;
	_ =	strace $0x8000004C;
	[dreg:$0x1] =	wrdreg $0xFFFFFFFF  }
0xad: {  	s28 =	simm.s32 $_size_execute0_lowered;
	s3 =	sadd.s32 s3, s5;
	[dreg:$0x0] =	wrdreg $0x0  }
0xae: {  	s5 =	sshll.u32 s28, $0x1;
	[dreg:$0x2] =	wrdreg s3  }
0xaf: {  	[dreg:$0x3] =	wrdreg s5  }
0xb0: {  	[dreg:$0x4] =	wrdreg $0xC0  }
0xb1: {  	_ =	task [dreg:s7], $0x5FFFF  }
0xb2: {  	[dreg:$0x1] =	wrdreg $0xFFFFFFFF  }
0xb3: {  	[dreg:$0x0] =	wrdreg $0x60  }
0xb4: {  	[dreg:$0x2] =	wrdreg s24  }
0xb5: {  	[dreg:$0x3] =	wrdreg s16  }
0xb6: {  	[dreg:$0x4] =	wrdreg $0x11D00  }
0xb7: {  	[dreg:$0x5] =	wrdreg $0x9  }
0xb8: {  	_ =	task.clear_ibuf [dreg:s7], $0x6FFFF;
	_ =	strace $0x9000004C  }
0xb9: {  	s29 =	simm.s32 $0x9;
	_ =	strace $0x8000004E  }
0xba: {  	_ =	swait.ge [sflag:s29], $0x1  }
0xbb: {  	[sflag:s29] =	ssyncadd.s32 $0xFFFFFFFF  }
0xbc: {  	_ =	strace $0x9000004E  }
0xbd: {  	_ =	sfence  }
0xbe: {  	s30 =	sld [smem:$0x0];
	_ =	sdelay $0x2  }
0xbf: {  	s31 =	sshll.u32 s1, $0xD;
	s1 =	sshrl.u32 s1, $0x2  }
0xc0: {  	s3 =	sand.u32 $0x4000, s31;
	s1 =	sadd.s32 s1, s30  }
0xc1: {  	s0 =	sor.u32 s3, s0;
	s1 =	sshll.u32 s1, $0x11  }
0xc2: {  	s0 =	sor.u32 s1, s0  }
0xc3: {  	s0 =	sadd.s32 $0x8F2B, s0  }
0xc4: {  	[sflag:s0] =	ssyncadd.remote.s32 $0x1  }
0xc5: {  	_ =	sfence.sel $0xFFFF  }
0xc6: {  	[dreg:$0x0] =	wrdreg $0xFFFFFFFF;
	(pc) =	sbr.abs _section_cstart, $3  }
0xc7: {  	[dreg:$0x1] =	wrdreg $0xFFFFFFFF  }
0xc8: {  	_ =	task.clear_ibuf [dreg:s7], $0x2FFFF;
	_ =	strace $0x9FFFFFFF  }
0xc9: {  	(tm) =	ssettm $0x7FFFFFFF  }
tec
execute0_lowered:
.L_overlay_start_1:
0x0: {  	(tag) =	ssettag $0x1  }
0x1: {  	s4 =	rddreg [dreg:$0x0]  }
0x2: {  	s10 =	rddreg [dreg:$0x1]  }
0x3: {  	s2 =	rddreg [dreg:$0x2]  }
0x4: {  	s1 =	stileid.u32;
	s0 =	rddreg [dreg:$0x3];
	s3 =	simm.s32 $0x0  }
0x5: {  	s7 =	srdreg.scid;
	s15 =	simm.s32 $0x550;
	s5 =	smul.u32 $0x3A980, s1  }
0x6: {  	s16 =	simm.s32 $0x50;
	s19 =	simm.s32 $0x0;
	s6 =	smul.u32 $0x3A98, s1  }
0x7: {  	[smem:$0x7FF] =	sst s3;
	s7 =	sand.u32 $0x1, s7;
	s8 =	smul.u32 $0xFA00, s1  }
0x8: {  	s30 =	smul.u32 $0x3E8, s1;
	s9 =	sadd.s32 $0x3A980, s2;
	p0 =	sne.s32 s1, $0xF  }
0x9: {  	p1 =	seq.s32 s1, $0xF;
	_ =	strace $0x8000004D;
	s17 =	smul.u32 $0x3A98, s7  }
0xa: {  	s28 =	ssub.s32 $0x2, s7;
	s18 =	sshll.u32 @!p1 s1, $0x6;
	s12 =	sadd.s32 s5, s4  }
0xb: {  	s29 =	sshrl.u32 s8, $0x2;
	s13 =	sadd.s32 s6, s4;
	s31 =	sshrl.u32 s28, $0x1  }
0xc: {  	s4 =	sadd.s32 s29, s2;
	s11 =	ssub.s32 s28, s31;
	s8 =	sadd.s32 s30, s17  }
0xd: {  	s12 =	sadd.s32 $0x87800, s12;
	s13 =	sadd.s32 $0x4CE00, s13;
	v0 =	vmov s17;
	s17 =	sor.u32 @!p1 $0x1C01, s18  }
0xe: {  	s5 =	sadd.s32 $0xC80, s4;
	s6 =	sadd.s32 $0x1900, s4;
	s7 =	sadd.s32 $0x2580, s4  }
0xf: {  	s14 =	sshll.u32 s8, $0x1;
	s8 =	sadd.s32 $0x3200, s4;
	s11 =	smax.u32 s11, $0x1  }
0x10: {  	v1 =	vimm.f32 $0.0e+00;
	s18 =	sshrl.u32 @!p1 s4, $0x3;
	s10 =	sadd.s32 s10, s14;
	s14 =	simm.s32 $0x1  }
.LBB2_1:
.Ltmp0:
0x11: {  	(pc) =	sbr.rel @p0 .LBB2_3-.Ltmp0, $1  }
0x12: {  	_ =	sdelay $0x3  }
0x13: {  	[tilespmem:$0x550] =	vst v1  }
0x14: {  	[tilespmem:$0x560] =	vst v1  }
0x15: {  	[tilespmem:$0x570] =	vst v1  }
0x16: {  	[tilespmem:$0x580] =	vst v1  }
0x17: {  	[tilespmem:$0x590] =	vst v1  }
0x18: {  	[tilespmem:$0x5A0] =	vst v1  }
0x19: {  	[tilespmem:$0x5B0] =	vst v1  }
.Ltmp1:
0x1a: {  	[tilespmem:$0x5C0] =	vst v1;
	(pc) =	sbr.rel .LBB2_6-.Ltmp1, $4  }
0x1b: {  	[spmem:s9] =	stream.linear.scatter [tilespmem:s15], [sflag:$0x1], $0x80, $0x38;
	[tilespmem:$0x4C70] =	vst v63  }
0x1c: {  	_ =	swait.ge [sflag:s14], $0x80  }
0x1d: {  	[sflag:s14] =	ssyncset.done $0x0  }
0x1e: {  	[sflag:s14] =	ssyncadd.s32 $0xFFFFFF80  }
.LBB2_3:
0x1f: {  	s20 =	simm.s32 $0x40;
	s21 =	simm.s32 $0x0  }
.LBB2_4:
0x20: {  	p2 =	sne.s32 s20, $0x31C0;
	[tilespmem:s21+$0x550] =	vst v1;
	s21 =	smov.u32 s20;
	s20 =	sadd.s32 $0x40, s20  }
.Ltmp2:
0x21: {  	(pc) =	sbr.rel @p2 .LBB2_4-.Ltmp2, $2  }
0x22: {  	_ =	sdelay $0x2  }
0x23: {  	s21 =	sshra.s32 s21, $0x2  }
0x24: {  	[tilespmem:s21+$0x550] =	vst v1  }
0x25: {  	[spmem:s4] =	stream.linear.scatter [tilespmem:s15], [sflag:$0x1], $0xC80, $0x38;
	[tilespmem:$0x4C70] =	vst v63  }
0x26: {  	_ =	swait.ge [sflag:s14], $0xC80  }
0x27: {  	[sflag:s14] =	ssyncset.done $0x0  }
0x28: {  	[sflag:s14] =	ssyncadd.s32 $0xFFFFF380  }
0x29: {  	[spmem:s5] =	stream.linear.scatter [tilespmem:s15], [sflag:$0x1], $0xC80, $0x38;
	[tilespmem:$0x4C70] =	vst v63  }
0x2a: {  	_ =	swait.ge [sflag:s14], $0xC80  }
0x2b: {  	[sflag:s14] =	ssyncset.done $0x0  }
0x2c: {  	[sflag:s14] =	ssyncadd.s32 $0xFFFFF380  }
0x2d: {  	[spmem:s6] =	stream.linear.scatter [tilespmem:s15], [sflag:$0x1], $0xC80, $0x38;
	[tilespmem:$0x4C70] =	vst v63  }
0x2e: {  	_ =	swait.ge [sflag:s14], $0xC80  }
0x2f: {  	[sflag:s14] =	ssyncset.done $0x0  }
0x30: {  	[sflag:s14] =	ssyncadd.s32 $0xFFFFF380  }
0x31: {  	[spmem:s7] =	stream.linear.scatter [tilespmem:s15], [sflag:$0x1], $0xC80, $0x38;
	[tilespmem:$0x4C70] =	vst v63  }
0x32: {  	_ =	swait.ge [sflag:s14], $0xC80  }
0x33: {  	[sflag:s14] =	ssyncset.done $0x0  }
0x34: {  	[sflag:s14] =	ssyncadd.s32 $0xFFFFF380  }
0x35: {  	[spmem:s8] =	stream.linear.scatter [tilespmem:s15], [sflag:$0x1], $0xC80, $0x38;
	[tilespmem:$0x4C70] =	vst v63  }
0x36: {  	_ =	swait.ge [sflag:s14], $0xC80  }
0x37: {  	[sflag:s14] =	ssyncset.done $0x0  }
0x38: {  	[sflag:s14] =	ssyncadd.s32 $0xFFFFF380  }
.LBB2_6:
0x39: {  	[bflag:$0x0] =	sbarrier.arrive $0xFFFF;
	s20 =	sadd.s32 $0x0, s13  }
0x3a: {  	[tilespmem:s3], [sflag:$0x1] =	stream.linear.gather [hbm4b:s20+s3], $0x50, $0x38;
	[tilespmem:$0x4C70] =	vst v63  }
0x3b: {  	_ =	swait.ge [sflag:s14], $0x50  }
0x3c: {  	[sflag:s14] =	ssyncset.done $0x0  }
0x3d: {  	[sflag:s14] =	ssyncadd.s32 $0xFFFFFFB0  }
0x3e: {  	[tilespmem:s16], [sflag:$0x1] =	stream.linear.gather [hbm4b:s12+s3], $0x500, $0x38;
	[tilespmem:$0x4C70] =	vst v63  }
0x3f: {  	_ =	swait.ge [sflag:s14], $0x500  }
0x40: {  	[sflag:s14] =	ssyncset.done $0x0  }
0x41: {  	[sflag:s14] =	ssyncadd.s32 $0xFFFFFB00  }
0x42: {  	v2 =	vld [tilespmem:$0x40]  }
0x43: {  	v3 =	vld [tilespmem:$0x30]  }
0x44: {  	v4 =	vld [tilespmem:$0x20]  }
0x45: {  	v5 =	vld [tilespmem:$0x10]  }
0x46: {  	v6 =	vld [tilespmem:$0x0]  }
0x47: {  	v2 =	vsub.s32 v2, v0  }
0x48: {  	v3 =	vsub.s32 v3, v0;
	v2 =	vmin.u32 v2, $0x3A98  }
0x49: {  	v4 =	vsub.s32 v4, v0;
	v3 =	vmin.u32 v3, $0x3A98;
	[tilespmem:$0x40] =	vst v2  }
0x4a: {  	v4 =	vmin.u32 v4, $0x3A98;
	v2 =	vsub.s32 v5, v0;
	[tilespmem:$0x30] =	vst v3  }
0x4b: {  	v3 =	vsub.s32 v6, v0;
	[tilespmem:$0x20] =	vst v4;
	v5 =	vmin.u32 v2, $0x3A98  }
0x4c: {  	s21 =	smov.u32 s12;
	s20 =	simm.s32 $0xA;
	v2 =	vmin.u32 v3, $0x3A98;
	[tilespmem:$0x10] =	vst v5  }
.LBB2_7:
0x4d: {  	p2 =	sne.s32 s20, $0x3A8E  }
0x4e: {  	[tilespmem:$0x0] =	vst v2;
	s21 =	sadd.s32 $0xA0, s21;
	s22 =	smov.u32 s20;
	s20 =	sadd.s32 $0xA, s20  }
0x4f: {  	[spmem:s2] =	stream.indirect.scatter.add.f32 [tilespmem:s16], [sflag:$0x1], $0x10, s3, s16, $0xb8;
	[tilespmem:$0x4C70] =	vst v63  }
0x50: {  	_ =	swait.ge [sflag:s14], $0x500  }
0x51: {  	[sflag:s14] =	ssyncset.done $0x0  }
0x52: {  	s22 =	sadd.s32 s22, s13;
	[sflag:s14] =	ssyncadd.s32 $0xFFFFFB00  }
0x53: {  	[tilespmem:s3], [sflag:$0x1] =	stream.linear.gather [hbm4b:s22+s3], $0x50, $0x38;
	[tilespmem:$0x4C70] =	vst v63  }
0x54: {  	_ =	swait.ge [sflag:s14], $0x50  }
0x55: {  	[sflag:s14] =	ssyncset.done $0x0  }
0x56: {  	[sflag:s14] =	ssyncadd.s32 $0xFFFFFFB0  }
0x57: {  	[tilespmem:s16], [sflag:$0x1] =	stream.linear.gather [hbm4b:s21+s3], $0x500, $0x38;
	[tilespmem:$0x4C70] =	vst v63  }
0x58: {  	_ =	swait.ge [sflag:s14], $0x500  }
0x59: {  	[sflag:s14] =	ssyncset.done $0x0  }
0x5a: {  	[sflag:s14] =	ssyncadd.s32 $0xFFFFFB00  }
0x5b: {  	v2 =	vld [tilespmem:$0x40]  }
0x5c: {  	v3 =	vld [tilespmem:$0x30]  }
0x5d: {  	v4 =	vld [tilespmem:$0x20]  }
0x5e: {  	v5 =	vld [tilespmem:$0x10]  }
0x5f: {  	v6 =	vld [tilespmem:$0x0]  }
0x60: {  	v2 =	vsub.s32 v2, v0  }
.Ltmp3:
0x61: {  	v3 =	vsub.s32 v3, v0;
	v2 =	vmin.u32 v2, $0x3A98;
	(pc) =	sbr.rel @p2 .LBB2_7-.Ltmp3, $4  }
0x62: {  	v4 =	vsub.s32 v4, v0;
	v3 =	vmin.u32 v3, $0x3A98;
	[tilespmem:$0x40] =	vst v2  }
0x63: {  	v2 =	vsub.s32 v5, v0;
	v4 =	vmin.u32 v4, $0x3A98;
	[tilespmem:$0x30] =	vst v3  }
0x64: {  	v3 =	vsub.s32 v6, v0;
	v5 =	vmin.u32 v2, $0x3A98;
	[tilespmem:$0x20] =	vst v4  }
0x65: {  	v2 =	vmin.u32 v3, $0x3A98;
	[tilespmem:$0x10] =	vst v5  }
0x66: {  	[tilespmem:$0x0] =	vst v2  }
0x67: {  	[spmem:s2] =	stream.indirect.scatter.add.f32 [tilespmem:s16], [sflag:$0x1], $0x10, s3, s16, $0xb8;
	[tilespmem:$0x4C70] =	vst v63  }
0x68: {  	_ =	swait.ge [sflag:s14], $0x500  }
0x69: {  	s19 =	sadd.s32 $0x1, s19;
	[sflag:s14] =	ssyncset.done $0x0  }
0x6a: {  	p2 =	sne.s32 s19, s11;
	[sflag:s14] =	ssyncadd.s32 $0xFFFFFB00  }
.Ltmp4:
0x6b: {  	s20 =	simm.s32 @!p1 $0x1;
	[bflag:$0x0] =	sbarrier.arrive $0xFFFF;
	(pc) =	sbr.rel @p2 .LBB2_1-.Ltmp4, $4  }
0x6c: {  	[hbm:s10], [sflag:s17] =	dma.local @!p1 [spmem:s18], $0x7D0  }
0x6d: {  	_ =	swait.ge @!p1 [sflag:s20], $0x7D0  }
0x6e: {  	[sflag:s20] =	ssyncset.done @!p1 $0x0  }
0x6f: {  	[sflag:s20] =	ssyncadd.s32 @!p1 $0xFFFFF830  }
0x70: {  	_ =	sfence.sel $0x180000  }
0x71: {  	[bflag:$0x0] =	sbarrier.arrive $0xFFFF  }
0x72: {  	p0 =	sne.s32 s1, $0x0;
	_ =	strace $0x9000004D  }
0x73: {  	s0 =	sadd.s32 @!p0 $0x100000, s0;
	[bflag:$0x2] =	sbarrier.arrive $0xFFFF  }
0x74: {  	[sflag:s0] =	ssyncadd.tile.s32 @!p0 $0x1;
	_ =	shalt  }
.Lfunc_end2:
_tile_overlayer_lowered:
.L_overlay_start_2:
0x75: {  	(tag) =	ssettag $0x2  }
0x76: {  	s0 =	rddreg [dreg:$0x0];
	s2 =	stileid.u32  }
0x77: {  	s1 =	rddreg [dreg:$0x1];
	p0 =	sne.s32 s2, $0x0  }
0x78: {  	s3 =	rddreg [dreg:$0x2];
	[bflag:$0x3] =	sbarrier.arrive $0xFFFF;
	s2 =	simm.s32 @!p0 $0x1C01  }
0x79: {  	[timem:s3], [sflag:s2] =	dma.local @!p0 [hbm:s0], s1  }
0x7a: {  	s0 =	simm.s32 @!p0 $0x1  }
0x7b: {  	_ =	swait.ge @!p0 [sflag:s0], s1  }
0x7c: {  	s1 =	ssub.s32 @!p0 $0x0, s1;
	[sflag:s0] =	ssyncset.done @!p0 $0x0  }
0x7d: {  	[sflag:s0] =	ssyncadd.s32 @!p0 s1  }
0x7e: {  	[bflag:$0x3] =	sbarrier.arrive $0xFFFF  }
0x7f: {  	_ =	shalt  }

// kernel: kernel.31.cloned.1.call-start
scs
__scs_entry_jumppad:
0x0: {  	(pc) =	sbr.rel $0x88, $3  }
0x1: {  	(tag) =	ssettag $0x0;
	lr =	simm.s32 $0x1  }
0x2: {  	[smem:$0x3F93] =	sst lr;
	_ =	strace $0xD0000000  }
0x3: {  	_ = 	snop  }
0x4: {  	_ = 	snop  }
0x5: {  	_ = 	snop  }
0x6: {  	_ = 	snop  }
0x7: {  	_ = 	snop  }
__scs_overlays_trampoline_lowered:
0x8: {  	[smem:$0x3FA2] =	sst s0  }
0x9: {  	[smem:$0x3FA3] =	sst s1  }
0xa: {  	[smem:$0x3FA4] =	sst s2  }
0xb: {  	[smem:$0x3FA5] =	sst s3  }
0xc: {  	[smem:$0x3FA6] =	sst s4  }
0xd: {  	[smem:$0x3FA7] =	sst s5  }
0xe: {  	[smem:$0x3FA8] =	sst s6  }
0xf: {  	[smem:$0x3FA9] =	sst s7  }
0x10: {  	[smem:$0x3FAA] =	sst s8  }
0x11: {  	[smem:$0x3FAB] =	sst s9;
	s0 =	simm.s32 @!p0 $0x0  }
0x12: {  	s1 =	sld [smem:$0x3F91];
	s0 =	simm.s32 @p0 $0x1  }
0x13: {  	[smem:$0x3FAC] =	sst s0;
	s0 =	simm.s32 @!p1 $0x0  }
0x14: {  	s2 =	sld [smem:$0x3F90];
	s0 =	simm.s32 @p1 $0x1  }
0x15: {  	[smem:$0x3FAD] =	sst s0;
	s0 =	simm.s32 @!p2 $0x0  }
0x16: {  	s3 =	sld [smem:$0x3FDB];
	s0 =	simm.s32 @p2 $0x1  }
0x17: {  	s4 =	simm.s32 $0x1BF5;
	[smem:$0x3FAF] =	sst s0  }
0x18: {  	s0 =	sld [smem:$0x3F92];
	_ =	swait.ge [sflag:s4], $0x0  }
0x19: {  	s7 =	sld [smem:$0x3F93]  }
0x1a: {  	s8 =	sadd.s32 $0xFFFFE003, lr  }
0x1b: {  	s9 =	sadd.s32 $0xFFFFFEF7, lr;
	s5 =	simm.s32 $0xFFFFFFFF;
	p2 =	slt.u32 s8, $0xFFFFF086  }
0x1c: {  	p1 =	slt.u32 s9, $0xF7A;
	s5 =	simm.s32 @!p2 $0x0  }
0x1d: {  	s5 =	simm.s32 @p1 $0x1;
	p0 =	seq.s32 s7, s2  }
0x1e: {  	s7 =	smul.u32 @!p0 $0xF7A, s2;
	p2 =	seq.s32 @!p0 s5, $0x0  }
0x1f: {  	s9 =	smul.u32 $0xF7A, s1;
	s8 =	simm.s32 @!p0 $0x1BF5;
	p2 =	por !p2, p0  }
0x20: {  	[sflag:s8] =	ssyncset.s32 @!p0 $0xFFFFF086;
	s6 =	sadd.s32 @!p0 s3, s7;
	s7 =	simm.s32 @!p0 $0x108  }
0x21: {  	s3 =	sadd.s32 s3, s9;
	s6 =	sadd.s32 @!p0 $0x88, s6;
	s7 =	simm.s32 @p2 $0x1082  }
0x22: {  	[simem:s7], [sflag:s8] =	dma.local @!p0 [hbm:s6], $0xF7A  }
0x23: {  	s9 =	sor.u32 $0xD0000000, s2;
	s6 =	simm.s32 $0x108;
	_ =	swait.ge @!p0 [sflag:s8], $0x0  }
0x24: {  	s3 =	sadd.s32 $0x88, s3;
	s6 =	simm.s32 @!p1 $0x1082;
	[sflag:s4] =	ssyncset.s32 $0xFFFFF086  }
0x25: {  	[simem:s6], [sflag:s4] =	dma.local [hbm:s3], $0xF7A  }
0x26: {  	[smem:$0x3F93] =	sst s1;
	(tag) =	ssettag s2;
	_ =	strace s9  }
0x27: {  	s1 =	sld [smem:$0x3FA3]  }
0x28: {  	s2 =	sld [smem:$0x3FA4]  }
0x29: {  	s4 =	sld [smem:$0x3FA6]  }
0x2a: {  	p0 =	seq.s32 s5, $0x0;
	s5 =	sld [smem:$0x3FA7]  }
0x2b: {  	s6 =	sld [smem:$0x3FA8]  }
0x2c: {  	s7 =	sld [smem:$0x3FA9]  }
0x2d: {  	s3 =	simm.s32 $0x108;
	s8 =	sld [smem:$0x3FAA]  }
0x2e: {  	s3 =	simm.s32 @!p0 $0x1082;
	s9 =	sld [smem:$0x3FAB]  }
0x2f: {  	lr =	sadd.s32 s0, s3;
	s0 =	sld [smem:$0x3FA2]  }
0x30: {  	s3 =	sld [smem:$0x3FA5]  }
0x31: {  	[smem:$0x3FAE] =	sst s10  }
0x32: {  	s10 =	sld [smem:$0x3FAC];
	_ =	sdelay $0x3  }
0x33: {  	p0 =	seq.s32 s10, $0x1;
	s10 =	sld [smem:$0x3FAE];
	_ =	sdelay $0x3  }
0x34: {  	[smem:$0x3FAE] =	sst s10  }
0x35: {  	s10 =	sld [smem:$0x3FAD];
	_ =	sdelay $0x3  }
0x36: {  	p1 =	seq.s32 s10, $0x1;
	s10 =	sld [smem:$0x3FAE];
	_ =	sdelay $0x3  }
0x37: {  	[smem:$0x3FAE] =	sst s10  }
0x38: {  	s10 =	sld [smem:$0x3FAF]  }
0x39: {  	_ = 	snop;
	(pc) =	sbr.ind lr, $3  }
0x3a: {  	_ = 	snop  }
0x3b: {  	_ = 	snop  }
0x3c: {  	p2 =	seq.s32 s10, $0x1;
	s10 =	sld [smem:$0x3FAE]  }
0x3d: {  	_ =	shalt  }
0x3e: {  	_ =	shalt  }
0x3f: {  	_ =	shalt  }
0x40: {  	_ =	shalt  }
0x41: {  	_ =	shalt  }
0x42: {  	_ =	shalt  }
0x43: {  	_ =	shalt  }
0x44: {  	_ =	shalt  }
0x45: {  	_ =	shalt  }
0x46: {  	_ =	shalt  }
0x47: {  	_ =	shalt  }
0x48: {  	_ =	shalt  }
0x49: {  	_ =	shalt  }
0x4a: {  	_ =	shalt  }
0x4b: {  	_ =	shalt  }
0x4c: {  	_ =	shalt  }
0x4d: {  	_ =	shalt  }
0x4e: {  	_ =	shalt  }
0x4f: {  	_ =	shalt  }
0x50: {  	_ =	shalt  }
0x51: {  	_ =	shalt  }
0x52: {  	_ =	shalt  }
0x53: {  	_ =	shalt  }
0x54: {  	_ =	shalt  }
0x55: {  	_ =	shalt  }
0x56: {  	_ =	shalt  }
0x57: {  	_ =	shalt  }
0x58: {  	_ =	shalt  }
0x59: {  	_ =	shalt  }
0x5a: {  	_ =	shalt  }
0x5b: {  	_ =	shalt  }
0x5c: {  	_ =	shalt  }
0x5d: {  	_ =	shalt  }
0x5e: {  	_ =	shalt  }
0x5f: {  	_ =	shalt  }
0x60: {  	_ =	shalt  }
0x61: {  	_ =	shalt  }
0x62: {  	_ =	shalt  }
0x63: {  	_ =	shalt  }
0x64: {  	_ =	shalt  }
0x65: {  	_ =	shalt  }
0x66: {  	_ =	shalt  }
0x67: {  	_ =	shalt  }
0x68: {  	_ =	shalt  }
0x69: {  	_ =	shalt  }
0x6a: {  	_ =	shalt  }
0x6b: {  	_ =	shalt  }
0x6c: {  	_ =	shalt  }
0x6d: {  	_ =	shalt  }
0x6e: {  	_ =	shalt  }
0x6f: {  	_ =	shalt  }
0x70: {  	_ =	shalt  }
0x71: {  	_ =	shalt  }
0x72: {  	_ =	shalt  }
0x73: {  	_ =	shalt  }
0x74: {  	_ =	shalt  }
0x75: {  	_ =	shalt  }
0x76: {  	_ =	shalt  }
0x77: {  	_ =	shalt  }
0x78: {  	_ =	shalt  }
0x79: {  	_ =	shalt  }
0x7a: {  	_ =	shalt  }
0x7b: {  	_ =	shalt  }
0x7c: {  	_ =	shalt  }
0x7d: {  	_ =	shalt  }
0x7e: {  	_ =	shalt  }
0x7f: {  	_ =	shalt  }
0x80: {  	_ =	shalt  }
0x81: {  	_ =	shalt  }
0x82: {  	_ =	shalt  }
0x83: {  	_ =	shalt  }
0x84: {  	_ =	shalt  }
0x85: {  	_ =	shalt  }
0x86: {  	_ =	shalt  }
0x87: {  	_ =	shalt  }
.Lfunc_end0:
.L_simem_size_0:
called_computation.4_lowered:
.L_overlay_start_0:
0x88: {  	s2 =	sld [smem:$0x3FD9]  }
0x89: {  	s3 =	sld [smem:$0x3FFE];
	_ =	sdelay $0x1  }
0x8a: {  	s1 =	srdreg.scid  }
0x8b: {  	s0 =	sand.u32 $0x1, s1  }
0x8c: {  	s14 =	sshll.u32 s0, $0xA;
	s2 =	sadd.s32 s3, s2  }
0x8d: {  	s2 =	sadd.s32 s2, s14  }
0x8e: {  	[smem:$0x3FBA] =	sst s2  }
0x8f: {  	_ = 	snop  }
0x90: {  	s2 =	sld [smem:$0x3FD0];
	_ =	sdelay $0x2  }
0x91: {  	s15 =	simm.s32 $0xF;
	s4 =	simm.s32 $0x10  }
0x92: {  	[smem:s4], [sflag:s15] =	dma.local [hbm:s2], $0x1  }
0x93: {  	_ =	swait.eq [sflag:s15], $0x1  }
0x94: {  	[sflag:s15] =	ssyncset.done $0x0  }
0x95: {  	[sflag:s15] =	ssyncadd.s32 $0xFFFFFFFF  }
0x96: {  	s16 =	sld [smem:$0x10];
	(tm) =	ssettm $0x1  }
0x97: {  	s17 =	sld [smem:$0x3FFB];
	_ =	sdelay $0x3  }
0x98: {  	_ =	strace s17  }
0x99: {  	s3 =	sld [smem:$0x3FFC];
	_ =	sdelay $0x3  }
0x9a: {  	_ =	strace s3  }
0x9b: {  	s3 =	sld [smem:$0x3FFD];
	_ =	sdelay $0x3  }
0x9c: {  	_ =	strace s3  }
0x9d: {  	_ =	strace $0x8FFFFFFF  }
0x9e: {  	s18 =	sld [smem:$0x3FDB];
	_ =	sdelay $0x1  }
0x9f: {  	s19 =	simm.s32 $_scs_section_size  }
0xa0: {  	s5 =	simm.s32 $_size__tile_overlayer_lowered;
	s6 =	simm.s32 $_tile_overlayer_lowered  }
0xa1: {  	s22 =	simm.s32 $0x1BFF;
	s21 =	sshll.u32 s6, $0x1;
	s3 =	sadd.s32 s19, s18  }
0xa2: {  	s7 =	simm.s32 $0x0;
	s20 =	sshll.u32 s5, $0x1;
	s5 =	sadd.s32 s21, s3  }
0xa3: {  	[timem:s7], [sflag:s22] =	dma.local [hbm:s5], s20  }
0xa4: {  	_ =	swait.ge [sflag:s22], s20  }
0xa5: {  	s4 =	ssub.s32 $0x0, s20;
	[sflag:s22] =	ssyncset.done $0x0  }
0xa6: {  	[sflag:s22] =	ssyncadd.s32 s4;
	_ =	sdelay $0x1  }
0xa7: {  	s23 =	simm.s32 $0x1B8B  }
0xa8: {  	_ =	swait.ge [sflag:s23], $0x1  }
0xa9: {  	[sflag:s23] =	ssyncset.done $0x0  }
0xaa: {  	s25 =	simm.s32 $0x1B8E;
	s24 =	sld [smem:$0x3FFE];
	[sflag:s23] =	ssyncadd.s32 $0xFFFFFFFF  }
0xab: {  	s26 =	simm.s32 $execute0_lowered;
	[smem:$0x3FD2] =	sst s25  }
0xac: {  	s5 =	sshll.u32 s26, $0x1;
	_ =	strace $0x8000004F;
	[dreg:$0x1] =	wrdreg $0xFFFFFFFF  }
0xad: {  	s28 =	simm.s32 $_size_execute0_lowered;
	s3 =	sadd.s32 s3, s5;
	[dreg:$0x0] =	wrdreg $0x0  }
0xae: {  	s5 =	sshll.u32 s28, $0x1;
	[dreg:$0x2] =	wrdreg s3  }
0xaf: {  	[dreg:$0x3] =	wrdreg s5  }
0xb0: {  	[dreg:$0x4] =	wrdreg $0xC0  }
0xb1: {  	_ =	task [dreg:s7], $0x5FFFF  }
0xb2: {  	[dreg:$0x1] =	wrdreg $0xFFFFFFFF  }
0xb3: {  	[dreg:$0x0] =	wrdreg $0x60  }
0xb4: {  	[dreg:$0x2] =	wrdreg s16  }
0xb5: {  	[dreg:$0x3] =	wrdreg s24  }
0xb6: {  	[dreg:$0x4] =	wrdreg $0xA  }
0xb7: {  	_ =	task.clear_ibuf [dreg:s7], $0x5FFFF;
	_ =	strace $0x9000004F  }
0xb8: {  	s29 =	simm.s32 $0xA;
	_ =	strace $0x80000051  }
0xb9: {  	_ =	swait.ge [sflag:s29], $0x1  }
0xba: {  	[sflag:s29] =	ssyncadd.s32 $0xFFFFFFFF  }
0xbb: {  	_ =	strace $0x90000051  }
0xbc: {  	_ =	sfence  }
0xbd: {  	s30 =	sld [smem:$0x0];
	_ =	sdelay $0x2  }
0xbe: {  	s31 =	sshll.u32 s1, $0xD;
	s1 =	sshrl.u32 s1, $0x2  }
0xbf: {  	s3 =	sand.u32 $0x4000, s31;
	s1 =	sadd.s32 s1, s30  }
0xc0: {  	s0 =	sor.u32 s3, s0;
	s1 =	sshll.u32 s1, $0x11  }
0xc1: {  	s0 =	sor.u32 s1, s0  }
0xc2: {  	s0 =	sadd.s32 $0x8F2B, s0  }
0xc3: {  	[sflag:s0] =	ssyncadd.remote.s32 $0x1  }
0xc4: {  	_ =	sfence.sel $0xFFFF  }
0xc5: {  	[dreg:$0x0] =	wrdreg $0xFFFFFFFF;
	(pc) =	sbr.abs _section_cstart, $3  }
0xc6: {  	[dreg:$0x1] =	wrdreg $0xFFFFFFFF  }
0xc7: {  	_ =	task.clear_ibuf [dreg:s7], $0x2FFFF;
	_ =	strace $0x9FFFFFFF  }
0xc8: {  	(tm) =	ssettm $0x7FFFFFFF  }
0xc9: {  	_ =	shalt  }
tec
execute0_lowered:
.L_overlay_start_1:
0x0: {  	(tag) =	ssettag $0x1  }
0x1: {  	s2 =	rddreg [dreg:$0x0]  }
0x2: {  	s4 =	rddreg [dreg:$0x1]  }
0x3: {  	s0 =	rddreg [dreg:$0x2];
	s1 =	stileid.u32  }
0x4: {  	s5 =	srdreg.scid;
	s3 =	simm.s32 $0x0;
	s6 =	smul.u32 $0x1D4C0, s1  }
0x5: {  	s10 =	simm.s32 $0x0;
	s5 =	sand.u32 $0x1, s5;
	s8 =	smul.u32 $0x3A980, s1  }
0x6: {  	[smem:$0x7FF] =	sst s3;
	s7 =	smul.u32 $0xEA60, s5;
	s9 =	ssub.s32 $0x2, s5  }
0x7: {  	_ =	strace $0x80000050;
	s5 =	smul.u32 $0x1D4C0, s5;
	s31 =	sshrl.u32 s9, $0x1  }
0x8: {  	s8 =	sadd.s32 s8, s4;
	s6 =	sadd.s32 s7, s6;
	s7 =	ssub.s32 s9, s31  }
0x9: {  	s5 =	sadd.s32 s5, s8;
	s8 =	simm.s32 $0x50;
	s6 =	sshrl.u32 s6, $0x3  }
0xa: {  	s9 =	simm.s32 $0x1;
	s5 =	sadd.s32 $0x87800, s5;
	s6 =	sadd.s32 s6, s4  }
0xb: {  	s4 =	smax.u32 s7, $0x1;
	s7 =	simm.s32 $0x2;
	s6 =	sadd.s32 $0x4CE00, s6  }
.LBB2_1:
0xc: {  	s11 =	sadd.s32 $0x0, s6  }
0xd: {  	[tilespmem:s3], [sflag:$0x2] =	stream.linear.gather [hbm4b:s11+s3], $0x50, $0x38;
	[tilespmem:$0x550] =	vst v63  }
0xe: {  	_ =	swait.ge [sflag:s7], $0x50  }
0xf: {  	[sflag:s7] =	ssyncset.done $0x0  }
0x10: {  	[sflag:s7] =	ssyncadd.s32 $0xFFFFFFB0  }
0x11: {  	[tilespmem:s8], [sflag:$0x1] =	stream.indirect.gather [hbm4b:s2+s8], $0x10, s3, s8, $0xb8;
	[tilespmem:$0x550] =	vst v63  }
0x12: {  	_ =	swait.ge [sflag:s9], $0x500  }
0x13: {  	[sflag:s9] =	ssyncset.done $0x0  }
0x14: {  	[sflag:s9] =	ssyncadd.s32 $0xFFFFFB00  }
0x15: {  	[hbm4b:s5+s3] =	stream.linear.scatter [tilespmem:s8], [sflag:$0x2], $0x500, $0x38;
	[tilespmem:$0x550] =	vst v63  }
0x16: {  	s12 =	simm.s32 $0xA;
	_ =	swait.ge [sflag:s7], $0x500  }
0x17: {  	s13 =	simm.s32 $0x14;
	s11 =	sadd.s32 $0xA0, s5;
	[sflag:s7] =	ssyncset.done $0x0  }
.LBB2_2:
0x18: {  	s14 =	sadd.s32 s12, s6  }
0x19: {  	[sflag:s7] =	ssyncadd.s32 $0xFFFFFB00;
	s12 =	smov.u32 s13;
	s15 =	sadd.s32 $0xA, s13  }
0x1a: {  	[tilespmem:s3], [sflag:$0x2] =	stream.linear.gather [hbm4b:s14+s3], $0x50, $0x38;
	[tilespmem:$0x550] =	vst v63  }
0x1b: {  	p0 =	sne.s32 s13, $0x1D42;
	_ =	swait.ge [sflag:s7], $0x50  }
0x1c: {  	[sflag:s7] =	ssyncset.done $0x0  }
0x1d: {  	[sflag:s7] =	ssyncadd.s32 $0xFFFFFFB0  }
0x1e: {  	[tilespmem:s8], [sflag:$0x1] =	stream.indirect.gather [hbm4b:s2+s8], $0x10, s3, s8, $0xb8;
	[tilespmem:$0x550] =	vst v63  }
0x1f: {  	_ =	swait.ge [sflag:s9], $0x500  }
.Ltmp0:
0x20: {  	[sflag:s9] =	ssyncset.done $0x0;
	(pc) =	sbr.rel @p0 .LBB2_2-.Ltmp0, $4  }
0x21: {  	[sflag:s9] =	ssyncadd.s32 $0xFFFFFB00  }
0x22: {  	[hbm4b:s11+s3] =	stream.linear.scatter [tilespmem:s8], [sflag:$0x2], $0x500, $0x38;
	[tilespmem:$0x550] =	vst v63  }
0x23: {  	_ =	swait.ge [sflag:s7], $0x500  }
0x24: {  	s13 =	smov.u32 s15;
	s11 =	sadd.s32 $0xA0, s11;
	[sflag:s7] =	ssyncset.done $0x0  }
0x25: {  	s12 =	sadd.s32 s12, s6;
	[sflag:s7] =	ssyncadd.s32 $0xFFFFFB00  }
0x26: {  	[tilespmem:s3], [sflag:$0x2] =	stream.linear.gather [hbm4b:s12+s3], $0x50, $0x38;
	[tilespmem:$0x550] =	vst v63  }
0x27: {  	_ =	swait.ge [sflag:s7], $0x50  }
0x28: {  	[sflag:s7] =	ssyncset.done $0x0  }
0x29: {  	[sflag:s7] =	ssyncadd.s32 $0xFFFFFFB0  }
0x2a: {  	[tilespmem:s8], [sflag:$0x1] =	stream.indirect.gather [hbm4b:s2+s8], $0x10, s3, s8, $0xb8;
	[tilespmem:$0x550] =	vst v63  }
0x2b: {  	s10 =	sadd.s32 $0x1, s10;
	_ =	swait.ge [sflag:s9], $0x500  }
0x2c: {  	p0 =	sne.s32 s10, s4;
	[sflag:s9] =	ssyncset.done $0x0  }
.Ltmp1:
0x2d: {  	[sflag:s9] =	ssyncadd.s32 $0xFFFFFB00;
	(pc) =	sbr.rel @p0 .LBB2_1-.Ltmp1, $4  }
0x2e: {  	[hbm4b:s11+s3] =	stream.linear.scatter [tilespmem:s8], [sflag:$0x2], $0x500, $0x38;
	[tilespmem:$0x550] =	vst v63  }
0x2f: {  	_ =	swait.ge [sflag:s7], $0x500  }
0x30: {  	[sflag:s7] =	ssyncset.done $0x0  }
0x31: {  	[sflag:s7] =	ssyncadd.s32 $0xFFFFFB00  }
0x32: {  	_ =	sfence.sel $0x180000  }
0x33: {  	[bflag:$0x0] =	sbarrier.arrive $0xFFFF  }
0x34: {  	p0 =	sne.s32 s1, $0x0;
	_ =	strace $0x90000050  }
0x35: {  	s0 =	sadd.s32 @!p0 $0x100000, s0;
	[bflag:$0x2] =	sbarrier.arrive $0xFFFF  }
0x36: {  	[sflag:s0] =	ssyncadd.tile.s32 @!p0 $0x1;
	_ =	shalt  }
.Lfunc_end2:
_tile_overlayer_lowered:
.L_overlay_start_2:
0x37: {  	(tag) =	ssettag $0x2  }
0x38: {  	s0 =	rddreg [dreg:$0x0];
	s2 =	stileid.u32  }
0x39: {  	s1 =	rddreg [dreg:$0x1];
	p0 =	sne.s32 s2, $0x0  }
0x3a: {  	s3 =	rddreg [dreg:$0x2];
	[bflag:$0x3] =	sbarrier.arrive $0xFFFF;
	s2 =	simm.s32 @!p0 $0x1C02  }
0x3b: {  	[timem:s3], [sflag:s2] =	dma.local @!p0 [hbm:s0], s1  }
0x3c: {  	s0 =	simm.s32 @!p0 $0x2  }
0x3d: {  	_ =	swait.ge @!p0 [sflag:s0], s1  }
0x3e: {  	s1 =	ssub.s32 @!p0 $0x0, s1;
	[sflag:s0] =	ssyncset.done @!p0 $0x0  }
0x3f: {  	[sflag:s0] =	ssyncadd.s32 @!p0 s1  }
0x40: {  	[bflag:$0x3] =	sbarrier.arrive $0xFFFF  }
0x41: {  	_ =	shalt  }

// kernel: kernel.34.cloned.1.call-start
scs
__scs_entry_jumppad:
0x0: {  	(pc) =	sbr.rel $0x88, $3  }
0x1: {  	(tag) =	ssettag $0x0;
	lr =	simm.s32 $0x1  }
0x2: {  	[smem:$0x3F93] =	sst lr;
	_ =	strace $0xD0000000  }
0x3: {  	_ = 	snop  }
0x4: {  	_ = 	snop  }
0x5: {  	_ = 	snop  }
0x6: {  	_ = 	snop  }
0x7: {  	_ = 	snop  }
__scs_overlays_trampoline_lowered:
0x8: {  	[smem:$0x3FA2] =	sst s0  }
0x9: {  	[smem:$0x3FA3] =	sst s1  }
0xa: {  	[smem:$0x3FA4] =	sst s2  }
0xb: {  	[smem:$0x3FA5] =	sst s3  }
0xc: {  	[smem:$0x3FA6] =	sst s4  }
0xd: {  	[smem:$0x3FA7] =	sst s5  }
0xe: {  	[smem:$0x3FA8] =	sst s6  }
0xf: {  	[smem:$0x3FA9] =	sst s7  }
0x10: {  	[smem:$0x3FAA] =	sst s8  }
0x11: {  	[smem:$0x3FAB] =	sst s9;
	s0 =	simm.s32 @!p0 $0x0  }
0x12: {  	s1 =	sld [smem:$0x3F91];
	s0 =	simm.s32 @p0 $0x1  }
0x13: {  	[smem:$0x3FAC] =	sst s0;
	s0 =	simm.s32 @!p1 $0x0  }
0x14: {  	s2 =	sld [smem:$0x3F90];
	s0 =	simm.s32 @p1 $0x1  }
0x15: {  	[smem:$0x3FAD] =	sst s0;
	s0 =	simm.s32 @!p2 $0x0  }
0x16: {  	s3 =	sld [smem:$0x3FDB];
	s0 =	simm.s32 @p2 $0x1  }
0x17: {  	s4 =	simm.s32 $0x1BF5;
	[smem:$0x3FAF] =	sst s0  }
0x18: {  	s0 =	sld [smem:$0x3F92];
	_ =	swait.ge [sflag:s4], $0x0  }
0x19: {  	s7 =	sld [smem:$0x3F93]  }
0x1a: {  	s8 =	sadd.s32 $0xFFFFE003, lr  }
0x1b: {  	s9 =	sadd.s32 $0xFFFFFEF7, lr;
	s5 =	simm.s32 $0xFFFFFFFF;
	p2 =	slt.u32 s8, $0xFFFFF086  }
0x1c: {  	p1 =	slt.u32 s9, $0xF7A;
	s5 =	simm.s32 @!p2 $0x0  }
0x1d: {  	s5 =	simm.s32 @p1 $0x1;
	p0 =	seq.s32 s7, s2  }
0x1e: {  	s7 =	smul.u32 @!p0 $0xF7A, s2;
	p2 =	seq.s32 @!p0 s5, $0x0  }
0x1f: {  	s9 =	smul.u32 $0xF7A, s1;
	s8 =	simm.s32 @!p0 $0x1BF5;
	p2 =	por !p2, p0  }
0x20: {  	[sflag:s8] =	ssyncset.s32 @!p0 $0xFFFFF086;
	s6 =	sadd.s32 @!p0 s3, s7;
	s7 =	simm.s32 @!p0 $0x108  }
0x21: {  	s3 =	sadd.s32 s3, s9;
	s6 =	sadd.s32 @!p0 $0x88, s6;
	s7 =	simm.s32 @p2 $0x1082  }
0x22: {  	[simem:s7], [sflag:s8] =	dma.local @!p0 [hbm:s6], $0xF7A  }
0x23: {  	s9 =	sor.u32 $0xD0000000, s2;
	s6 =	simm.s32 $0x108;
	_ =	swait.ge @!p0 [sflag:s8], $0x0  }
0x24: {  	s3 =	sadd.s32 $0x88, s3;
	s6 =	simm.s32 @!p1 $0x1082;
	[sflag:s4] =	ssyncset.s32 $0xFFFFF086  }
0x25: {  	[simem:s6], [sflag:s4] =	dma.local [hbm:s3], $0xF7A  }
0x26: {  	[smem:$0x3F93] =	sst s1;
	(tag) =	ssettag s2;
	_ =	strace s9  }
0x27: {  	s1 =	sld [smem:$0x3FA3]  }
0x28: {  	s2 =	sld [smem:$0x3FA4]  }
0x29: {  	s4 =	sld [smem:$0x3FA6]  }
0x2a: {  	p0 =	seq.s32 s5, $0x0;
	s5 =	sld [smem:$0x3FA7]  }
0x2b: {  	s6 =	sld [smem:$0x3FA8]  }
0x2c: {  	s7 =	sld [smem:$0x3FA9]  }
0x2d: {  	s3 =	simm.s32 $0x108;
	s8 =	sld [smem:$0x3FAA]  }
0x2e: {  	s3 =	simm.s32 @!p0 $0x1082;
	s9 =	sld [smem:$0x3FAB]  }
0x2f: {  	lr =	sadd.s32 s0, s3;
	s0 =	sld [smem:$0x3FA2]  }
0x30: {  	s3 =	sld [smem:$0x3FA5]  }
0x31: {  	[smem:$0x3FAE] =	sst s10  }
0x32: {  	s10 =	sld [smem:$0x3FAC];
	_ =	sdelay $0x3  }
0x33: {  	p0 =	seq.s32 s10, $0x1;
	s10 =	sld [smem:$0x3FAE];
	_ =	sdelay $0x3  }
0x34: {  	[smem:$0x3FAE] =	sst s10  }
0x35: {  	s10 =	sld [smem:$0x3FAD];
	_ =	sdelay $0x3  }
0x36: {  	p1 =	seq.s32 s10, $0x1;
	s10 =	sld [smem:$0x3FAE];
	_ =	sdelay $0x3  }
0x37: {  	[smem:$0x3FAE] =	sst s10  }
0x38: {  	s10 =	sld [smem:$0x3FAF]  }
0x39: {  	_ = 	snop;
	(pc) =	sbr.ind lr, $3  }
0x3a: {  	_ = 	snop  }
0x3b: {  	_ = 	snop  }
0x3c: {  	p2 =	seq.s32 s10, $0x1;
	s10 =	sld [smem:$0x3FAE]  }
0x3d: {  	_ =	shalt  }
0x3e: {  	_ =	shalt  }
0x3f: {  	_ =	shalt  }
0x40: {  	_ =	shalt  }
0x41: {  	_ =	shalt  }
0x42: {  	_ =	shalt  }
0x43: {  	_ =	shalt  }
0x44: {  	_ =	shalt  }
0x45: {  	_ =	shalt  }
0x46: {  	_ =	shalt  }
0x47: {  	_ =	shalt  }
0x48: {  	_ =	shalt  }
0x49: {  	_ =	shalt  }
0x4a: {  	_ =	shalt  }
0x4b: {  	_ =	shalt  }
0x4c: {  	_ =	shalt  }
0x4d: {  	_ =	shalt  }
0x4e: {  	_ =	shalt  }
0x4f: {  	_ =	shalt  }
0x50: {  	_ =	shalt  }
0x51: {  	_ =	shalt  }
0x52: {  	_ =	shalt  }
0x53: {  	_ =	shalt  }
0x54: {  	_ =	shalt  }
0x55: {  	_ =	shalt  }
0x56: {  	_ =	shalt  }
0x57: {  	_ =	shalt  }
0x58: {  	_ =	shalt  }
0x59: {  	_ =	shalt  }
0x5a: {  	_ =	shalt  }
0x5b: {  	_ =	shalt  }
0x5c: {  	_ =	shalt  }
0x5d: {  	_ =	shalt  }
0x5e: {  	_ =	shalt  }
0x5f: {  	_ =	shalt  }
0x60: {  	_ =	shalt  }
0x61: {  	_ =	shalt  }
0x62: {  	_ =	shalt  }
0x63: {  	_ =	shalt  }
0x64: {  	_ =	shalt  }
0x65: {  	_ =	shalt  }
0x66: {  	_ =	shalt  }
0x67: {  	_ =	shalt  }
0x68: {  	_ =	shalt  }
0x69: {  	_ =	shalt  }
0x6a: {  	_ =	shalt  }
0x6b: {  	_ =	shalt  }
0x6c: {  	_ =	shalt  }
0x6d: {  	_ =	shalt  }
0x6e: {  	_ =	shalt  }
0x6f: {  	_ =	shalt  }
0x70: {  	_ =	shalt  }
0x71: {  	_ =	shalt  }
0x72: {  	_ =	shalt  }
0x73: {  	_ =	shalt  }
0x74: {  	_ =	shalt  }
0x75: {  	_ =	shalt  }
0x76: {  	_ =	shalt  }
0x77: {  	_ =	shalt  }
0x78: {  	_ =	shalt  }
0x79: {  	_ =	shalt  }
0x7a: {  	_ =	shalt  }
0x7b: {  	_ =	shalt  }
0x7c: {  	_ =	shalt  }
0x7d: {  	_ =	shalt  }
0x7e: {  	_ =	shalt  }
0x7f: {  	_ =	shalt  }
0x80: {  	_ =	shalt  }
0x81: {  	_ =	shalt  }
0x82: {  	_ =	shalt  }
0x83: {  	_ =	shalt  }
0x84: {  	_ =	shalt  }
0x85: {  	_ =	shalt  }
0x86: {  	_ =	shalt  }
0x87: {  	_ =	shalt  }
.Lfunc_end0:
.L_simem_size_0:
called_computation.5_lowered:
.L_overlay_start_0:
0x88: {  	s2 =	sld [smem:$0x3FD9]  }
0x89: {  	s3 =	sld [smem:$0x3FFE];
	_ =	sdelay $0x1  }
0x8a: {  	s1 =	srdreg.scid  }
0x8b: {  	s0 =	sand.u32 $0x1, s1  }
0x8c: {  	s15 =	sshll.u32 s0, $0xA;
	s2 =	sadd.s32 s3, s2  }
0x8d: {  	s2 =	sadd.s32 s2, s15  }
0x8e: {  	[smem:$0x3FBA] =	sst s2  }
0x8f: {  	_ = 	snop  }
0x90: {  	s2 =	sld [smem:$0x3FD0];
	_ =	sdelay $0x2  }
0x91: {  	s16 =	simm.s32 $0xF;
	s4 =	simm.s32 $0x10  }
0x92: {  	[smem:s4], [sflag:s16] =	dma.local [hbm:s2], $0x1  }
0x93: {  	_ =	swait.eq [sflag:s16], $0x1  }
0x94: {  	[sflag:s16] =	ssyncset.done $0x0  }
0x95: {  	[sflag:s16] =	ssyncadd.s32 $0xFFFFFFFF  }
0x96: {  	s17 =	sld [smem:$0x12];
	(tm) =	ssettm $0x1  }
0x97: {  	s18 =	sld [smem:$0x3FFB];
	_ =	sdelay $0x3  }
0x98: {  	_ =	strace s18  }
0x99: {  	s2 =	sld [smem:$0x3FFC];
	_ =	sdelay $0x3  }
0x9a: {  	_ =	strace s2  }
0x9b: {  	s2 =	sld [smem:$0x3FFD];
	_ =	sdelay $0x3  }
0x9c: {  	_ =	strace s2  }
0x9d: {  	_ =	strace $0x8FFFFFFF  }
0x9e: {  	s19 =	sld [smem:$0x3FDB];
	_ =	sdelay $0x1  }
0x9f: {  	s20 =	simm.s32 $_scs_section_size  }
0xa0: {  	s5 =	simm.s32 $_size__tile_overlayer_lowered;
	s6 =	simm.s32 $_tile_overlayer_lowered  }
0xa1: {  	s7 =	simm.s32 $0x1BFF;
	s21 =	sshll.u32 s6, $0x1;
	s4 =	sadd.s32 s20, s19  }
0xa2: {  	s22 =	simm.s32 $0x0;
	s5 =	sshll.u32 s5, $0x1;
	s6 =	sadd.s32 s21, s4  }
0xa3: {  	[timem:s22], [sflag:s7] =	dma.local [hbm:s6], s5  }
0xa4: {  	_ =	swait.ge [sflag:s7], s5  }
0xa5: {  	s5 =	ssub.s32 $0x0, s5;
	[sflag:s7] =	ssyncset.done $0x0  }
0xa6: {  	[sflag:s7] =	ssyncadd.s32 s5;
	_ =	sdelay $0x1  }
0xa7: {  	s23 =	simm.s32 $0x1B8B  }
0xa8: {  	_ =	swait.ge [sflag:s23], $0x1  }
0xa9: {  	[sflag:s23] =	ssyncset.done $0x0  }
0xaa: {  	[sflag:s23] =	ssyncadd.s32 $0xFFFFFFFF  }
0xab: {  	s5 =	sld [smem:$0x0]  }
0xac: {  	s6 =	sand.u32 $0xFFFFFFFE, s1  }
0xad: {  	p0 =	sne.s32 s1, s6  }
0xae: {  	s6 =	sshll.u32 @p0 s6, $0xE  }
0xaf: {  	s6 =	sadd.s32 @p0 $0x11B8D, s6;
	s7 =	sshll.u32 @p0 s5, $0x11  }
0xb0: {  	s6 =	sor.u32 @p0 s7, s6  }
0xb1: {  	[sflag:s6] =	ssyncadd.remote.s32 @p0 $0x1;
	_ =	sdelay $0x1  }
0xb2: {  	s6 =	simm.s32 @p0 $0x1B8D  }
0xb3: {  	_ =	swait.eq @p0 [sflag:s6], $0x1  }
0xb4: {  	[sflag:s6] =	ssyncadd.s32 @p0 $0xFFFFFFFF  }
0xb5: {  	s7 =	sshll.u32 @!p0 s1, $0xE  }
0xb6: {  	s7 =	sor.u32 @!p0 $0x4000, s7;
	s6 =	simm.s32 @!p0 $0x1B8D  }
0xb7: {  	s5 =	sshll.u32 @!p0 s5, $0x11;
	s7 =	sadd.s32 @!p0 $0x11B8D, s7;
	_ =	swait.eq @!p0 [sflag:s6], $0x1  }
0xb8: {  	s5 =	sor.u32 @!p0 s5, s7;
	[sflag:s6] =	ssyncadd.s32 @!p0 $0xFFFFFFFF  }
0xb9: {  	s25 =	simm.s32 $0x1B8E;
	s24 =	sld [smem:$0x3FFE];
	[sflag:s5] =	ssyncadd.remote.s32 @!p0 $0x1  }
0xba: {  	s26 =	simm.s32 $execute0_lowered;
	[smem:$0x3FD2] =	sst s25  }
0xbb: {  	s6 =	sshll.u32 s26, $0x1;
	_ =	strace $0x8000005E;
	[dreg:$0x1] =	wrdreg $0xFFFFFFFF  }
0xbc: {  	s28 =	simm.s32 $_size_execute0_lowered;
	s4 =	sadd.s32 s4, s6;
	[dreg:$0x0] =	wrdreg $0x0  }
0xbd: {  	s6 =	sshll.u32 s28, $0x1;
	[dreg:$0x2] =	wrdreg s4  }
0xbe: {  	[dreg:$0x3] =	wrdreg s6  }
0xbf: {  	[dreg:$0x4] =	wrdreg $0xC0  }
0xc0: {  	_ =	task [dreg:s22], $0x5FFFF  }
0xc1: {  	[dreg:$0x1] =	wrdreg $0xFFFFFFFF  }
0xc2: {  	[dreg:$0x0] =	wrdreg $0x60  }
0xc3: {  	[dreg:$0x2] =	wrdreg s24  }
0xc4: {  	[dreg:$0x3] =	wrdreg s17  }
0xc5: {  	[dreg:$0x4] =	wrdreg $0x8C500  }
0xc6: {  	[dreg:$0x5] =	wrdreg $0x9  }
0xc7: {  	_ =	task.clear_ibuf [dreg:s22], $0x6FFFF;
	_ =	strace $0x9000005E  }
0xc8: {  	s29 =	simm.s32 $0x9;
	_ =	strace $0x80000060  }
0xc9: {  	_ =	swait.ge [sflag:s29], $0x1  }
0xca: {  	[sflag:s29] =	ssyncadd.s32 $0xFFFFFFFF  }
0xcb: {  	_ =	strace $0x90000060  }
0xcc: {  	_ =	sfence  }
0xcd: {  	s30 =	sld [smem:$0x0];
	_ =	sdelay $0x2  }
0xce: {  	s31 =	sshll.u32 s1, $0xD;
	s1 =	sshrl.u32 s1, $0x2  }
0xcf: {  	s4 =	sand.u32 $0x4000, s31;
	s1 =	sadd.s32 s1, s30  }
0xd0: {  	s0 =	sor.u32 s4, s0;
	s1 =	sshll.u32 s1, $0x11  }
0xd1: {  	s0 =	sor.u32 s1, s0  }
0xd2: {  	s0 =	sadd.s32 $0x8F2B, s0  }
0xd3: {  	[sflag:s0] =	ssyncadd.remote.s32 $0x1  }
0xd4: {  	_ =	sfence.sel $0xFFFF  }
0xd5: {  	[dreg:$0x0] =	wrdreg $0xFFFFFFFF;
	(pc) =	sbr.abs _section_cstart, $3  }
0xd6: {  	[dreg:$0x1] =	wrdreg $0xFFFFFFFF  }
0xd7: {  	_ =	task.clear_ibuf [dreg:s22], $0x2FFFF;
	_ =	strace $0x9FFFFFFF  }
0xd8: {  	(tm) =	ssettm $0x7FFFFFFF  }
0xd9: {  	_ =	shalt  }
tec
execute0_lowered:
.L_overlay_start_1:
0x0: {  	(tag) =	ssettag $0x1  }
0x1: {  	s4 =	rddreg [dreg:$0x0]  }
0x2: {  	s14 =	rddreg [dreg:$0x1]  }
0x3: {  	s2 =	rddreg [dreg:$0x2]  }
0x4: {  	s0 =	rddreg [dreg:$0x3]  }
0x5: {  	s3 =	simm.s32 $0x0;
	s1 =	stileid.u32;
	s5 =	srdreg.scid  }
0x6: {  	s20 =	simm.s32 $0x0;
	[smem:$0x7FF] =	sst s3;
	s10 =	smul.u32 $0x1F400, s1  }
0x7: {  	s13 =	sadd.s32 $0x845D800, s4;
	s9 =	sand.u32 $0x1, s5;
	s30 =	smul.u32 $0x7D000, s1  }
0x8: {  	s11 =	sadd.s32 $0xA1A9800, s4;
	p1 =	slt.u32 s1, $0xA;
	s16 =	smul.u32 $0x4E200, s1  }
0x9: {  	s17 =	smul.u32 $0x9C4, s1;
	_ =	strace $0x8000005F;
	s7 =	ssub.s32 $0x2, s9  }
0xa: {  	p0 =	seq.s32 s9, $0x0;
	p2 =	seq.s32 s9, $0x1;
	s6 =	sshrl.u32 s10, $0x3  }
0xb: {  	s31 =	sshrl.u32 s7, $0x1;
	s5 =	sshrl.u32 s30, $0x2;
	p0 =	por !p0, !p1  }
0xc: {  	s10 =	sadd.s32 s10, s2;
	p1 =	por !p1, !p2;
	s13 =	smov.u32 @p2 s11  }
0xd: {  	s14 =	sadd.s32 s17, s14;
	p2 =	sgt.u32 s1, $0x9;
	s17 =	simm.s32 $0x50  }
0xe: {  	s12 =	sadd.s32 s6, s4;
	s15 =	ssub.s32 s7, s31;
	s4 =	sadd.s32 s5, s2  }
0xf: {  	p0 =	por !p0, !p0;
	p1 =	por !p1, !p1;
	s13 =	sadd.s32 s16, s13  }
0x10: {  	s16 =	simm.s32 $0x1;
	s5 =	sadd.s32 $0x6400, s4;
	s6 =	sadd.s32 $0xC800, s4  }
0x11: {  	s7 =	sadd.s32 $0x12C00, s4;
	s8 =	sadd.s32 $0x19000, s4;
	s9 =	sadd.s32 $0x3CF200, s12  }
0x12: {  	s11 =	sadd.s32 $0x3F6400, s12;
	s12 =	smax.u32 s15, $0x1;
	s18 =	sshll.u32 @p0 s1, $0x6  }
0x13: {  	v0 =	vimm.f32 $0.0e+00;
	s15 =	simm.s32 $0x2850;
	s19 =	sshrl.u32 @p0 s10, $0x3;
	s18 =	sor.u32 @p0 $0x1C01, s18  }
.LBB2_1:
.Ltmp0:
0x14: {  	(pc) =	sbr.rel @p2 .LBB2_5-.Ltmp0, $1  }
0x15: {  	_ =	sdelay $0x3  }
0x16: {  	s21 =	sshra.s32 s3, $0x2;
	s22 =	sadd.s32 $0x200, s3  }
.LBB2_3:
0x17: {  	p3 =	sne.s32 s22, $0x18E00;
	[tilespmem:s21+$0x28C0] =	vst v0  }
0x18: {  	[tilespmem:s21+$0x2850] =	vst v0  }
0x19: {  	[tilespmem:s21+$0x2860] =	vst v0  }
.Ltmp1:
0x1a: {  	[tilespmem:s21+$0x2870] =	vst v0;
	(pc) =	sbr.rel @p3 .LBB2_3-.Ltmp1, $4  }
0x1b: {  	[tilespmem:s21+$0x2880] =	vst v0  }
0x1c: {  	[tilespmem:s21+$0x2890] =	vst v0  }
0x1d: {  	[tilespmem:s21+$0x28A0] =	vst v0  }
0x1e: {  	[tilespmem:s21+$0x28B0] =	vst v0;
	s21 =	sshra.s32 s22, $0x2;
	s22 =	sadd.s32 $0x200, s22  }
0x1f: {  	[tilespmem:s21+$0x28C0] =	vst v0  }
0x20: {  	[tilespmem:s21+$0x2850] =	vst v0  }
0x21: {  	[tilespmem:s21+$0x2860] =	vst v0  }
0x22: {  	[tilespmem:s21+$0x2870] =	vst v0  }
0x23: {  	[tilespmem:s21+$0x2880] =	vst v0  }
0x24: {  	[tilespmem:s21+$0x2890] =	vst v0  }
0x25: {  	[tilespmem:s21+$0x28A0] =	vst v0  }
0x26: {  	[tilespmem:s21+$0x28B0] =	vst v0  }
0x27: {  	[spmem:s4] =	stream.linear.scatter [tilespmem:s15], [sflag:$0x1], $0x6400, $0x38;
	[tilespmem:$0x1C4D0] =	vst v63  }
0x28: {  	_ =	swait.ge [sflag:s16], $0x6400  }
0x29: {  	[sflag:s16] =	ssyncset.done $0x0  }
0x2a: {  	[sflag:s16] =	ssyncadd.s32 $0xFFFF9C00  }
0x2b: {  	[spmem:s5] =	stream.linear.scatter [tilespmem:s15], [sflag:$0x1], $0x6400, $0x38;
	[tilespmem:$0x1C4D0] =	vst v63  }
0x2c: {  	_ =	swait.ge [sflag:s16], $0x6400  }
0x2d: {  	[sflag:s16] =	ssyncset.done $0x0  }
0x2e: {  	[sflag:s16] =	ssyncadd.s32 $0xFFFF9C00  }
0x2f: {  	[spmem:s6] =	stream.linear.scatter [tilespmem:s15], [sflag:$0x1], $0x6400, $0x38;
	[tilespmem:$0x1C4D0] =	vst v63  }
0x30: {  	_ =	swait.ge [sflag:s16], $0x6400  }
0x31: {  	[sflag:s16] =	ssyncset.done $0x0  }
0x32: {  	[sflag:s16] =	ssyncadd.s32 $0xFFFF9C00  }
0x33: {  	[spmem:s7] =	stream.linear.scatter [tilespmem:s15], [sflag:$0x1], $0x6400, $0x38;
	[tilespmem:$0x1C4D0] =	vst v63  }
0x34: {  	_ =	swait.ge [sflag:s16], $0x6400  }
0x35: {  	[sflag:s16] =	ssyncset.done $0x0  }
0x36: {  	[sflag:s16] =	ssyncadd.s32 $0xFFFF9C00  }
0x37: {  	[spmem:s8] =	stream.linear.scatter [tilespmem:s15], [sflag:$0x1], $0x6400, $0x38;
	[tilespmem:$0x1C4D0] =	vst v63  }
0x38: {  	_ =	swait.ge [sflag:s16], $0x6400  }
0x39: {  	[sflag:s16] =	ssyncset.done $0x0  }
0x3a: {  	[sflag:s16] =	ssyncadd.s32 $0xFFFF9C00  }
.LBB2_5:
0x3b: {  	[bflag:$0x0] =	sbarrier.arrive $0xFFFF;
	s21 =	sadd.s32 $0x0, s14  }
0x3c: {  	[tilespmem:s3], [sflag:$0x1] =	stream.linear.gather [hbm4b:s21+s3], $0x50, $0x38;
	[tilespmem:$0x1C4D0] =	vst v63  }
0x3d: {  	_ =	swait.ge [sflag:s16], $0x50  }
0x3e: {  	[sflag:s16] =	ssyncset.done $0x0  }
0x3f: {  	[sflag:s16] =	ssyncadd.s32 $0xFFFFFFB0  }
0x40: {  	[tilespmem:s17], [sflag:$0x1] =	stream.linear.gather [hbm4b:s13+s3], $0x2800, $0x38;
	[tilespmem:$0x1C4D0] =	vst v63  }
0x41: {  	_ =	swait.ge [sflag:s16], $0x2800  }
0x42: {  	[sflag:s16] =	ssyncset.done $0x0  }
0x43: {  	[sflag:s16] =	ssyncadd.s32 $0xFFFFD800  }
0x44: {  	[spmem:s2] =	stream.indirect.scatter.add.f32 [tilespmem:s17], [sflag:$0x1], $0x80, s3, s17, $0xb8;
	[tilespmem:$0x1C4D0] =	vst v63  }
0x45: {  	s22 =	simm.s32 $0xA;
	_ =	swait.ge [sflag:s16], $0x2800  }
0x46: {  	s23 =	simm.s32 $0x14;
	s21 =	sadd.s32 $0x500, s13;
	[sflag:s16] =	ssyncset.done $0x0  }
.LBB2_6:
0x47: {  	s24 =	sadd.s32 s22, s14  }
0x48: {  	[sflag:s16] =	ssyncadd.s32 $0xFFFFD800;
	s22 =	smov.u32 s23;
	s25 =	sadd.s32 $0xA, s23  }
0x49: {  	[tilespmem:s3], [sflag:$0x1] =	stream.linear.gather [hbm4b:s24+s3], $0x50, $0x38;
	[tilespmem:$0x1C4D0] =	vst v63  }
0x4a: {  	p3 =	sne.s32 s23, $0x9BA;
	_ =	swait.ge [sflag:s16], $0x50  }
0x4b: {  	[sflag:s16] =	ssyncset.done $0x0  }
0x4c: {  	[sflag:s16] =	ssyncadd.s32 $0xFFFFFFB0  }
0x4d: {  	[tilespmem:s17], [sflag:$0x1] =	stream.linear.gather [hbm4b:s21+s3], $0x2800, $0x38;
	[tilespmem:$0x1C4D0] =	vst v63  }
0x4e: {  	_ =	swait.ge [sflag:s16], $0x2800  }
.Ltmp2:
0x4f: {  	[sflag:s16] =	ssyncset.done $0x0;
	(pc) =	sbr.rel @p3 .LBB2_6-.Ltmp2, $4  }
0x50: {  	[sflag:s16] =	ssyncadd.s32 $0xFFFFD800  }
0x51: {  	[spmem:s2] =	stream.indirect.scatter.add.f32 [tilespmem:s17], [sflag:$0x1], $0x80, s3, s17, $0xb8;
	[tilespmem:$0x1C4D0] =	vst v63  }
0x52: {  	_ =	swait.ge [sflag:s16], $0x2800  }
0x53: {  	s23 =	smov.u32 s25;
	s21 =	sadd.s32 $0x500, s21;
	[sflag:s16] =	ssyncset.done $0x0  }
0x54: {  	s22 =	sadd.s32 s22, s14;
	[sflag:s16] =	ssyncadd.s32 $0xFFFFD800  }
0x55: {  	[tilespmem:s3], [sflag:$0x1] =	stream.linear.gather [hbm4b:s22+s3], $0x50, $0x38;
	[tilespmem:$0x1C4D0] =	vst v63  }
0x56: {  	_ =	swait.ge [sflag:s16], $0x50  }
0x57: {  	[sflag:s16] =	ssyncset.done $0x0  }
0x58: {  	[sflag:s16] =	ssyncadd.s32 $0xFFFFFFB0  }
0x59: {  	[tilespmem:s17], [sflag:$0x1] =	stream.linear.gather [hbm4b:s21+s3], $0x2800, $0x38;
	[tilespmem:$0x1C4D0] =	vst v63  }
0x5a: {  	_ =	swait.ge [sflag:s16], $0x2800  }
0x5b: {  	[sflag:s16] =	ssyncset.done $0x0  }
0x5c: {  	[sflag:s16] =	ssyncadd.s32 $0xFFFFD800  }
0x5d: {  	[spmem:s2] =	stream.indirect.scatter.add.f32 [tilespmem:s17], [sflag:$0x1], $0x80, s3, s17, $0xb8;
	[tilespmem:$0x1C4D0] =	vst v63  }
0x5e: {  	_ =	swait.ge [sflag:s16], $0x2800  }
0x5f: {  	[sflag:s16] =	ssyncset.done $0x0  }
0x60: {  	[sflag:s16] =	ssyncadd.s32 $0xFFFFD800  }
0x61: {  	s21 =	simm.s32 @p0 $0x1;
	[bflag:$0x0] =	sbarrier.arrive $0xFFFF  }
0x62: {  	[hbm:s9], [sflag:s18] =	dma.local @p0 [spmem:s19], $0x3E80  }
0x63: {  	s20 =	sadd.s32 $0x1, s20;
	_ =	swait.ge @p0 [sflag:s21], $0x3E80  }
0x64: {  	s22 =	sshll.u32 @p1 s1, $0x6;
	p3 =	sne.s32 s20, s12;
	[sflag:s21] =	ssyncset.done @p0 $0x0  }
0x65: {  	[sflag:s21] =	ssyncadd.s32 @p0 $0xFFFFC180;
	s21 =	sor.u32 @p1 $0x1C01, s22;
	s22 =	sshrl.u32 @p1 s10, $0x3  }
0x66: {  	[hbm:s11], [sflag:s21] =	dma.local @p1 [spmem:s22], $0x3E80  }
.Ltmp3:
0x67: {  	_ = 	snop;
	(pc) =	sbr.rel @p3 .LBB2_1-.Ltmp3, $4  }
0x68: {  	s21 =	simm.s32 @p1 $0x1  }
0x69: {  	_ =	swait.ge @p1 [sflag:s21], $0x3E80  }
0x6a: {  	[sflag:s21] =	ssyncset.done @p1 $0x0  }
0x6b: {  	[sflag:s21] =	ssyncadd.s32 @p1 $0xFFFFC180  }
0x6c: {  	_ =	sfence.sel $0x180000  }
0x6d: {  	[bflag:$0x0] =	sbarrier.arrive $0xFFFF  }
0x6e: {  	p0 =	sne.s32 s1, $0x0;
	_ =	strace $0x9000005F  }
0x6f: {  	s0 =	sadd.s32 @!p0 $0x100000, s0;
	[bflag:$0x2] =	sbarrier.arrive $0xFFFF  }
0x70: {  	[sflag:s0] =	ssyncadd.tile.s32 @!p0 $0x1;
	_ =	shalt  }
.Lfunc_end2:
_tile_overlayer_lowered:
.L_overlay_start_2:
0x71: {  	(tag) =	ssettag $0x2  }
0x72: {  	s0 =	rddreg [dreg:$0x0];
	s2 =	stileid.u32  }
0x73: {  	s1 =	rddreg [dreg:$0x1];
	p0 =	sne.s32 s2, $0x0  }
0x74: {  	s3 =	rddreg [dreg:$0x2];
	[bflag:$0x3] =	sbarrier.arrive $0xFFFF;
	s2 =	simm.s32 @!p0 $0x1C01  }
0x75: {  	[timem:s3], [sflag:s2] =	dma.local @!p0 [hbm:s0], s1  }
0x76: {  	s0 =	simm.s32 @!p0 $0x1  }
0x77: {  	_ =	swait.ge @!p0 [sflag:s0], s1  }
0x78: {  	s1 =	ssub.s32 @!p0 $0x0, s1;
	[sflag:s0] =	ssyncset.done @!p0 $0x0  }
0x79: {  	[sflag:s0] =	ssyncadd.s32 @!p0 s1  }
0x7a: {  	[bflag:$0x3] =	sbarrier.arrive $0xFFFF  }
0x7b: {  	_ =	shalt  }

// kernel: kernel.37.cloned.1.call-start
scs
__scs_entry_jumppad:
0x0: {  	(pc) =	sbr.rel $0x88, $3  }
0x1: {  	(tag) =	ssettag $0x0;
	lr =	simm.s32 $0x1  }
0x2: {  	[smem:$0x3F93] =	sst lr;
	_ =	strace $0xD0000000  }
0x3: {  	_ = 	snop  }
0x4: {  	_ = 	snop  }
0x5: {  	_ = 	snop  }
0x6: {  	_ = 	snop  }
0x7: {  	_ = 	snop  }
__scs_overlays_trampoline_lowered:
0x8: {  	[smem:$0x3FA2] =	sst s0  }
0x9: {  	[smem:$0x3FA3] =	sst s1  }
0xa: {  	[smem:$0x3FA4] =	sst s2  }
0xb: {  	[smem:$0x3FA5] =	sst s3  }
0xc: {  	[smem:$0x3FA6] =	sst s4  }
0xd: {  	[smem:$0x3FA7] =	sst s5  }
0xe: {  	[smem:$0x3FA8] =	sst s6  }
0xf: {  	[smem:$0x3FA9] =	sst s7  }
0x10: {  	[smem:$0x3FAA] =	sst s8  }
0x11: {  	[smem:$0x3FAB] =	sst s9;
	s0 =	simm.s32 @!p0 $0x0  }
0x12: {  	s1 =	sld [smem:$0x3F91];
	s0 =	simm.s32 @p0 $0x1  }
0x13: {  	[smem:$0x3FAC] =	sst s0;
	s0 =	simm.s32 @!p1 $0x0  }
0x14: {  	s2 =	sld [smem:$0x3F90];
	s0 =	simm.s32 @p1 $0x1  }
0x15: {  	[smem:$0x3FAD] =	sst s0;
	s0 =	simm.s32 @!p2 $0x0  }
0x16: {  	s3 =	sld [smem:$0x3FDB];
	s0 =	simm.s32 @p2 $0x1  }
0x17: {  	s4 =	simm.s32 $0x1BF5;
	[smem:$0x3FAF] =	sst s0  }
0x18: {  	s0 =	sld [smem:$0x3F92];
	_ =	swait.ge [sflag:s4], $0x0  }
0x19: {  	s7 =	sld [smem:$0x3F93]  }
0x1a: {  	s8 =	sadd.s32 $0xFFFFE003, lr  }
0x1b: {  	s9 =	sadd.s32 $0xFFFFFEF7, lr;
	s5 =	simm.s32 $0xFFFFFFFF;
	p2 =	slt.u32 s8, $0xFFFFF086  }
0x1c: {  	p1 =	slt.u32 s9, $0xF7A;
	s5 =	simm.s32 @!p2 $0x0  }
0x1d: {  	s5 =	simm.s32 @p1 $0x1;
	p0 =	seq.s32 s7, s2  }
0x1e: {  	s7 =	smul.u32 @!p0 $0xF7A, s2;
	p2 =	seq.s32 @!p0 s5, $0x0  }
0x1f: {  	s9 =	smul.u32 $0xF7A, s1;
	s8 =	simm.s32 @!p0 $0x1BF5;
	p2 =	por !p2, p0  }
0x20: {  	[sflag:s8] =	ssyncset.s32 @!p0 $0xFFFFF086;
	s6 =	sadd.s32 @!p0 s3, s7;
	s7 =	simm.s32 @!p0 $0x108  }
0x21: {  	s3 =	sadd.s32 s3, s9;
	s6 =	sadd.s32 @!p0 $0x88, s6;
	s7 =	simm.s32 @p2 $0x1082  }
0x22: {  	[simem:s7], [sflag:s8] =	dma.local @!p0 [hbm:s6], $0xF7A  }
0x23: {  	s9 =	sor.u32 $0xD0000000, s2;
	s6 =	simm.s32 $0x108;
	_ =	swait.ge @!p0 [sflag:s8], $0x0  }
0x24: {  	s3 =	sadd.s32 $0x88, s3;
	s6 =	simm.s32 @!p1 $0x1082;
	[sflag:s4] =	ssyncset.s32 $0xFFFFF086  }
0x25: {  	[simem:s6], [sflag:s4] =	dma.local [hbm:s3], $0xF7A  }
0x26: {  	[smem:$0x3F93] =	sst s1;
	(tag) =	ssettag s2;
	_ =	strace s9  }
0x27: {  	s1 =	sld [smem:$0x3FA3]  }
0x28: {  	s2 =	sld [smem:$0x3FA4]  }
0x29: {  	s4 =	sld [smem:$0x3FA6]  }
0x2a: {  	p0 =	seq.s32 s5, $0x0;
	s5 =	sld [smem:$0x3FA7]  }
0x2b: {  	s6 =	sld [smem:$0x3FA8]  }
0x2c: {  	s7 =	sld [smem:$0x3FA9]  }
0x2d: {  	s3 =	simm.s32 $0x108;
	s8 =	sld [smem:$0x3FAA]  }
0x2e: {  	s3 =	simm.s32 @!p0 $0x1082;
	s9 =	sld [smem:$0x3FAB]  }
0x2f: {  	lr =	sadd.s32 s0, s3;
	s0 =	sld [smem:$0x3FA2]  }
0x30: {  	s3 =	sld [smem:$0x3FA5]  }
0x31: {  	[smem:$0x3FAE] =	sst s10  }
0x32: {  	s10 =	sld [smem:$0x3FAC];
	_ =	sdelay $0x3  }
0x33: {  	p0 =	seq.s32 s10, $0x1;
	s10 =	sld [smem:$0x3FAE];
	_ =	sdelay $0x3  }
0x34: {  	[smem:$0x3FAE] =	sst s10  }
0x35: {  	s10 =	sld [smem:$0x3FAD];
	_ =	sdelay $0x3  }
0x36: {  	p1 =	seq.s32 s10, $0x1;
	s10 =	sld [smem:$0x3FAE];
	_ =	sdelay $0x3  }
0x37: {  	[smem:$0x3FAE] =	sst s10  }
0x38: {  	s10 =	sld [smem:$0x3FAF]  }
0x39: {  	_ = 	snop;
	(pc) =	sbr.ind lr, $3  }
0x3a: {  	_ = 	snop  }
0x3b: {  	_ = 	snop  }
0x3c: {  	p2 =	seq.s32 s10, $0x1;
	s10 =	sld [smem:$0x3FAE]  }
0x3d: {  	_ =	shalt  }
0x3e: {  	_ =	shalt  }
0x3f: {  	_ =	shalt  }
0x40: {  	_ =	shalt  }
0x41: {  	_ =	shalt  }
0x42: {  	_ =	shalt  }
0x43: {  	_ =	shalt  }
0x44: {  	_ =	shalt  }
0x45: {  	_ =	shalt  }
0x46: {  	_ =	shalt  }
0x47: {  	_ =	shalt  }
0x48: {  	_ =	shalt  }
0x49: {  	_ =	shalt  }
0x4a: {  	_ =	shalt  }
0x4b: {  	_ =	shalt  }
0x4c: {  	_ =	shalt  }
0x4d: {  	_ =	shalt  }
0x4e: {  	_ =	shalt  }
0x4f: {  	_ =	shalt  }
0x50: {  	_ =	shalt  }
0x51: {  	_ =	shalt  }
0x52: {  	_ =	shalt  }
0x53: {  	_ =	shalt  }
0x54: {  	_ =	shalt  }
0x55: {  	_ =	shalt  }
0x56: {  	_ =	shalt  }
0x57: {  	_ =	shalt  }
0x58: {  	_ =	shalt  }
0x59: {  	_ =	shalt  }
0x5a: {  	_ =	shalt  }
0x5b: {  	_ =	shalt  }
0x5c: {  	_ =	shalt  }
0x5d: {  	_ =	shalt  }
0x5e: {  	_ =	shalt  }
0x5f: {  	_ =	shalt  }
0x60: {  	_ =	shalt  }
0x61: {  	_ =	shalt  }
0x62: {  	_ =	shalt  }
0x63: {  	_ =	shalt  }
0x64: {  	_ =	shalt  }
0x65: {  	_ =	shalt  }
0x66: {  	_ =	shalt  }
0x67: {  	_ =	shalt  }
0x68: {  	_ =	shalt  }
0x69: {  	_ =	shalt  }
0x6a: {  	_ =	shalt  }
0x6b: {  	_ =	shalt  }
0x6c: {  	_ =	shalt  }
0x6d: {  	_ =	shalt  }
0x6e: {  	_ =	shalt  }
0x6f: {  	_ =	shalt  }
0x70: {  	_ =	shalt  }
0x71: {  	_ =	shalt  }
0x72: {  	_ =	shalt  }
0x73: {  	_ =	shalt  }
0x74: {  	_ =	shalt  }
0x75: {  	_ =	shalt  }
0x76: {  	_ =	shalt  }
0x77: {  	_ =	shalt  }
0x78: {  	_ =	shalt  }
0x79: {  	_ =	shalt  }
0x7a: {  	_ =	shalt  }
0x7b: {  	_ =	shalt  }
0x7c: {  	_ =	shalt  }
0x7d: {  	_ =	shalt  }
0x7e: {  	_ =	shalt  }
0x7f: {  	_ =	shalt  }
0x80: {  	_ =	shalt  }
0x81: {  	_ =	shalt  }
0x82: {  	_ =	shalt  }
0x83: {  	_ =	shalt  }
0x84: {  	_ =	shalt  }
0x85: {  	_ =	shalt  }
0x86: {  	_ =	shalt  }
0x87: {  	_ =	shalt  }
.Lfunc_end0:
.L_simem_size_0:
called_computation.6_lowered:
.L_overlay_start_0:
0x88: {  	s2 =	sld [smem:$0x3FD9]  }
0x89: {  	s3 =	sld [smem:$0x3FFE];
	_ =	sdelay $0x1  }
0x8a: {  	s1 =	srdreg.scid  }
0x8b: {  	s0 =	sand.u32 $0x1, s1  }
0x8c: {  	s14 =	sshll.u32 s0, $0xA;
	s2 =	sadd.s32 s3, s2  }
0x8d: {  	s2 =	sadd.s32 s2, s14  }
0x8e: {  	[smem:$0x3FBA] =	sst s2  }
0x8f: {  	_ = 	snop  }
0x90: {  	s2 =	sld [smem:$0x3FD0];
	_ =	sdelay $0x2  }
0x91: {  	s15 =	simm.s32 $0xF;
	s4 =	simm.s32 $0x10  }
0x92: {  	[smem:s4], [sflag:s15] =	dma.local [hbm:s2], $0x1  }
0x93: {  	_ =	swait.eq [sflag:s15], $0x1  }
0x94: {  	[sflag:s15] =	ssyncset.done $0x0  }
0x95: {  	[sflag:s15] =	ssyncadd.s32 $0xFFFFFFFF  }
0x96: {  	s16 =	sld [smem:$0x12];
	(tm) =	ssettm $0x1  }
0x97: {  	s17 =	sld [smem:$0x3FFB];
	_ =	sdelay $0x3  }
0x98: {  	_ =	strace s17  }
0x99: {  	s3 =	sld [smem:$0x3FFC];
	_ =	sdelay $0x3  }
0x9a: {  	_ =	strace s3  }
0x9b: {  	s3 =	sld [smem:$0x3FFD];
	_ =	sdelay $0x3  }
0x9c: {  	_ =	strace s3  }
0x9d: {  	_ =	strace $0x8FFFFFFF  }
0x9e: {  	s18 =	sld [smem:$0x3FDB];
	_ =	sdelay $0x1  }
0x9f: {  	s19 =	simm.s32 $_scs_section_size  }
0xa0: {  	s5 =	simm.s32 $_size__tile_overlayer_lowered;
	s6 =	simm.s32 $_tile_overlayer_lowered  }
0xa1: {  	s22 =	simm.s32 $0x1BFF;
	s21 =	sshll.u32 s6, $0x1;
	s3 =	sadd.s32 s19, s18  }
0xa2: {  	s7 =	simm.s32 $0x0;
	s20 =	sshll.u32 s5, $0x1;
	s5 =	sadd.s32 s21, s3  }
0xa3: {  	[timem:s7], [sflag:s22] =	dma.local [hbm:s5], s20  }
0xa4: {  	_ =	swait.ge [sflag:s22], s20  }
0xa5: {  	s4 =	ssub.s32 $0x0, s20;
	[sflag:s22] =	ssyncset.done $0x0  }
0xa6: {  	[sflag:s22] =	ssyncadd.s32 s4;
	_ =	sdelay $0x1  }
0xa7: {  	s23 =	simm.s32 $0x1B8B  }
0xa8: {  	_ =	swait.ge [sflag:s23], $0x1  }
0xa9: {  	[sflag:s23] =	ssyncset.done $0x0  }
0xaa: {  	s25 =	simm.s32 $0x1B8E;
	s24 =	sld [smem:$0x3FFE];
	[sflag:s23] =	ssyncadd.s32 $0xFFFFFFFF  }
0xab: {  	s26 =	simm.s32 $execute0_lowered;
	[smem:$0x3FD2] =	sst s25  }
0xac: {  	s5 =	sshll.u32 s26, $0x1;
	_ =	strace $0x80000055;
	[dreg:$0x1] =	wrdreg $0xFFFFFFFF  }
0xad: {  	s28 =	simm.s32 $_size_execute0_lowered;
	s3 =	sadd.s32 s3, s5;
	[dreg:$0x0] =	wrdreg $0x0  }
0xae: {  	s5 =	sshll.u32 s28, $0x1;
	[dreg:$0x2] =	wrdreg s3  }
0xaf: {  	[dreg:$0x3] =	wrdreg s5  }
0xb0: {  	[dreg:$0x4] =	wrdreg $0xC0  }
0xb1: {  	_ =	task [dreg:s7], $0x5FFFF  }
0xb2: {  	[dreg:$0x1] =	wrdreg $0xFFFFFFFF  }
0xb3: {  	[dreg:$0x0] =	wrdreg $0x60  }
0xb4: {  	[dreg:$0x2] =	wrdreg s24  }
0xb5: {  	[dreg:$0x3] =	wrdreg s16  }
0xb6: {  	[dreg:$0x4] =	wrdreg $0x11D00  }
0xb7: {  	[dreg:$0x5] =	wrdreg $0xA  }
0xb8: {  	_ =	task.clear_ibuf [dreg:s7], $0x6FFFF;
	_ =	strace $0x90000055  }
0xb9: {  	s29 =	simm.s32 $0xA;
	_ =	strace $0x80000057  }
0xba: {  	_ =	swait.ge [sflag:s29], $0x1  }
0xbb: {  	[sflag:s29] =	ssyncadd.s32 $0xFFFFFFFF  }
0xbc: {  	_ =	strace $0x90000057  }
0xbd: {  	_ =	sfence  }
0xbe: {  	s30 =	sld [smem:$0x0];
	_ =	sdelay $0x2  }
0xbf: {  	s31 =	sshll.u32 s1, $0xD;
	s1 =	sshrl.u32 s1, $0x2  }
0xc0: {  	s3 =	sand.u32 $0x4000, s31;
	s1 =	sadd.s32 s1, s30  }
0xc1: {  	s0 =	sor.u32 s3, s0;
	s1 =	sshll.u32 s1, $0x11  }
0xc2: {  	s0 =	sor.u32 s1, s0  }
0xc3: {  	s0 =	sadd.s32 $0x8F2B, s0  }
0xc4: {  	[sflag:s0] =	ssyncadd.remote.s32 $0x1  }
0xc5: {  	_ =	sfence.sel $0xFFFF  }
0xc6: {  	[dreg:$0x0] =	wrdreg $0xFFFFFFFF;
	(pc) =	sbr.abs _section_cstart, $3  }
0xc7: {  	[dreg:$0x1] =	wrdreg $0xFFFFFFFF  }
0xc8: {  	_ =	task.clear_ibuf [dreg:s7], $0x2FFFF;
	_ =	strace $0x9FFFFFFF  }
0xc9: {  	(tm) =	ssettm $0x7FFFFFFF  }
tec
execute0_lowered:
.L_overlay_start_1:
0x0: {  	(tag) =	ssettag $0x1  }
0x1: {  	s5 =	rddreg [dreg:$0x0]  }
0x2: {  	s0 =	stileid.u32;
	s13 =	rddreg [dreg:$0x1]  }
0x3: {  	s1 =	srdreg.scid;
	s2 =	rddreg [dreg:$0x2];
	s3 =	simm.s32 $0x0  }
0x4: {  	s15 =	simm.s32 $0x1;
	s16 =	simm.s32 $0x50;
	s4 =	smul.u32 $0x9C40, s0  }
0x5: {  	s6 =	sand.u32 $0x1, s1;
	s1 =	rddreg [dreg:$0x3];
	s7 =	smul.u32 $0x3E8, s0  }
0x6: {  	s19 =	simm.s32 $0x0;
	[smem:$0x7FF] =	sst s3;
	s8 =	smul.u32 $0xFA00, s0  }
0x7: {  	s14 =	smul.u32 $0x9C4, s0;
	p0 =	sgt.u32 s0, $0x4;
	p1 =	sne.s32 s0, $0x5  }
0x8: {  	s18 =	smul.u32 $0x1388, s6;
	_ =	strace $0x80000056;
	s6 =	ssub.s32 $0x2, s6  }
0x9: {  	s17 =	sshll.u32 @!p0 s0, $0x6;
	s12 =	sadd.s32 s4, s5;
	s30 =	sshrl.u32 s8, $0x2  }
0xa: {  	s9 =	sshrl.u32 s6, $0x1;
	s13 =	sadd.s32 s14, s13;
	s14 =	simm.s32 $0x550  }
0xb: {  	s17 =	sor.u32 @!p0 $0x1C01, s17;
	s29 =	sadd.s32 s7, s18;
	s4 =	sadd.s32 s30, s2  }
0xc: {  	s11 =	ssub.s32 s6, s9;
	s9 =	sadd.s32 $0x13880, s2;
	s12 =	sadd.s32 $0x25A00, s12  }
0xd: {  	s31 =	sshll.u32 s29, $0x1;
	s6 =	sadd.s32 $0x1900, s4;
	s7 =	sadd.s32 $0x2580, s4  }
0xe: {  	s8 =	sadd.s32 $0x3200, s4;
	s11 =	smax.u32 s11, $0x1;
	s10 =	sadd.s32 s31, s5  }
0xf: {  	v1 =	vimm.f32 $0.0e+00;
	v0 =	vmov s18;
	s18 =	sshrl.u32 @!p0 s4, $0x3;
	s5 =	sadd.s32 $0xC80, s4;
	s10 =	sadd.s32 $0x8200, s10  }
.LBB2_1:
.Ltmp0:
0x10: {  	(pc) =	sbr.rel @p0 .LBB2_5-.Ltmp0, $1  }
0x11: {  	_ =	sdelay $0x3  }
0x12: {  	s20 =	simm.s32 $0x40;
	s21 =	simm.s32 $0x0  }
.LBB2_3:
0x13: {  	p2 =	sne.s32 s20, $0x31C0;
	[tilespmem:s21+$0x550] =	vst v1;
	s21 =	smov.u32 s20;
	s20 =	sadd.s32 $0x40, s20  }
.Ltmp1:
0x14: {  	(pc) =	sbr.rel @p2 .LBB2_3-.Ltmp1, $2  }
0x15: {  	_ =	sdelay $0x2  }
0x16: {  	s21 =	sshra.s32 s21, $0x2  }
0x17: {  	[tilespmem:s21+$0x550] =	vst v1  }
0x18: {  	[spmem:s4] =	stream.linear.scatter [tilespmem:s14], [sflag:$0x1], $0xC80, $0x38;
	[tilespmem:$0x2560] =	vst v63  }
0x19: {  	_ =	swait.ge [sflag:s15], $0xC80  }
0x1a: {  	[sflag:s15] =	ssyncset.done $0x0  }
0x1b: {  	[sflag:s15] =	ssyncadd.s32 $0xFFFFF380  }
0x1c: {  	[spmem:s5] =	stream.linear.scatter [tilespmem:s14], [sflag:$0x1], $0xC80, $0x38;
	[tilespmem:$0x2560] =	vst v63  }
0x1d: {  	_ =	swait.ge [sflag:s15], $0xC80  }
0x1e: {  	[sflag:s15] =	ssyncset.done $0x0  }
0x1f: {  	[sflag:s15] =	ssyncadd.s32 $0xFFFFF380  }
0x20: {  	[spmem:s6] =	stream.linear.scatter [tilespmem:s14], [sflag:$0x1], $0xC80, $0x38;
	[tilespmem:$0x2560] =	vst v63  }
0x21: {  	_ =	swait.ge [sflag:s15], $0xC80  }
0x22: {  	[sflag:s15] =	ssyncset.done $0x0  }
0x23: {  	[sflag:s15] =	ssyncadd.s32 $0xFFFFF380  }
0x24: {  	[spmem:s7] =	stream.linear.scatter [tilespmem:s14], [sflag:$0x1], $0xC80, $0x38;
	[tilespmem:$0x2560] =	vst v63  }
0x25: {  	_ =	swait.ge [sflag:s15], $0xC80  }
0x26: {  	[sflag:s15] =	ssyncset.done $0x0  }
.Ltmp2:
0x27: {  	[sflag:s15] =	ssyncadd.s32 $0xFFFFF380;
	(pc) =	sbr.rel .LBB2_6-.Ltmp2, $4  }
0x28: {  	[spmem:s8] =	stream.linear.scatter [tilespmem:s14], [sflag:$0x1], $0xC80, $0x38;
	[tilespmem:$0x2560] =	vst v63  }
0x29: {  	_ =	swait.ge [sflag:s15], $0xC80  }
0x2a: {  	[sflag:s15] =	ssyncset.done $0x0  }
0x2b: {  	[sflag:s15] =	ssyncadd.s32 $0xFFFFF380  }
.LBB2_5:
0x2c: {  	v2 =	vimm.f32 @!p1 $0.0e+00  }
0x2d: {  	[tilespmem:$0x550] =	vst @!p1 v2  }
0x2e: {  	[tilespmem:$0x560] =	vst @!p1 v2  }
0x2f: {  	[tilespmem:$0x570] =	vst @!p1 v2  }
0x30: {  	[tilespmem:$0x580] =	vst @!p1 v2  }
0x31: {  	[tilespmem:$0x590] =	vst @!p1 v2  }
0x32: {  	[tilespmem:$0x5A0] =	vst @!p1 v2  }
0x33: {  	[tilespmem:$0x5B0] =	vst @!p1 v2  }
0x34: {  	s20 =	simm.s32 @!p1 $0x550;
	[tilespmem:$0x5C0] =	vst @!p1 v2  }
0x35: {  	[spmem:s9] =	stream.linear.scatter @!p1 [tilespmem:s20], [sflag:$0x1], $0x80, $0x38;
	[tilespmem:$0x2560] =	vst v63  }
0x36: {  	s20 =	simm.s32 @!p1 $0x1  }
0x37: {  	_ =	swait.ge @!p1 [sflag:s20], $0x80  }
0x38: {  	[sflag:s20] =	ssyncset.done @!p1 $0x0  }
0x39: {  	[sflag:s20] =	ssyncadd.s32 @!p1 $0xFFFFFF80  }
.LBB2_6:
0x3a: {  	[bflag:$0x0] =	sbarrier.arrive $0xFFFF;
	s20 =	sadd.s32 $0x0, s13  }
0x3b: {  	[tilespmem:s3], [sflag:$0x1] =	stream.linear.gather [hbm4b:s20+s3], $0x50, $0x38;
	[tilespmem:$0x2560] =	vst v63  }
0x3c: {  	_ =	swait.ge [sflag:s15], $0x50  }
0x3d: {  	[sflag:s15] =	ssyncset.done $0x0  }
0x3e: {  	[sflag:s15] =	ssyncadd.s32 $0xFFFFFFB0  }
0x3f: {  	[tilespmem:s16], [sflag:$0x1] =	stream.linear.gather [hbm4b:s12+s3], $0x500, $0x38;
	[tilespmem:$0x2560] =	vst v63  }
0x40: {  	_ =	swait.ge [sflag:s15], $0x500  }
0x41: {  	[sflag:s15] =	ssyncset.done $0x0  }
0x42: {  	[sflag:s15] =	ssyncadd.s32 $0xFFFFFB00  }
0x43: {  	v2 =	vld [tilespmem:$0x40]  }
0x44: {  	v3 =	vld [tilespmem:$0x30]  }
0x45: {  	v4 =	vld [tilespmem:$0x20]  }
0x46: {  	v5 =	vld [tilespmem:$0x10]  }
0x47: {  	v6 =	vld [tilespmem:$0x0]  }
0x48: {  	v2 =	vsub.s32 v2, v0  }
0x49: {  	v3 =	vsub.s32 v3, v0;
	v2 =	vmin.u32 v2, $0x1388  }
0x4a: {  	v4 =	vsub.s32 v4, v0;
	v3 =	vmin.u32 v3, $0x1388;
	[tilespmem:$0x40] =	vst v2  }
0x4b: {  	v4 =	vmin.u32 v4, $0x1388;
	v2 =	vsub.s32 v5, v0;
	[tilespmem:$0x30] =	vst v3  }
0x4c: {  	v3 =	vsub.s32 v6, v0;
	[tilespmem:$0x20] =	vst v4;
	v5 =	vmin.u32 v2, $0x1388  }
0x4d: {  	s21 =	smov.u32 s12;
	s20 =	simm.s32 $0xA;
	v2 =	vmin.u32 v3, $0x1388;
	[tilespmem:$0x10] =	vst v5  }
.LBB2_7:
0x4e: {  	p2 =	sne.s32 s20, $0x9BA  }
0x4f: {  	[tilespmem:$0x0] =	vst v2;
	s21 =	sadd.s32 $0xA0, s21;
	s22 =	smov.u32 s20;
	s20 =	sadd.s32 $0xA, s20  }
0x50: {  	[spmem:s2] =	stream.indirect.scatter.add.f32 [tilespmem:s16], [sflag:$0x1], $0x10, s3, s16, $0xb8;
	[tilespmem:$0x2560] =	vst v63  }
0x51: {  	_ =	swait.ge [sflag:s15], $0x500  }
0x52: {  	[sflag:s15] =	ssyncset.done $0x0  }
0x53: {  	s22 =	sadd.s32 s22, s13;
	[sflag:s15] =	ssyncadd.s32 $0xFFFFFB00  }
0x54: {  	[tilespmem:s3], [sflag:$0x1] =	stream.linear.gather [hbm4b:s22+s3], $0x50, $0x38;
	[tilespmem:$0x2560] =	vst v63  }
0x55: {  	_ =	swait.ge [sflag:s15], $0x50  }
0x56: {  	[sflag:s15] =	ssyncset.done $0x0  }
0x57: {  	[sflag:s15] =	ssyncadd.s32 $0xFFFFFFB0  }
0x58: {  	[tilespmem:s16], [sflag:$0x1] =	stream.linear.gather [hbm4b:s21+s3], $0x500, $0x38;
	[tilespmem:$0x2560] =	vst v63  }
0x59: {  	_ =	swait.ge [sflag:s15], $0x500  }
0x5a: {  	[sflag:s15] =	ssyncset.done $0x0  }
0x5b: {  	[sflag:s15] =	ssyncadd.s32 $0xFFFFFB00  }
0x5c: {  	v2 =	vld [tilespmem:$0x40]  }
0x5d: {  	v3 =	vld [tilespmem:$0x30]  }
0x5e: {  	v4 =	vld [tilespmem:$0x20]  }
0x5f: {  	v5 =	vld [tilespmem:$0x10]  }
0x60: {  	v6 =	vld [tilespmem:$0x0]  }
0x61: {  	v2 =	vsub.s32 v2, v0  }
.Ltmp3:
0x62: {  	v3 =	vsub.s32 v3, v0;
	v2 =	vmin.u32 v2, $0x1388;
	(pc) =	sbr.rel @p2 .LBB2_7-.Ltmp3, $4  }
0x63: {  	v4 =	vsub.s32 v4, v0;
	v3 =	vmin.u32 v3, $0x1388;
	[tilespmem:$0x40] =	vst v2  }
0x64: {  	v2 =	vsub.s32 v5, v0;
	v4 =	vmin.u32 v4, $0x1388;
	[tilespmem:$0x30] =	vst v3  }
0x65: {  	v3 =	vsub.s32 v6, v0;
	v5 =	vmin.u32 v2, $0x1388;
	[tilespmem:$0x20] =	vst v4  }
0x66: {  	v2 =	vmin.u32 v3, $0x1388;
	[tilespmem:$0x10] =	vst v5  }
0x67: {  	[tilespmem:$0x0] =	vst v2  }
0x68: {  	[spmem:s2] =	stream.indirect.scatter.add.f32 [tilespmem:s16], [sflag:$0x1], $0x10, s3, s16, $0xb8;
	[tilespmem:$0x2560] =	vst v63  }
0x69: {  	_ =	swait.ge [sflag:s15], $0x500  }
0x6a: {  	s19 =	sadd.s32 $0x1, s19;
	[sflag:s15] =	ssyncset.done $0x0  }
0x6b: {  	p2 =	sne.s32 s19, s11;
	[sflag:s15] =	ssyncadd.s32 $0xFFFFFB00  }
.Ltmp4:
0x6c: {  	s20 =	simm.s32 @!p0 $0x1;
	[bflag:$0x0] =	sbarrier.arrive $0xFFFF;
	(pc) =	sbr.rel @p2 .LBB2_1-.Ltmp4, $4  }
0x6d: {  	[hbm:s10], [sflag:s17] =	dma.local @!p0 [spmem:s18], $0x7D0  }
0x6e: {  	_ =	swait.ge @!p0 [sflag:s20], $0x7D0  }
0x6f: {  	[sflag:s20] =	ssyncset.done @!p0 $0x0  }
0x70: {  	[sflag:s20] =	ssyncadd.s32 @!p0 $0xFFFFF830  }
0x71: {  	_ =	sfence.sel $0x180000  }
0x72: {  	[bflag:$0x0] =	sbarrier.arrive $0xFFFF  }
0x73: {  	p0 =	sne.s32 s0, $0x0;
	_ =	strace $0x90000056  }
0x74: {  	s0 =	sadd.s32 @!p0 $0x100000, s1;
	[bflag:$0x2] =	sbarrier.arrive $0xFFFF  }
0x75: {  	[sflag:s0] =	ssyncadd.tile.s32 @!p0 $0x1;
	_ =	shalt  }
.Lfunc_end2:
_tile_overlayer_lowered:
.L_overlay_start_2:
0x76: {  	(tag) =	ssettag $0x2  }
0x77: {  	s0 =	rddreg [dreg:$0x0];
	s2 =	stileid.u32  }
0x78: {  	s1 =	rddreg [dreg:$0x1];
	p0 =	sne.s32 s2, $0x0  }
0x79: {  	s3 =	rddreg [dreg:$0x2];
	[bflag:$0x3] =	sbarrier.arrive $0xFFFF;
	s2 =	simm.s32 @!p0 $0x1C01  }
0x7a: {  	[timem:s3], [sflag:s2] =	dma.local @!p0 [hbm:s0], s1  }
0x7b: {  	s0 =	simm.s32 @!p0 $0x1  }
0x7c: {  	_ =	swait.ge @!p0 [sflag:s0], s1  }
0x7d: {  	s1 =	ssub.s32 @!p0 $0x0, s1;
	[sflag:s0] =	ssyncset.done @!p0 $0x0  }
0x7e: {  	[sflag:s0] =	ssyncadd.s32 @!p0 s1  }
0x7f: {  	[bflag:$0x3] =	sbarrier.arrive $0xFFFF  }
0x80: {  	_ =	shalt  }

// kernel: kernel.40.cloned.1.call-start
scs
__scs_entry_jumppad:
0x0: {  	(pc) =	sbr.rel $0x88, $3  }
0x1: {  	(tag) =	ssettag $0x0;
	lr =	simm.s32 $0x1  }
0x2: {  	[smem:$0x3F93] =	sst lr;
	_ =	strace $0xD0000000  }
0x3: {  	_ = 	snop  }
0x4: {  	_ = 	snop  }
0x5: {  	_ = 	snop  }
0x6: {  	_ = 	snop  }
0x7: {  	_ = 	snop  }
__scs_overlays_trampoline_lowered:
0x8: {  	[smem:$0x3FA2] =	sst s0  }
0x9: {  	[smem:$0x3FA3] =	sst s1  }
0xa: {  	[smem:$0x3FA4] =	sst s2  }
0xb: {  	[smem:$0x3FA5] =	sst s3  }
0xc: {  	[smem:$0x3FA6] =	sst s4  }
0xd: {  	[smem:$0x3FA7] =	sst s5  }
0xe: {  	[smem:$0x3FA8] =	sst s6  }
0xf: {  	[smem:$0x3FA9] =	sst s7  }
0x10: {  	[smem:$0x3FAA] =	sst s8  }
0x11: {  	[smem:$0x3FAB] =	sst s9;
	s0 =	simm.s32 @!p0 $0x0  }
0x12: {  	s1 =	sld [smem:$0x3F91];
	s0 =	simm.s32 @p0 $0x1  }
0x13: {  	[smem:$0x3FAC] =	sst s0;
	s0 =	simm.s32 @!p1 $0x0  }
0x14: {  	s2 =	sld [smem:$0x3F90];
	s0 =	simm.s32 @p1 $0x1  }
0x15: {  	[smem:$0x3FAD] =	sst s0;
	s0 =	simm.s32 @!p2 $0x0  }
0x16: {  	s3 =	sld [smem:$0x3FDB];
	s0 =	simm.s32 @p2 $0x1  }
0x17: {  	s4 =	simm.s32 $0x1BF5;
	[smem:$0x3FAF] =	sst s0  }
0x18: {  	s0 =	sld [smem:$0x3F92];
	_ =	swait.ge [sflag:s4], $0x0  }
0x19: {  	s7 =	sld [smem:$0x3F93]  }
0x1a: {  	s8 =	sadd.s32 $0xFFFFE003, lr  }
0x1b: {  	s9 =	sadd.s32 $0xFFFFFEF7, lr;
	s5 =	simm.s32 $0xFFFFFFFF;
	p2 =	slt.u32 s8, $0xFFFFF086  }
0x1c: {  	p1 =	slt.u32 s9, $0xF7A;
	s5 =	simm.s32 @!p2 $0x0  }
0x1d: {  	s5 =	simm.s32 @p1 $0x1;
	p0 =	seq.s32 s7, s2  }
0x1e: {  	s7 =	smul.u32 @!p0 $0xF7A, s2;
	p2 =	seq.s32 @!p0 s5, $0x0  }
0x1f: {  	s9 =	smul.u32 $0xF7A, s1;
	s8 =	simm.s32 @!p0 $0x1BF5;
	p2 =	por !p2, p0  }
0x20: {  	[sflag:s8] =	ssyncset.s32 @!p0 $0xFFFFF086;
	s6 =	sadd.s32 @!p0 s3, s7;
	s7 =	simm.s32 @!p0 $0x108  }
0x21: {  	s3 =	sadd.s32 s3, s9;
	s6 =	sadd.s32 @!p0 $0x88, s6;
	s7 =	simm.s32 @p2 $0x1082  }
0x22: {  	[simem:s7], [sflag:s8] =	dma.local @!p0 [hbm:s6], $0xF7A  }
0x23: {  	s9 =	sor.u32 $0xD0000000, s2;
	s6 =	simm.s32 $0x108;
	_ =	swait.ge @!p0 [sflag:s8], $0x0  }
0x24: {  	s3 =	sadd.s32 $0x88, s3;
	s6 =	simm.s32 @!p1 $0x1082;
	[sflag:s4] =	ssyncset.s32 $0xFFFFF086  }
0x25: {  	[simem:s6], [sflag:s4] =	dma.local [hbm:s3], $0xF7A  }
0x26: {  	[smem:$0x3F93] =	sst s1;
	(tag) =	ssettag s2;
	_ =	strace s9  }
0x27: {  	s1 =	sld [smem:$0x3FA3]  }
0x28: {  	s2 =	sld [smem:$0x3FA4]  }
0x29: {  	s4 =	sld [smem:$0x3FA6]  }
0x2a: {  	p0 =	seq.s32 s5, $0x0;
	s5 =	sld [smem:$0x3FA7]  }
0x2b: {  	s6 =	sld [smem:$0x3FA8]  }
0x2c: {  	s7 =	sld [smem:$0x3FA9]  }
0x2d: {  	s3 =	simm.s32 $0x108;
	s8 =	sld [smem:$0x3FAA]  }
0x2e: {  	s3 =	simm.s32 @!p0 $0x1082;
	s9 =	sld [smem:$0x3FAB]  }
0x2f: {  	lr =	sadd.s32 s0, s3;
	s0 =	sld [smem:$0x3FA2]  }
0x30: {  	s3 =	sld [smem:$0x3FA5]  }
0x31: {  	[smem:$0x3FAE] =	sst s10  }
0x32: {  	s10 =	sld [smem:$0x3FAC];
	_ =	sdelay $0x3  }
0x33: {  	p0 =	seq.s32 s10, $0x1;
	s10 =	sld [smem:$0x3FAE];
	_ =	sdelay $0x3  }
0x34: {  	[smem:$0x3FAE] =	sst s10  }
0x35: {  	s10 =	sld [smem:$0x3FAD];
	_ =	sdelay $0x3  }
0x36: {  	p1 =	seq.s32 s10, $0x1;
	s10 =	sld [smem:$0x3FAE];
	_ =	sdelay $0x3  }
0x37: {  	[smem:$0x3FAE] =	sst s10  }
0x38: {  	s10 =	sld [smem:$0x3FAF]  }
0x39: {  	_ = 	snop;
	(pc) =	sbr.ind lr, $3  }
0x3a: {  	_ = 	snop  }
0x3b: {  	_ = 	snop  }
0x3c: {  	p2 =	seq.s32 s10, $0x1;
	s10 =	sld [smem:$0x3FAE]  }
0x3d: {  	_ =	shalt  }
0x3e: {  	_ =	shalt  }
0x3f: {  	_ =	shalt  }
0x40: {  	_ =	shalt  }
0x41: {  	_ =	shalt  }
0x42: {  	_ =	shalt  }
0x43: {  	_ =	shalt  }
0x44: {  	_ =	shalt  }
0x45: {  	_ =	shalt  }
0x46: {  	_ =	shalt  }
0x47: {  	_ =	shalt  }
0x48: {  	_ =	shalt  }
0x49: {  	_ =	shalt  }
0x4a: {  	_ =	shalt  }
0x4b: {  	_ =	shalt  }
0x4c: {  	_ =	shalt  }
0x4d: {  	_ =	shalt  }
0x4e: {  	_ =	shalt  }
0x4f: {  	_ =	shalt  }
0x50: {  	_ =	shalt  }
0x51: {  	_ =	shalt  }
0x52: {  	_ =	shalt  }
0x53: {  	_ =	shalt  }
0x54: {  	_ =	shalt  }
0x55: {  	_ =	shalt  }
0x56: {  	_ =	shalt  }
0x57: {  	_ =	shalt  }
0x58: {  	_ =	shalt  }
0x59: {  	_ =	shalt  }
0x5a: {  	_ =	shalt  }
0x5b: {  	_ =	shalt  }
0x5c: {  	_ =	shalt  }
0x5d: {  	_ =	shalt  }
0x5e: {  	_ =	shalt  }
0x5f: {  	_ =	shalt  }
0x60: {  	_ =	shalt  }
0x61: {  	_ =	shalt  }
0x62: {  	_ =	shalt  }
0x63: {  	_ =	shalt  }
0x64: {  	_ =	shalt  }
0x65: {  	_ =	shalt  }
0x66: {  	_ =	shalt  }
0x67: {  	_ =	shalt  }
0x68: {  	_ =	shalt  }
0x69: {  	_ =	shalt  }
0x6a: {  	_ =	shalt  }
0x6b: {  	_ =	shalt  }
0x6c: {  	_ =	shalt  }
0x6d: {  	_ =	shalt  }
0x6e: {  	_ =	shalt  }
0x6f: {  	_ =	shalt  }
0x70: {  	_ =	shalt  }
0x71: {  	_ =	shalt  }
0x72: {  	_ =	shalt  }
0x73: {  	_ =	shalt  }
0x74: {  	_ =	shalt  }
0x75: {  	_ =	shalt  }
0x76: {  	_ =	shalt  }
0x77: {  	_ =	shalt  }
0x78: {  	_ =	shalt  }
0x79: {  	_ =	shalt  }
0x7a: {  	_ =	shalt  }
0x7b: {  	_ =	shalt  }
0x7c: {  	_ =	shalt  }
0x7d: {  	_ =	shalt  }
0x7e: {  	_ =	shalt  }
0x7f: {  	_ =	shalt  }
0x80: {  	_ =	shalt  }
0x81: {  	_ =	shalt  }
0x82: {  	_ =	shalt  }
0x83: {  	_ =	shalt  }
0x84: {  	_ =	shalt  }
0x85: {  	_ =	shalt  }
0x86: {  	_ =	shalt  }
0x87: {  	_ =	shalt  }
.Lfunc_end0:
.L_simem_size_0:
called_computation.7_lowered:
.L_overlay_start_0:
0x88: {  	s2 =	sld [smem:$0x3FD9]  }
0x89: {  	s3 =	sld [smem:$0x3FFE];
	_ =	sdelay $0x1  }
0x8a: {  	s1 =	srdreg.scid  }
0x8b: {  	s0 =	sand.u32 $0x1, s1  }
0x8c: {  	s15 =	sshll.u32 s0, $0xA;
	s2 =	sadd.s32 s3, s2  }
0x8d: {  	s2 =	sadd.s32 s2, s15  }
0x8e: {  	[smem:$0x3FBA] =	sst s2  }
0x8f: {  	_ = 	snop  }
0x90: {  	s2 =	sld [smem:$0x3FD0];
	_ =	sdelay $0x2  }
0x91: {  	s16 =	simm.s32 $0xF;
	s4 =	simm.s32 $0x10  }
0x92: {  	[smem:s4], [sflag:s16] =	dma.local [hbm:s2], $0x1  }
0x93: {  	_ =	swait.eq [sflag:s16], $0x1  }
0x94: {  	[sflag:s16] =	ssyncset.done $0x0  }
0x95: {  	[sflag:s16] =	ssyncadd.s32 $0xFFFFFFFF  }
0x96: {  	s17 =	sld [smem:$0x12];
	(tm) =	ssettm $0x1  }
0x97: {  	s18 =	sld [smem:$0x3FFB];
	_ =	sdelay $0x3  }
0x98: {  	_ =	strace s18  }
0x99: {  	s2 =	sld [smem:$0x3FFC];
	_ =	sdelay $0x3  }
0x9a: {  	_ =	strace s2  }
0x9b: {  	s2 =	sld [smem:$0x3FFD];
	_ =	sdelay $0x3  }
0x9c: {  	_ =	strace s2  }
0x9d: {  	_ =	strace $0x8FFFFFFF  }
0x9e: {  	s19 =	sld [smem:$0x3FDB];
	_ =	sdelay $0x1  }
0x9f: {  	s20 =	simm.s32 $_scs_section_size  }
0xa0: {  	s5 =	simm.s32 $_size__tile_overlayer_lowered;
	s6 =	simm.s32 $_tile_overlayer_lowered  }
0xa1: {  	s7 =	simm.s32 $0x1BFF;
	s21 =	sshll.u32 s6, $0x1;
	s4 =	sadd.s32 s20, s19  }
0xa2: {  	s22 =	simm.s32 $0x0;
	s5 =	sshll.u32 s5, $0x1;
	s6 =	sadd.s32 s21, s4  }
0xa3: {  	[timem:s22], [sflag:s7] =	dma.local [hbm:s6], s5  }
0xa4: {  	_ =	swait.ge [sflag:s7], s5  }
0xa5: {  	s5 =	ssub.s32 $0x0, s5;
	[sflag:s7] =	ssyncset.done $0x0  }
0xa6: {  	[sflag:s7] =	ssyncadd.s32 s5;
	_ =	sdelay $0x1  }
0xa7: {  	s23 =	simm.s32 $0x1B8B  }
0xa8: {  	_ =	swait.ge [sflag:s23], $0x1  }
0xa9: {  	[sflag:s23] =	ssyncset.done $0x0  }
0xaa: {  	[sflag:s23] =	ssyncadd.s32 $0xFFFFFFFF  }
0xab: {  	s5 =	sld [smem:$0x0]  }
0xac: {  	s6 =	sand.u32 $0xFFFFFFFE, s1  }
0xad: {  	p0 =	sne.s32 s1, s6  }
0xae: {  	s6 =	sshll.u32 @p0 s6, $0xE  }
0xaf: {  	s6 =	sadd.s32 @p0 $0x11B8D, s6;
	s7 =	sshll.u32 @p0 s5, $0x11  }
0xb0: {  	s6 =	sor.u32 @p0 s7, s6  }
0xb1: {  	[sflag:s6] =	ssyncadd.remote.s32 @p0 $0x1;
	_ =	sdelay $0x1  }
0xb2: {  	s6 =	simm.s32 @p0 $0x1B8D  }
0xb3: {  	_ =	swait.eq @p0 [sflag:s6], $0x1  }
0xb4: {  	[sflag:s6] =	ssyncadd.s32 @p0 $0xFFFFFFFF  }
0xb5: {  	s7 =	sshll.u32 @!p0 s1, $0xE  }
0xb6: {  	s7 =	sor.u32 @!p0 $0x4000, s7;
	s6 =	simm.s32 @!p0 $0x1B8D  }
0xb7: {  	s5 =	sshll.u32 @!p0 s5, $0x11;
	s7 =	sadd.s32 @!p0 $0x11B8D, s7;
	_ =	swait.eq @!p0 [sflag:s6], $0x1  }
0xb8: {  	s5 =	sor.u32 @!p0 s5, s7;
	[sflag:s6] =	ssyncadd.s32 @!p0 $0xFFFFFFFF  }
0xb9: {  	s25 =	simm.s32 $0x1B8E;
	s24 =	sld [smem:$0x3FFE];
	[sflag:s5] =	ssyncadd.remote.s32 @!p0 $0x1  }
0xba: {  	s26 =	simm.s32 $execute0_lowered;
	[smem:$0x3FD2] =	sst s25  }
0xbb: {  	s6 =	sshll.u32 s26, $0x1;
	_ =	strace $0x80000061;
	[dreg:$0x1] =	wrdreg $0xFFFFFFFF  }
0xbc: {  	s28 =	simm.s32 $_size_execute0_lowered;
	s4 =	sadd.s32 s4, s6;
	[dreg:$0x0] =	wrdreg $0x0  }
0xbd: {  	s6 =	sshll.u32 s28, $0x1;
	[dreg:$0x2] =	wrdreg s4  }
0xbe: {  	[dreg:$0x3] =	wrdreg s6  }
0xbf: {  	[dreg:$0x4] =	wrdreg $0xC0  }
0xc0: {  	_ =	task [dreg:s22], $0x5FFFF  }
0xc1: {  	[dreg:$0x1] =	wrdreg $0xFFFFFFFF  }
0xc2: {  	[dreg:$0x0] =	wrdreg $0x60  }
0xc3: {  	[dreg:$0x2] =	wrdreg s24  }
0xc4: {  	[dreg:$0x3] =	wrdreg s17  }
0xc5: {  	[dreg:$0x4] =	wrdreg $0x8C500  }
0xc6: {  	[dreg:$0x5] =	wrdreg $0xB  }
0xc7: {  	_ =	task.clear_ibuf [dreg:s22], $0x6FFFF;
	_ =	strace $0x90000061  }
0xc8: {  	s29 =	simm.s32 $0xB;
	_ =	strace $0x80000063  }
0xc9: {  	_ =	swait.ge [sflag:s29], $0x1  }
0xca: {  	[sflag:s29] =	ssyncadd.s32 $0xFFFFFFFF  }
0xcb: {  	_ =	strace $0x90000063  }
0xcc: {  	_ =	sfence  }
0xcd: {  	s30 =	sld [smem:$0x0];
	_ =	sdelay $0x2  }
0xce: {  	s31 =	sshll.u32 s1, $0xD;
	s1 =	sshrl.u32 s1, $0x2  }
0xcf: {  	s4 =	sand.u32 $0x4000, s31;
	s1 =	sadd.s32 s1, s30  }
0xd0: {  	s0 =	sor.u32 s4, s0;
	s1 =	sshll.u32 s1, $0x11  }
0xd1: {  	s0 =	sor.u32 s1, s0  }
0xd2: {  	s0 =	sadd.s32 $0x8F2B, s0  }
0xd3: {  	[sflag:s0] =	ssyncadd.remote.s32 $0x1  }
0xd4: {  	_ =	sfence.sel $0xFFFF  }
0xd5: {  	[dreg:$0x0] =	wrdreg $0xFFFFFFFF;
	(pc) =	sbr.abs _section_cstart, $3  }
0xd6: {  	[dreg:$0x1] =	wrdreg $0xFFFFFFFF  }
0xd7: {  	_ =	task.clear_ibuf [dreg:s22], $0x2FFFF;
	_ =	strace $0x9FFFFFFF  }
0xd8: {  	(tm) =	ssettm $0x7FFFFFFF  }
0xd9: {  	_ =	shalt  }
tec
execute0_lowered:
.L_overlay_start_1:
0x0: {  	(tag) =	ssettag $0x1  }
0x1: {  	s4 =	rddreg [dreg:$0x0]  }
0x2: {  	s14 =	rddreg [dreg:$0x1]  }
0x3: {  	s2 =	rddreg [dreg:$0x2]  }
0x4: {  	s0 =	rddreg [dreg:$0x3];
	s3 =	simm.s32 $0x0;
	s1 =	stileid.u32  }
0x5: {  	s5 =	srdreg.scid;
	s20 =	simm.s32 $0x0;
	s10 =	smul.u32 $0x1F400, s1  }
0x6: {  	[smem:$0x7FF] =	sst s3;
	s30 =	smul.u32 $0x7D000, s1;
	s12 =	sadd.s32 $0x845D800, s4  }
0x7: {  	s9 =	sand.u32 $0x1, s5;
	s11 =	sadd.s32 $0xA1A9800, s4;
	s16 =	smul.u32 $0x9C400, s1  }
0x8: {  	p1 =	slt.u32 s1, $0xA;
	s17 =	smul.u32 $0x1388, s1;
	_ =	strace $0x80000062  }
0x9: {  	s6 =	ssub.s32 $0x2, s9;
	p0 =	seq.s32 s9, $0x0;
	p2 =	seq.s32 s9, $0x1  }
0xa: {  	s7 =	sshrl.u32 s10, $0x3;
	s8 =	sshrl.u32 s6, $0x1;
	s5 =	sshrl.u32 s30, $0x2  }
0xb: {  	p0 =	por !p0, !p1;
	s10 =	sadd.s32 s10, s2;
	p1 =	por !p1, !p2  }
0xc: {  	s12 =	smov.u32 @p2 s11;
	s14 =	sadd.s32 s17, s14;
	p2 =	sgt.u32 s1, $0x9  }
0xd: {  	s17 =	simm.s32 $0x50;
	s13 =	sadd.s32 s7, s4;
	s15 =	ssub.s32 s6, s8  }
0xe: {  	s4 =	sadd.s32 s5, s2;
	p0 =	por !p0, !p0;
	p1 =	por !p1, !p1  }
0xf: {  	s31 =	sadd.s32 s16, s12;
	s14 =	sadd.s32 $0x9C40, s14;
	s5 =	sadd.s32 $0x6400, s4  }
0x10: {  	s6 =	sadd.s32 $0xC800, s4;
	s7 =	sadd.s32 $0x12C00, s4;
	s8 =	sadd.s32 $0x19000, s4  }
0x11: {  	s16 =	simm.s32 $0x1;
	s9 =	sadd.s32 $0x41D600, s13;
	s11 =	sadd.s32 $0x444800, s13  }
0x12: {  	s12 =	smax.u32 s15, $0x1;
	s13 =	sadd.s32 $0x4E2000, s31;
	s18 =	sshll.u32 @p0 s1, $0x6  }
0x13: {  	v0 =	vimm.f32 $0.0e+00;
	s15 =	simm.s32 $0x2850;
	s19 =	sshrl.u32 @p0 s10, $0x3;
	s18 =	sor.u32 @p0 $0x1C01, s18  }
.LBB2_1:
.Ltmp0:
0x14: {  	(pc) =	sbr.rel @p2 .LBB2_5-.Ltmp0, $1  }
0x15: {  	_ =	sdelay $0x3  }
0x16: {  	s21 =	sshra.s32 s3, $0x2;
	s22 =	sadd.s32 $0x200, s3  }
.LBB2_3:
0x17: {  	p3 =	sne.s32 s22, $0x18E00;
	[tilespmem:s21+$0x28C0] =	vst v0  }
0x18: {  	[tilespmem:s21+$0x2850] =	vst v0  }
0x19: {  	[tilespmem:s21+$0x2860] =	vst v0  }
.Ltmp1:
0x1a: {  	[tilespmem:s21+$0x2870] =	vst v0;
	(pc) =	sbr.rel @p3 .LBB2_3-.Ltmp1, $4  }
0x1b: {  	[tilespmem:s21+$0x2880] =	vst v0  }
0x1c: {  	[tilespmem:s21+$0x2890] =	vst v0  }
0x1d: {  	[tilespmem:s21+$0x28A0] =	vst v0  }
0x1e: {  	[tilespmem:s21+$0x28B0] =	vst v0;
	s21 =	sshra.s32 s22, $0x2;
	s22 =	sadd.s32 $0x200, s22  }
0x1f: {  	[tilespmem:s21+$0x28C0] =	vst v0  }
0x20: {  	[tilespmem:s21+$0x2850] =	vst v0  }
0x21: {  	[tilespmem:s21+$0x2860] =	vst v0  }
0x22: {  	[tilespmem:s21+$0x2870] =	vst v0  }
0x23: {  	[tilespmem:s21+$0x2880] =	vst v0  }
0x24: {  	[tilespmem:s21+$0x2890] =	vst v0  }
0x25: {  	[tilespmem:s21+$0x28A0] =	vst v0  }
0x26: {  	[tilespmem:s21+$0x28B0] =	vst v0  }
0x27: {  	[spmem:s4] =	stream.linear.scatter [tilespmem:s15], [sflag:$0x1], $0x6400, $0x38;
	[tilespmem:$0x1C4D0] =	vst v63  }
0x28: {  	_ =	swait.ge [sflag:s16], $0x6400  }
0x29: {  	[sflag:s16] =	ssyncset.done $0x0  }
0x2a: {  	[sflag:s16] =	ssyncadd.s32 $0xFFFF9C00  }
0x2b: {  	[spmem:s5] =	stream.linear.scatter [tilespmem:s15], [sflag:$0x1], $0x6400, $0x38;
	[tilespmem:$0x1C4D0] =	vst v63  }
0x2c: {  	_ =	swait.ge [sflag:s16], $0x6400  }
0x2d: {  	[sflag:s16] =	ssyncset.done $0x0  }
0x2e: {  	[sflag:s16] =	ssyncadd.s32 $0xFFFF9C00  }
0x2f: {  	[spmem:s6] =	stream.linear.scatter [tilespmem:s15], [sflag:$0x1], $0x6400, $0x38;
	[tilespmem:$0x1C4D0] =	vst v63  }
0x30: {  	_ =	swait.ge [sflag:s16], $0x6400  }
0x31: {  	[sflag:s16] =	ssyncset.done $0x0  }
0x32: {  	[sflag:s16] =	ssyncadd.s32 $0xFFFF9C00  }
0x33: {  	[spmem:s7] =	stream.linear.scatter [tilespmem:s15], [sflag:$0x1], $0x6400, $0x38;
	[tilespmem:$0x1C4D0] =	vst v63  }
0x34: {  	_ =	swait.ge [sflag:s16], $0x6400  }
0x35: {  	[sflag:s16] =	ssyncset.done $0x0  }
0x36: {  	[sflag:s16] =	ssyncadd.s32 $0xFFFF9C00  }
0x37: {  	[spmem:s8] =	stream.linear.scatter [tilespmem:s15], [sflag:$0x1], $0x6400, $0x38;
	[tilespmem:$0x1C4D0] =	vst v63  }
0x38: {  	_ =	swait.ge [sflag:s16], $0x6400  }
0x39: {  	[sflag:s16] =	ssyncset.done $0x0  }
0x3a: {  	[sflag:s16] =	ssyncadd.s32 $0xFFFF9C00  }
.LBB2_5:
0x3b: {  	[bflag:$0x0] =	sbarrier.arrive $0xFFFF;
	s21 =	sadd.s32 $0x0, s14  }
0x3c: {  	[tilespmem:s3], [sflag:$0x1] =	stream.linear.gather [hbm4b:s21+s3], $0x50, $0x38;
	[tilespmem:$0x1C4D0] =	vst v63  }
0x3d: {  	_ =	swait.ge [sflag:s16], $0x50  }
0x3e: {  	[sflag:s16] =	ssyncset.done $0x0  }
0x3f: {  	[sflag:s16] =	ssyncadd.s32 $0xFFFFFFB0  }
0x40: {  	[tilespmem:s17], [sflag:$0x1] =	stream.linear.gather [hbm4b:s13+s3], $0x2800, $0x38;
	[tilespmem:$0x1C4D0] =	vst v63  }
0x41: {  	_ =	swait.ge [sflag:s16], $0x2800  }
0x42: {  	[sflag:s16] =	ssyncset.done $0x0  }
0x43: {  	[sflag:s16] =	ssyncadd.s32 $0xFFFFD800  }
0x44: {  	[spmem:s2] =	stream.indirect.scatter.add.f32 [tilespmem:s17], [sflag:$0x1], $0x80, s3, s17, $0xb8;
	[tilespmem:$0x1C4D0] =	vst v63  }
0x45: {  	s22 =	simm.s32 $0xA;
	_ =	swait.ge [sflag:s16], $0x2800  }
0x46: {  	s23 =	simm.s32 $0x14;
	s21 =	sadd.s32 $0x500, s13;
	[sflag:s16] =	ssyncset.done $0x0  }
.LBB2_6:
0x47: {  	s24 =	sadd.s32 s22, s14  }
0x48: {  	[sflag:s16] =	ssyncadd.s32 $0xFFFFD800;
	s22 =	smov.u32 s23;
	s25 =	sadd.s32 $0xA, s23  }
0x49: {  	[tilespmem:s3], [sflag:$0x1] =	stream.linear.gather [hbm4b:s24+s3], $0x50, $0x38;
	[tilespmem:$0x1C4D0] =	vst v63  }
0x4a: {  	p3 =	sne.s32 s23, $0x137E;
	_ =	swait.ge [sflag:s16], $0x50  }
0x4b: {  	[sflag:s16] =	ssyncset.done $0x0  }
0x4c: {  	[sflag:s16] =	ssyncadd.s32 $0xFFFFFFB0  }
0x4d: {  	[tilespmem:s17], [sflag:$0x1] =	stream.linear.gather [hbm4b:s21+s3], $0x2800, $0x38;
	[tilespmem:$0x1C4D0] =	vst v63  }
0x4e: {  	_ =	swait.ge [sflag:s16], $0x2800  }
.Ltmp2:
0x4f: {  	[sflag:s16] =	ssyncset.done $0x0;
	(pc) =	sbr.rel @p3 .LBB2_6-.Ltmp2, $4  }
0x50: {  	[sflag:s16] =	ssyncadd.s32 $0xFFFFD800  }
0x51: {  	[spmem:s2] =	stream.indirect.scatter.add.f32 [tilespmem:s17], [sflag:$0x1], $0x80, s3, s17, $0xb8;
	[tilespmem:$0x1C4D0] =	vst v63  }
0x52: {  	_ =	swait.ge [sflag:s16], $0x2800  }
0x53: {  	s23 =	smov.u32 s25;
	s21 =	sadd.s32 $0x500, s21;
	[sflag:s16] =	ssyncset.done $0x0  }
0x54: {  	s22 =	sadd.s32 s22, s14;
	[sflag:s16] =	ssyncadd.s32 $0xFFFFD800  }
0x55: {  	[tilespmem:s3], [sflag:$0x1] =	stream.linear.gather [hbm4b:s22+s3], $0x50, $0x38;
	[tilespmem:$0x1C4D0] =	vst v63  }
0x56: {  	_ =	swait.ge [sflag:s16], $0x50  }
0x57: {  	[sflag:s16] =	ssyncset.done $0x0  }
0x58: {  	[sflag:s16] =	ssyncadd.s32 $0xFFFFFFB0  }
0x59: {  	[tilespmem:s17], [sflag:$0x1] =	stream.linear.gather [hbm4b:s21+s3], $0x2800, $0x38;
	[tilespmem:$0x1C4D0] =	vst v63  }
0x5a: {  	_ =	swait.ge [sflag:s16], $0x2800  }
0x5b: {  	[sflag:s16] =	ssyncset.done $0x0  }
0x5c: {  	[sflag:s16] =	ssyncadd.s32 $0xFFFFD800  }
0x5d: {  	[spmem:s2] =	stream.indirect.scatter.add.f32 [tilespmem:s17], [sflag:$0x1], $0x80, s3, s17, $0xb8;
	[tilespmem:$0x1C4D0] =	vst v63  }
0x5e: {  	_ =	swait.ge [sflag:s16], $0x2800  }
0x5f: {  	[sflag:s16] =	ssyncset.done $0x0  }
0x60: {  	[sflag:s16] =	ssyncadd.s32 $0xFFFFD800  }
0x61: {  	s21 =	simm.s32 @p0 $0x1;
	[bflag:$0x0] =	sbarrier.arrive $0xFFFF  }
0x62: {  	[hbm:s9], [sflag:s18] =	dma.local @p0 [spmem:s19], $0x3E80  }
0x63: {  	s20 =	sadd.s32 $0x1, s20;
	_ =	swait.ge @p0 [sflag:s21], $0x3E80  }
0x64: {  	s22 =	sshll.u32 @p1 s1, $0x6;
	p3 =	sne.s32 s20, s12;
	[sflag:s21] =	ssyncset.done @p0 $0x0  }
0x65: {  	[sflag:s21] =	ssyncadd.s32 @p0 $0xFFFFC180;
	s21 =	sor.u32 @p1 $0x1C01, s22;
	s22 =	sshrl.u32 @p1 s10, $0x3  }
0x66: {  	[hbm:s11], [sflag:s21] =	dma.local @p1 [spmem:s22], $0x3E80  }
.Ltmp3:
0x67: {  	_ = 	snop;
	(pc) =	sbr.rel @p3 .LBB2_1-.Ltmp3, $4  }
0x68: {  	s21 =	simm.s32 @p1 $0x1  }
0x69: {  	_ =	swait.ge @p1 [sflag:s21], $0x3E80  }
0x6a: {  	[sflag:s21] =	ssyncset.done @p1 $0x0  }
0x6b: {  	[sflag:s21] =	ssyncadd.s32 @p1 $0xFFFFC180  }
0x6c: {  	_ =	sfence.sel $0x180000  }
0x6d: {  	[bflag:$0x0] =	sbarrier.arrive $0xFFFF  }
0x6e: {  	p0 =	sne.s32 s1, $0x0;
	_ =	strace $0x90000062  }
0x6f: {  	s0 =	sadd.s32 @!p0 $0x100000, s0;
	[bflag:$0x2] =	sbarrier.arrive $0xFFFF  }
0x70: {  	[sflag:s0] =	ssyncadd.tile.s32 @!p0 $0x1;
	_ =	shalt  }
.Lfunc_end2:
_tile_overlayer_lowered:
.L_overlay_start_2:
0x71: {  	(tag) =	ssettag $0x2  }
0x72: {  	s0 =	rddreg [dreg:$0x0];
	s2 =	stileid.u32  }
0x73: {  	s1 =	rddreg [dreg:$0x1];
	p0 =	sne.s32 s2, $0x0  }
0x74: {  	s3 =	rddreg [dreg:$0x2];
	[bflag:$0x3] =	sbarrier.arrive $0xFFFF;
	s2 =	simm.s32 @!p0 $0x1C01  }
0x75: {  	[timem:s3], [sflag:s2] =	dma.local @!p0 [hbm:s0], s1  }
0x76: {  	s0 =	simm.s32 @!p0 $0x1  }
0x77: {  	_ =	swait.ge @!p0 [sflag:s0], s1  }
0x78: {  	s1 =	ssub.s32 @!p0 $0x0, s1;
	[sflag:s0] =	ssyncset.done @!p0 $0x0  }
0x79: {  	[sflag:s0] =	ssyncadd.s32 @!p0 s1  }
0x7a: {  	[bflag:$0x3] =	sbarrier.arrive $0xFFFF  }
0x7b: {  	_ =	shalt  }

// kernel: kernel.43.cloned.1.call-start
scs
__scs_entry_jumppad:
0x0: {  	(pc) =	sbr.rel $0x88, $3  }
0x1: {  	(tag) =	ssettag $0x0;
	lr =	simm.s32 $0x1  }
0x2: {  	[smem:$0x3F93] =	sst lr;
	_ =	strace $0xD0000000  }
0x3: {  	_ = 	snop  }
0x4: {  	_ = 	snop  }
0x5: {  	_ = 	snop  }
0x6: {  	_ = 	snop  }
0x7: {  	_ = 	snop  }
__scs_overlays_trampoline_lowered:
0x8: {  	[smem:$0x3FA2] =	sst s0  }
0x9: {  	[smem:$0x3FA3] =	sst s1  }
0xa: {  	[smem:$0x3FA4] =	sst s2  }
0xb: {  	[smem:$0x3FA5] =	sst s3  }
0xc: {  	[smem:$0x3FA6] =	sst s4  }
0xd: {  	[smem:$0x3FA7] =	sst s5  }
0xe: {  	[smem:$0x3FA8] =	sst s6  }
0xf: {  	[smem:$0x3FA9] =	sst s7  }
0x10: {  	[smem:$0x3FAA] =	sst s8  }
0x11: {  	[smem:$0x3FAB] =	sst s9;
	s0 =	simm.s32 @!p0 $0x0  }
0x12: {  	s1 =	sld [smem:$0x3F91];
	s0 =	simm.s32 @p0 $0x1  }
0x13: {  	[smem:$0x3FAC] =	sst s0;
	s0 =	simm.s32 @!p1 $0x0  }
0x14: {  	s2 =	sld [smem:$0x3F90];
	s0 =	simm.s32 @p1 $0x1  }
0x15: {  	[smem:$0x3FAD] =	sst s0;
	s0 =	simm.s32 @!p2 $0x0  }
0x16: {  	s3 =	sld [smem:$0x3FDB];
	s0 =	simm.s32 @p2 $0x1  }
0x17: {  	s4 =	simm.s32 $0x1BF5;
	[smem:$0x3FAF] =	sst s0  }
0x18: {  	s0 =	sld [smem:$0x3F92];
	_ =	swait.ge [sflag:s4], $0x0  }
0x19: {  	s7 =	sld [smem:$0x3F93]  }
0x1a: {  	s8 =	sadd.s32 $0xFFFFE003, lr  }
0x1b: {  	s9 =	sadd.s32 $0xFFFFFEF7, lr;
	s5 =	simm.s32 $0xFFFFFFFF;
	p2 =	slt.u32 s8, $0xFFFFF086  }
0x1c: {  	p1 =	slt.u32 s9, $0xF7A;
	s5 =	simm.s32 @!p2 $0x0  }
0x1d: {  	s5 =	simm.s32 @p1 $0x1;
	p0 =	seq.s32 s7, s2  }
0x1e: {  	s7 =	smul.u32 @!p0 $0xF7A, s2;
	p2 =	seq.s32 @!p0 s5, $0x0  }
0x1f: {  	s9 =	smul.u32 $0xF7A, s1;
	s8 =	simm.s32 @!p0 $0x1BF5;
	p2 =	por !p2, p0  }
0x20: {  	[sflag:s8] =	ssyncset.s32 @!p0 $0xFFFFF086;
	s6 =	sadd.s32 @!p0 s3, s7;
	s7 =	simm.s32 @!p0 $0x108  }
0x21: {  	s3 =	sadd.s32 s3, s9;
	s6 =	sadd.s32 @!p0 $0x88, s6;
	s7 =	simm.s32 @p2 $0x1082  }
0x22: {  	[simem:s7], [sflag:s8] =	dma.local @!p0 [hbm:s6], $0xF7A  }
0x23: {  	s9 =	sor.u32 $0xD0000000, s2;
	s6 =	simm.s32 $0x108;
	_ =	swait.ge @!p0 [sflag:s8], $0x0  }
0x24: {  	s3 =	sadd.s32 $0x88, s3;
	s6 =	simm.s32 @!p1 $0x1082;
	[sflag:s4] =	ssyncset.s32 $0xFFFFF086  }
0x25: {  	[simem:s6], [sflag:s4] =	dma.local [hbm:s3], $0xF7A  }
0x26: {  	[smem:$0x3F93] =	sst s1;
	(tag) =	ssettag s2;
	_ =	strace s9  }
0x27: {  	s1 =	sld [smem:$0x3FA3]  }
0x28: {  	s2 =	sld [smem:$0x3FA4]  }
0x29: {  	s4 =	sld [smem:$0x3FA6]  }
0x2a: {  	p0 =	seq.s32 s5, $0x0;
	s5 =	sld [smem:$0x3FA7]  }
0x2b: {  	s6 =	sld [smem:$0x3FA8]  }
0x2c: {  	s7 =	sld [smem:$0x3FA9]  }
0x2d: {  	s3 =	simm.s32 $0x108;
	s8 =	sld [smem:$0x3FAA]  }
0x2e: {  	s3 =	simm.s32 @!p0 $0x1082;
	s9 =	sld [smem:$0x3FAB]  }
0x2f: {  	lr =	sadd.s32 s0, s3;
	s0 =	sld [smem:$0x3FA2]  }
0x30: {  	s3 =	sld [smem:$0x3FA5]  }
0x31: {  	[smem:$0x3FAE] =	sst s10  }
0x32: {  	s10 =	sld [smem:$0x3FAC];
	_ =	sdelay $0x3  }
0x33: {  	p0 =	seq.s32 s10, $0x1;
	s10 =	sld [smem:$0x3FAE];
	_ =	sdelay $0x3  }
0x34: {  	[smem:$0x3FAE] =	sst s10  }
0x35: {  	s10 =	sld [smem:$0x3FAD];
	_ =	sdelay $0x3  }
0x36: {  	p1 =	seq.s32 s10, $0x1;
	s10 =	sld [smem:$0x3FAE];
	_ =	sdelay $0x3  }
0x37: {  	[smem:$0x3FAE] =	sst s10  }
0x38: {  	s10 =	sld [smem:$0x3FAF]  }
0x39: {  	_ = 	snop;
	(pc) =	sbr.ind lr, $3  }
0x3a: {  	_ = 	snop  }
0x3b: {  	_ = 	snop  }
0x3c: {  	p2 =	seq.s32 s10, $0x1;
	s10 =	sld [smem:$0x3FAE]  }
0x3d: {  	_ =	shalt  }
0x3e: {  	_ =	shalt  }
0x3f: {  	_ =	shalt  }
0x40: {  	_ =	shalt  }
0x41: {  	_ =	shalt  }
0x42: {  	_ =	shalt  }
0x43: {  	_ =	shalt  }
0x44: {  	_ =	shalt  }
0x45: {  	_ =	shalt  }
0x46: {  	_ =	shalt  }
0x47: {  	_ =	shalt  }
0x48: {  	_ =	shalt  }
0x49: {  	_ =	shalt  }
0x4a: {  	_ =	shalt  }
0x4b: {  	_ =	shalt  }
0x4c: {  	_ =	shalt  }
0x4d: {  	_ =	shalt  }
0x4e: {  	_ =	shalt  }
0x4f: {  	_ =	shalt  }
0x50: {  	_ =	shalt  }
0x51: {  	_ =	shalt  }
0x52: {  	_ =	shalt  }
0x53: {  	_ =	shalt  }
0x54: {  	_ =	shalt  }
0x55: {  	_ =	shalt  }
0x56: {  	_ =	shalt  }
0x57: {  	_ =	shalt  }
0x58: {  	_ =	shalt  }
0x59: {  	_ =	shalt  }
0x5a: {  	_ =	shalt  }
0x5b: {  	_ =	shalt  }
0x5c: {  	_ =	shalt  }
0x5d: {  	_ =	shalt  }
0x5e: {  	_ =	shalt  }
0x5f: {  	_ =	shalt  }
0x60: {  	_ =	shalt  }
0x61: {  	_ =	shalt  }
0x62: {  	_ =	shalt  }
0x63: {  	_ =	shalt  }
0x64: {  	_ =	shalt  }
0x65: {  	_ =	shalt  }
0x66: {  	_ =	shalt  }
0x67: {  	_ =	shalt  }
0x68: {  	_ =	shalt  }
0x69: {  	_ =	shalt  }
0x6a: {  	_ =	shalt  }
0x6b: {  	_ =	shalt  }
0x6c: {  	_ =	shalt  }
0x6d: {  	_ =	shalt  }
0x6e: {  	_ =	shalt  }
0x6f: {  	_ =	shalt  }
0x70: {  	_ =	shalt  }
0x71: {  	_ =	shalt  }
0x72: {  	_ =	shalt  }
0x73: {  	_ =	shalt  }
0x74: {  	_ =	shalt  }
0x75: {  	_ =	shalt  }
0x76: {  	_ =	shalt  }
0x77: {  	_ =	shalt  }
0x78: {  	_ =	shalt  }
0x79: {  	_ =	shalt  }
0x7a: {  	_ =	shalt  }
0x7b: {  	_ =	shalt  }
0x7c: {  	_ =	shalt  }
0x7d: {  	_ =	shalt  }
0x7e: {  	_ =	shalt  }
0x7f: {  	_ =	shalt  }
0x80: {  	_ =	shalt  }
0x81: {  	_ =	shalt  }
0x82: {  	_ =	shalt  }
0x83: {  	_ =	shalt  }
0x84: {  	_ =	shalt  }
0x85: {  	_ =	shalt  }
0x86: {  	_ =	shalt  }
0x87: {  	_ =	shalt  }
.Lfunc_end0:
.L_simem_size_0:
called_computation.8_lowered:
.L_overlay_start_0:
0x88: {  	s2 =	sld [smem:$0x3FD9]  }
0x89: {  	s3 =	sld [smem:$0x3FFE];
	_ =	sdelay $0x1  }
0x8a: {  	s1 =	srdreg.scid  }
0x8b: {  	s0 =	sand.u32 $0x1, s1  }
0x8c: {  	s15 =	sshll.u32 s0, $0xA;
	s2 =	sadd.s32 s3, s2  }
0x8d: {  	s2 =	sadd.s32 s2, s15  }
0x8e: {  	[smem:$0x3FBA] =	sst s2  }
0x8f: {  	_ = 	snop  }
0x90: {  	s2 =	sld [smem:$0x3FD0];
	_ =	sdelay $0x2  }
0x91: {  	s16 =	simm.s32 $0xF;
	s4 =	simm.s32 $0x10  }
0x92: {  	[smem:s4], [sflag:s16] =	dma.local [hbm:s2], $0x1  }
0x93: {  	_ =	swait.eq [sflag:s16], $0x1  }
0x94: {  	[sflag:s16] =	ssyncset.done $0x0  }
0x95: {  	[sflag:s16] =	ssyncadd.s32 $0xFFFFFFFF  }
0x96: {  	s17 =	sld [smem:$0x12];
	(tm) =	ssettm $0x1  }
0x97: {  	s18 =	sld [smem:$0x3FFB];
	_ =	sdelay $0x3  }
0x98: {  	_ =	strace s18  }
0x99: {  	s2 =	sld [smem:$0x3FFC];
	_ =	sdelay $0x3  }
0x9a: {  	_ =	strace s2  }
0x9b: {  	s2 =	sld [smem:$0x3FFD];
	_ =	sdelay $0x3  }
0x9c: {  	_ =	strace s2  }
0x9d: {  	_ =	strace $0x8FFFFFFF  }
0x9e: {  	s19 =	sld [smem:$0x3FDB];
	_ =	sdelay $0x1  }
0x9f: {  	s20 =	simm.s32 $_scs_section_size  }
0xa0: {  	s5 =	simm.s32 $_size__tile_overlayer_lowered;
	s6 =	simm.s32 $_tile_overlayer_lowered  }
0xa1: {  	s7 =	simm.s32 $0x1BFF;
	s21 =	sshll.u32 s6, $0x1;
	s4 =	sadd.s32 s20, s19  }
0xa2: {  	s22 =	simm.s32 $0x0;
	s5 =	sshll.u32 s5, $0x1;
	s6 =	sadd.s32 s21, s4  }
0xa3: {  	[timem:s22], [sflag:s7] =	dma.local [hbm:s6], s5  }
0xa4: {  	_ =	swait.ge [sflag:s7], s5  }
0xa5: {  	s5 =	ssub.s32 $0x0, s5;
	[sflag:s7] =	ssyncset.done $0x0  }
0xa6: {  	[sflag:s7] =	ssyncadd.s32 s5;
	_ =	sdelay $0x1  }
0xa7: {  	s23 =	simm.s32 $0x1B8B  }
0xa8: {  	_ =	swait.ge [sflag:s23], $0x1  }
0xa9: {  	[sflag:s23] =	ssyncset.done $0x0  }
0xaa: {  	[sflag:s23] =	ssyncadd.s32 $0xFFFFFFFF  }
0xab: {  	s5 =	sld [smem:$0x0]  }
0xac: {  	s6 =	sand.u32 $0xFFFFFFFE, s1  }
0xad: {  	p0 =	sne.s32 s1, s6  }
0xae: {  	s6 =	sshll.u32 @p0 s6, $0xE  }
0xaf: {  	s6 =	sadd.s32 @p0 $0x11B8D, s6;
	s7 =	sshll.u32 @p0 s5, $0x11  }
0xb0: {  	s6 =	sor.u32 @p0 s7, s6  }
0xb1: {  	[sflag:s6] =	ssyncadd.remote.s32 @p0 $0x1;
	_ =	sdelay $0x1  }
0xb2: {  	s6 =	simm.s32 @p0 $0x1B8D  }
0xb3: {  	_ =	swait.eq @p0 [sflag:s6], $0x1  }
0xb4: {  	[sflag:s6] =	ssyncadd.s32 @p0 $0xFFFFFFFF  }
0xb5: {  	s7 =	sshll.u32 @!p0 s1, $0xE  }
0xb6: {  	s7 =	sor.u32 @!p0 $0x4000, s7;
	s6 =	simm.s32 @!p0 $0x1B8D  }
0xb7: {  	s5 =	sshll.u32 @!p0 s5, $0x11;
	s7 =	sadd.s32 @!p0 $0x11B8D, s7;
	_ =	swait.eq @!p0 [sflag:s6], $0x1  }
0xb8: {  	s5 =	sor.u32 @!p0 s5, s7;
	[sflag:s6] =	ssyncadd.s32 @!p0 $0xFFFFFFFF  }
0xb9: {  	s25 =	simm.s32 $0x1B8E;
	s24 =	sld [smem:$0x3FFE];
	[sflag:s5] =	ssyncadd.remote.s32 @!p0 $0x1  }
0xba: {  	s26 =	simm.s32 $execute0_lowered;
	[smem:$0x3FD2] =	sst s25  }
0xbb: {  	s6 =	sshll.u32 s26, $0x1;
	_ =	strace $0x80000058;
	[dreg:$0x1] =	wrdreg $0xFFFFFFFF  }
0xbc: {  	s28 =	simm.s32 $_size_execute0_lowered;
	s4 =	sadd.s32 s4, s6;
	[dreg:$0x0] =	wrdreg $0x0  }
0xbd: {  	s6 =	sshll.u32 s28, $0x1;
	[dreg:$0x2] =	wrdreg s4  }
0xbe: {  	[dreg:$0x3] =	wrdreg s6  }
0xbf: {  	[dreg:$0x4] =	wrdreg $0xC0  }
0xc0: {  	_ =	task [dreg:s22], $0x5FFFF  }
0xc1: {  	[dreg:$0x1] =	wrdreg $0xFFFFFFFF  }
0xc2: {  	[dreg:$0x0] =	wrdreg $0x60  }
0xc3: {  	[dreg:$0x2] =	wrdreg s24  }
0xc4: {  	[dreg:$0x3] =	wrdreg s17  }
0xc5: {  	[dreg:$0x4] =	wrdreg $0x11D00  }
0xc6: {  	[dreg:$0x5] =	wrdreg $0xC  }
0xc7: {  	_ =	task.clear_ibuf [dreg:s22], $0x6FFFF;
	_ =	strace $0x90000058  }
0xc8: {  	s29 =	simm.s32 $0xC;
	_ =	strace $0x8000005A  }
0xc9: {  	_ =	swait.ge [sflag:s29], $0x1  }
0xca: {  	[sflag:s29] =	ssyncadd.s32 $0xFFFFFFFF  }
0xcb: {  	_ =	strace $0x9000005A  }
0xcc: {  	_ =	sfence  }
0xcd: {  	s30 =	sld [smem:$0x0];
	_ =	sdelay $0x2  }
0xce: {  	s31 =	sshll.u32 s1, $0xD;
	s1 =	sshrl.u32 s1, $0x2  }
0xcf: {  	s4 =	sand.u32 $0x4000, s31;
	s1 =	sadd.s32 s1, s30  }
0xd0: {  	s0 =	sor.u32 s4, s0;
	s1 =	sshll.u32 s1, $0x11  }
0xd1: {  	s0 =	sor.u32 s1, s0  }
0xd2: {  	s0 =	sadd.s32 $0x8F2B, s0  }
0xd3: {  	[sflag:s0] =	ssyncadd.remote.s32 $0x1  }
0xd4: {  	_ =	sfence.sel $0xFFFF  }
0xd5: {  	[dreg:$0x0] =	wrdreg $0xFFFFFFFF;
	(pc) =	sbr.abs _section_cstart, $3  }
0xd6: {  	[dreg:$0x1] =	wrdreg $0xFFFFFFFF  }
0xd7: {  	_ =	task.clear_ibuf [dreg:s22], $0x2FFFF;
	_ =	strace $0x9FFFFFFF  }
0xd8: {  	(tm) =	ssettm $0x7FFFFFFF  }
0xd9: {  	_ =	shalt  }
tec
execute0_lowered:
.L_overlay_start_1:
0x0: {  	(tag) =	ssettag $0x1  }
0x1: {  	s4 =	rddreg [dreg:$0x0];
	s0 =	stileid.u32  }
0x2: {  	s1 =	srdreg.scid;
	s13 =	rddreg [dreg:$0x1]  }
0x3: {  	s2 =	rddreg [dreg:$0x2];
	s3 =	simm.s32 $0x0;
	s5 =	smul.u32 $0x13880, s0  }
0x4: {  	s15 =	simm.s32 $0x1;
	s16 =	simm.s32 $0x50;
	s7 =	smul.u32 $0x3E8, s0  }
0x5: {  	s6 =	sand.u32 $0x1, s1;
	s1 =	rddreg [dreg:$0x3];
	s8 =	smul.u32 $0xFA00, s0  }
0x6: {  	s19 =	simm.s32 $0x0;
	[smem:$0x7FF] =	sst s3;
	s14 =	smul.u32 $0x1388, s0  }
0x7: {  	s9 =	sadd.s32 $0x13880, s2;
	p0 =	sgt.u32 s0, $0x4;
	p1 =	sne.s32 s0, $0x5  }
0x8: {  	s18 =	smul.u32 $0x1388, s6;
	_ =	strace $0x80000059;
	s6 =	ssub.s32 $0x2, s6  }
0x9: {  	s17 =	sshll.u32 @!p0 s0, $0x6;
	s12 =	sadd.s32 s5, s4;
	s30 =	sshrl.u32 s8, $0x2  }
0xa: {  	s31 =	sshrl.u32 s6, $0x1;
	s13 =	sadd.s32 s14, s13;
	s14 =	simm.s32 $0x550  }
0xb: {  	s17 =	sor.u32 @!p0 $0x1C01, s17;
	s29 =	sadd.s32 s7, s18;
	s11 =	ssub.s32 s6, s31  }
0xc: {  	s12 =	sadd.s32 $0xC1E00, s12;
	s13 =	sadd.s32 $0x9C40, s13;
	s5 =	sshll.u32 s29, $0x1  }
0xd: {  	s11 =	smax.u32 s11, $0x1;
	s10 =	sadd.s32 s5, s4;
	s4 =	sadd.s32 s30, s2  }
0xe: {  	s5 =	sadd.s32 $0xC80, s4;
	s6 =	sadd.s32 $0x1900, s4;
	s7 =	sadd.s32 $0x2580, s4  }
0xf: {  	v1 =	vimm.f32 $0.0e+00;
	v0 =	vmov s18;
	s8 =	sadd.s32 $0x3200, s4;
	s10 =	sadd.s32 $0xD200, s10;
	s18 =	sshrl.u32 @!p0 s4, $0x3  }
.LBB2_1:
.Ltmp0:
0x10: {  	(pc) =	sbr.rel @p0 .LBB2_5-.Ltmp0, $1  }
0x11: {  	_ =	sdelay $0x3  }
0x12: {  	s20 =	simm.s32 $0x40;
	s21 =	simm.s32 $0x0  }
.LBB2_3:
0x13: {  	p2 =	sne.s32 s20, $0x31C0;
	[tilespmem:s21+$0x550] =	vst v1;
	s21 =	smov.u32 s20;
	s20 =	sadd.s32 $0x40, s20  }
.Ltmp1:
0x14: {  	(pc) =	sbr.rel @p2 .LBB2_3-.Ltmp1, $2  }
0x15: {  	_ =	sdelay $0x2  }
0x16: {  	s21 =	sshra.s32 s21, $0x2  }
0x17: {  	[tilespmem:s21+$0x550] =	vst v1  }
0x18: {  	[spmem:s4] =	stream.linear.scatter [tilespmem:s14], [sflag:$0x1], $0xC80, $0x38;
	[tilespmem:$0x2560] =	vst v63  }
0x19: {  	_ =	swait.ge [sflag:s15], $0xC80  }
0x1a: {  	[sflag:s15] =	ssyncset.done $0x0  }
0x1b: {  	[sflag:s15] =	ssyncadd.s32 $0xFFFFF380  }
0x1c: {  	[spmem:s5] =	stream.linear.scatter [tilespmem:s14], [sflag:$0x1], $0xC80, $0x38;
	[tilespmem:$0x2560] =	vst v63  }
0x1d: {  	_ =	swait.ge [sflag:s15], $0xC80  }
0x1e: {  	[sflag:s15] =	ssyncset.done $0x0  }
0x1f: {  	[sflag:s15] =	ssyncadd.s32 $0xFFFFF380  }
0x20: {  	[spmem:s6] =	stream.linear.scatter [tilespmem:s14], [sflag:$0x1], $0xC80, $0x38;
	[tilespmem:$0x2560] =	vst v63  }
0x21: {  	_ =	swait.ge [sflag:s15], $0xC80  }
0x22: {  	[sflag:s15] =	ssyncset.done $0x0  }
0x23: {  	[sflag:s15] =	ssyncadd.s32 $0xFFFFF380  }
0x24: {  	[spmem:s7] =	stream.linear.scatter [tilespmem:s14], [sflag:$0x1], $0xC80, $0x38;
	[tilespmem:$0x2560] =	vst v63  }
0x25: {  	_ =	swait.ge [sflag:s15], $0xC80  }
0x26: {  	[sflag:s15] =	ssyncset.done $0x0  }
.Ltmp2:
0x27: {  	[sflag:s15] =	ssyncadd.s32 $0xFFFFF380;
	(pc) =	sbr.rel .LBB2_6-.Ltmp2, $4  }
0x28: {  	[spmem:s8] =	stream.linear.scatter [tilespmem:s14], [sflag:$0x1], $0xC80, $0x38;
	[tilespmem:$0x2560] =	vst v63  }
0x29: {  	_ =	swait.ge [sflag:s15], $0xC80  }
0x2a: {  	[sflag:s15] =	ssyncset.done $0x0  }
0x2b: {  	[sflag:s15] =	ssyncadd.s32 $0xFFFFF380  }
.LBB2_5:
0x2c: {  	v2 =	vimm.f32 @!p1 $0.0e+00  }
0x2d: {  	[tilespmem:$0x550] =	vst @!p1 v2  }
0x2e: {  	[tilespmem:$0x560] =	vst @!p1 v2  }
0x2f: {  	[tilespmem:$0x570] =	vst @!p1 v2  }
0x30: {  	[tilespmem:$0x580] =	vst @!p1 v2  }
0x31: {  	[tilespmem:$0x590] =	vst @!p1 v2  }
0x32: {  	[tilespmem:$0x5A0] =	vst @!p1 v2  }
0x33: {  	[tilespmem:$0x5B0] =	vst @!p1 v2  }
0x34: {  	s20 =	simm.s32 @!p1 $0x550;
	[tilespmem:$0x5C0] =	vst @!p1 v2  }
0x35: {  	[spmem:s9] =	stream.linear.scatter @!p1 [tilespmem:s20], [sflag:$0x1], $0x80, $0x38;
	[tilespmem:$0x2560] =	vst v63  }
0x36: {  	s20 =	simm.s32 @!p1 $0x1  }
0x37: {  	_ =	swait.ge @!p1 [sflag:s20], $0x80  }
0x38: {  	[sflag:s20] =	ssyncset.done @!p1 $0x0  }
0x39: {  	[sflag:s20] =	ssyncadd.s32 @!p1 $0xFFFFFF80  }
.LBB2_6:
0x3a: {  	[bflag:$0x0] =	sbarrier.arrive $0xFFFF;
	s20 =	sadd.s32 $0x0, s13  }
0x3b: {  	[tilespmem:s3], [sflag:$0x1] =	stream.linear.gather [hbm4b:s20+s3], $0x50, $0x38;
	[tilespmem:$0x2560] =	vst v63  }
0x3c: {  	_ =	swait.ge [sflag:s15], $0x50  }
0x3d: {  	[sflag:s15] =	ssyncset.done $0x0  }
0x3e: {  	[sflag:s15] =	ssyncadd.s32 $0xFFFFFFB0  }
0x3f: {  	[tilespmem:s16], [sflag:$0x1] =	stream.linear.gather [hbm4b:s12+s3], $0x500, $0x38;
	[tilespmem:$0x2560] =	vst v63  }
0x40: {  	_ =	swait.ge [sflag:s15], $0x500  }
0x41: {  	[sflag:s15] =	ssyncset.done $0x0  }
0x42: {  	[sflag:s15] =	ssyncadd.s32 $0xFFFFFB00  }
0x43: {  	v2 =	vld [tilespmem:$0x40]  }
0x44: {  	v3 =	vld [tilespmem:$0x30]  }
0x45: {  	v4 =	vld [tilespmem:$0x20]  }
0x46: {  	v5 =	vld [tilespmem:$0x10]  }
0x47: {  	v6 =	vld [tilespmem:$0x0]  }
0x48: {  	v2 =	vsub.s32 v2, v0  }
0x49: {  	v3 =	vsub.s32 v3, v0;
	v2 =	vmin.u32 v2, $0x1388  }
0x4a: {  	v4 =	vsub.s32 v4, v0;
	v3 =	vmin.u32 v3, $0x1388;
	[tilespmem:$0x40] =	vst v2  }
0x4b: {  	v4 =	vmin.u32 v4, $0x1388;
	v2 =	vsub.s32 v5, v0;
	[tilespmem:$0x30] =	vst v3  }
0x4c: {  	v3 =	vsub.s32 v6, v0;
	[tilespmem:$0x20] =	vst v4;
	v5 =	vmin.u32 v2, $0x1388  }
0x4d: {  	s21 =	smov.u32 s12;
	s20 =	simm.s32 $0xA;
	v2 =	vmin.u32 v3, $0x1388;
	[tilespmem:$0x10] =	vst v5  }
.LBB2_7:
0x4e: {  	p2 =	sne.s32 s20, $0x137E  }
0x4f: {  	[tilespmem:$0x0] =	vst v2;
	s21 =	sadd.s32 $0xA0, s21;
	s22 =	smov.u32 s20;
	s20 =	sadd.s32 $0xA, s20  }
0x50: {  	[spmem:s2] =	stream.indirect.scatter.add.f32 [tilespmem:s16], [sflag:$0x1], $0x10, s3, s16, $0xb8;
	[tilespmem:$0x2560] =	vst v63  }
0x51: {  	_ =	swait.ge [sflag:s15], $0x500  }
0x52: {  	[sflag:s15] =	ssyncset.done $0x0  }
0x53: {  	s22 =	sadd.s32 s22, s13;
	[sflag:s15] =	ssyncadd.s32 $0xFFFFFB00  }
0x54: {  	[tilespmem:s3], [sflag:$0x1] =	stream.linear.gather [hbm4b:s22+s3], $0x50, $0x38;
	[tilespmem:$0x2560] =	vst v63  }
0x55: {  	_ =	swait.ge [sflag:s15], $0x50  }
0x56: {  	[sflag:s15] =	ssyncset.done $0x0  }
0x57: {  	[sflag:s15] =	ssyncadd.s32 $0xFFFFFFB0  }
0x58: {  	[tilespmem:s16], [sflag:$0x1] =	stream.linear.gather [hbm4b:s21+s3], $0x500, $0x38;
	[tilespmem:$0x2560] =	vst v63  }
0x59: {  	_ =	swait.ge [sflag:s15], $0x500  }
0x5a: {  	[sflag:s15] =	ssyncset.done $0x0  }
0x5b: {  	[sflag:s15] =	ssyncadd.s32 $0xFFFFFB00  }
0x5c: {  	v2 =	vld [tilespmem:$0x40]  }
0x5d: {  	v3 =	vld [tilespmem:$0x30]  }
0x5e: {  	v4 =	vld [tilespmem:$0x20]  }
0x5f: {  	v5 =	vld [tilespmem:$0x10]  }
0x60: {  	v6 =	vld [tilespmem:$0x0]  }
0x61: {  	v2 =	vsub.s32 v2, v0  }
.Ltmp3:
0x62: {  	v3 =	vsub.s32 v3, v0;
	v2 =	vmin.u32 v2, $0x1388;
	(pc) =	sbr.rel @p2 .LBB2_7-.Ltmp3, $4  }
0x63: {  	v4 =	vsub.s32 v4, v0;
	v3 =	vmin.u32 v3, $0x1388;
	[tilespmem:$0x40] =	vst v2  }
0x64: {  	v2 =	vsub.s32 v5, v0;
	v4 =	vmin.u32 v4, $0x1388;
	[tilespmem:$0x30] =	vst v3  }
0x65: {  	v3 =	vsub.s32 v6, v0;
	v5 =	vmin.u32 v2, $0x1388;
	[tilespmem:$0x20] =	vst v4  }
0x66: {  	v2 =	vmin.u32 v3, $0x1388;
	[tilespmem:$0x10] =	vst v5  }
0x67: {  	[tilespmem:$0x0] =	vst v2  }
0x68: {  	[spmem:s2] =	stream.indirect.scatter.add.f32 [tilespmem:s16], [sflag:$0x1], $0x10, s3, s16, $0xb8;
	[tilespmem:$0x2560] =	vst v63  }
0x69: {  	_ =	swait.ge [sflag:s15], $0x500  }
0x6a: {  	s19 =	sadd.s32 $0x1, s19;
	[sflag:s15] =	ssyncset.done $0x0  }
0x6b: {  	p2 =	sne.s32 s19, s11;
	[sflag:s15] =	ssyncadd.s32 $0xFFFFFB00  }
.Ltmp4:
0x6c: {  	s20 =	simm.s32 @!p0 $0x1;
	[bflag:$0x0] =	sbarrier.arrive $0xFFFF;
	(pc) =	sbr.rel @p2 .LBB2_1-.Ltmp4, $4  }
0x6d: {  	[hbm:s10], [sflag:s17] =	dma.local @!p0 [spmem:s18], $0x7D0  }
0x6e: {  	_ =	swait.ge @!p0 [sflag:s20], $0x7D0  }
0x6f: {  	[sflag:s20] =	ssyncset.done @!p0 $0x0  }
0x70: {  	[sflag:s20] =	ssyncadd.s32 @!p0 $0xFFFFF830  }
0x71: {  	_ =	sfence.sel $0x180000  }
0x72: {  	[bflag:$0x0] =	sbarrier.arrive $0xFFFF  }
0x73: {  	p0 =	sne.s32 s0, $0x0;
	_ =	strace $0x90000059  }
0x74: {  	s0 =	sadd.s32 @!p0 $0x100000, s1;
	[bflag:$0x2] =	sbarrier.arrive $0xFFFF  }
0x75: {  	[sflag:s0] =	ssyncadd.tile.s32 @!p0 $0x1;
	_ =	shalt  }
.Lfunc_end2:
_tile_overlayer_lowered:
.L_overlay_start_2:
0x76: {  	(tag) =	ssettag $0x2  }
0x77: {  	s0 =	rddreg [dreg:$0x0];
	s2 =	stileid.u32  }
0x78: {  	s1 =	rddreg [dreg:$0x1];
	p0 =	sne.s32 s2, $0x0  }
0x79: {  	s3 =	rddreg [dreg:$0x2];
	[bflag:$0x3] =	sbarrier.arrive $0xFFFF;
	s2 =	simm.s32 @!p0 $0x1C01  }
0x7a: {  	[timem:s3], [sflag:s2] =	dma.local @!p0 [hbm:s0], s1  }
0x7b: {  	s0 =	simm.s32 @!p0 $0x1  }
0x7c: {  	_ =	swait.ge @!p0 [sflag:s0], s1  }
0x7d: {  	s1 =	ssub.s32 @!p0 $0x0, s1;
	[sflag:s0] =	ssyncset.done @!p0 $0x0  }
0x7e: {  	[sflag:s0] =	ssyncadd.s32 @!p0 s1  }
0x7f: {  	[bflag:$0x3] =	sbarrier.arrive $0xFFFF  }
0x80: {  	_ =	shalt  }

// kernel: kernel.46.cloned.1.call-start
scs
__scs_entry_jumppad:
0x0: {  	(pc) =	sbr.rel $0x88, $3  }
0x1: {  	(tag) =	ssettag $0x0;
	lr =	simm.s32 $0x1  }
0x2: {  	[smem:$0x3F93] =	sst lr;
	_ =	strace $0xD0000000  }
0x3: {  	_ = 	snop  }
0x4: {  	_ = 	snop  }
0x5: {  	_ = 	snop  }
0x6: {  	_ = 	snop  }
0x7: {  	_ = 	snop  }
__scs_overlays_trampoline_lowered:
0x8: {  	[smem:$0x3FA2] =	sst s0  }
0x9: {  	[smem:$0x3FA3] =	sst s1  }
0xa: {  	[smem:$0x3FA4] =	sst s2  }
0xb: {  	[smem:$0x3FA5] =	sst s3  }
0xc: {  	[smem:$0x3FA6] =	sst s4  }
0xd: {  	[smem:$0x3FA7] =	sst s5  }
0xe: {  	[smem:$0x3FA8] =	sst s6  }
0xf: {  	[smem:$0x3FA9] =	sst s7  }
0x10: {  	[smem:$0x3FAA] =	sst s8  }
0x11: {  	[smem:$0x3FAB] =	sst s9;
	s0 =	simm.s32 @!p0 $0x0  }
0x12: {  	s1 =	sld [smem:$0x3F91];
	s0 =	simm.s32 @p0 $0x1  }
0x13: {  	[smem:$0x3FAC] =	sst s0;
	s0 =	simm.s32 @!p1 $0x0  }
0x14: {  	s2 =	sld [smem:$0x3F90];
	s0 =	simm.s32 @p1 $0x1  }
0x15: {  	[smem:$0x3FAD] =	sst s0;
	s0 =	simm.s32 @!p2 $0x0  }
0x16: {  	s3 =	sld [smem:$0x3FDB];
	s0 =	simm.s32 @p2 $0x1  }
0x17: {  	s4 =	simm.s32 $0x1BF5;
	[smem:$0x3FAF] =	sst s0  }
0x18: {  	s0 =	sld [smem:$0x3F92];
	_ =	swait.ge [sflag:s4], $0x0  }
0x19: {  	s7 =	sld [smem:$0x3F93]  }
0x1a: {  	s8 =	sadd.s32 $0xFFFFE003, lr  }
0x1b: {  	s9 =	sadd.s32 $0xFFFFFEF7, lr;
	s5 =	simm.s32 $0xFFFFFFFF;
	p2 =	slt.u32 s8, $0xFFFFF086  }
0x1c: {  	p1 =	slt.u32 s9, $0xF7A;
	s5 =	simm.s32 @!p2 $0x0  }
0x1d: {  	s5 =	simm.s32 @p1 $0x1;
	p0 =	seq.s32 s7, s2  }
0x1e: {  	s7 =	smul.u32 @!p0 $0xF7A, s2;
	p2 =	seq.s32 @!p0 s5, $0x0  }
0x1f: {  	s9 =	smul.u32 $0xF7A, s1;
	s8 =	simm.s32 @!p0 $0x1BF5;
	p2 =	por !p2, p0  }
0x20: {  	[sflag:s8] =	ssyncset.s32 @!p0 $0xFFFFF086;
	s6 =	sadd.s32 @!p0 s3, s7;
	s7 =	simm.s32 @!p0 $0x108  }
0x21: {  	s3 =	sadd.s32 s3, s9;
	s6 =	sadd.s32 @!p0 $0x88, s6;
	s7 =	simm.s32 @p2 $0x1082  }
0x22: {  	[simem:s7], [sflag:s8] =	dma.local @!p0 [hbm:s6], $0xF7A  }
0x23: {  	s9 =	sor.u32 $0xD0000000, s2;
	s6 =	simm.s32 $0x108;
	_ =	swait.ge @!p0 [sflag:s8], $0x0  }
0x24: {  	s3 =	sadd.s32 $0x88, s3;
	s6 =	simm.s32 @!p1 $0x1082;
	[sflag:s4] =	ssyncset.s32 $0xFFFFF086  }
0x25: {  	[simem:s6], [sflag:s4] =	dma.local [hbm:s3], $0xF7A  }
0x26: {  	[smem:$0x3F93] =	sst s1;
	(tag) =	ssettag s2;
	_ =	strace s9  }
0x27: {  	s1 =	sld [smem:$0x3FA3]  }
0x28: {  	s2 =	sld [smem:$0x3FA4]  }
0x29: {  	s4 =	sld [smem:$0x3FA6]  }
0x2a: {  	p0 =	seq.s32 s5, $0x0;
	s5 =	sld [smem:$0x3FA7]  }
0x2b: {  	s6 =	sld [smem:$0x3FA8]  }
0x2c: {  	s7 =	sld [smem:$0x3FA9]  }
0x2d: {  	s3 =	simm.s32 $0x108;
	s8 =	sld [smem:$0x3FAA]  }
0x2e: {  	s3 =	simm.s32 @!p0 $0x1082;
	s9 =	sld [smem:$0x3FAB]  }
0x2f: {  	lr =	sadd.s32 s0, s3;
	s0 =	sld [smem:$0x3FA2]  }
0x30: {  	s3 =	sld [smem:$0x3FA5]  }
0x31: {  	[smem:$0x3FAE] =	sst s10  }
0x32: {  	s10 =	sld [smem:$0x3FAC];
	_ =	sdelay $0x3  }
0x33: {  	p0 =	seq.s32 s10, $0x1;
	s10 =	sld [smem:$0x3FAE];
	_ =	sdelay $0x3  }
0x34: {  	[smem:$0x3FAE] =	sst s10  }
0x35: {  	s10 =	sld [smem:$0x3FAD];
	_ =	sdelay $0x3  }
0x36: {  	p1 =	seq.s32 s10, $0x1;
	s10 =	sld [smem:$0x3FAE];
	_ =	sdelay $0x3  }
0x37: {  	[smem:$0x3FAE] =	sst s10  }
0x38: {  	s10 =	sld [smem:$0x3FAF]  }
0x39: {  	_ = 	snop;
	(pc) =	sbr.ind lr, $3  }
0x3a: {  	_ = 	snop  }
0x3b: {  	_ = 	snop  }
0x3c: {  	p2 =	seq.s32 s10, $0x1;
	s10 =	sld [smem:$0x3FAE]  }
0x3d: {  	_ =	shalt  }
0x3e: {  	_ =	shalt  }
0x3f: {  	_ =	shalt  }
0x40: {  	_ =	shalt  }
0x41: {  	_ =	shalt  }
0x42: {  	_ =	shalt  }
0x43: {  	_ =	shalt  }
0x44: {  	_ =	shalt  }
0x45: {  	_ =	shalt  }
0x46: {  	_ =	shalt  }
0x47: {  	_ =	shalt  }
0x48: {  	_ =	shalt  }
0x49: {  	_ =	shalt  }
0x4a: {  	_ =	shalt  }
0x4b: {  	_ =	shalt  }
0x4c: {  	_ =	shalt  }
0x4d: {  	_ =	shalt  }
0x4e: {  	_ =	shalt  }
0x4f: {  	_ =	shalt  }
0x50: {  	_ =	shalt  }
0x51: {  	_ =	shalt  }
0x52: {  	_ =	shalt  }
0x53: {  	_ =	shalt  }
0x54: {  	_ =	shalt  }
0x55: {  	_ =	shalt  }
0x56: {  	_ =	shalt  }
0x57: {  	_ =	shalt  }
0x58: {  	_ =	shalt  }
0x59: {  	_ =	shalt  }
0x5a: {  	_ =	shalt  }
0x5b: {  	_ =	shalt  }
0x5c: {  	_ =	shalt  }
0x5d: {  	_ =	shalt  }
0x5e: {  	_ =	shalt  }
0x5f: {  	_ =	shalt  }
0x60: {  	_ =	shalt  }
0x61: {  	_ =	shalt  }
0x62: {  	_ =	shalt  }
0x63: {  	_ =	shalt  }
0x64: {  	_ =	shalt  }
0x65: {  	_ =	shalt  }
0x66: {  	_ =	shalt  }
0x67: {  	_ =	shalt  }
0x68: {  	_ =	shalt  }
0x69: {  	_ =	shalt  }
0x6a: {  	_ =	shalt  }
0x6b: {  	_ =	shalt  }
0x6c: {  	_ =	shalt  }
0x6d: {  	_ =	shalt  }
0x6e: {  	_ =	shalt  }
0x6f: {  	_ =	shalt  }
0x70: {  	_ =	shalt  }
0x71: {  	_ =	shalt  }
0x72: {  	_ =	shalt  }
0x73: {  	_ =	shalt  }
0x74: {  	_ =	shalt  }
0x75: {  	_ =	shalt  }
0x76: {  	_ =	shalt  }
0x77: {  	_ =	shalt  }
0x78: {  	_ =	shalt  }
0x79: {  	_ =	shalt  }
0x7a: {  	_ =	shalt  }
0x7b: {  	_ =	shalt  }
0x7c: {  	_ =	shalt  }
0x7d: {  	_ =	shalt  }
0x7e: {  	_ =	shalt  }
0x7f: {  	_ =	shalt  }
0x80: {  	_ =	shalt  }
0x81: {  	_ =	shalt  }
0x82: {  	_ =	shalt  }
0x83: {  	_ =	shalt  }
0x84: {  	_ =	shalt  }
0x85: {  	_ =	shalt  }
0x86: {  	_ =	shalt  }
0x87: {  	_ =	shalt  }
.Lfunc_end0:
.L_simem_size_0:
called_computation.9_lowered:
.L_overlay_start_0:
0x88: {  	s2 =	sld [smem:$0x3FD9]  }
0x89: {  	s3 =	sld [smem:$0x3FFE];
	_ =	sdelay $0x1  }
0x8a: {  	s1 =	srdreg.scid  }
0x8b: {  	s0 =	sand.u32 $0x1, s1  }
0x8c: {  	s15 =	sshll.u32 s0, $0xA;
	s2 =	sadd.s32 s3, s2  }
0x8d: {  	s2 =	sadd.s32 s2, s15  }
0x8e: {  	[smem:$0x3FBA] =	sst s2  }
0x8f: {  	_ = 	snop  }
0x90: {  	s2 =	sld [smem:$0x3FD0];
	_ =	sdelay $0x2  }
0x91: {  	s16 =	simm.s32 $0xF;
	s4 =	simm.s32 $0x10  }
0x92: {  	[smem:s4], [sflag:s16] =	dma.local [hbm:s2], $0x1  }
0x93: {  	_ =	swait.eq [sflag:s16], $0x1  }
0x94: {  	[sflag:s16] =	ssyncset.done $0x0  }
0x95: {  	[sflag:s16] =	ssyncadd.s32 $0xFFFFFFFF  }
0x96: {  	s17 =	sld [smem:$0x12];
	(tm) =	ssettm $0x1  }
0x97: {  	s18 =	sld [smem:$0x3FFB];
	_ =	sdelay $0x3  }
0x98: {  	_ =	strace s18  }
0x99: {  	s2 =	sld [smem:$0x3FFC];
	_ =	sdelay $0x3  }
0x9a: {  	_ =	strace s2  }
0x9b: {  	s2 =	sld [smem:$0x3FFD];
	_ =	sdelay $0x3  }
0x9c: {  	_ =	strace s2  }
0x9d: {  	_ =	strace $0x8FFFFFFF  }
0x9e: {  	s19 =	sld [smem:$0x3FDB];
	_ =	sdelay $0x1  }
0x9f: {  	s20 =	simm.s32 $_scs_section_size  }
0xa0: {  	s5 =	simm.s32 $_size__tile_overlayer_lowered;
	s6 =	simm.s32 $_tile_overlayer_lowered  }
0xa1: {  	s7 =	simm.s32 $0x1BFF;
	s21 =	sshll.u32 s6, $0x1;
	s4 =	sadd.s32 s20, s19  }
0xa2: {  	s22 =	simm.s32 $0x0;
	s5 =	sshll.u32 s5, $0x1;
	s6 =	sadd.s32 s21, s4  }
0xa3: {  	[timem:s22], [sflag:s7] =	dma.local [hbm:s6], s5  }
0xa4: {  	_ =	swait.ge [sflag:s7], s5  }
0xa5: {  	s5 =	ssub.s32 $0x0, s5;
	[sflag:s7] =	ssyncset.done $0x0  }
0xa6: {  	[sflag:s7] =	ssyncadd.s32 s5;
	_ =	sdelay $0x1  }
0xa7: {  	s23 =	simm.s32 $0x1B8B  }
0xa8: {  	_ =	swait.ge [sflag:s23], $0x1  }
0xa9: {  	[sflag:s23] =	ssyncset.done $0x0  }
0xaa: {  	[sflag:s23] =	ssyncadd.s32 $0xFFFFFFFF  }
0xab: {  	s5 =	sld [smem:$0x0]  }
0xac: {  	s6 =	sand.u32 $0xFFFFFFFE, s1  }
0xad: {  	p0 =	sne.s32 s1, s6  }
0xae: {  	s6 =	sshll.u32 @p0 s6, $0xE  }
0xaf: {  	s6 =	sadd.s32 @p0 $0x11B8D, s6;
	s7 =	sshll.u32 @p0 s5, $0x11  }
0xb0: {  	s6 =	sor.u32 @p0 s7, s6  }
0xb1: {  	[sflag:s6] =	ssyncadd.remote.s32 @p0 $0x1;
	_ =	sdelay $0x1  }
0xb2: {  	s6 =	simm.s32 @p0 $0x1B8D  }
0xb3: {  	_ =	swait.eq @p0 [sflag:s6], $0x1  }
0xb4: {  	[sflag:s6] =	ssyncadd.s32 @p0 $0xFFFFFFFF  }
0xb5: {  	s7 =	sshll.u32 @!p0 s1, $0xE  }
0xb6: {  	s7 =	sor.u32 @!p0 $0x4000, s7;
	s6 =	simm.s32 @!p0 $0x1B8D  }
0xb7: {  	s5 =	sshll.u32 @!p0 s5, $0x11;
	s7 =	sadd.s32 @!p0 $0x11B8D, s7;
	_ =	swait.eq @!p0 [sflag:s6], $0x1  }
0xb8: {  	s5 =	sor.u32 @!p0 s5, s7;
	[sflag:s6] =	ssyncadd.s32 @!p0 $0xFFFFFFFF  }
0xb9: {  	s25 =	simm.s32 $0x1B8E;
	s24 =	sld [smem:$0x3FFE];
	[sflag:s5] =	ssyncadd.remote.s32 @!p0 $0x1  }
0xba: {  	s26 =	simm.s32 $execute0_lowered;
	[smem:$0x3FD2] =	sst s25  }
0xbb: {  	s6 =	sshll.u32 s26, $0x1;
	_ =	strace $0x80000064;
	[dreg:$0x1] =	wrdreg $0xFFFFFFFF  }
0xbc: {  	s28 =	simm.s32 $_size_execute0_lowered;
	s4 =	sadd.s32 s4, s6;
	[dreg:$0x0] =	wrdreg $0x0  }
0xbd: {  	s6 =	sshll.u32 s28, $0x1;
	[dreg:$0x2] =	wrdreg s4  }
0xbe: {  	[dreg:$0x3] =	wrdreg s6  }
0xbf: {  	[dreg:$0x4] =	wrdreg $0xC0  }
0xc0: {  	_ =	task [dreg:s22], $0x5FFFF  }
0xc1: {  	[dreg:$0x1] =	wrdreg $0xFFFFFFFF  }
0xc2: {  	[dreg:$0x0] =	wrdreg $0x60  }
0xc3: {  	[dreg:$0x2] =	wrdreg s24  }
0xc4: {  	[dreg:$0x3] =	wrdreg s17  }
0xc5: {  	[dreg:$0x4] =	wrdreg $0x8C500  }
0xc6: {  	[dreg:$0x5] =	wrdreg $0xD  }
0xc7: {  	_ =	task.clear_ibuf [dreg:s22], $0x6FFFF;
	_ =	strace $0x90000064  }
0xc8: {  	s29 =	simm.s32 $0xD;
	_ =	strace $0x80000066  }
0xc9: {  	_ =	swait.ge [sflag:s29], $0x1  }
0xca: {  	[sflag:s29] =	ssyncadd.s32 $0xFFFFFFFF  }
0xcb: {  	_ =	strace $0x90000066  }
0xcc: {  	_ =	sfence  }
0xcd: {  	s30 =	sld [smem:$0x0];
	_ =	sdelay $0x2  }
0xce: {  	s31 =	sshll.u32 s1, $0xD;
	s1 =	sshrl.u32 s1, $0x2  }
0xcf: {  	s4 =	sand.u32 $0x4000, s31;
	s1 =	sadd.s32 s1, s30  }
0xd0: {  	s0 =	sor.u32 s4, s0;
	s1 =	sshll.u32 s1, $0x11  }
0xd1: {  	s0 =	sor.u32 s1, s0  }
0xd2: {  	s0 =	sadd.s32 $0x8F2B, s0  }
0xd3: {  	[sflag:s0] =	ssyncadd.remote.s32 $0x1  }
0xd4: {  	_ =	sfence.sel $0xFFFF  }
0xd5: {  	[dreg:$0x0] =	wrdreg $0xFFFFFFFF;
	(pc) =	sbr.abs _section_cstart, $3  }
0xd6: {  	[dreg:$0x1] =	wrdreg $0xFFFFFFFF  }
0xd7: {  	_ =	task.clear_ibuf [dreg:s22], $0x2FFFF;
	_ =	strace $0x9FFFFFFF  }
0xd8: {  	(tm) =	ssettm $0x7FFFFFFF  }
0xd9: {  	_ =	shalt  }
tec
execute0_lowered:
.L_overlay_start_1:
0x0: {  	(tag) =	ssettag $0x1  }
0x1: {  	s4 =	rddreg [dreg:$0x0]  }
0x2: {  	s14 =	rddreg [dreg:$0x1]  }
0x3: {  	s2 =	rddreg [dreg:$0x2]  }
0x4: {  	s0 =	rddreg [dreg:$0x3];
	s3 =	simm.s32 $0x0;
	s1 =	stileid.u32  }
0x5: {  	s5 =	srdreg.scid;
	s20 =	simm.s32 $0x0;
	s10 =	smul.u32 $0x1F400, s1  }
0x6: {  	[smem:$0x7FF] =	sst s3;
	s30 =	smul.u32 $0x7D000, s1;
	s12 =	sadd.s32 $0x845D800, s4  }
0x7: {  	s9 =	sand.u32 $0x1, s5;
	s11 =	sadd.s32 $0xA1A9800, s4;
	s16 =	smul.u32 $0xEA600, s1  }
0x8: {  	p1 =	slt.u32 s1, $0xA;
	s17 =	smul.u32 $0x1D4C, s1;
	_ =	strace $0x80000065  }
0x9: {  	s6 =	ssub.s32 $0x2, s9;
	p0 =	seq.s32 s9, $0x0;
	p2 =	seq.s32 s9, $0x1  }
0xa: {  	s7 =	sshrl.u32 s10, $0x3;
	s8 =	sshrl.u32 s6, $0x1;
	s5 =	sshrl.u32 s30, $0x2  }
0xb: {  	p0 =	por !p0, !p1;
	s10 =	sadd.s32 s10, s2;
	p1 =	por !p1, !p2  }
0xc: {  	s12 =	smov.u32 @p2 s11;
	s14 =	sadd.s32 s17, s14;
	p2 =	sgt.u32 s1, $0x9  }
0xd: {  	s17 =	simm.s32 $0x50;
	s13 =	sadd.s32 s7, s4;
	s15 =	ssub.s32 s6, s8  }
0xe: {  	s4 =	sadd.s32 s5, s2;
	p0 =	por !p0, !p0;
	p1 =	por !p1, !p1  }
0xf: {  	s31 =	sadd.s32 s16, s12;
	s14 =	sadd.s32 $0x1D4C0, s14;
	s5 =	sadd.s32 $0x6400, s4  }
0x10: {  	s6 =	sadd.s32 $0xC800, s4;
	s7 =	sadd.s32 $0x12C00, s4;
	s8 =	sadd.s32 $0x19000, s4  }
0x11: {  	s16 =	simm.s32 $0x1;
	s9 =	sadd.s32 $0x46BA00, s13;
	s11 =	sadd.s32 $0x492C00, s13  }
0x12: {  	s12 =	smax.u32 s15, $0x1;
	s13 =	sadd.s32 $0xEA6000, s31;
	s18 =	sshll.u32 @p0 s1, $0x6  }
0x13: {  	v0 =	vimm.f32 $0.0e+00;
	s15 =	simm.s32 $0x2850;
	s19 =	sshrl.u32 @p0 s10, $0x3;
	s18 =	sor.u32 @p0 $0x1C01, s18  }
.LBB2_1:
.Ltmp0:
0x14: {  	(pc) =	sbr.rel @p2 .LBB2_5-.Ltmp0, $1  }
0x15: {  	_ =	sdelay $0x3  }
0x16: {  	s21 =	sshra.s32 s3, $0x2;
	s22 =	sadd.s32 $0x200, s3  }
.LBB2_3:
0x17: {  	p3 =	sne.s32 s22, $0x18E00;
	[tilespmem:s21+$0x28C0] =	vst v0  }
0x18: {  	[tilespmem:s21+$0x2850] =	vst v0  }
0x19: {  	[tilespmem:s21+$0x2860] =	vst v0  }
.Ltmp1:
0x1a: {  	[tilespmem:s21+$0x2870] =	vst v0;
	(pc) =	sbr.rel @p3 .LBB2_3-.Ltmp1, $4  }
0x1b: {  	[tilespmem:s21+$0x2880] =	vst v0  }
0x1c: {  	[tilespmem:s21+$0x2890] =	vst v0  }
0x1d: {  	[tilespmem:s21+$0x28A0] =	vst v0  }
0x1e: {  	[tilespmem:s21+$0x28B0] =	vst v0;
	s21 =	sshra.s32 s22, $0x2;
	s22 =	sadd.s32 $0x200, s22  }
0x1f: {  	[tilespmem:s21+$0x28C0] =	vst v0  }
0x20: {  	[tilespmem:s21+$0x2850] =	vst v0  }
0x21: {  	[tilespmem:s21+$0x2860] =	vst v0  }
0x22: {  	[tilespmem:s21+$0x2870] =	vst v0  }
0x23: {  	[tilespmem:s21+$0x2880] =	vst v0  }
0x24: {  	[tilespmem:s21+$0x2890] =	vst v0  }
0x25: {  	[tilespmem:s21+$0x28A0] =	vst v0  }
0x26: {  	[tilespmem:s21+$0x28B0] =	vst v0  }
0x27: {  	[spmem:s4] =	stream.linear.scatter [tilespmem:s15], [sflag:$0x1], $0x6400, $0x38;
	[tilespmem:$0x1C4D0] =	vst v63  }
0x28: {  	_ =	swait.ge [sflag:s16], $0x6400  }
0x29: {  	[sflag:s16] =	ssyncset.done $0x0  }
0x2a: {  	[sflag:s16] =	ssyncadd.s32 $0xFFFF9C00  }
0x2b: {  	[spmem:s5] =	stream.linear.scatter [tilespmem:s15], [sflag:$0x1], $0x6400, $0x38;
	[tilespmem:$0x1C4D0] =	vst v63  }
0x2c: {  	_ =	swait.ge [sflag:s16], $0x6400  }
0x2d: {  	[sflag:s16] =	ssyncset.done $0x0  }
0x2e: {  	[sflag:s16] =	ssyncadd.s32 $0xFFFF9C00  }
0x2f: {  	[spmem:s6] =	stream.linear.scatter [tilespmem:s15], [sflag:$0x1], $0x6400, $0x38;
	[tilespmem:$0x1C4D0] =	vst v63  }
0x30: {  	_ =	swait.ge [sflag:s16], $0x6400  }
0x31: {  	[sflag:s16] =	ssyncset.done $0x0  }
0x32: {  	[sflag:s16] =	ssyncadd.s32 $0xFFFF9C00  }
0x33: {  	[spmem:s7] =	stream.linear.scatter [tilespmem:s15], [sflag:$0x1], $0x6400, $0x38;
	[tilespmem:$0x1C4D0] =	vst v63  }
0x34: {  	_ =	swait.ge [sflag:s16], $0x6400  }
0x35: {  	[sflag:s16] =	ssyncset.done $0x0  }
0x36: {  	[sflag:s16] =	ssyncadd.s32 $0xFFFF9C00  }
0x37: {  	[spmem:s8] =	stream.linear.scatter [tilespmem:s15], [sflag:$0x1], $0x6400, $0x38;
	[tilespmem:$0x1C4D0] =	vst v63  }
0x38: {  	_ =	swait.ge [sflag:s16], $0x6400  }
0x39: {  	[sflag:s16] =	ssyncset.done $0x0  }
0x3a: {  	[sflag:s16] =	ssyncadd.s32 $0xFFFF9C00  }
.LBB2_5:
0x3b: {  	[bflag:$0x0] =	sbarrier.arrive $0xFFFF;
	s21 =	sadd.s32 $0x0, s14  }
0x3c: {  	[tilespmem:s3], [sflag:$0x1] =	stream.linear.gather [hbm4b:s21+s3], $0x50, $0x38;
	[tilespmem:$0x1C4D0] =	vst v63  }
0x3d: {  	_ =	swait.ge [sflag:s16], $0x50  }
0x3e: {  	[sflag:s16] =	ssyncset.done $0x0  }
0x3f: {  	[sflag:s16] =	ssyncadd.s32 $0xFFFFFFB0  }
0x40: {  	[tilespmem:s17], [sflag:$0x1] =	stream.linear.gather [hbm4b:s13+s3], $0x2800, $0x38;
	[tilespmem:$0x1C4D0] =	vst v63  }
0x41: {  	_ =	swait.ge [sflag:s16], $0x2800  }
0x42: {  	[sflag:s16] =	ssyncset.done $0x0  }
0x43: {  	[sflag:s16] =	ssyncadd.s32 $0xFFFFD800  }
0x44: {  	[spmem:s2] =	stream.indirect.scatter.add.f32 [tilespmem:s17], [sflag:$0x1], $0x80, s3, s17, $0xb8;
	[tilespmem:$0x1C4D0] =	vst v63  }
0x45: {  	s22 =	simm.s32 $0xA;
	_ =	swait.ge [sflag:s16], $0x2800  }
0x46: {  	s23 =	simm.s32 $0x14;
	s21 =	sadd.s32 $0x500, s13;
	[sflag:s16] =	ssyncset.done $0x0  }
.LBB2_6:
0x47: {  	s24 =	sadd.s32 s22, s14  }
0x48: {  	[sflag:s16] =	ssyncadd.s32 $0xFFFFD800;
	s22 =	smov.u32 s23;
	s25 =	sadd.s32 $0xA, s23  }
0x49: {  	[tilespmem:s3], [sflag:$0x1] =	stream.linear.gather [hbm4b:s24+s3], $0x50, $0x38;
	[tilespmem:$0x1C4D0] =	vst v63  }
0x4a: {  	p3 =	sne.s32 s23, $0x1D42;
	_ =	swait.ge [sflag:s16], $0x50  }
0x4b: {  	[sflag:s16] =	ssyncset.done $0x0  }
0x4c: {  	[sflag:s16] =	ssyncadd.s32 $0xFFFFFFB0  }
0x4d: {  	[tilespmem:s17], [sflag:$0x1] =	stream.linear.gather [hbm4b:s21+s3], $0x2800, $0x38;
	[tilespmem:$0x1C4D0] =	vst v63  }
0x4e: {  	_ =	swait.ge [sflag:s16], $0x2800  }
.Ltmp2:
0x4f: {  	[sflag:s16] =	ssyncset.done $0x0;
	(pc) =	sbr.rel @p3 .LBB2_6-.Ltmp2, $4  }
0x50: {  	[sflag:s16] =	ssyncadd.s32 $0xFFFFD800  }
0x51: {  	[spmem:s2] =	stream.indirect.scatter.add.f32 [tilespmem:s17], [sflag:$0x1], $0x80, s3, s17, $0xb8;
	[tilespmem:$0x1C4D0] =	vst v63  }
0x52: {  	_ =	swait.ge [sflag:s16], $0x2800  }
0x53: {  	s23 =	smov.u32 s25;
	s21 =	sadd.s32 $0x500, s21;
	[sflag:s16] =	ssyncset.done $0x0  }
0x54: {  	s22 =	sadd.s32 s22, s14;
	[sflag:s16] =	ssyncadd.s32 $0xFFFFD800  }
0x55: {  	[tilespmem:s3], [sflag:$0x1] =	stream.linear.gather [hbm4b:s22+s3], $0x50, $0x38;
	[tilespmem:$0x1C4D0] =	vst v63  }
0x56: {  	_ =	swait.ge [sflag:s16], $0x50  }
0x57: {  	[sflag:s16] =	ssyncset.done $0x0  }
0x58: {  	[sflag:s16] =	ssyncadd.s32 $0xFFFFFFB0  }
0x59: {  	[tilespmem:s17], [sflag:$0x1] =	stream.linear.gather [hbm4b:s21+s3], $0x2800, $0x38;
	[tilespmem:$0x1C4D0] =	vst v63  }
0x5a: {  	_ =	swait.ge [sflag:s16], $0x2800  }
0x5b: {  	[sflag:s16] =	ssyncset.done $0x0  }
0x5c: {  	[sflag:s16] =	ssyncadd.s32 $0xFFFFD800  }
0x5d: {  	[spmem:s2] =	stream.indirect.scatter.add.f32 [tilespmem:s17], [sflag:$0x1], $0x80, s3, s17, $0xb8;
	[tilespmem:$0x1C4D0] =	vst v63  }
0x5e: {  	_ =	swait.ge [sflag:s16], $0x2800  }
0x5f: {  	[sflag:s16] =	ssyncset.done $0x0  }
0x60: {  	[sflag:s16] =	ssyncadd.s32 $0xFFFFD800  }
0x61: {  	s21 =	simm.s32 @p0 $0x1;
	[bflag:$0x0] =	sbarrier.arrive $0xFFFF  }
0x62: {  	[hbm:s9], [sflag:s18] =	dma.local @p0 [spmem:s19], $0x3E80  }
0x63: {  	s20 =	sadd.s32 $0x1, s20;
	_ =	swait.ge @p0 [sflag:s21], $0x3E80  }
0x64: {  	s22 =	sshll.u32 @p1 s1, $0x6;
	p3 =	sne.s32 s20, s12;
	[sflag:s21] =	ssyncset.done @p0 $0x0  }
0x65: {  	[sflag:s21] =	ssyncadd.s32 @p0 $0xFFFFC180;
	s21 =	sor.u32 @p1 $0x1C01, s22;
	s22 =	sshrl.u32 @p1 s10, $0x3  }
0x66: {  	[hbm:s11], [sflag:s21] =	dma.local @p1 [spmem:s22], $0x3E80  }
.Ltmp3:
0x67: {  	_ = 	snop;
	(pc) =	sbr.rel @p3 .LBB2_1-.Ltmp3, $4  }
0x68: {  	s21 =	simm.s32 @p1 $0x1  }
0x69: {  	_ =	swait.ge @p1 [sflag:s21], $0x3E80  }
0x6a: {  	[sflag:s21] =	ssyncset.done @p1 $0x0  }
0x6b: {  	[sflag:s21] =	ssyncadd.s32 @p1 $0xFFFFC180  }
0x6c: {  	_ =	sfence.sel $0x180000  }
0x6d: {  	[bflag:$0x0] =	sbarrier.arrive $0xFFFF  }
0x6e: {  	p0 =	sne.s32 s1, $0x0;
	_ =	strace $0x90000065  }
0x6f: {  	s0 =	sadd.s32 @!p0 $0x100000, s0;
	[bflag:$0x2] =	sbarrier.arrive $0xFFFF  }
0x70: {  	[sflag:s0] =	ssyncadd.tile.s32 @!p0 $0x1;
	_ =	shalt  }
.Lfunc_end2:
_tile_overlayer_lowered:
.L_overlay_start_2:
0x71: {  	(tag) =	ssettag $0x2  }
0x72: {  	s0 =	rddreg [dreg:$0x0];
	s2 =	stileid.u32  }
0x73: {  	s1 =	rddreg [dreg:$0x1];
	p0 =	sne.s32 s2, $0x0  }
0x74: {  	s3 =	rddreg [dreg:$0x2];
	[bflag:$0x3] =	sbarrier.arrive $0xFFFF;
	s2 =	simm.s32 @!p0 $0x1C01  }
0x75: {  	[timem:s3], [sflag:s2] =	dma.local @!p0 [hbm:s0], s1  }
0x76: {  	s0 =	simm.s32 @!p0 $0x1  }
0x77: {  	_ =	swait.ge @!p0 [sflag:s0], s1  }
0x78: {  	s1 =	ssub.s32 @!p0 $0x0, s1;
	[sflag:s0] =	ssyncset.done @!p0 $0x0  }
0x79: {  	[sflag:s0] =	ssyncadd.s32 @!p0 s1  }
0x7a: {  	[bflag:$0x3] =	sbarrier.arrive $0xFFFF  }
0x7b: {  	_ =	shalt  }

// kernel: kernel.49.cloned.1.call-start
scs
__scs_entry_jumppad:
0x0: {  	(pc) =	sbr.rel $0x88, $3  }
0x1: {  	(tag) =	ssettag $0x0;
	lr =	simm.s32 $0x1  }
0x2: {  	[smem:$0x3F93] =	sst lr;
	_ =	strace $0xD0000000  }
0x3: {  	_ = 	snop  }
0x4: {  	_ = 	snop  }
0x5: {  	_ = 	snop  }
0x6: {  	_ = 	snop  }
0x7: {  	_ = 	snop  }
__scs_overlays_trampoline_lowered:
0x8: {  	[smem:$0x3FA2] =	sst s0  }
0x9: {  	[smem:$0x3FA3] =	sst s1  }
0xa: {  	[smem:$0x3FA4] =	sst s2  }
0xb: {  	[smem:$0x3FA5] =	sst s3  }
0xc: {  	[smem:$0x3FA6] =	sst s4  }
0xd: {  	[smem:$0x3FA7] =	sst s5  }
0xe: {  	[smem:$0x3FA8] =	sst s6  }
0xf: {  	[smem:$0x3FA9] =	sst s7  }
0x10: {  	[smem:$0x3FAA] =	sst s8  }
0x11: {  	[smem:$0x3FAB] =	sst s9;
	s0 =	simm.s32 @!p0 $0x0  }
0x12: {  	s1 =	sld [smem:$0x3F91];
	s0 =	simm.s32 @p0 $0x1  }
0x13: {  	[smem:$0x3FAC] =	sst s0;
	s0 =	simm.s32 @!p1 $0x0  }
0x14: {  	s2 =	sld [smem:$0x3F90];
	s0 =	simm.s32 @p1 $0x1  }
0x15: {  	[smem:$0x3FAD] =	sst s0;
	s0 =	simm.s32 @!p2 $0x0  }
0x16: {  	s3 =	sld [smem:$0x3FDB];
	s0 =	simm.s32 @p2 $0x1  }
0x17: {  	s4 =	simm.s32 $0x1BF5;
	[smem:$0x3FAF] =	sst s0  }
0x18: {  	s0 =	sld [smem:$0x3F92];
	_ =	swait.ge [sflag:s4], $0x0  }
0x19: {  	s7 =	sld [smem:$0x3F93]  }
0x1a: {  	s8 =	sadd.s32 $0xFFFFE003, lr  }
0x1b: {  	s9 =	sadd.s32 $0xFFFFFEF7, lr;
	s5 =	simm.s32 $0xFFFFFFFF;
	p2 =	slt.u32 s8, $0xFFFFF086  }
0x1c: {  	p1 =	slt.u32 s9, $0xF7A;
	s5 =	simm.s32 @!p2 $0x0  }
0x1d: {  	s5 =	simm.s32 @p1 $0x1;
	p0 =	seq.s32 s7, s2  }
0x1e: {  	s7 =	smul.u32 @!p0 $0xF7A, s2;
	p2 =	seq.s32 @!p0 s5, $0x0  }
0x1f: {  	s9 =	smul.u32 $0xF7A, s1;
	s8 =	simm.s32 @!p0 $0x1BF5;
	p2 =	por !p2, p0  }
0x20: {  	[sflag:s8] =	ssyncset.s32 @!p0 $0xFFFFF086;
	s6 =	sadd.s32 @!p0 s3, s7;
	s7 =	simm.s32 @!p0 $0x108  }
0x21: {  	s3 =	sadd.s32 s3, s9;
	s6 =	sadd.s32 @!p0 $0x88, s6;
	s7 =	simm.s32 @p2 $0x1082  }
0x22: {  	[simem:s7], [sflag:s8] =	dma.local @!p0 [hbm:s6], $0xF7A  }
0x23: {  	s9 =	sor.u32 $0xD0000000, s2;
	s6 =	simm.s32 $0x108;
	_ =	swait.ge @!p0 [sflag:s8], $0x0  }
0x24: {  	s3 =	sadd.s32 $0x88, s3;
	s6 =	simm.s32 @!p1 $0x1082;
	[sflag:s4] =	ssyncset.s32 $0xFFFFF086  }
0x25: {  	[simem:s6], [sflag:s4] =	dma.local [hbm:s3], $0xF7A  }
0x26: {  	[smem:$0x3F93] =	sst s1;
	(tag) =	ssettag s2;
	_ =	strace s9  }
0x27: {  	s1 =	sld [smem:$0x3FA3]  }
0x28: {  	s2 =	sld [smem:$0x3FA4]  }
0x29: {  	s4 =	sld [smem:$0x3FA6]  }
0x2a: {  	p0 =	seq.s32 s5, $0x0;
	s5 =	sld [smem:$0x3FA7]  }
0x2b: {  	s6 =	sld [smem:$0x3FA8]  }
0x2c: {  	s7 =	sld [smem:$0x3FA9]  }
0x2d: {  	s3 =	simm.s32 $0x108;
	s8 =	sld [smem:$0x3FAA]  }
0x2e: {  	s3 =	simm.s32 @!p0 $0x1082;
	s9 =	sld [smem:$0x3FAB]  }
0x2f: {  	lr =	sadd.s32 s0, s3;
	s0 =	sld [smem:$0x3FA2]  }
0x30: {  	s3 =	sld [smem:$0x3FA5]  }
0x31: {  	[smem:$0x3FAE] =	sst s10  }
0x32: {  	s10 =	sld [smem:$0x3FAC];
	_ =	sdelay $0x3  }
0x33: {  	p0 =	seq.s32 s10, $0x1;
	s10 =	sld [smem:$0x3FAE];
	_ =	sdelay $0x3  }
0x34: {  	[smem:$0x3FAE] =	sst s10  }
0x35: {  	s10 =	sld [smem:$0x3FAD];
	_ =	sdelay $0x3  }
0x36: {  	p1 =	seq.s32 s10, $0x1;
	s10 =	sld [smem:$0x3FAE];
	_ =	sdelay $0x3  }
0x37: {  	[smem:$0x3FAE] =	sst s10  }
0x38: {  	s10 =	sld [smem:$0x3FAF]  }
0x39: {  	_ = 	snop;
	(pc) =	sbr.ind lr, $3  }
0x3a: {  	_ = 	snop  }
0x3b: {  	_ = 	snop  }
0x3c: {  	p2 =	seq.s32 s10, $0x1;
	s10 =	sld [smem:$0x3FAE]  }
0x3d: {  	_ =	shalt  }
0x3e: {  	_ =	shalt  }
0x3f: {  	_ =	shalt  }
0x40: {  	_ =	shalt  }
0x41: {  	_ =	shalt  }
0x42: {  	_ =	shalt  }
0x43: {  	_ =	shalt  }
0x44: {  	_ =	shalt  }
0x45: {  	_ =	shalt  }
0x46: {  	_ =	shalt  }
0x47: {  	_ =	shalt  }
0x48: {  	_ =	shalt  }
0x49: {  	_ =	shalt  }
0x4a: {  	_ =	shalt  }
0x4b: {  	_ =	shalt  }
0x4c: {  	_ =	shalt  }
0x4d: {  	_ =	shalt  }
0x4e: {  	_ =	shalt  }
0x4f: {  	_ =	shalt  }
0x50: {  	_ =	shalt  }
0x51: {  	_ =	shalt  }
0x52: {  	_ =	shalt  }
0x53: {  	_ =	shalt  }
0x54: {  	_ =	shalt  }
0x55: {  	_ =	shalt  }
0x56: {  	_ =	shalt  }
0x57: {  	_ =	shalt  }
0x58: {  	_ =	shalt  }
0x59: {  	_ =	shalt  }
0x5a: {  	_ =	shalt  }
0x5b: {  	_ =	shalt  }
0x5c: {  	_ =	shalt  }
0x5d: {  	_ =	shalt  }
0x5e: {  	_ =	shalt  }
0x5f: {  	_ =	shalt  }
0x60: {  	_ =	shalt  }
0x61: {  	_ =	shalt  }
0x62: {  	_ =	shalt  }
0x63: {  	_ =	shalt  }
0x64: {  	_ =	shalt  }
0x65: {  	_ =	shalt  }
0x66: {  	_ =	shalt  }
0x67: {  	_ =	shalt  }
0x68: {  	_ =	shalt  }
0x69: {  	_ =	shalt  }
0x6a: {  	_ =	shalt  }
0x6b: {  	_ =	shalt  }
0x6c: {  	_ =	shalt  }
0x6d: {  	_ =	shalt  }
0x6e: {  	_ =	shalt  }
0x6f: {  	_ =	shalt  }
0x70: {  	_ =	shalt  }
0x71: {  	_ =	shalt  }
0x72: {  	_ =	shalt  }
0x73: {  	_ =	shalt  }
0x74: {  	_ =	shalt  }
0x75: {  	_ =	shalt  }
0x76: {  	_ =	shalt  }
0x77: {  	_ =	shalt  }
0x78: {  	_ =	shalt  }
0x79: {  	_ =	shalt  }
0x7a: {  	_ =	shalt  }
0x7b: {  	_ =	shalt  }
0x7c: {  	_ =	shalt  }
0x7d: {  	_ =	shalt  }
0x7e: {  	_ =	shalt  }
0x7f: {  	_ =	shalt  }
0x80: {  	_ =	shalt  }
0x81: {  	_ =	shalt  }
0x82: {  	_ =	shalt  }
0x83: {  	_ =	shalt  }
0x84: {  	_ =	shalt  }
0x85: {  	_ =	shalt  }
0x86: {  	_ =	shalt  }
0x87: {  	_ =	shalt  }
.Lfunc_end0:
.L_simem_size_0:
called_computation.10_lowered:
.L_overlay_start_0:
0x88: {  	s2 =	sld [smem:$0x3FD9]  }
0x89: {  	s3 =	sld [smem:$0x3FFE];
	_ =	sdelay $0x1  }
0x8a: {  	s1 =	srdreg.scid  }
0x8b: {  	s0 =	sand.u32 $0x1, s1  }
0x8c: {  	s15 =	sshll.u32 s0, $0xA;
	s2 =	sadd.s32 s3, s2  }
0x8d: {  	s2 =	sadd.s32 s2, s15  }
0x8e: {  	[smem:$0x3FBA] =	sst s2  }
0x8f: {  	_ = 	snop  }
0x90: {  	s2 =	sld [smem:$0x3FD0];
	_ =	sdelay $0x2  }
0x91: {  	s16 =	simm.s32 $0xF;
	s4 =	simm.s32 $0x10  }
0x92: {  	[smem:s4], [sflag:s16] =	dma.local [hbm:s2], $0x1  }
0x93: {  	_ =	swait.eq [sflag:s16], $0x1  }
0x94: {  	[sflag:s16] =	ssyncset.done $0x0  }
0x95: {  	[sflag:s16] =	ssyncadd.s32 $0xFFFFFFFF  }
0x96: {  	s17 =	sld [smem:$0x12];
	(tm) =	ssettm $0x1  }
0x97: {  	s18 =	sld [smem:$0x3FFB];
	_ =	sdelay $0x3  }
0x98: {  	_ =	strace s18  }
0x99: {  	s2 =	sld [smem:$0x3FFC];
	_ =	sdelay $0x3  }
0x9a: {  	_ =	strace s2  }
0x9b: {  	s2 =	sld [smem:$0x3FFD];
	_ =	sdelay $0x3  }
0x9c: {  	_ =	strace s2  }
0x9d: {  	_ =	strace $0x8FFFFFFF  }
0x9e: {  	s19 =	sld [smem:$0x3FDB];
	_ =	sdelay $0x1  }
0x9f: {  	s20 =	simm.s32 $_scs_section_size  }
0xa0: {  	s5 =	simm.s32 $_size__tile_overlayer_lowered;
	s6 =	simm.s32 $_tile_overlayer_lowered  }
0xa1: {  	s7 =	simm.s32 $0x1BFF;
	s21 =	sshll.u32 s6, $0x1;
	s4 =	sadd.s32 s20, s19  }
0xa2: {  	s22 =	simm.s32 $0x0;
	s5 =	sshll.u32 s5, $0x1;
	s6 =	sadd.s32 s21, s4  }
0xa3: {  	[timem:s22], [sflag:s7] =	dma.local [hbm:s6], s5  }
0xa4: {  	_ =	swait.ge [sflag:s7], s5  }
0xa5: {  	s5 =	ssub.s32 $0x0, s5;
	[sflag:s7] =	ssyncset.done $0x0  }
0xa6: {  	[sflag:s7] =	ssyncadd.s32 s5;
	_ =	sdelay $0x1  }
0xa7: {  	s23 =	simm.s32 $0x1B8B  }
0xa8: {  	_ =	swait.ge [sflag:s23], $0x1  }
0xa9: {  	[sflag:s23] =	ssyncset.done $0x0  }
0xaa: {  	[sflag:s23] =	ssyncadd.s32 $0xFFFFFFFF  }
0xab: {  	s5 =	sld [smem:$0x0]  }
0xac: {  	s6 =	sand.u32 $0xFFFFFFFE, s1  }
0xad: {  	p0 =	sne.s32 s1, s6  }
0xae: {  	s6 =	sshll.u32 @p0 s6, $0xE  }
0xaf: {  	s6 =	sadd.s32 @p0 $0x11B8D, s6;
	s7 =	sshll.u32 @p0 s5, $0x11  }
0xb0: {  	s6 =	sor.u32 @p0 s7, s6  }
0xb1: {  	[sflag:s6] =	ssyncadd.remote.s32 @p0 $0x1;
	_ =	sdelay $0x1  }
0xb2: {  	s6 =	simm.s32 @p0 $0x1B8D  }
0xb3: {  	_ =	swait.eq @p0 [sflag:s6], $0x1  }
0xb4: {  	[sflag:s6] =	ssyncadd.s32 @p0 $0xFFFFFFFF  }
0xb5: {  	s7 =	sshll.u32 @!p0 s1, $0xE  }
0xb6: {  	s7 =	sor.u32 @!p0 $0x4000, s7;
	s6 =	simm.s32 @!p0 $0x1B8D  }
0xb7: {  	s5 =	sshll.u32 @!p0 s5, $0x11;
	s7 =	sadd.s32 @!p0 $0x11B8D, s7;
	_ =	swait.eq @!p0 [sflag:s6], $0x1  }
0xb8: {  	s5 =	sor.u32 @!p0 s5, s7;
	[sflag:s6] =	ssyncadd.s32 @!p0 $0xFFFFFFFF  }
0xb9: {  	s25 =	simm.s32 $0x1B8E;
	s24 =	sld [smem:$0x3FFE];
	[sflag:s5] =	ssyncadd.remote.s32 @!p0 $0x1  }
0xba: {  	s26 =	simm.s32 $execute0_lowered;
	[smem:$0x3FD2] =	sst s25  }
0xbb: {  	s6 =	sshll.u32 s26, $0x1;
	_ =	strace $0x8000005B;
	[dreg:$0x1] =	wrdreg $0xFFFFFFFF  }
0xbc: {  	s28 =	simm.s32 $_size_execute0_lowered;
	s4 =	sadd.s32 s4, s6;
	[dreg:$0x0] =	wrdreg $0x0  }
0xbd: {  	s6 =	sshll.u32 s28, $0x1;
	[dreg:$0x2] =	wrdreg s4  }
0xbe: {  	[dreg:$0x3] =	wrdreg s6  }
0xbf: {  	[dreg:$0x4] =	wrdreg $0xC0  }
0xc0: {  	_ =	task [dreg:s22], $0x5FFFF  }
0xc1: {  	[dreg:$0x1] =	wrdreg $0xFFFFFFFF  }
0xc2: {  	[dreg:$0x0] =	wrdreg $0x60  }
0xc3: {  	[dreg:$0x2] =	wrdreg s24  }
0xc4: {  	[dreg:$0x3] =	wrdreg s17  }
0xc5: {  	[dreg:$0x4] =	wrdreg $0x11D00  }
0xc6: {  	[dreg:$0x5] =	wrdreg $0xE  }
0xc7: {  	_ =	task.clear_ibuf [dreg:s22], $0x6FFFF;
	_ =	strace $0x9000005B  }
0xc8: {  	s29 =	simm.s32 $0xE;
	_ =	strace $0x8000005D  }
0xc9: {  	_ =	swait.ge [sflag:s29], $0x1  }
0xca: {  	[sflag:s29] =	ssyncadd.s32 $0xFFFFFFFF  }
0xcb: {  	_ =	strace $0x9000005D  }
0xcc: {  	_ =	sfence  }
0xcd: {  	s30 =	sld [smem:$0x0];
	_ =	sdelay $0x2  }
0xce: {  	s31 =	sshll.u32 s1, $0xD;
	s1 =	sshrl.u32 s1, $0x2  }
0xcf: {  	s4 =	sand.u32 $0x4000, s31;
	s1 =	sadd.s32 s1, s30  }
0xd0: {  	s0 =	sor.u32 s4, s0;
	s1 =	sshll.u32 s1, $0x11  }
0xd1: {  	s0 =	sor.u32 s1, s0  }
0xd2: {  	s0 =	sadd.s32 $0x8F2B, s0  }
0xd3: {  	[sflag:s0] =	ssyncadd.remote.s32 $0x1  }
0xd4: {  	_ =	sfence.sel $0xFFFF  }
0xd5: {  	[dreg:$0x0] =	wrdreg $0xFFFFFFFF;
	(pc) =	sbr.abs _section_cstart, $3  }
0xd6: {  	[dreg:$0x1] =	wrdreg $0xFFFFFFFF  }
0xd7: {  	_ =	task.clear_ibuf [dreg:s22], $0x2FFFF;
	_ =	strace $0x9FFFFFFF  }
0xd8: {  	(tm) =	ssettm $0x7FFFFFFF  }
0xd9: {  	_ =	shalt  }
tec
execute0_lowered:
.L_overlay_start_1:
0x0: {  	(tag) =	ssettag $0x1  }
0x1: {  	s4 =	rddreg [dreg:$0x0];
	s0 =	stileid.u32  }
0x2: {  	s1 =	srdreg.scid;
	s13 =	rddreg [dreg:$0x1]  }
0x3: {  	s2 =	rddreg [dreg:$0x2];
	s3 =	simm.s32 $0x0;
	s5 =	smul.u32 $0x1D4C0, s0  }
0x4: {  	s15 =	simm.s32 $0x1;
	s16 =	simm.s32 $0x50;
	s7 =	smul.u32 $0x3E8, s0  }
0x5: {  	s6 =	sand.u32 $0x1, s1;
	s1 =	rddreg [dreg:$0x3];
	s8 =	smul.u32 $0xFA00, s0  }
0x6: {  	s19 =	simm.s32 $0x0;
	[smem:$0x7FF] =	sst s3;
	s14 =	smul.u32 $0x1D4C, s0  }
0x7: {  	s9 =	sadd.s32 $0x13880, s2;
	p0 =	sgt.u32 s0, $0x4;
	p1 =	sne.s32 s0, $0x5  }
0x8: {  	s18 =	smul.u32 $0x1388, s6;
	_ =	strace $0x8000005C;
	s6 =	ssub.s32 $0x2, s6  }
0x9: {  	s17 =	sshll.u32 @!p0 s0, $0x6;
	s12 =	sadd.s32 s5, s4;
	s30 =	sshrl.u32 s8, $0x2  }
0xa: {  	s31 =	sshrl.u32 s6, $0x1;
	s13 =	sadd.s32 s14, s13;
	s14 =	simm.s32 $0x550  }
0xb: {  	s17 =	sor.u32 @!p0 $0x1C01, s17;
	s29 =	sadd.s32 s7, s18;
	s11 =	ssub.s32 s6, s31  }
0xc: {  	s12 =	sadd.s32 $0x1FA600, s12;
	s13 =	sadd.s32 $0x1D4C0, s13;
	s5 =	sshll.u32 s29, $0x1  }
0xd: {  	s11 =	smax.u32 s11, $0x1;
	s10 =	sadd.s32 s5, s4;
	s4 =	sadd.s32 s30, s2  }
0xe: {  	s5 =	sadd.s32 $0xC80, s4;
	s6 =	sadd.s32 $0x1900, s4;
	s7 =	sadd.s32 $0x2580, s4  }
0xf: {  	v1 =	vimm.f32 $0.0e+00;
	v0 =	vmov s18;
	s8 =	sadd.s32 $0x3200, s4;
	s10 =	sadd.s32 $0x12200, s10;
	s18 =	sshrl.u32 @!p0 s4, $0x3  }
.LBB2_1:
.Ltmp0:
0x10: {  	(pc) =	sbr.rel @p0 .LBB2_5-.Ltmp0, $1  }
0x11: {  	_ =	sdelay $0x3  }
0x12: {  	s20 =	simm.s32 $0x40;
	s21 =	simm.s32 $0x0  }
.LBB2_3:
0x13: {  	p2 =	sne.s32 s20, $0x31C0;
	[tilespmem:s21+$0x550] =	vst v1;
	s21 =	smov.u32 s20;
	s20 =	sadd.s32 $0x40, s20  }
.Ltmp1:
0x14: {  	(pc) =	sbr.rel @p2 .LBB2_3-.Ltmp1, $2  }
0x15: {  	_ =	sdelay $0x2  }
0x16: {  	s21 =	sshra.s32 s21, $0x2  }
0x17: {  	[tilespmem:s21+$0x550] =	vst v1  }
0x18: {  	[spmem:s4] =	stream.linear.scatter [tilespmem:s14], [sflag:$0x1], $0xC80, $0x38;
	[tilespmem:$0x2560] =	vst v63  }
0x19: {  	_ =	swait.ge [sflag:s15], $0xC80  }
0x1a: {  	[sflag:s15] =	ssyncset.done $0x0  }
0x1b: {  	[sflag:s15] =	ssyncadd.s32 $0xFFFFF380  }
0x1c: {  	[spmem:s5] =	stream.linear.scatter [tilespmem:s14], [sflag:$0x1], $0xC80, $0x38;
	[tilespmem:$0x2560] =	vst v63  }
0x1d: {  	_ =	swait.ge [sflag:s15], $0xC80  }
0x1e: {  	[sflag:s15] =	ssyncset.done $0x0  }
0x1f: {  	[sflag:s15] =	ssyncadd.s32 $0xFFFFF380  }
0x20: {  	[spmem:s6] =	stream.linear.scatter [tilespmem:s14], [sflag:$0x1], $0xC80, $0x38;
	[tilespmem:$0x2560] =	vst v63  }
0x21: {  	_ =	swait.ge [sflag:s15], $0xC80  }
0x22: {  	[sflag:s15] =	ssyncset.done $0x0  }
0x23: {  	[sflag:s15] =	ssyncadd.s32 $0xFFFFF380  }
0x24: {  	[spmem:s7] =	stream.linear.scatter [tilespmem:s14], [sflag:$0x1], $0xC80, $0x38;
	[tilespmem:$0x2560] =	vst v63  }
0x25: {  	_ =	swait.ge [sflag:s15], $0xC80  }
0x26: {  	[sflag:s15] =	ssyncset.done $0x0  }
.Ltmp2:
0x27: {  	[sflag:s15] =	ssyncadd.s32 $0xFFFFF380;
	(pc) =	sbr.rel .LBB2_6-.Ltmp2, $4  }
0x28: {  	[spmem:s8] =	stream.linear.scatter [tilespmem:s14], [sflag:$0x1], $0xC80, $0x38;
	[tilespmem:$0x2560] =	vst v63  }
0x29: {  	_ =	swait.ge [sflag:s15], $0xC80  }
0x2a: {  	[sflag:s15] =	ssyncset.done $0x0  }
0x2b: {  	[sflag:s15] =	ssyncadd.s32 $0xFFFFF380  }
.LBB2_5:
0x2c: {  	v2 =	vimm.f32 @!p1 $0.0e+00  }
0x2d: {  	[tilespmem:$0x550] =	vst @!p1 v2  }
0x2e: {  	[tilespmem:$0x560] =	vst @!p1 v2  }
0x2f: {  	[tilespmem:$0x570] =	vst @!p1 v2  }
0x30: {  	[tilespmem:$0x580] =	vst @!p1 v2  }
0x31: {  	[tilespmem:$0x590] =	vst @!p1 v2  }
0x32: {  	[tilespmem:$0x5A0] =	vst @!p1 v2  }
0x33: {  	[tilespmem:$0x5B0] =	vst @!p1 v2  }
0x34: {  	s20 =	simm.s32 @!p1 $0x550;
	[tilespmem:$0x5C0] =	vst @!p1 v2  }
0x35: {  	[spmem:s9] =	stream.linear.scatter @!p1 [tilespmem:s20], [sflag:$0x1], $0x80, $0x38;
	[tilespmem:$0x2560] =	vst v63  }
0x36: {  	s20 =	simm.s32 @!p1 $0x1  }
0x37: {  	_ =	swait.ge @!p1 [sflag:s20], $0x80  }
0x38: {  	[sflag:s20] =	ssyncset.done @!p1 $0x0  }
0x39: {  	[sflag:s20] =	ssyncadd.s32 @!p1 $0xFFFFFF80  }
.LBB2_6:
0x3a: {  	[bflag:$0x0] =	sbarrier.arrive $0xFFFF;
	s20 =	sadd.s32 $0x0, s13  }
0x3b: {  	[tilespmem:s3], [sflag:$0x1] =	stream.linear.gather [hbm4b:s20+s3], $0x50, $0x38;
	[tilespmem:$0x2560] =	vst v63  }
0x3c: {  	_ =	swait.ge [sflag:s15], $0x50  }
0x3d: {  	[sflag:s15] =	ssyncset.done $0x0  }
0x3e: {  	[sflag:s15] =	ssyncadd.s32 $0xFFFFFFB0  }
0x3f: {  	[tilespmem:s16], [sflag:$0x1] =	stream.linear.gather [hbm4b:s12+s3], $0x500, $0x38;
	[tilespmem:$0x2560] =	vst v63  }
0x40: {  	_ =	swait.ge [sflag:s15], $0x500  }
0x41: {  	[sflag:s15] =	ssyncset.done $0x0  }
0x42: {  	[sflag:s15] =	ssyncadd.s32 $0xFFFFFB00  }
0x43: {  	v2 =	vld [tilespmem:$0x40]  }
0x44: {  	v3 =	vld [tilespmem:$0x30]  }
0x45: {  	v4 =	vld [tilespmem:$0x20]  }
0x46: {  	v5 =	vld [tilespmem:$0x10]  }
0x47: {  	v6 =	vld [tilespmem:$0x0]  }
0x48: {  	v2 =	vsub.s32 v2, v0  }
0x49: {  	v3 =	vsub.s32 v3, v0;
	v2 =	vmin.u32 v2, $0x1388  }
0x4a: {  	v4 =	vsub.s32 v4, v0;
	v3 =	vmin.u32 v3, $0x1388;
	[tilespmem:$0x40] =	vst v2  }
0x4b: {  	v4 =	vmin.u32 v4, $0x1388;
	v2 =	vsub.s32 v5, v0;
	[tilespmem:$0x30] =	vst v3  }
0x4c: {  	v3 =	vsub.s32 v6, v0;
	[tilespmem:$0x20] =	vst v4;
	v5 =	vmin.u32 v2, $0x1388  }
0x4d: {  	s21 =	smov.u32 s12;
	s20 =	simm.s32 $0xA;
	v2 =	vmin.u32 v3, $0x1388;
	[tilespmem:$0x10] =	vst v5  }
.LBB2_7:
0x4e: {  	p2 =	sne.s32 s20, $0x1D42  }
0x4f: {  	[tilespmem:$0x0] =	vst v2;
	s21 =	sadd.s32 $0xA0, s21;
	s22 =	smov.u32 s20;
	s20 =	sadd.s32 $0xA, s20  }
0x50: {  	[spmem:s2] =	stream.indirect.scatter.add.f32 [tilespmem:s16], [sflag:$0x1], $0x10, s3, s16, $0xb8;
	[tilespmem:$0x2560] =	vst v63  }
0x51: {  	_ =	swait.ge [sflag:s15], $0x500  }
0x52: {  	[sflag:s15] =	ssyncset.done $0x0  }
0x53: {  	s22 =	sadd.s32 s22, s13;
	[sflag:s15] =	ssyncadd.s32 $0xFFFFFB00  }
0x54: {  	[tilespmem:s3], [sflag:$0x1] =	stream.linear.gather [hbm4b:s22+s3], $0x50, $0x38;
	[tilespmem:$0x2560] =	vst v63  }
0x55: {  	_ =	swait.ge [sflag:s15], $0x50  }
0x56: {  	[sflag:s15] =	ssyncset.done $0x0  }
0x57: {  	[sflag:s15] =	ssyncadd.s32 $0xFFFFFFB0  }
0x58: {  	[tilespmem:s16], [sflag:$0x1] =	stream.linear.gather [hbm4b:s21+s3], $0x500, $0x38;
	[tilespmem:$0x2560] =	vst v63  }
0x59: {  	_ =	swait.ge [sflag:s15], $0x500  }
0x5a: {  	[sflag:s15] =	ssyncset.done $0x0  }
0x5b: {  	[sflag:s15] =	ssyncadd.s32 $0xFFFFFB00  }
0x5c: {  	v2 =	vld [tilespmem:$0x40]  }
0x5d: {  	v3 =	vld [tilespmem:$0x30]  }
0x5e: {  	v4 =	vld [tilespmem:$0x20]  }
0x5f: {  	v5 =	vld [tilespmem:$0x10]  }
0x60: {  	v6 =	vld [tilespmem:$0x0]  }
0x61: {  	v2 =	vsub.s32 v2, v0  }
.Ltmp3:
0x62: {  	v3 =	vsub.s32 v3, v0;
	v2 =	vmin.u32 v2, $0x1388;
	(pc) =	sbr.rel @p2 .LBB2_7-.Ltmp3, $4  }
0x63: {  	v4 =	vsub.s32 v4, v0;
	v3 =	vmin.u32 v3, $0x1388;
	[tilespmem:$0x40] =	vst v2  }
0x64: {  	v2 =	vsub.s32 v5, v0;
	v4 =	vmin.u32 v4, $0x1388;
	[tilespmem:$0x30] =	vst v3  }
0x65: {  	v3 =	vsub.s32 v6, v0;
	v5 =	vmin.u32 v2, $0x1388;
	[tilespmem:$0x20] =	vst v4  }
0x66: {  	v2 =	vmin.u32 v3, $0x1388;
	[tilespmem:$0x10] =	vst v5  }
0x67: {  	[tilespmem:$0x0] =	vst v2  }
0x68: {  	[spmem:s2] =	stream.indirect.scatter.add.f32 [tilespmem:s16], [sflag:$0x1], $0x10, s3, s16, $0xb8;
	[tilespmem:$0x2560] =	vst v63  }
0x69: {  	_ =	swait.ge [sflag:s15], $0x500  }
0x6a: {  	s19 =	sadd.s32 $0x1, s19;
	[sflag:s15] =	ssyncset.done $0x0  }
0x6b: {  	p2 =	sne.s32 s19, s11;
	[sflag:s15] =	ssyncadd.s32 $0xFFFFFB00  }
.Ltmp4:
0x6c: {  	s20 =	simm.s32 @!p0 $0x1;
	[bflag:$0x0] =	sbarrier.arrive $0xFFFF;
	(pc) =	sbr.rel @p2 .LBB2_1-.Ltmp4, $4  }
0x6d: {  	[hbm:s10], [sflag:s17] =	dma.local @!p0 [spmem:s18], $0x7D0  }
0x6e: {  	_ =	swait.ge @!p0 [sflag:s20], $0x7D0  }
0x6f: {  	[sflag:s20] =	ssyncset.done @!p0 $0x0  }
0x70: {  	[sflag:s20] =	ssyncadd.s32 @!p0 $0xFFFFF830  }
0x71: {  	_ =	sfence.sel $0x180000  }
0x72: {  	[bflag:$0x0] =	sbarrier.arrive $0xFFFF  }
0x73: {  	p0 =	sne.s32 s0, $0x0;
	_ =	strace $0x9000005C  }
0x74: {  	s0 =	sadd.s32 @!p0 $0x100000, s1;
	[bflag:$0x2] =	sbarrier.arrive $0xFFFF  }
0x75: {  	[sflag:s0] =	ssyncadd.tile.s32 @!p0 $0x1;
	_ =	shalt  }
.Lfunc_end2:
_tile_overlayer_lowered:
.L_overlay_start_2:
0x76: {  	(tag) =	ssettag $0x2  }
0x77: {  	s0 =	rddreg [dreg:$0x0];
	s2 =	stileid.u32  }
0x78: {  	s1 =	rddreg [dreg:$0x1];
	p0 =	sne.s32 s2, $0x0  }
0x79: {  	s3 =	rddreg [dreg:$0x2];
	[bflag:$0x3] =	sbarrier.arrive $0xFFFF;
	s2 =	simm.s32 @!p0 $0x1C01  }
0x7a: {  	[timem:s3], [sflag:s2] =	dma.local @!p0 [hbm:s0], s1  }
0x7b: {  	s0 =	simm.s32 @!p0 $0x1  }
0x7c: {  	_ =	swait.ge @!p0 [sflag:s0], s1  }
0x7d: {  	s1 =	ssub.s32 @!p0 $0x0, s1;
	[sflag:s0] =	ssyncset.done @!p0 $0x0  }
0x7e: {  	[sflag:s0] =	ssyncadd.s32 @!p0 s1  }
0x7f: {  	[bflag:$0x3] =	sbarrier.arrive $0xFFFF  }
0x80: {  	_ =	shalt  }

</sc_bundles>
